<compile_context>
chip_gen: v7x
topology: tpu7x:2x2x1
jax: 0.10.2.dev20260603
libtpu: 0.0.44.dev20260713+nightly
codegen_flags: <defaults>
</compile_context>

<pallas_src>
import functools

import jax
import jax.numpy as jnp
from jax import lax
from jax.experimental import pallas as pl
from jax.experimental.pallas import tpu as pltpu
from jax.experimental.pallas import tpu_sc as plsc

_VOCAB = 100000
_HIDDEN = 768
_PRE_SEQ_LEN = 128
_BATCH = 16
_SEQ = 2048
_PAD_ID = 0
_UNK_ID = 1
_SPECIAL_ID = 99999

_NC = 2
_NS = 16
_L = 16
_NW = _NC * _NS
_B = _BATCH * _SEQ
_BPW = _B // _NW
_C = 32
_NCHUNK = _BPW // _C
_NBUF = 4

_sc_mesh = plsc.VectorSubcoreMesh(
    core_axis_name="c", subcore_axis_name="s",
    num_cores=_NC, num_subcores=_NS,
)


@functools.partial(
    pl.kernel,
    out_type=jax.ShapeDtypeStruct((_B, _HIDDEN), jnp.float32),
    mesh=_sc_mesh,
    scratch_types=[
        pltpu.VMEM((_BPW,), jnp.int32),
        pltpu.VMEM((_NBUF * _C, _HIDDEN), jnp.float32),
        [pltpu.SemaphoreType.DMA] * _NBUF,
        [pltpu.SemaphoreType.DMA] * (_NBUF // 2),
    ],
)
def _gather_sc(ids_hbm, table_hbm, out_hbm, idx_v, rows_v, gsem, osem):
    wid = lax.axis_index("s") * _NC + lax.axis_index("c")
    b = wid // 2
    half = wid % 2
    base = wid * _BPW
    pltpu.sync_copy(ids_hbm.at[b, pl.ds(half * _BPW, _BPW)], idx_v)

    def remap(c):
        for j in range(_C // _L):
            off = c * _C + j * _L
            v = idx_v[pl.ds(off, _L)]
            idx_v[pl.ds(off, _L)] = jnp.where(v == _SPECIAL_ID, _UNK_ID, v)

    def start_gather(c, buf):
        return pltpu.async_copy(
            table_hbm.at[idx_v.at[pl.ds(c * _C, _C)]],
            rows_v.at[pl.ds(buf * _C, _C)], gsem[buf])

    def wait_gather(buf):
        pltpu.make_async_copy(
            table_hbm.at[idx_v.at[pl.ds(0, _C)]],
            rows_v.at[pl.ds(buf * _C, _C)], gsem[buf]).wait()

    def start_out_pair(c):
        half = ((c - 1) % _NBUF) // 2
        return pltpu.async_copy(
            rows_v.at[pl.ds(half * 2 * _C, 2 * _C)],
            out_hbm.at[pl.ds(base + (c - 1) * _C, 2 * _C)], osem[half])

    def wait_out_pair(half):
        pltpu.make_async_copy(
            rows_v.at[pl.ds(half * 2 * _C, 2 * _C)],
            out_hbm.at[pl.ds(base, 2 * _C)], osem[half]).wait()

    out_pending = [False] * (_NBUF // 2)
    remap(0)
    start_gather(0, 0)
    remap(1)
    start_gather(1, 1)
    for c in range(_NCHUNK):
        wait_gather(c % _NBUF)
        nc = c + 2
        if nc < _NCHUNK:
            nhalf = (nc % _NBUF) // 2
            if out_pending[nhalf]:
                wait_out_pair(nhalf)
                out_pending[nhalf] = False
            remap(nc)
            start_gather(nc, nc % _NBUF)
        if c % 2 == 1:
            start_out_pair(c)
            out_pending[((c - 1) % _NBUF) // 2] = True
    for hj in range(_NBUF // 2):
        if out_pending[hj]:
            wait_out_pair(hj)


def _mlp_mask_body(ids_ref, emb_ref, w1_ref, b1_ref, w2_ref, b2_ref,
                   prompts_ref, mask_ref):
    h = jnp.dot(emb_ref[...], w1_ref[...], preferred_element_type=jnp.float32)
    h = jnp.maximum(h + b1_ref[...], 0.0)
    h = jnp.dot(h, w2_ref[...], preferred_element_type=jnp.float32)
    h = jnp.maximum(h + b2_ref[...], 0.0)
    prompts_ref[...] = jnp.broadcast_to(h[None], (_BATCH, _PRE_SEQ_LEN, _HIDDEN))
    mask_ref[...] = (ids_ref[...] != _PAD_ID).astype(jnp.int8)


_mlp_mask = pl.pallas_call(
    _mlp_mask_body,
    out_shape=(
        jax.ShapeDtypeStruct((_BATCH, _PRE_SEQ_LEN, _HIDDEN), jnp.float32),
        jax.ShapeDtypeStruct((_BATCH, _SEQ), jnp.int8),
    ),
)


def kernel(input_ids, sentences_ids, W_embed, nomal_emb, W1, b1, W2, b2):
    ids32 = input_ids.astype(jnp.int32)
    flat = _gather_sc(ids32, W_embed)
    inputs_embeds = flat.reshape(_BATCH, _SEQ, _HIDDEN)
    prompts, mask8 = _mlp_mask(
        ids32, nomal_emb, W1, b1.reshape(1, _HIDDEN), W2, b2.reshape(1, _HIDDEN)
    )
    return inputs_embeds, prompts, mask8.astype(jnp.bool_)

# --- scband reference (transcript-rebuilt; emitter-appended) ---
"""Pipeline reference for scband-embedding-encoder-73830487818815 (READ-ONLY COPY).

The authoritative reference and input builder live on the scoring server;
editing this copy changes nothing except your own understanding.
"""

import jax, jax.numpy as jnp
import numpy as np

VOCAB = 100000
HIDDEN = 768
PRE_SEQ_LEN = 128
BATCH = 16
SEQ = 2048
PAD_ID = 0
UNK_ID = 1
SPECIAL_ID = 99999


def setup_inputs(seed: int = 0) -> dict:
    key = jax.random.key(seed)
    ks = jax.random.split(key, 8)
    inp = {}
    inp["input_ids"] = jax.random.randint(ks[0], (BATCH, SEQ), 0, VOCAB, dtype=jnp.int64) if jax.config.jax_enable_x64 else jax.random.randint(ks[0], (BATCH, SEQ), 0, VOCAB)
    inp["sentences_ids"] = jax.random.randint(ks[1], (BATCH, SEQ), 0, VOCAB)
    # learned parameters
    inp["W_embed"] = jax.random.normal(ks[2], (VOCAB, HIDDEN), dtype=jnp.float32) * 0.02   # model input embedding table
    inp["nomal_emb"] = jax.random.normal(ks[3], (PRE_SEQ_LEN, HIDDEN), dtype=jnp.float32) * 0.02  # prompt encoder nomal_embeddings
    inp["W1"] = jax.random.normal(ks[4], (HIDDEN, HIDDEN), dtype=jnp.float32) * (1.0 / np.sqrt(HIDDEN))
    inp["b1"] = jnp.zeros((HIDDEN,), dtype=jnp.float32)
    inp["W2"] = jax.random.normal(ks[5], (HIDDEN, HIDDEN), dtype=jnp.float32) * (1.0 / np.sqrt(HIDDEN))
    inp["b2"] = jnp.zeros((HIDDEN,), dtype=jnp.float32)
    return inp


def reference(input_ids, sentences_ids, W_embed, nomal_emb, W1, b1, W2, b2):
    # EmbeddingEncoder.id2embedding with prompt_operation='none', prompt_type='none'
    batch_size = input_ids.shape[0]

    # PromptEncoder forward, 'none' branch:
    # input_embeds = nomal_embeddings(seq_indices).unsqueeze(0)
    seq_indices = jnp.arange(PRE_SEQ_LEN)
    input_embeds = jnp.take(nomal_emb, seq_indices, axis=0)[None, :, :]  # [1, L, H]
    # mlp_head: Linear -> ReLU -> Linear -> ReLU, then squeeze
    h = jax.nn.relu(jnp.dot(input_embeds, W1) + b1)
    h = jax.nn.relu(jnp.dot(h, W2) + b2)
    prompts_replace = jnp.squeeze(h, axis=0)  # [L, H]

    # prompts filled per-batch/per-seq with prompts_replace rows
    prompts = jnp.broadcast_to(prompts_replace[None, :, :], (batch_size, PRE_SEQ_LEN, HIDDEN))

    # attention_mask = input_ids != pad_token_id
    attention_mask = input_ids != PAD_ID

    # replace additional special token with unk before embedding lookup
    input_ids_for_embedding = jnp.where(input_ids == SPECIAL_ID, UNK_ID, input_ids)
    inputs_embeds = jnp.take(W_embed, input_ids_for_embedding, axis=0)  # [B, S, H] gather

    # prompt_type == 'none' -> pass (no in-place prompt injection)
    return inputs_embeds, prompts, attention_mask

if __name__ == "__main__":
    import jax
    _d = setup_inputs()
    print(jax.jit(kernel)(*tuple(_d.values())))

</pallas_src>

<mosaic_0001>
#map = affine_map<(d0, d1) -> (0, 0)>
module attributes {stable_mosaic.version = 14 : i64} {
  func.func @_gather_sc(%arg0: i32, %arg1: i32, %arg2: memref<16x2048xi32, #tpu.memory_space<hbm>>, %arg3: memref<100000x768xf32, #tpu.memory_space<hbm>>, %arg4: memref<32768x768xf32, #tpu.memory_space<hbm>>, %arg5: memref<1024xi32, #tpu.memory_space<vmem>>, %arg6: memref<128x768xf32, #tpu.memory_space<vmem>>, %arg7: memref<!tpu.dma_semaphore, #tpu.memory_space<semaphore_mem>>, %arg8: memref<!tpu.dma_semaphore, #tpu.memory_space<semaphore_mem>>, %arg9: memref<!tpu.dma_semaphore, #tpu.memory_space<semaphore_mem>>, %arg10: memref<!tpu.dma_semaphore, #tpu.memory_space<semaphore_mem>>, %arg11: memref<!tpu.dma_semaphore, #tpu.memory_space<semaphore_mem>>, %arg12: memref<!tpu.dma_semaphore, #tpu.memory_space<semaphore_mem>>) attributes {dimension_semantics = [#tpu.dimension_semantics<core_parallel>, #tpu.dimension_semantics<subcore_parallel>], iteration_bounds = array<i64: 2, 16>, scalar_prefetch = 0 : i64, scratch_operands = 8 : i64, tpu.core_type = #tpu.core_type<sc_vector_subcore>, window_params = [{transform_indices = #map}, {transform_indices = #map}, {transform_indices = #map}]} {
    %mul3A = arith.constant 2 : i32
    %mul3A_0 = arith.muli %arg1, %mul3A : i32
    %add3A = arith.addi %mul3A_0, %arg0 : i32
    %jit3A = arith.constant 2 : i32
    %div3A = arith.divsi %add3A, %jit3A : i32
    %sign3A = arith.constant 0 : i32
    %sign3A_1 = arith.cmpi sgt, %add3A, %sign3A : i32
    %sign3A_2 = arith.extui %sign3A_1 : i1 to i32
    %sign3A_3 = arith.constant 0 : i32
    %sign3A_4 = arith.cmpi slt, %add3A, %sign3A_3 : i32
    %sign3A_5 = arith.extui %sign3A_4 : i1 to i32
    %sign3A_6 = arith.subi %sign3A_2, %sign3A_5 : i32
    %sign3A_7 = arith.constant 0 : i32
    %sign3A_8 = arith.cmpi sgt, %jit3A, %sign3A_7 : i32
    %sign3A_9 = arith.extui %sign3A_8 : i1 to i32
    %sign3A_10 = arith.constant 0 : i32
    %sign3A_11 = arith.cmpi slt, %jit3A, %sign3A_10 : i32
    %sign3A_12 = arith.extui %sign3A_11 : i1 to i32
    %sign3A_13 = arith.subi %sign3A_9, %sign3A_12 : i32
    %ne3A = arith.cmpi ne, %sign3A_6, %sign3A_13 : i32
    %rem3A = arith.remsi %add3A, %jit3A : i32
    %ne3A_14 = arith.constant 0 : i32
    %ne3A_15 = arith.cmpi ne, %rem3A, %ne3A_14 : i32
    %and3A = arith.andi %ne3A, %ne3A_15 : i1
    %sub3A = arith.constant 1 : i32
    %sub3A_16 = arith.subi %div3A, %sub3A : i32
    %select_n3A = arith.select %and3A, %sub3A_16, %div3A : i32
    %jit3A_17 = arith.constant 2 : i32
    %eq3A = arith.constant 0 : i32
    %eq3A_18 = arith.cmpi eq, %jit3A_17, %eq3A : i32
    %jit3A_19 = arith.constant 1 : i32
    %select_n3A_20 = arith.select %eq3A_18, %jit3A_19, %jit3A_17 : i32
    %rem3A_21 = arith.remsi %add3A, %select_n3A_20 : i32
    %ne3A_22 = arith.constant 0 : i32
    %ne3A_23 = arith.cmpi ne, %rem3A_21, %ne3A_22 : i32
    %lt3A = arith.constant 0 : i32
    %lt3A_24 = arith.cmpi slt, %rem3A_21, %lt3A : i32
    %lt3A_25 = arith.constant 0 : i32
    %lt3A_26 = arith.cmpi slt, %select_n3A_20, %lt3A_25 : i32
    %ne3A_27 = arith.xori %lt3A_24, %lt3A_26 : i1
    %and3A_28 = arith.andi %ne3A_27, %ne3A_23 : i1
    %add3A_29 = arith.addi %rem3A_21, %select_n3A_20 : i32
    %select_n3A_30 = arith.select %and3A_28, %add3A_29, %rem3A_21 : i32
    %mul3A_31 = arith.constant 1024 : i32
    %mul3A_32 = arith.muli %add3A, %mul3A_31 : i32
    %mul3A_33 = arith.constant 1024 : i32
    %mul3A_34 = arith.muli %select_n3A_30, %mul3A_33 : i32
    "tpu.region"() ({
      %run_scoped3A = tpu.sem_alloc : memref<!tpu.dma_semaphore, #tpu.memory_space<semaphore_mem>>
      %dma_start3A_1726 = tpu.memref_slice %arg2[%select_n3A, %mul3A_34] : memref<16x2048xi32, #tpu.memory_space<hbm>> -> memref<1x1024xi32, #tpu.memory_space<hbm>>
      %dma_start3A_1727 = tpu.memref_squeeze %dma_start3A_1726 : memref<1x1024xi32, #tpu.memory_space<hbm>> -> memref<1024xi32, #tpu.memory_space<hbm>>
      %dma_start3A_1728 = tpu.memref_slice %arg2[%select_n3A, %mul3A_34] : memref<16x2048xi32, #tpu.memory_space<hbm>> -> memref<1x1024xi32, #tpu.memory_space<hbm>>
      %dma_start3A_1729 = tpu.memref_squeeze %dma_start3A_1728 : memref<1x1024xi32, #tpu.memory_space<hbm>> -> memref<1024xi32, #tpu.memory_space<hbm>>
      tpu.enqueue_dma source(%dma_start3A_1729 : memref<1024xi32, #tpu.memory_space<hbm>>) target(%arg5 : memref<1024xi32, #tpu.memory_space<vmem>>) target_semaphore(%run_scoped3A : memref<!tpu.dma_semaphore, #tpu.memory_space<semaphore_mem>>)
      %dma_wait3A_1730 = tpu.memref_slice %arg2[%select_n3A, %mul3A_34] : memref<16x2048xi32, #tpu.memory_space<hbm>> -> memref<1x1024xi32, #tpu.memory_space<hbm>>
      %dma_wait3A_1731 = tpu.memref_squeeze %dma_wait3A_1730 : memref<1x1024xi32, #tpu.memory_space<hbm>> -> memref<1024xi32, #tpu.memory_space<hbm>>
      %dma_wait3A_1732 = tpu.memref_slice %arg2[%select_n3A, %mul3A_34] : memref<16x2048xi32, #tpu.memory_space<hbm>> -> memref<1x1024xi32, #tpu.memory_space<hbm>>
      %dma_wait3A_1733 = tpu.memref_squeeze %dma_wait3A_1732 : memref<1x1024xi32, #tpu.memory_space<hbm>> -> memref<1024xi32, #tpu.memory_space<hbm>>
      tpu.wait_dma2 semaphore(%run_scoped3A : memref<!tpu.dma_semaphore, #tpu.memory_space<semaphore_mem>>) src(%dma_wait3A_1733 : memref<1024xi32, #tpu.memory_space<hbm>>) dst(%arg5 : memref<1024xi32, #tpu.memory_space<vmem>>)
      tpu.yield
    }) : () -> ()
    %get3A = arith.constant 0 : index
    %get3A_35 = tpu.vector_load %arg5[%get3A] {strides = array<i32>} : memref<1024xi32, #tpu.memory_space<vmem>>, vector<16xi32>,
    %get3A_36 = vector.shape_cast %get3A_35 : vector<16xi32> to vector<16xi32>
    %eq3A_37 = arith.constant 99999 : i32
    %eq3A_38 = vector.broadcast %eq3A_37 : i32 to vector<16xi32>
    %eq3A_39 = arith.cmpi eq, %get3A_36, %eq3A_38 : vector<16xi32>
    %jit3A_40 = arith.constant 1 : i32
    %broadcast_in_dim3A = vector.broadcast %jit3A_40 : i32 to vector<16xi32>
    %select_n3A_41 = arith.select %eq3A_39, %broadcast_in_dim3A, %get3A_36 : vector<16xi1>, vector<16xi32>
    %swap3A = arith.constant 0 : index
    %swap3A_42 = tpu.vector_load %arg5[%swap3A] {strides = array<i32>} : memref<1024xi32, #tpu.memory_space<vmem>>, vector<16xi32>,
    %swap3A_43 = vector.shape_cast %swap3A_42 : vector<16xi32> to vector<16xi32>
    %swap3A_44 = vector.shape_cast %select_n3A_41 : vector<16xi32> to vector<16xi32>
    tpu.vector_store %arg5[%swap3A], %swap3A_44 {strides = array<i32>} : memref<1024xi32, #tpu.memory_space<vmem>>, vector<16xi32>,
    %get3A_45 = arith.constant 16 : index
    %get3A_46 = tpu.vector_load %arg5[%get3A_45] {strides = array<i32>} : memref<1024xi32, #tpu.memory_space<vmem>>, vector<16xi32>,
    %get3A_47 = vector.shape_cast %get3A_46 : vector<16xi32> to vector<16xi32>
    %eq3A_48 = arith.constant 99999 : i32
    %eq3A_49 = vector.broadcast %eq3A_48 : i32 to vector<16xi32>
    %eq3A_50 = arith.cmpi eq, %get3A_47, %eq3A_49 : vector<16xi32>
    %jit3A_51 = arith.constant 1 : i32
    %broadcast_in_dim3A_52 = vector.broadcast %jit3A_51 : i32 to vector<16xi32>
    %select_n3A_53 = arith.select %eq3A_50, %broadcast_in_dim3A_52, %get3A_47 : vector<16xi1>, vector<16xi32>
    %swap3A_54 = arith.constant 16 : index
    %swap3A_55 = tpu.vector_load %arg5[%swap3A_54] {strides = array<i32>} : memref<1024xi32, #tpu.memory_space<vmem>>, vector<16xi32>,
    %swap3A_56 = vector.shape_cast %swap3A_55 : vector<16xi32> to vector<16xi32>
    %swap3A_57 = vector.shape_cast %select_n3A_53 : vector<16xi32> to vector<16xi32>
    tpu.vector_store %arg5[%swap3A_54], %swap3A_57 {strides = array<i32>} : memref<1024xi32, #tpu.memory_space<vmem>>, vector<16xi32>,
    %dma_start3A = arith.constant 0 : i32
    %dma_start3A_58 = arith.constant 0 : i32
    %dma_start3A_59 = tpu.memref_slice %arg6[%dma_start3A, %dma_start3A_58] : memref<128x768xf32, #tpu.memory_space<vmem>> -> memref<32x768xf32, #tpu.memory_space<vmem>>
    %dma_start3A_60 = arith.constant 0 : i32
    %dma_start3A_61 = tpu.memref_slice %arg5[%dma_start3A_60] : memref<1024xi32, #tpu.memory_space<vmem>> -> memref<32xi32, #tpu.memory_space<vmem>>
    %dma_start3A_62 = arith.constant 0 : i32
    %dma_start3A_63 = arith.constant 0 : i32
    %dma_start3A_64 = tpu.memref_slice %arg3[%dma_start3A_62, %dma_start3A_63] : memref<100000x768xf32, #tpu.memory_space<hbm>> -> memref<100000x768xf32, #tpu.memory_space<hbm>>
    tpu.enqueue_indirect_dma source(%dma_start3A_64 : memref<100000x768xf32, #tpu.memory_space<hbm>>) target(%dma_start3A_59 : memref<32x768xf32, #tpu.memory_space<vmem>>) offsets(%dma_start3A_61 : memref<32xi32, #tpu.memory_space<vmem>>) semaphore(%arg7 : memref<!tpu.dma_semaphore, #tpu.memory_space<semaphore_mem>>)
    %get3A_65 = arith.constant 32 : index
    %get3A_66 = tpu.vector_load %arg5[%get3A_65] {strides = array<i32>} : memref<1024xi32, #tpu.memory_space<vmem>>, vector<16xi32>,
    %get3A_67 = vector.shape_cast %get3A_66 : vector<16xi32> to vector<16xi32>
    %eq3A_68 = arith.constant 99999 : i32
    %eq3A_69 = vector.broadcast %eq3A_68 : i32 to vector<16xi32>
    %eq3A_70 = arith.cmpi eq, %get3A_67, %eq3A_69 : vector<16xi32>
    %jit3A_71 = arith.constant 1 : i32
    %broadcast_in_dim3A_72 = vector.broadcast %jit3A_71 : i32 to vector<16xi32>
    %select_n3A_73 = arith.select %eq3A_70, %broadcast_in_dim3A_72, %get3A_67 : vector<16xi1>, vector<16xi32>
    %swap3A_74 = arith.constant 32 : index
    %swap3A_75 = tpu.vector_load %arg5[%swap3A_74] {strides = array<i32>} : memref<1024xi32, #tpu.memory_space<vmem>>, vector<16xi32>,
    %swap3A_76 = vector.shape_cast %swap3A_75 : vector<16xi32> to vector<16xi32>
    %swap3A_77 = vector.shape_cast %select_n3A_73 : vector<16xi32> to vector<16xi32>
    tpu.vector_store %arg5[%swap3A_74], %swap3A_77 {strides = array<i32>} : memref<1024xi32, #tpu.memory_space<vmem>>, vector<16xi32>,
    %get3A_78 = arith.constant 48 : index
    %get3A_79 = tpu.vector_load %arg5[%get3A_78] {strides = array<i32>} : memref<1024xi32, #tpu.memory_space<vmem>>, vector<16xi32>,
    %get3A_80 = vector.shape_cast %get3A_79 : vector<16xi32> to vector<16xi32>
    %eq3A_81 = arith.constant 99999 : i32
    %eq3A_82 = vector.broadcast %eq3A_81 : i32 to vector<16xi32>
    %eq3A_83 = arith.cmpi eq, %get3A_80, %eq3A_82 : vector<16xi32>
    %jit3A_84 = arith.constant 1 : i32
    %broadcast_in_dim3A_85 = vector.broadcast %jit3A_84 : i32 to vector<16xi32>
    %select_n3A_86 = arith.select %eq3A_83, %broadcast_in_dim3A_85, %get3A_80 : vector<16xi1>, vector<16xi32>
    %swap3A_87 = arith.constant 48 : index
    %swap3A_88 = tpu.vector_load %arg5[%swap3A_87] {strides = array<i32>} : memref<1024xi32, #tpu.memory_space<vmem>>, vector<16xi32>,
    %swap3A_89 = vector.shape_cast %swap3A_88 : vector<16xi32> to vector<16xi32>
    %swap3A_90 = vector.shape_cast %select_n3A_86 : vector<16xi32> to vector<16xi32>
    tpu.vector_store %arg5[%swap3A_87], %swap3A_90 {strides = array<i32>} : memref<1024xi32, #tpu.memory_space<vmem>>, vector<16xi32>,
    %dma_start3A_91 = arith.constant 32 : i32
    %dma_start3A_92 = arith.constant 0 : i32
    %dma_start3A_93 = tpu.memref_slice %arg6[%dma_start3A_91, %dma_start3A_92] : memref<128x768xf32, #tpu.memory_space<vmem>> -> memref<32x768xf32, #tpu.memory_space<vmem>>
    %dma_start3A_94 = arith.constant 32 : i32
    %dma_start3A_95 = tpu.memref_slice %arg5[%dma_start3A_94] : memref<1024xi32, #tpu.memory_space<vmem>> -> memref<32xi32, #tpu.memory_space<vmem>>
    %dma_start3A_96 = arith.constant 0 : i32
    %dma_start3A_97 = arith.constant 0 : i32
    %dma_start3A_98 = tpu.memref_slice %arg3[%dma_start3A_96, %dma_start3A_97] : memref<100000x768xf32, #tpu.memory_space<hbm>> -> memref<100000x768xf32, #tpu.memory_space<hbm>>
    tpu.enqueue_indirect_dma source(%dma_start3A_98 : memref<100000x768xf32, #tpu.memory_space<hbm>>) target(%dma_start3A_93 : memref<32x768xf32, #tpu.memory_space<vmem>>) offsets(%dma_start3A_95 : memref<32xi32, #tpu.memory_space<vmem>>) semaphore(%arg8 : memref<!tpu.dma_semaphore, #tpu.memory_space<semaphore_mem>>)
    %dma_wait3A = arith.constant 0 : i32
    %dma_wait3A_99 = arith.constant 0 : i32
    %dma_wait3A_100 = tpu.memref_slice %arg6[%dma_wait3A, %dma_wait3A_99] : memref<128x768xf32, #tpu.memory_space<vmem>> -> memref<32x768xf32, #tpu.memory_space<vmem>>
    %dma_wait3A_101 = arith.constant 0 : i32
    %dma_wait3A_102 = tpu.memref_slice %arg5[%dma_wait3A_101] : memref<1024xi32, #tpu.memory_space<vmem>> -> memref<32xi32, #tpu.memory_space<vmem>>
    %dma_wait3A_103 = arith.constant 0 : i32
    %dma_wait3A_104 = arith.constant 0 : i32
    %dma_wait3A_105 = tpu.memref_slice %arg3[%dma_wait3A_103, %dma_wait3A_104] : memref<100000x768xf32, #tpu.memory_space<hbm>> -> memref<100000x768xf32, #tpu.memory_space<hbm>>
    tpu.wait_indirect_dma semaphore(%arg7 : memref<!tpu.dma_semaphore, #tpu.memory_space<semaphore_mem>>) src(%dma_wait3A_105 : memref<100000x768xf32, #tpu.memory_space<hbm>>) dst(%dma_wait3A_100 : memref<32x768xf32, #tpu.memory_space<vmem>>)
    %get3A_106 = arith.constant 64 : index
    %get3A_107 = tpu.vector_load %arg5[%get3A_106] {strides = array<i32>} : memref<1024xi32, #tpu.memory_space<vmem>>, vector<16xi32>,
    %get3A_108 = vector.shape_cast %get3A_107 : vector<16xi32> to vector<16xi32>
    %eq3A_109 = arith.constant 99999 : i32
    %eq3A_110 = vector.broadcast %eq3A_109 : i32 to vector<16xi32>
    %eq3A_111 = arith.cmpi eq, %get3A_108, %eq3A_110 : vector<16xi32>
    %jit3A_112 = arith.constant 1 : i32
    %broadcast_in_dim3A_113 = vector.broadcast %jit3A_112 : i32 to vector<16xi32>
    %select_n3A_114 = arith.select %eq3A_111, %broadcast_in_dim3A_113, %get3A_108 : vector<16xi1>, vector<16xi32>
    %swap3A_115 = arith.constant 64 : index
    %swap3A_116 = tpu.vector_load %arg5[%swap3A_115] {strides = array<i32>} : memref<1024xi32, #tpu.memory_space<vmem>>, vector<16xi32>,
    %swap3A_117 = vector.shape_cast %swap3A_116 : vector<16xi32> to vector<16xi32>
    %swap3A_118 = vector.shape_cast %select_n3A_114 : vector<16xi32> to vector<16xi32>
    tpu.vector_store %arg5[%swap3A_115], %swap3A_118 {strides = array<i32>} : memref<1024xi32, #tpu.memory_space<vmem>>, vector<16xi32>,
    %get3A_119 = arith.constant 80 : index
    %get3A_120 = tpu.vector_load %arg5[%get3A_119] {strides = array<i32>} : memref<1024xi32, #tpu.memory_space<vmem>>, vector<16xi32>,
    %get3A_121 = vector.shape_cast %get3A_120 : vector<16xi32> to vector<16xi32>
    %eq3A_122 = arith.constant 99999 : i32
    %eq3A_123 = vector.broadcast %eq3A_122 : i32 to vector<16xi32>
    %eq3A_124 = arith.cmpi eq, %get3A_121, %eq3A_123 : vector<16xi32>
    %jit3A_125 = arith.constant 1 : i32
    %broadcast_in_dim3A_126 = vector.broadcast %jit3A_125 : i32 to vector<16xi32>
    %select_n3A_127 = arith.select %eq3A_124, %broadcast_in_dim3A_126, %get3A_121 : vector<16xi1>, vector<16xi32>
    %swap3A_128 = arith.constant 80 : index
    %swap3A_129 = tpu.vector_load %arg5[%swap3A_128] {strides = array<i32>} : memref<1024xi32, #tpu.memory_space<vmem>>, vector<16xi32>,
    %swap3A_130 = vector.shape_cast %swap3A_129 : vector<16xi32> to vector<16xi32>
    %swap3A_131 = vector.shape_cast %select_n3A_127 : vector<16xi32> to vector<16xi32>
    tpu.vector_store %arg5[%swap3A_128], %swap3A_131 {strides = array<i32>} : memref<1024xi32, #tpu.memory_space<vmem>>, vector<16xi32>,
    %dma_start3A_132 = arith.constant 64 : i32
    %dma_start3A_133 = arith.constant 0 : i32
    %dma_start3A_134 = tpu.memref_slice %arg6[%dma_start3A_132, %dma_start3A_133] : memref<128x768xf32, #tpu.memory_space<vmem>> -> memref<32x768xf32, #tpu.memory_space<vmem>>
    %dma_start3A_135 = arith.constant 64 : i32
    %dma_start3A_136 = tpu.memref_slice %arg5[%dma_start3A_135] : memref<1024xi32, #tpu.memory_space<vmem>> -> memref<32xi32, #tpu.memory_space<vmem>>
    %dma_start3A_137 = arith.constant 0 : i32
    %dma_start3A_138 = arith.constant 0 : i32
    %dma_start3A_139 = tpu.memref_slice %arg3[%dma_start3A_137, %dma_start3A_138] : memref<100000x768xf32, #tpu.memory_space<hbm>> -> memref<100000x768xf32, #tpu.memory_space<hbm>>
    tpu.enqueue_indirect_dma source(%dma_start3A_139 : memref<100000x768xf32, #tpu.memory_space<hbm>>) target(%dma_start3A_134 : memref<32x768xf32, #tpu.memory_space<vmem>>) offsets(%dma_start3A_136 : memref<32xi32, #tpu.memory_space<vmem>>) semaphore(%arg9 : memref<!tpu.dma_semaphore, #tpu.memory_space<semaphore_mem>>)
    %dma_wait3A_140 = arith.constant 32 : i32
    %dma_wait3A_141 = arith.constant 0 : i32
    %dma_wait3A_142 = tpu.memref_slice %arg6[%dma_wait3A_140, %dma_wait3A_141] : memref<128x768xf32, #tpu.memory_space<vmem>> -> memref<32x768xf32, #tpu.memory_space<vmem>>
    %dma_wait3A_143 = arith.constant 0 : i32
    %dma_wait3A_144 = tpu.memref_slice %arg5[%dma_wait3A_143] : memref<1024xi32, #tpu.memory_space<vmem>> -> memref<32xi32, #tpu.memory_space<vmem>>
    %dma_wait3A_145 = arith.constant 0 : i32
    %dma_wait3A_146 = arith.constant 0 : i32
    %dma_wait3A_147 = tpu.memref_slice %arg3[%dma_wait3A_145, %dma_wait3A_146] : memref<100000x768xf32, #tpu.memory_space<hbm>> -> memref<100000x768xf32, #tpu.memory_space<hbm>>
    tpu.wait_indirect_dma semaphore(%arg8 : memref<!tpu.dma_semaphore, #tpu.memory_space<semaphore_mem>>) src(%dma_wait3A_147 : memref<100000x768xf32, #tpu.memory_space<hbm>>) dst(%dma_wait3A_142 : memref<32x768xf32, #tpu.memory_space<vmem>>)
    %get3A_148 = arith.constant 96 : index
    %get3A_149 = tpu.vector_load %arg5[%get3A_148] {strides = array<i32>} : memref<1024xi32, #tpu.memory_space<vmem>>, vector<16xi32>,
    %get3A_150 = vector.shape_cast %get3A_149 : vector<16xi32> to vector<16xi32>
    %eq3A_151 = arith.constant 99999 : i32
    %eq3A_152 = vector.broadcast %eq3A_151 : i32 to vector<16xi32>
    %eq3A_153 = arith.cmpi eq, %get3A_150, %eq3A_152 : vector<16xi32>
    %jit3A_154 = arith.constant 1 : i32
    %broadcast_in_dim3A_155 = vector.broadcast %jit3A_154 : i32 to vector<16xi32>
    %select_n3A_156 = arith.select %eq3A_153, %broadcast_in_dim3A_155, %get3A_150 : vector<16xi1>, vector<16xi32>
    %swap3A_157 = arith.constant 96 : index
    %swap3A_158 = tpu.vector_load %arg5[%swap3A_157] {strides = array<i32>} : memref<1024xi32, #tpu.memory_space<vmem>>, vector<16xi32>,
    %swap3A_159 = vector.shape_cast %swap3A_158 : vector<16xi32> to vector<16xi32>
    %swap3A_160 = vector.shape_cast %select_n3A_156 : vector<16xi32> to vector<16xi32>
    tpu.vector_store %arg5[%swap3A_157], %swap3A_160 {strides = array<i32>} : memref<1024xi32, #tpu.memory_space<vmem>>, vector<16xi32>,
    %get3A_161 = arith.constant 112 : index
    %get3A_162 = tpu.vector_load %arg5[%get3A_161] {strides = array<i32>} : memref<1024xi32, #tpu.memory_space<vmem>>, vector<16xi32>,
    %get3A_163 = vector.shape_cast %get3A_162 : vector<16xi32> to vector<16xi32>
    %eq3A_164 = arith.constant 99999 : i32
    %eq3A_165 = vector.broadcast %eq3A_164 : i32 to vector<16xi32>
    %eq3A_166 = arith.cmpi eq, %get3A_163, %eq3A_165 : vector<16xi32>
    %jit3A_167 = arith.constant 1 : i32
    %broadcast_in_dim3A_168 = vector.broadcast %jit3A_167 : i32 to vector<16xi32>
    %select_n3A_169 = arith.select %eq3A_166, %broadcast_in_dim3A_168, %get3A_163 : vector<16xi1>, vector<16xi32>
    %swap3A_170 = arith.constant 112 : index
    %swap3A_171 = tpu.vector_load %arg5[%swap3A_170] {strides = array<i32>} : memref<1024xi32, #tpu.memory_space<vmem>>, vector<16xi32>,
    %swap3A_172 = vector.shape_cast %swap3A_171 : vector<16xi32> to vector<16xi32>
    %swap3A_173 = vector.shape_cast %select_n3A_169 : vector<16xi32> to vector<16xi32>
    tpu.vector_store %arg5[%swap3A_170], %swap3A_173 {strides = array<i32>} : memref<1024xi32, #tpu.memory_space<vmem>>, vector<16xi32>,
    %dma_start3A_174 = arith.constant 96 : i32
    %dma_start3A_175 = arith.constant 0 : i32
    %dma_start3A_176 = tpu.memref_slice %arg6[%dma_start3A_174, %dma_start3A_175] : memref<128x768xf32, #tpu.memory_space<vmem>> -> memref<32x768xf32, #tpu.memory_space<vmem>>
    %dma_start3A_177 = arith.constant 96 : i32
    %dma_start3A_178 = tpu.memref_slice %arg5[%dma_start3A_177] : memref<1024xi32, #tpu.memory_space<vmem>> -> memref<32xi32, #tpu.memory_space<vmem>>
    %dma_start3A_179 = arith.constant 0 : i32
    %dma_start3A_180 = arith.constant 0 : i32
    %dma_start3A_181 = tpu.memref_slice %arg3[%dma_start3A_179, %dma_start3A_180] : memref<100000x768xf32, #tpu.memory_space<hbm>> -> memref<100000x768xf32, #tpu.memory_space<hbm>>
    tpu.enqueue_indirect_dma source(%dma_start3A_181 : memref<100000x768xf32, #tpu.memory_space<hbm>>) target(%dma_start3A_176 : memref<32x768xf32, #tpu.memory_space<vmem>>) offsets(%dma_start3A_178 : memref<32xi32, #tpu.memory_space<vmem>>) semaphore(%arg10 : memref<!tpu.dma_semaphore, #tpu.memory_space<semaphore_mem>>)
    %add3A_182 = arith.constant 0 : i32
    %add3A_183 = arith.addi %mul3A_32, %add3A_182 : i32
    %dma_start3A_184 = arith.constant 0 : i32
    %dma_start3A_185 = arith.constant 0 : i32
    %dma_start3A_186 = tpu.memref_slice %arg6[%dma_start3A_184, %dma_start3A_185] : memref<128x768xf32, #tpu.memory_space<vmem>> -> memref<64x768xf32, #tpu.memory_space<vmem>>
    %dma_start3A_187 = arith.constant 0 : i32
    %dma_start3A_188 = tpu.memref_slice %arg4[%add3A_183, %dma_start3A_187] : memref<32768x768xf32, #tpu.memory_space<hbm>> -> memref<64x768xf32, #tpu.memory_space<hbm>>
    %dma_start3A_189 = arith.constant 0 : i32
    %dma_start3A_190 = tpu.memref_slice %arg4[%add3A_183, %dma_start3A_189] : memref<32768x768xf32, #tpu.memory_space<hbm>> -> memref<64x768xf32, #tpu.memory_space<hbm>>
    %dma_start3A_191 = arith.constant 0 : i32
    %dma_start3A_192 = arith.constant 0 : i32
    %dma_start3A_193 = tpu.memref_slice %arg6[%dma_start3A_191, %dma_start3A_192] : memref<128x768xf32, #tpu.memory_space<vmem>> -> memref<64x768xf32, #tpu.memory_space<vmem>>
    tpu.enqueue_dma source(%dma_start3A_193 : memref<64x768xf32, #tpu.memory_space<vmem>>) target(%dma_start3A_190 : memref<64x768xf32, #tpu.memory_space<hbm>>) target_semaphore(%arg11 : memref<!tpu.dma_semaphore, #tpu.memory_space<semaphore_mem>>)
    %dma_wait3A_194 = arith.constant 64 : i32
    %dma_wait3A_195 = arith.constant 0 : i32
    %dma_wait3A_196 = tpu.memref_slice %arg6[%dma_wait3A_194, %dma_wait3A_195] : memref<128x768xf32, #tpu.memory_space<vmem>> -> memref<32x768xf32, #tpu.memory_space<vmem>>
    %dma_wait3A_197 = arith.constant 0 : i32
    %dma_wait3A_198 = tpu.memref_slice %arg5[%dma_wait3A_197] : memref<1024xi32, #tpu.memory_space<vmem>> -> memref<32xi32, #tpu.memory_space<vmem>>
    %dma_wait3A_199 = arith.constant 0 : i32
    %dma_wait3A_200 = arith.constant 0 : i32
    %dma_wait3A_201 = tpu.memref_slice %arg3[%dma_wait3A_199, %dma_wait3A_200] : memref<100000x768xf32, #tpu.memory_space<hbm>> -> memref<100000x768xf32, #tpu.memory_space<hbm>>
    tpu.wait_indirect_dma semaphore(%arg9 : memref<!tpu.dma_semaphore, #tpu.memory_space<semaphore_mem>>) src(%dma_wait3A_201 : memref<100000x768xf32, #tpu.memory_space<hbm>>) dst(%dma_wait3A_196 : memref<32x768xf32, #tpu.memory_space<vmem>>)
    %dma_wait3A_202 = arith.constant 0 : i32
    %dma_wait3A_203 = arith.constant 0 : i32
    %dma_wait3A_204 = tpu.memref_slice %arg6[%dma_wait3A_202, %dma_wait3A_203] : memref<128x768xf32, #tpu.memory_space<vmem>> -> memref<64x768xf32, #tpu.memory_space<vmem>>
    %dma_wait3A_205 = arith.constant 0 : i32
    %dma_wait3A_206 = tpu.memref_slice %arg4[%mul3A_32, %dma_wait3A_205] : memref<32768x768xf32, #tpu.memory_space<hbm>> -> memref<64x768xf32, #tpu.memory_space<hbm>>
    %dma_wait3A_207 = arith.constant 0 : i32
    %dma_wait3A_208 = tpu.memref_slice %arg4[%mul3A_32, %dma_wait3A_207] : memref<32768x768xf32, #tpu.memory_space<hbm>> -> memref<64x768xf32, #tpu.memory_space<hbm>>
    %dma_wait3A_209 = arith.constant 0 : i32
    %dma_wait3A_210 = arith.constant 0 : i32
    %dma_wait3A_211 = tpu.memref_slice %arg6[%dma_wait3A_209, %dma_wait3A_210] : memref<128x768xf32, #tpu.memory_space<vmem>> -> memref<64x768xf32, #tpu.memory_space<vmem>>
    tpu.wait_dma2 semaphore(%arg11 : memref<!tpu.dma_semaphore, #tpu.memory_space<semaphore_mem>>) src(%dma_wait3A_211 : memref<64x768xf32, #tpu.memory_space<vmem>>) dst(%dma_wait3A_208 : memref<64x768xf32, #tpu.memory_space<hbm>>)
    %get3A_212 = arith.constant 128 : index
    %get3A_213 = tpu.vector_load %arg5[%get3A_212] {strides = array<i32>} : memref<1024xi32, #tpu.memory_space<vmem>>, vector<16xi32>,
    %get3A_214 = vector.shape_cast %get3A_213 : vector<16xi32> to vector<16xi32>
    %eq3A_215 = arith.constant 99999 : i32
    %eq3A_216 = vector.broadcast %eq3A_215 : i32 to vector<16xi32>
    %eq3A_217 = arith.cmpi eq, %get3A_214, %eq3A_216 : vector<16xi32>
    %jit3A_218 = arith.constant 1 : i32
    %broadcast_in_dim3A_219 = vector.broadcast %jit3A_218 : i32 to vector<16xi32>
    %select_n3A_220 = arith.select %eq3A_217, %broadcast_in_dim3A_219, %get3A_214 : vector<16xi1>, vector<16xi32>
    %swap3A_221 = arith.constant 128 : index
    %swap3A_222 = tpu.vector_load %arg5[%swap3A_221] {strides = array<i32>} : memref<1024xi32, #tpu.memory_space<vmem>>, vector<16xi32>,
    %swap3A_223 = vector.shape_cast %swap3A_222 : vector<16xi32> to vector<16xi32>
    %swap3A_224 = vector.shape_cast %select_n3A_220 : vector<16xi32> to vector<16xi32>
    tpu.vector_store %arg5[%swap3A_221], %swap3A_224 {strides = array<i32>} : memref<1024xi32, #tpu.memory_space<vmem>>, vector<16xi32>,
    %get3A_225 = arith.constant 144 : index
    %get3A_226 = tpu.vector_load %arg5[%get3A_225] {strides = array<i32>} : memref<1024xi32, #tpu.memory_space<vmem>>, vector<16xi32>,
    %get3A_227 = vector.shape_cast %get3A_226 : vector<16xi32> to vector<16xi32>
    %eq3A_228 = arith.constant 99999 : i32
    %eq3A_229 = vector.broadcast %eq3A_228 : i32 to vector<16xi32>
    %eq3A_230 = arith.cmpi eq, %get3A_227, %eq3A_229 : vector<16xi32>
    %jit3A_231 = arith.constant 1 : i32
    %broadcast_in_dim3A_232 = vector.broadcast %jit3A_231 : i32 to vector<16xi32>
    %select_n3A_233 = arith.select %eq3A_230, %broadcast_in_dim3A_232, %get3A_227 : vector<16xi1>, vector<16xi32>
    %swap3A_234 = arith.constant 144 : index
    %swap3A_235 = tpu.vector_load %arg5[%swap3A_234] {strides = array<i32>} : memref<1024xi32, #tpu.memory_space<vmem>>, vector<16xi32>,
    %swap3A_236 = vector.shape_cast %swap3A_235 : vector<16xi32> to vector<16xi32>
    %swap3A_237 = vector.shape_cast %select_n3A_233 : vector<16xi32> to vector<16xi32>
    tpu.vector_store %arg5[%swap3A_234], %swap3A_237 {strides = array<i32>} : memref<1024xi32, #tpu.memory_space<vmem>>, vector<16xi32>,
    %dma_start3A_238 = arith.constant 0 : i32
    %dma_start3A_239 = arith.constant 0 : i32
    %dma_start3A_240 = tpu.memref_slice %arg6[%dma_start3A_238, %dma_start3A_239] : memref<128x768xf32, #tpu.memory_space<vmem>> -> memref<32x768xf32, #tpu.memory_space<vmem>>
    %dma_start3A_241 = arith.constant 128 : i32
    %dma_start3A_242 = tpu.memref_slice %arg5[%dma_start3A_241] : memref<1024xi32, #tpu.memory_space<vmem>> -> memref<32xi32, #tpu.memory_space<vmem>>
    %dma_start3A_243 = arith.constant 0 : i32
    %dma_start3A_244 = arith.constant 0 : i32
    %dma_start3A_245 = tpu.memref_slice %arg3[%dma_start3A_243, %dma_start3A_244] : memref<100000x768xf32, #tpu.memory_space<hbm>> -> memref<100000x768xf32, #tpu.memory_space<hbm>>
    tpu.enqueue_indirect_dma source(%dma_start3A_245 : memref<100000x768xf32, #tpu.memory_space<hbm>>) target(%dma_start3A_240 : memref<32x768xf32, #tpu.memory_space<vmem>>) offsets(%dma_start3A_242 : memref<32xi32, #tpu.memory_space<vmem>>) semaphore(%arg7 : memref<!tpu.dma_semaphore, #tpu.memory_space<semaphore_mem>>)
    %dma_wait3A_246 = arith.constant 96 : i32
    %dma_wait3A_247 = arith.constant 0 : i32
    %dma_wait3A_248 = tpu.memref_slice %arg6[%dma_wait3A_246, %dma_wait3A_247] : memref<128x768xf32, #tpu.memory_space<vmem>> -> memref<32x768xf32, #tpu.memory_space<vmem>>
    %dma_wait3A_249 = arith.constant 0 : i32
    %dma_wait3A_250 = tpu.memref_slice %arg5[%dma_wait3A_249] : memref<1024xi32, #tpu.memory_space<vmem>> -> memref<32xi32, #tpu.memory_space<vmem>>
    %dma_wait3A_251 = arith.constant 0 : i32
    %dma_wait3A_252 = arith.constant 0 : i32
    %dma_wait3A_253 = tpu.memref_slice %arg3[%dma_wait3A_251, %dma_wait3A_252] : memref<100000x768xf32, #tpu.memory_space<hbm>> -> memref<100000x768xf32, #tpu.memory_space<hbm>>
    tpu.wait_indirect_dma semaphore(%arg10 : memref<!tpu.dma_semaphore, #tpu.memory_space<semaphore_mem>>) src(%dma_wait3A_253 : memref<100000x768xf32, #tpu.memory_space<hbm>>) dst(%dma_wait3A_248 : memref<32x768xf32, #tpu.memory_space<vmem>>)
    %get3A_254 = arith.constant 160 : index
    %get3A_255 = tpu.vector_load %arg5[%get3A_254] {strides = array<i32>} : memref<1024xi32, #tpu.memory_space<vmem>>, vector<16xi32>,
    %get3A_256 = vector.shape_cast %get3A_255 : vector<16xi32> to vector<16xi32>
    %eq3A_257 = arith.constant 99999 : i32
    %eq3A_258 = vector.broadcast %eq3A_257 : i32 to vector<16xi32>
    %eq3A_259 = arith.cmpi eq, %get3A_256, %eq3A_258 : vector<16xi32>
    %jit3A_260 = arith.constant 1 : i32
    %broadcast_in_dim3A_261 = vector.broadcast %jit3A_260 : i32 to vector<16xi32>
    %select_n3A_262 = arith.select %eq3A_259, %broadcast_in_dim3A_261, %get3A_256 : vector<16xi1>, vector<16xi32>
    %swap3A_263 = arith.constant 160 : index
    %swap3A_264 = tpu.vector_load %arg5[%swap3A_263] {strides = array<i32>} : memref<1024xi32, #tpu.memory_space<vmem>>, vector<16xi32>,
    %swap3A_265 = vector.shape_cast %swap3A_264 : vector<16xi32> to vector<16xi32>
    %swap3A_266 = vector.shape_cast %select_n3A_262 : vector<16xi32> to vector<16xi32>
    tpu.vector_store %arg5[%swap3A_263], %swap3A_266 {strides = array<i32>} : memref<1024xi32, #tpu.memory_space<vmem>>, vector<16xi32>,
    %get3A_267 = arith.constant 176 : index
    %get3A_268 = tpu.vector_load %arg5[%get3A_267] {strides = array<i32>} : memref<1024xi32, #tpu.memory_space<vmem>>, vector<16xi32>,
    %get3A_269 = vector.shape_cast %get3A_268 : vector<16xi32> to vector<16xi32>
    %eq3A_270 = arith.constant 99999 : i32
    %eq3A_271 = vector.broadcast %eq3A_270 : i32 to vector<16xi32>
    %eq3A_272 = arith.cmpi eq, %get3A_269, %eq3A_271 : vector<16xi32>
    %jit3A_273 = arith.constant 1 : i32
    %broadcast_in_dim3A_274 = vector.broadcast %jit3A_273 : i32 to vector<16xi32>
    %select_n3A_275 = arith.select %eq3A_272, %broadcast_in_dim3A_274, %get3A_269 : vector<16xi1>, vector<16xi32>
    %swap3A_276 = arith.constant 176 : index
    %swap3A_277 = tpu.vector_load %arg5[%swap3A_276] {strides = array<i32>} : memref<1024xi32, #tpu.memory_space<vmem>>, vector<16xi32>,
    %swap3A_278 = vector.shape_cast %swap3A_277 : vector<16xi32> to vector<16xi32>
    %swap3A_279 = vector.shape_cast %select_n3A_275 : vector<16xi32> to vector<16xi32>
    tpu.vector_store %arg5[%swap3A_276], %swap3A_279 {strides = array<i32>} : memref<1024xi32, #tpu.memory_space<vmem>>, vector<16xi32>,
    %dma_start3A_280 = arith.constant 32 : i32
    %dma_start3A_281 = arith.constant 0 : i32
    %dma_start3A_282 = tpu.memref_slice %arg6[%dma_start3A_280, %dma_start3A_281] : memref<128x768xf32, #tpu.memory_space<vmem>> -> memref<32x768xf32, #tpu.memory_space<vmem>>
    %dma_start3A_283 = arith.constant 160 : i32
    %dma_start3A_284 = tpu.memref_slice %arg5[%dma_start3A_283] : memref<1024xi32, #tpu.memory_space<vmem>> -> memref<32xi32, #tpu.memory_space<vmem>>
    %dma_start3A_285 = arith.constant 0 : i32
    %dma_start3A_286 = arith.constant 0 : i32
    %dma_start3A_287 = tpu.memref_slice %arg3[%dma_start3A_285, %dma_start3A_286] : memref<100000x768xf32, #tpu.memory_space<hbm>> -> memref<100000x768xf32, #tpu.memory_space<hbm>>
    tpu.enqueue_indirect_dma source(%dma_start3A_287 : memref<100000x768xf32, #tpu.memory_space<hbm>>) target(%dma_start3A_282 : memref<32x768xf32, #tpu.memory_space<vmem>>) offsets(%dma_start3A_284 : memref<32xi32, #tpu.memory_space<vmem>>) semaphore(%arg8 : memref<!tpu.dma_semaphore, #tpu.memory_space<semaphore_mem>>)
    %add3A_288 = arith.constant 64 : i32
    %add3A_289 = arith.addi %mul3A_32, %add3A_288 : i32
    %dma_start3A_290 = arith.constant 64 : i32
    %dma_start3A_291 = arith.constant 0 : i32
    %dma_start3A_292 = tpu.memref_slice %arg6[%dma_start3A_290, %dma_start3A_291] : memref<128x768xf32, #tpu.memory_space<vmem>> -> memref<64x768xf32, #tpu.memory_space<vmem>>
    %dma_start3A_293 = arith.constant 0 : i32
    %dma_start3A_294 = tpu.memref_slice %arg4[%add3A_289, %dma_start3A_293] : memref<32768x768xf32, #tpu.memory_space<hbm>> -> memref<64x768xf32, #tpu.memory_space<hbm>>
    %dma_start3A_295 = arith.constant 0 : i32
    %dma_start3A_296 = tpu.memref_slice %arg4[%add3A_289, %dma_start3A_295] : memref<32768x768xf32, #tpu.memory_space<hbm>> -> memref<64x768xf32, #tpu.memory_space<hbm>>
    %dma_start3A_297 = arith.constant 64 : i32
    %dma_start3A_298 = arith.constant 0 : i32
    %dma_start3A_299 = tpu.memref_slice %arg6[%dma_start3A_297, %dma_start3A_298] : memref<128x768xf32, #tpu.memory_space<vmem>> -> memref<64x768xf32, #tpu.memory_space<vmem>>
    tpu.enqueue_dma source(%dma_start3A_299 : memref<64x768xf32, #tpu.memory_space<vmem>>) target(%dma_start3A_296 : memref<64x768xf32, #tpu.memory_space<hbm>>) target_semaphore(%arg12 : memref<!tpu.dma_semaphore, #tpu.memory_space<semaphore_mem>>)
    %dma_wait3A_300 = arith.constant 0 : i32
    %dma_wait3A_301 = arith.constant 0 : i32
    %dma_wait3A_302 = tpu.memref_slice %arg6[%dma_wait3A_300, %dma_wait3A_301] : memref<128x768xf32, #tpu.memory_space<vmem>> -> memref<32x768xf32, #tpu.memory_space<vmem>>
    %dma_wait3A_303 = arith.constant 0 : i32
    %dma_wait3A_304 = tpu.memref_slice %arg5[%dma_wait3A_303] : memref<1024xi32, #tpu.memory_space<vmem>> -> memref<32xi32, #tpu.memory_space<vmem>>
    %dma_wait3A_305 = arith.constant 0 : i32
    %dma_wait3A_306 = arith.constant 0 : i32
    %dma_wait3A_307 = tpu.memref_slice %arg3[%dma_wait3A_305, %dma_wait3A_306] : memref<100000x768xf32, #tpu.memory_space<hbm>> -> memref<100000x768xf32, #tpu.memory_space<hbm>>
    tpu.wait_indirect_dma semaphore(%arg7 : memref<!tpu.dma_semaphore, #tpu.memory_space<semaphore_mem>>) src(%dma_wait3A_307 : memref<100000x768xf32, #tpu.memory_space<hbm>>) dst(%dma_wait3A_302 : memref<32x768xf32, #tpu.memory_space<vmem>>)
    %dma_wait3A_308 = arith.constant 64 : i32
    %dma_wait3A_309 = arith.constant 0 : i32
    %dma_wait3A_310 = tpu.memref_slice %arg6[%dma_wait3A_308, %dma_wait3A_309] : memref<128x768xf32, #tpu.memory_space<vmem>> -> memref<64x768xf32, #tpu.memory_space<vmem>>
    %dma_wait3A_311 = arith.constant 0 : i32
    %dma_wait3A_312 = tpu.memref_slice %arg4[%mul3A_32, %dma_wait3A_311] : memref<32768x768xf32, #tpu.memory_space<hbm>> -> memref<64x768xf32, #tpu.memory_space<hbm>>
    %dma_wait3A_313 = arith.constant 0 : i32
    %dma_wait3A_314 = tpu.memref_slice %arg4[%mul3A_32, %dma_wait3A_313] : memref<32768x768xf32, #tpu.memory_space<hbm>> -> memref<64x768xf32, #tpu.memory_space<hbm>>
    %dma_wait3A_315 = arith.constant 64 : i32
    %dma_wait3A_316 = arith.constant 0 : i32
    %dma_wait3A_317 = tpu.memref_slice %arg6[%dma_wait3A_315, %dma_wait3A_316] : memref<128x768xf32, #tpu.memory_space<vmem>> -> memref<64x768xf32, #tpu.memory_space<vmem>>
    tpu.wait_dma2 semaphore(%arg12 : memref<!tpu.dma_semaphore, #tpu.memory_space<semaphore_mem>>) src(%dma_wait3A_317 : memref<64x768xf32, #tpu.memory_space<vmem>>) dst(%dma_wait3A_314 : memref<64x768xf32, #tpu.memory_space<hbm>>)
    %get3A_318 = arith.constant 192 : index
    %get3A_319 = tpu.vector_load %arg5[%get3A_318] {strides = array<i32>} : memref<1024xi32, #tpu.memory_space<vmem>>, vector<16xi32>,
    %get3A_320 = vector.shape_cast %get3A_319 : vector<16xi32> to vector<16xi32>
    %eq3A_321 = arith.constant 99999 : i32
    %eq3A_322 = vector.broadcast %eq3A_321 : i32 to vector<16xi32>
    %eq3A_323 = arith.cmpi eq, %get3A_320, %eq3A_322 : vector<16xi32>
    %jit3A_324 = arith.constant 1 : i32
    %broadcast_in_dim3A_325 = vector.broadcast %jit3A_324 : i32 to vector<16xi32>
    %select_n3A_326 = arith.select %eq3A_323, %broadcast_in_dim3A_325, %get3A_320 : vector<16xi1>, vector<16xi32>
    %swap3A_327 = arith.constant 192 : index
    %swap3A_328 = tpu.vector_load %arg5[%swap3A_327] {strides = array<i32>} : memref<1024xi32, #tpu.memory_space<vmem>>, vector<16xi32>,
    %swap3A_329 = vector.shape_cast %swap3A_328 : vector<16xi32> to vector<16xi32>
    %swap3A_330 = vector.shape_cast %select_n3A_326 : vector<16xi32> to vector<16xi32>
    tpu.vector_store %arg5[%swap3A_327], %swap3A_330 {strides = array<i32>} : memref<1024xi32, #tpu.memory_space<vmem>>, vector<16xi32>,
    %get3A_331 = arith.constant 208 : index
    %get3A_332 = tpu.vector_load %arg5[%get3A_331] {strides = array<i32>} : memref<1024xi32, #tpu.memory_space<vmem>>, vector<16xi32>,
    %get3A_333 = vector.shape_cast %get3A_332 : vector<16xi32> to vector<16xi32>
    %eq3A_334 = arith.constant 99999 : i32
    %eq3A_335 = vector.broadcast %eq3A_334 : i32 to vector<16xi32>
    %eq3A_336 = arith.cmpi eq, %get3A_333, %eq3A_335 : vector<16xi32>
    %jit3A_337 = arith.constant 1 : i32
    %broadcast_in_dim3A_338 = vector.broadcast %jit3A_337 : i32 to vector<16xi32>
    %select_n3A_339 = arith.select %eq3A_336, %broadcast_in_dim3A_338, %get3A_333 : vector<16xi1>, vector<16xi32>
    %swap3A_340 = arith.constant 208 : index
    %swap3A_341 = tpu.vector_load %arg5[%swap3A_340] {strides = array<i32>} : memref<1024xi32, #tpu.memory_space<vmem>>, vector<16xi32>,
    %swap3A_342 = vector.shape_cast %swap3A_341 : vector<16xi32> to vector<16xi32>
    %swap3A_343 = vector.shape_cast %select_n3A_339 : vector<16xi32> to vector<16xi32>
    tpu.vector_store %arg5[%swap3A_340], %swap3A_343 {strides = array<i32>} : memref<1024xi32, #tpu.memory_space<vmem>>, vector<16xi32>,
    %dma_start3A_344 = arith.constant 64 : i32
    %dma_start3A_345 = arith.constant 0 : i32
    %dma_start3A_346 = tpu.memref_slice %arg6[%dma_start3A_344, %dma_start3A_345] : memref<128x768xf32, #tpu.memory_space<vmem>> -> memref<32x768xf32, #tpu.memory_space<vmem>>
    %dma_start3A_347 = arith.constant 192 : i32
    %dma_start3A_348 = tpu.memref_slice %arg5[%dma_start3A_347] : memref<1024xi32, #tpu.memory_space<vmem>> -> memref<32xi32, #tpu.memory_space<vmem>>
    %dma_start3A_349 = arith.constant 0 : i32
    %dma_start3A_350 = arith.constant 0 : i32
    %dma_start3A_351 = tpu.memref_slice %arg3[%dma_start3A_349, %dma_start3A_350] : memref<100000x768xf32, #tpu.memory_space<hbm>> -> memref<100000x768xf32, #tpu.memory_space<hbm>>
    tpu.enqueue_indirect_dma source(%dma_start3A_351 : memref<100000x768xf32, #tpu.memory_space<hbm>>) target(%dma_start3A_346 : memref<32x768xf32, #tpu.memory_space<vmem>>) offsets(%dma_start3A_348 : memref<32xi32, #tpu.memory_space<vmem>>) semaphore(%arg9 : memref<!tpu.dma_semaphore, #tpu.memory_space<semaphore_mem>>)
    %dma_wait3A_352 = arith.constant 32 : i32
    %dma_wait3A_353 = arith.constant 0 : i32
    %dma_wait3A_354 = tpu.memref_slice %arg6[%dma_wait3A_352, %dma_wait3A_353] : memref<128x768xf32, #tpu.memory_space<vmem>> -> memref<32x768xf32, #tpu.memory_space<vmem>>
    %dma_wait3A_355 = arith.constant 0 : i32
    %dma_wait3A_356 = tpu.memref_slice %arg5[%dma_wait3A_355] : memref<1024xi32, #tpu.memory_space<vmem>> -> memref<32xi32, #tpu.memory_space<vmem>>
    %dma_wait3A_357 = arith.constant 0 : i32
    %dma_wait3A_358 = arith.constant 0 : i32
    %dma_wait3A_359 = tpu.memref_slice %arg3[%dma_wait3A_357, %dma_wait3A_358] : memref<100000x768xf32, #tpu.memory_space<hbm>> -> memref<100000x768xf32, #tpu.memory_space<hbm>>
    tpu.wait_indirect_dma semaphore(%arg8 : memref<!tpu.dma_semaphore, #tpu.memory_space<semaphore_mem>>) src(%dma_wait3A_359 : memref<100000x768xf32, #tpu.memory_space<hbm>>) dst(%dma_wait3A_354 : memref<32x768xf32, #tpu.memory_space<vmem>>)
    %get3A_360 = arith.constant 224 : index
    %get3A_361 = tpu.vector_load %arg5[%get3A_360] {strides = array<i32>} : memref<1024xi32, #tpu.memory_space<vmem>>, vector<16xi32>,
    %get3A_362 = vector.shape_cast %get3A_361 : vector<16xi32> to vector<16xi32>
    %eq3A_363 = arith.constant 99999 : i32
    %eq3A_364 = vector.broadcast %eq3A_363 : i32 to vector<16xi32>
    %eq3A_365 = arith.cmpi eq, %get3A_362, %eq3A_364 : vector<16xi32>
    %jit3A_366 = arith.constant 1 : i32
    %broadcast_in_dim3A_367 = vector.broadcast %jit3A_366 : i32 to vector<16xi32>
    %select_n3A_368 = arith.select %eq3A_365, %broadcast_in_dim3A_367, %get3A_362 : vector<16xi1>, vector<16xi32>
    %swap3A_369 = arith.constant 224 : index
    %swap3A_370 = tpu.vector_load %arg5[%swap3A_369] {strides = array<i32>} : memref<1024xi32, #tpu.memory_space<vmem>>, vector<16xi32>,
    %swap3A_371 = vector.shape_cast %swap3A_370 : vector<16xi32> to vector<16xi32>
    %swap3A_372 = vector.shape_cast %select_n3A_368 : vector<16xi32> to vector<16xi32>
    tpu.vector_store %arg5[%swap3A_369], %swap3A_372 {strides = array<i32>} : memref<1024xi32, #tpu.memory_space<vmem>>, vector<16xi32>,
    %get3A_373 = arith.constant 240 : index
    %get3A_374 = tpu.vector_load %arg5[%get3A_373] {strides = array<i32>} : memref<1024xi32, #tpu.memory_space<vmem>>, vector<16xi32>,
    %get3A_375 = vector.shape_cast %get3A_374 : vector<16xi32> to vector<16xi32>
    %eq3A_376 = arith.constant 99999 : i32
    %eq3A_377 = vector.broadcast %eq3A_376 : i32 to vector<16xi32>
    %eq3A_378 = arith.cmpi eq, %get3A_375, %eq3A_377 : vector<16xi32>
    %jit3A_379 = arith.constant 1 : i32
    %broadcast_in_dim3A_380 = vector.broadcast %jit3A_379 : i32 to vector<16xi32>
    %select_n3A_381 = arith.select %eq3A_378, %broadcast_in_dim3A_380, %get3A_375 : vector<16xi1>, vector<16xi32>
    %swap3A_382 = arith.constant 240 : index
    %swap3A_383 = tpu.vector_load %arg5[%swap3A_382] {strides = array<i32>} : memref<1024xi32, #tpu.memory_space<vmem>>, vector<16xi32>,
    %swap3A_384 = vector.shape_cast %swap3A_383 : vector<16xi32> to vector<16xi32>
    %swap3A_385 = vector.shape_cast %select_n3A_381 : vector<16xi32> to vector<16xi32>
    tpu.vector_store %arg5[%swap3A_382], %swap3A_385 {strides = array<i32>} : memref<1024xi32, #tpu.memory_space<vmem>>, vector<16xi32>,
    %dma_start3A_386 = arith.constant 96 : i32
    %dma_start3A_387 = arith.constant 0 : i32
    %dma_start3A_388 = tpu.memref_slice %arg6[%dma_start3A_386, %dma_start3A_387] : memref<128x768xf32, #tpu.memory_space<vmem>> -> memref<32x768xf32, #tpu.memory_space<vmem>>
    %dma_start3A_389 = arith.constant 224 : i32
    %dma_start3A_390 = tpu.memref_slice %arg5[%dma_start3A_389] : memref<1024xi32, #tpu.memory_space<vmem>> -> memref<32xi32, #tpu.memory_space<vmem>>
    %dma_start3A_391 = arith.constant 0 : i32
    %dma_start3A_392 = arith.constant 0 : i32
    %dma_start3A_393 = tpu.memref_slice %arg3[%dma_start3A_391, %dma_start3A_392] : memref<100000x768xf32, #tpu.memory_space<hbm>> -> memref<100000x768xf32, #tpu.memory_space<hbm>>
    tpu.enqueue_indirect_dma source(%dma_start3A_393 : memref<100000x768xf32, #tpu.memory_space<hbm>>) target(%dma_start3A_388 : memref<32x768xf32, #tpu.memory_space<vmem>>) offsets(%dma_start3A_390 : memref<32xi32, #tpu.memory_space<vmem>>) semaphore(%arg10 : memref<!tpu.dma_semaphore, #tpu.memory_space<semaphore_mem>>)
    %add3A_394 = arith.constant 128 : i32
    %add3A_395 = arith.addi %mul3A_32, %add3A_394 : i32
    %dma_start3A_396 = arith.constant 0 : i32
    %dma_start3A_397 = arith.constant 0 : i32
    %dma_start3A_398 = tpu.memref_slice %arg6[%dma_start3A_396, %dma_start3A_397] : memref<128x768xf32, #tpu.memory_space<vmem>> -> memref<64x768xf32, #tpu.memory_space<vmem>>
    %dma_start3A_399 = arith.constant 0 : i32
    %dma_start3A_400 = tpu.memref_slice %arg4[%add3A_395, %dma_start3A_399] : memref<32768x768xf32, #tpu.memory_space<hbm>> -> memref<64x768xf32, #tpu.memory_space<hbm>>
    %dma_start3A_401 = arith.constant 0 : i32
    %dma_start3A_402 = tpu.memref_slice %arg4[%add3A_395, %dma_start3A_401] : memref<32768x768xf32, #tpu.memory_space<hbm>> -> memref<64x768xf32, #tpu.memory_space<hbm>>
    %dma_start3A_403 = arith.constant 0 : i32
    %dma_start3A_404 = arith.constant 0 : i32
    %dma_start3A_405 = tpu.memref_slice %arg6[%dma_start3A_403, %dma_start3A_404] : memref<128x768xf32, #tpu.memory_space<vmem>> -> memref<64x768xf32, #tpu.memory_space<vmem>>
    tpu.enqueue_dma source(%dma_start3A_405 : memref<64x768xf32, #tpu.memory_space<vmem>>) target(%dma_start3A_402 : memref<64x768xf32, #tpu.memory_space<hbm>>) target_semaphore(%arg11 : memref<!tpu.dma_semaphore, #tpu.memory_space<semaphore_mem>>)
    %dma_wait3A_406 = arith.constant 64 : i32
    %dma_wait3A_407 = arith.constant 0 : i32
    %dma_wait3A_408 = tpu.memref_slice %arg6[%dma_wait3A_406, %dma_wait3A_407] : memref<128x768xf32, #tpu.memory_space<vmem>> -> memref<32x768xf32, #tpu.memory_space<vmem>>
    %dma_wait3A_409 = arith.constant 0 : i32
    %dma_wait3A_410 = tpu.memref_slice %arg5[%dma_wait3A_409] : memref<1024xi32, #tpu.memory_space<vmem>> -> memref<32xi32, #tpu.memory_space<vmem>>
    %dma_wait3A_411 = arith.constant 0 : i32
    %dma_wait3A_412 = arith.constant 0 : i32
    %dma_wait3A_413 = tpu.memref_slice %arg3[%dma_wait3A_411, %dma_wait3A_412] : memref<100000x768xf32, #tpu.memory_space<hbm>> -> memref<100000x768xf32, #tpu.memory_space<hbm>>
    tpu.wait_indirect_dma semaphore(%arg9 : memref<!tpu.dma_semaphore, #tpu.memory_space<semaphore_mem>>) src(%dma_wait3A_413 : memref<100000x768xf32, #tpu.memory_space<hbm>>) dst(%dma_wait3A_408 : memref<32x768xf32, #tpu.memory_space<vmem>>)
    %dma_wait3A_414 = arith.constant 0 : i32
    %dma_wait3A_415 = arith.constant 0 : i32
    %dma_wait3A_416 = tpu.memref_slice %arg6[%dma_wait3A_414, %dma_wait3A_415] : memref<128x768xf32, #tpu.memory_space<vmem>> -> memref<64x768xf32, #tpu.memory_space<vmem>>
    %dma_wait3A_417 = arith.constant 0 : i32
    %dma_wait3A_418 = tpu.memref_slice %arg4[%mul3A_32, %dma_wait3A_417] : memref<32768x768xf32, #tpu.memory_space<hbm>> -> memref<64x768xf32, #tpu.memory_space<hbm>>
    %dma_wait3A_419 = arith.constant 0 : i32
    %dma_wait3A_420 = tpu.memref_slice %arg4[%mul3A_32, %dma_wait3A_419] : memref<32768x768xf32, #tpu.memory_space<hbm>> -> memref<64x768xf32, #tpu.memory_space<hbm>>
    %dma_wait3A_421 = arith.constant 0 : i32
    %dma_wait3A_422 = arith.constant 0 : i32
    %dma_wait3A_423 = tpu.memref_slice %arg6[%dma_wait3A_421, %dma_wait3A_422] : memref<128x768xf32, #tpu.memory_space<vmem>> -> memref<64x768xf32, #tpu.memory_space<vmem>>
    tpu.wait_dma2 semaphore(%arg11 : memref<!tpu.dma_semaphore, #tpu.memory_space<semaphore_mem>>) src(%dma_wait3A_423 : memref<64x768xf32, #tpu.memory_space<vmem>>) dst(%dma_wait3A_420 : memref<64x768xf32, #tpu.memory_space<hbm>>)
    %get3A_424 = arith.constant 256 : index
    %get3A_425 = tpu.vector_load %arg5[%get3A_424] {strides = array<i32>} : memref<1024xi32, #tpu.memory_space<vmem>>, vector<16xi32>,
    %get3A_426 = vector.shape_cast %get3A_425 : vector<16xi32> to vector<16xi32>
    %eq3A_427 = arith.constant 99999 : i32
    %eq3A_428 = vector.broadcast %eq3A_427 : i32 to vector<16xi32>
    %eq3A_429 = arith.cmpi eq, %get3A_426, %eq3A_428 : vector<16xi32>
    %jit3A_430 = arith.constant 1 : i32
    %broadcast_in_dim3A_431 = vector.broadcast %jit3A_430 : i32 to vector<16xi32>
    %select_n3A_432 = arith.select %eq3A_429, %broadcast_in_dim3A_431, %get3A_426 : vector<16xi1>, vector<16xi32>
    %swap3A_433 = arith.constant 256 : index
    %swap3A_434 = tpu.vector_load %arg5[%swap3A_433] {strides = array<i32>} : memref<1024xi32, #tpu.memory_space<vmem>>, vector<16xi32>,
    %swap3A_435 = vector.shape_cast %swap3A_434 : vector<16xi32> to vector<16xi32>
    %swap3A_436 = vector.shape_cast %select_n3A_432 : vector<16xi32> to vector<16xi32>
    tpu.vector_store %arg5[%swap3A_433], %swap3A_436 {strides = array<i32>} : memref<1024xi32, #tpu.memory_space<vmem>>, vector<16xi32>,
    %get3A_437 = arith.constant 272 : index
    %get3A_438 = tpu.vector_load %arg5[%get3A_437] {strides = array<i32>} : memref<1024xi32, #tpu.memory_space<vmem>>, vector<16xi32>,
    %get3A_439 = vector.shape_cast %get3A_438 : vector<16xi32> to vector<16xi32>
    %eq3A_440 = arith.constant 99999 : i32
    %eq3A_441 = vector.broadcast %eq3A_440 : i32 to vector<16xi32>
    %eq3A_442 = arith.cmpi eq, %get3A_439, %eq3A_441 : vector<16xi32>
    %jit3A_443 = arith.constant 1 : i32
    %broadcast_in_dim3A_444 = vector.broadcast %jit3A_443 : i32 to vector<16xi32>
    %select_n3A_445 = arith.select %eq3A_442, %broadcast_in_dim3A_444, %get3A_439 : vector<16xi1>, vector<16xi32>
    %swap3A_446 = arith.constant 272 : index
    %swap3A_447 = tpu.vector_load %arg5[%swap3A_446] {strides = array<i32>} : memref<1024xi32, #tpu.memory_space<vmem>>, vector<16xi32>,
    %swap3A_448 = vector.shape_cast %swap3A_447 : vector<16xi32> to vector<16xi32>
    %swap3A_449 = vector.shape_cast %select_n3A_445 : vector<16xi32> to vector<16xi32>
    tpu.vector_store %arg5[%swap3A_446], %swap3A_449 {strides = array<i32>} : memref<1024xi32, #tpu.memory_space<vmem>>, vector<16xi32>,
    %dma_start3A_450 = arith.constant 0 : i32
    %dma_start3A_451 = arith.constant 0 : i32
    %dma_start3A_452 = tpu.memref_slice %arg6[%dma_start3A_450, %dma_start3A_451] : memref<128x768xf32, #tpu.memory_space<vmem>> -> memref<32x768xf32, #tpu.memory_space<vmem>>
    %dma_start3A_453 = arith.constant 256 : i32
    %dma_start3A_454 = tpu.memref_slice %arg5[%dma_start3A_453] : memref<1024xi32, #tpu.memory_space<vmem>> -> memref<32xi32, #tpu.memory_space<vmem>>
    %dma_start3A_455 = arith.constant 0 : i32
    %dma_start3A_456 = arith.constant 0 : i32
    %dma_start3A_457 = tpu.memref_slice %arg3[%dma_start3A_455, %dma_start3A_456] : memref<100000x768xf32, #tpu.memory_space<hbm>> -> memref<100000x768xf32, #tpu.memory_space<hbm>>
    tpu.enqueue_indirect_dma source(%dma_start3A_457 : memref<100000x768xf32, #tpu.memory_space<hbm>>) target(%dma_start3A_452 : memref<32x768xf32, #tpu.memory_space<vmem>>) offsets(%dma_start3A_454 : memref<32xi32, #tpu.memory_space<vmem>>) semaphore(%arg7 : memref<!tpu.dma_semaphore, #tpu.memory_space<semaphore_mem>>)
    %dma_wait3A_458 = arith.constant 96 : i32
    %dma_wait3A_459 = arith.constant 0 : i32
    %dma_wait3A_460 = tpu.memref_slice %arg6[%dma_wait3A_458, %dma_wait3A_459] : memref<128x768xf32, #tpu.memory_space<vmem>> -> memref<32x768xf32, #tpu.memory_space<vmem>>
    %dma_wait3A_461 = arith.constant 0 : i32
    %dma_wait3A_462 = tpu.memref_slice %arg5[%dma_wait3A_461] : memref<1024xi32, #tpu.memory_space<vmem>> -> memref<32xi32, #tpu.memory_space<vmem>>
    %dma_wait3A_463 = arith.constant 0 : i32
    %dma_wait3A_464 = arith.constant 0 : i32
    %dma_wait3A_465 = tpu.memref_slice %arg3[%dma_wait3A_463, %dma_wait3A_464] : memref<100000x768xf32, #tpu.memory_space<hbm>> -> memref<100000x768xf32, #tpu.memory_space<hbm>>
    tpu.wait_indirect_dma semaphore(%arg10 : memref<!tpu.dma_semaphore, #tpu.memory_space<semaphore_mem>>) src(%dma_wait3A_465 : memref<100000x768xf32, #tpu.memory_space<hbm>>) dst(%dma_wait3A_460 : memref<32x768xf32, #tpu.memory_space<vmem>>)
    %get3A_466 = arith.constant 288 : index
    %get3A_467 = tpu.vector_load %arg5[%get3A_466] {strides = array<i32>} : memref<1024xi32, #tpu.memory_space<vmem>>, vector<16xi32>,
    %get3A_468 = vector.shape_cast %get3A_467 : vector<16xi32> to vector<16xi32>
    %eq3A_469 = arith.constant 99999 : i32
    %eq3A_470 = vector.broadcast %eq3A_469 : i32 to vector<16xi32>
    %eq3A_471 = arith.cmpi eq, %get3A_468, %eq3A_470 : vector<16xi32>
    %jit3A_472 = arith.constant 1 : i32
    %broadcast_in_dim3A_473 = vector.broadcast %jit3A_472 : i32 to vector<16xi32>
    %select_n3A_474 = arith.select %eq3A_471, %broadcast_in_dim3A_473, %get3A_468 : vector<16xi1>, vector<16xi32>
    %swap3A_475 = arith.constant 288 : index
    %swap3A_476 = tpu.vector_load %arg5[%swap3A_475] {strides = array<i32>} : memref<1024xi32, #tpu.memory_space<vmem>>, vector<16xi32>,
    %swap3A_477 = vector.shape_cast %swap3A_476 : vector<16xi32> to vector<16xi32>
    %swap3A_478 = vector.shape_cast %select_n3A_474 : vector<16xi32> to vector<16xi32>
    tpu.vector_store %arg5[%swap3A_475], %swap3A_478 {strides = array<i32>} : memref<1024xi32, #tpu.memory_space<vmem>>, vector<16xi32>,
    %get3A_479 = arith.constant 304 : index
    %get3A_480 = tpu.vector_load %arg5[%get3A_479] {strides = array<i32>} : memref<1024xi32, #tpu.memory_space<vmem>>, vector<16xi32>,
    %get3A_481 = vector.shape_cast %get3A_480 : vector<16xi32> to vector<16xi32>
    %eq3A_482 = arith.constant 99999 : i32
    %eq3A_483 = vector.broadcast %eq3A_482 : i32 to vector<16xi32>
    %eq3A_484 = arith.cmpi eq, %get3A_481, %eq3A_483 : vector<16xi32>
    %jit3A_485 = arith.constant 1 : i32
    %broadcast_in_dim3A_486 = vector.broadcast %jit3A_485 : i32 to vector<16xi32>
    %select_n3A_487 = arith.select %eq3A_484, %broadcast_in_dim3A_486, %get3A_481 : vector<16xi1>, vector<16xi32>
    %swap3A_488 = arith.constant 304 : index
    %swap3A_489 = tpu.vector_load %arg5[%swap3A_488] {strides = array<i32>} : memref<1024xi32, #tpu.memory_space<vmem>>, vector<16xi32>,
    %swap3A_490 = vector.shape_cast %swap3A_489 : vector<16xi32> to vector<16xi32>
    %swap3A_491 = vector.shape_cast %select_n3A_487 : vector<16xi32> to vector<16xi32>
    tpu.vector_store %arg5[%swap3A_488], %swap3A_491 {strides = array<i32>} : memref<1024xi32, #tpu.memory_space<vmem>>, vector<16xi32>,
    %dma_start3A_492 = arith.constant 32 : i32
    %dma_start3A_493 = arith.constant 0 : i32
    %dma_start3A_494 = tpu.memref_slice %arg6[%dma_start3A_492, %dma_start3A_493] : memref<128x768xf32, #tpu.memory_space<vmem>> -> memref<32x768xf32, #tpu.memory_space<vmem>>
    %dma_start3A_495 = arith.constant 288 : i32
    %dma_start3A_496 = tpu.memref_slice %arg5[%dma_start3A_495] : memref<1024xi32, #tpu.memory_space<vmem>> -> memref<32xi32, #tpu.memory_space<vmem>>
    %dma_start3A_497 = arith.constant 0 : i32
    %dma_start3A_498 = arith.constant 0 : i32
    %dma_start3A_499 = tpu.memref_slice %arg3[%dma_start3A_497, %dma_start3A_498] : memref<100000x768xf32, #tpu.memory_space<hbm>> -> memref<100000x768xf32, #tpu.memory_space<hbm>>
    tpu.enqueue_indirect_dma source(%dma_start3A_499 : memref<100000x768xf32, #tpu.memory_space<hbm>>) target(%dma_start3A_494 : memref<32x768xf32, #tpu.memory_space<vmem>>) offsets(%dma_start3A_496 : memref<32xi32, #tpu.memory_space<vmem>>) semaphore(%arg8 : memref<!tpu.dma_semaphore, #tpu.memory_space<semaphore_mem>>)
    %add3A_500 = arith.constant 192 : i32
    %add3A_501 = arith.addi %mul3A_32, %add3A_500 : i32
    %dma_start3A_502 = arith.constant 64 : i32
    %dma_start3A_503 = arith.constant 0 : i32
    %dma_start3A_504 = tpu.memref_slice %arg6[%dma_start3A_502, %dma_start3A_503] : memref<128x768xf32, #tpu.memory_space<vmem>> -> memref<64x768xf32, #tpu.memory_space<vmem>>
    %dma_start3A_505 = arith.constant 0 : i32
    %dma_start3A_506 = tpu.memref_slice %arg4[%add3A_501, %dma_start3A_505] : memref<32768x768xf32, #tpu.memory_space<hbm>> -> memref<64x768xf32, #tpu.memory_space<hbm>>
    %dma_start3A_507 = arith.constant 0 : i32
    %dma_start3A_508 = tpu.memref_slice %arg4[%add3A_501, %dma_start3A_507] : memref<32768x768xf32, #tpu.memory_space<hbm>> -> memref<64x768xf32, #tpu.memory_space<hbm>>
    %dma_start3A_509 = arith.constant 64 : i32
    %dma_start3A_510 = arith.constant 0 : i32
    %dma_start3A_511 = tpu.memref_slice %arg6[%dma_start3A_509, %dma_start3A_510] : memref<128x768xf32, #tpu.memory_space<vmem>> -> memref<64x768xf32, #tpu.memory_space<vmem>>
    tpu.enqueue_dma source(%dma_start3A_511 : memref<64x768xf32, #tpu.memory_space<vmem>>) target(%dma_start3A_508 : memref<64x768xf32, #tpu.memory_space<hbm>>) target_semaphore(%arg12 : memref<!tpu.dma_semaphore, #tpu.memory_space<semaphore_mem>>)
    %dma_wait3A_512 = arith.constant 0 : i32
    %dma_wait3A_513 = arith.constant 0 : i32
    %dma_wait3A_514 = tpu.memref_slice %arg6[%dma_wait3A_512, %dma_wait3A_513] : memref<128x768xf32, #tpu.memory_space<vmem>> -> memref<32x768xf32, #tpu.memory_space<vmem>>
    %dma_wait3A_515 = arith.constant 0 : i32
    %dma_wait3A_516 = tpu.memref_slice %arg5[%dma_wait3A_515] : memref<1024xi32, #tpu.memory_space<vmem>> -> memref<32xi32, #tpu.memory_space<vmem>>
    %dma_wait3A_517 = arith.constant 0 : i32
    %dma_wait3A_518 = arith.constant 0 : i32
    %dma_wait3A_519 = tpu.memref_slice %arg3[%dma_wait3A_517, %dma_wait3A_518] : memref<100000x768xf32, #tpu.memory_space<hbm>> -> memref<100000x768xf32, #tpu.memory_space<hbm>>
    tpu.wait_indirect_dma semaphore(%arg7 : memref<!tpu.dma_semaphore, #tpu.memory_space<semaphore_mem>>) src(%dma_wait3A_519 : memref<100000x768xf32, #tpu.memory_space<hbm>>) dst(%dma_wait3A_514 : memref<32x768xf32, #tpu.memory_space<vmem>>)
    %dma_wait3A_520 = arith.constant 64 : i32
    %dma_wait3A_521 = arith.constant 0 : i32
    %dma_wait3A_522 = tpu.memref_slice %arg6[%dma_wait3A_520, %dma_wait3A_521] : memref<128x768xf32, #tpu.memory_space<vmem>> -> memref<64x768xf32, #tpu.memory_space<vmem>>
    %dma_wait3A_523 = arith.constant 0 : i32
    %dma_wait3A_524 = tpu.memref_slice %arg4[%mul3A_32, %dma_wait3A_523] : memref<32768x768xf32, #tpu.memory_space<hbm>> -> memref<64x768xf32, #tpu.memory_space<hbm>>
    %dma_wait3A_525 = arith.constant 0 : i32
    %dma_wait3A_526 = tpu.memref_slice %arg4[%mul3A_32, %dma_wait3A_525] : memref<32768x768xf32, #tpu.memory_space<hbm>> -> memref<64x768xf32, #tpu.memory_space<hbm>>
    %dma_wait3A_527 = arith.constant 64 : i32
    %dma_wait3A_528 = arith.constant 0 : i32
    %dma_wait3A_529 = tpu.memref_slice %arg6[%dma_wait3A_527, %dma_wait3A_528] : memref<128x768xf32, #tpu.memory_space<vmem>> -> memref<64x768xf32, #tpu.memory_space<vmem>>
    tpu.wait_dma2 semaphore(%arg12 : memref<!tpu.dma_semaphore, #tpu.memory_space<semaphore_mem>>) src(%dma_wait3A_529 : memref<64x768xf32, #tpu.memory_space<vmem>>) dst(%dma_wait3A_526 : memref<64x768xf32, #tpu.memory_space<hbm>>)
    %get3A_530 = arith.constant 320 : index
    %get3A_531 = tpu.vector_load %arg5[%get3A_530] {strides = array<i32>} : memref<1024xi32, #tpu.memory_space<vmem>>, vector<16xi32>,
    %get3A_532 = vector.shape_cast %get3A_531 : vector<16xi32> to vector<16xi32>
    %eq3A_533 = arith.constant 99999 : i32
    %eq3A_534 = vector.broadcast %eq3A_533 : i32 to vector<16xi32>
    %eq3A_535 = arith.cmpi eq, %get3A_532, %eq3A_534 : vector<16xi32>
    %jit3A_536 = arith.constant 1 : i32
    %broadcast_in_dim3A_537 = vector.broadcast %jit3A_536 : i32 to vector<16xi32>
    %select_n3A_538 = arith.select %eq3A_535, %broadcast_in_dim3A_537, %get3A_532 : vector<16xi1>, vector<16xi32>
    %swap3A_539 = arith.constant 320 : index
    %swap3A_540 = tpu.vector_load %arg5[%swap3A_539] {strides = array<i32>} : memref<1024xi32, #tpu.memory_space<vmem>>, vector<16xi32>,
    %swap3A_541 = vector.shape_cast %swap3A_540 : vector<16xi32> to vector<16xi32>
    %swap3A_542 = vector.shape_cast %select_n3A_538 : vector<16xi32> to vector<16xi32>
    tpu.vector_store %arg5[%swap3A_539], %swap3A_542 {strides = array<i32>} : memref<1024xi32, #tpu.memory_space<vmem>>, vector<16xi32>,
    %get3A_543 = arith.constant 336 : index
    %get3A_544 = tpu.vector_load %arg5[%get3A_543] {strides = array<i32>} : memref<1024xi32, #tpu.memory_space<vmem>>, vector<16xi32>,
    %get3A_545 = vector.shape_cast %get3A_544 : vector<16xi32> to vector<16xi32>
    %eq3A_546 = arith.constant 99999 : i32
    %eq3A_547 = vector.broadcast %eq3A_546 : i32 to vector<16xi32>
    %eq3A_548 = arith.cmpi eq, %get3A_545, %eq3A_547 : vector<16xi32>
    %jit3A_549 = arith.constant 1 : i32
    %broadcast_in_dim3A_550 = vector.broadcast %jit3A_549 : i32 to vector<16xi32>
    %select_n3A_551 = arith.select %eq3A_548, %broadcast_in_dim3A_550, %get3A_545 : vector<16xi1>, vector<16xi32>
    %swap3A_552 = arith.constant 336 : index
    %swap3A_553 = tpu.vector_load %arg5[%swap3A_552] {strides = array<i32>} : memref<1024xi32, #tpu.memory_space<vmem>>, vector<16xi32>,
    %swap3A_554 = vector.shape_cast %swap3A_553 : vector<16xi32> to vector<16xi32>
    %swap3A_555 = vector.shape_cast %select_n3A_551 : vector<16xi32> to vector<16xi32>
    tpu.vector_store %arg5[%swap3A_552], %swap3A_555 {strides = array<i32>} : memref<1024xi32, #tpu.memory_space<vmem>>, vector<16xi32>,
    %dma_start3A_556 = arith.constant 64 : i32
    %dma_start3A_557 = arith.constant 0 : i32
    %dma_start3A_558 = tpu.memref_slice %arg6[%dma_start3A_556, %dma_start3A_557] : memref<128x768xf32, #tpu.memory_space<vmem>> -> memref<32x768xf32, #tpu.memory_space<vmem>>
    %dma_start3A_559 = arith.constant 320 : i32
    %dma_start3A_560 = tpu.memref_slice %arg5[%dma_start3A_559] : memref<1024xi32, #tpu.memory_space<vmem>> -> memref<32xi32, #tpu.memory_space<vmem>>
    %dma_start3A_561 = arith.constant 0 : i32
    %dma_start3A_562 = arith.constant 0 : i32
    %dma_start3A_563 = tpu.memref_slice %arg3[%dma_start3A_561, %dma_start3A_562] : memref<100000x768xf32, #tpu.memory_space<hbm>> -> memref<100000x768xf32, #tpu.memory_space<hbm>>
    tpu.enqueue_indirect_dma source(%dma_start3A_563 : memref<100000x768xf32, #tpu.memory_space<hbm>>) target(%dma_start3A_558 : memref<32x768xf32, #tpu.memory_space<vmem>>) offsets(%dma_start3A_560 : memref<32xi32, #tpu.memory_space<vmem>>) semaphore(%arg9 : memref<!tpu.dma_semaphore, #tpu.memory_space<semaphore_mem>>)
    %dma_wait3A_564 = arith.constant 32 : i32
    %dma_wait3A_565 = arith.constant 0 : i32
    %dma_wait3A_566 = tpu.memref_slice %arg6[%dma_wait3A_564, %dma_wait3A_565] : memref<128x768xf32, #tpu.memory_space<vmem>> -> memref<32x768xf32, #tpu.memory_space<vmem>>
    %dma_wait3A_567 = arith.constant 0 : i32
    %dma_wait3A_568 = tpu.memref_slice %arg5[%dma_wait3A_567] : memref<1024xi32, #tpu.memory_space<vmem>> -> memref<32xi32, #tpu.memory_space<vmem>>
    %dma_wait3A_569 = arith.constant 0 : i32
    %dma_wait3A_570 = arith.constant 0 : i32
    %dma_wait3A_571 = tpu.memref_slice %arg3[%dma_wait3A_569, %dma_wait3A_570] : memref<100000x768xf32, #tpu.memory_space<hbm>> -> memref<100000x768xf32, #tpu.memory_space<hbm>>
    tpu.wait_indirect_dma semaphore(%arg8 : memref<!tpu.dma_semaphore, #tpu.memory_space<semaphore_mem>>) src(%dma_wait3A_571 : memref<100000x768xf32, #tpu.memory_space<hbm>>) dst(%dma_wait3A_566 : memref<32x768xf32, #tpu.memory_space<vmem>>)
    %get3A_572 = arith.constant 352 : index
    %get3A_573 = tpu.vector_load %arg5[%get3A_572] {strides = array<i32>} : memref<1024xi32, #tpu.memory_space<vmem>>, vector<16xi32>,
    %get3A_574 = vector.shape_cast %get3A_573 : vector<16xi32> to vector<16xi32>
    %eq3A_575 = arith.constant 99999 : i32
    %eq3A_576 = vector.broadcast %eq3A_575 : i32 to vector<16xi32>
    %eq3A_577 = arith.cmpi eq, %get3A_574, %eq3A_576 : vector<16xi32>
    %jit3A_578 = arith.constant 1 : i32
    %broadcast_in_dim3A_579 = vector.broadcast %jit3A_578 : i32 to vector<16xi32>
    %select_n3A_580 = arith.select %eq3A_577, %broadcast_in_dim3A_579, %get3A_574 : vector<16xi1>, vector<16xi32>
    %swap3A_581 = arith.constant 352 : index
    %swap3A_582 = tpu.vector_load %arg5[%swap3A_581] {strides = array<i32>} : memref<1024xi32, #tpu.memory_space<vmem>>, vector<16xi32>,
    %swap3A_583 = vector.shape_cast %swap3A_582 : vector<16xi32> to vector<16xi32>
    %swap3A_584 = vector.shape_cast %select_n3A_580 : vector<16xi32> to vector<16xi32>
    tpu.vector_store %arg5[%swap3A_581], %swap3A_584 {strides = array<i32>} : memref<1024xi32, #tpu.memory_space<vmem>>, vector<16xi32>,
    %get3A_585 = arith.constant 368 : index
    %get3A_586 = tpu.vector_load %arg5[%get3A_585] {strides = array<i32>} : memref<1024xi32, #tpu.memory_space<vmem>>, vector<16xi32>,
    %get3A_587 = vector.shape_cast %get3A_586 : vector<16xi32> to vector<16xi32>
    %eq3A_588 = arith.constant 99999 : i32
    %eq3A_589 = vector.broadcast %eq3A_588 : i32 to vector<16xi32>
    %eq3A_590 = arith.cmpi eq, %get3A_587, %eq3A_589 : vector<16xi32>
    %jit3A_591 = arith.constant 1 : i32
    %broadcast_in_dim3A_592 = vector.broadcast %jit3A_591 : i32 to vector<16xi32>
    %select_n3A_593 = arith.select %eq3A_590, %broadcast_in_dim3A_592, %get3A_587 : vector<16xi1>, vector<16xi32>
    %swap3A_594 = arith.constant 368 : index
    %swap3A_595 = tpu.vector_load %arg5[%swap3A_594] {strides = array<i32>} : memref<1024xi32, #tpu.memory_space<vmem>>, vector<16xi32>,
    %swap3A_596 = vector.shape_cast %swap3A_595 : vector<16xi32> to vector<16xi32>
    %swap3A_597 = vector.shape_cast %select_n3A_593 : vector<16xi32> to vector<16xi32>
    tpu.vector_store %arg5[%swap3A_594], %swap3A_597 {strides = array<i32>} : memref<1024xi32, #tpu.memory_space<vmem>>, vector<16xi32>,
    %dma_start3A_598 = arith.constant 96 : i32
    %dma_start3A_599 = arith.constant 0 : i32
    %dma_start3A_600 = tpu.memref_slice %arg6[%dma_start3A_598, %dma_start3A_599] : memref<128x768xf32, #tpu.memory_space<vmem>> -> memref<32x768xf32, #tpu.memory_space<vmem>>
    %dma_start3A_601 = arith.constant 352 : i32
    %dma_start3A_602 = tpu.memref_slice %arg5[%dma_start3A_601] : memref<1024xi32, #tpu.memory_space<vmem>> -> memref<32xi32, #tpu.memory_space<vmem>>
    %dma_start3A_603 = arith.constant 0 : i32
    %dma_start3A_604 = arith.constant 0 : i32
    %dma_start3A_605 = tpu.memref_slice %arg3[%dma_start3A_603, %dma_start3A_604] : memref<100000x768xf32, #tpu.memory_space<hbm>> -> memref<100000x768xf32, #tpu.memory_space<hbm>>
    tpu.enqueue_indirect_dma source(%dma_start3A_605 : memref<100000x768xf32, #tpu.memory_space<hbm>>) target(%dma_start3A_600 : memref<32x768xf32, #tpu.memory_space<vmem>>) offsets(%dma_start3A_602 : memref<32xi32, #tpu.memory_space<vmem>>) semaphore(%arg10 : memref<!tpu.dma_semaphore, #tpu.memory_space<semaphore_mem>>)
    %add3A_606 = arith.constant 256 : i32
    %add3A_607 = arith.addi %mul3A_32, %add3A_606 : i32
    %dma_start3A_608 = arith.constant 0 : i32
    %dma_start3A_609 = arith.constant 0 : i32
    %dma_start3A_610 = tpu.memref_slice %arg6[%dma_start3A_608, %dma_start3A_609] : memref<128x768xf32, #tpu.memory_space<vmem>> -> memref<64x768xf32, #tpu.memory_space<vmem>>
    %dma_start3A_611 = arith.constant 0 : i32
    %dma_start3A_612 = tpu.memref_slice %arg4[%add3A_607, %dma_start3A_611] : memref<32768x768xf32, #tpu.memory_space<hbm>> -> memref<64x768xf32, #tpu.memory_space<hbm>>
    %dma_start3A_613 = arith.constant 0 : i32
    %dma_start3A_614 = tpu.memref_slice %arg4[%add3A_607, %dma_start3A_613] : memref<32768x768xf32, #tpu.memory_space<hbm>> -> memref<64x768xf32, #tpu.memory_space<hbm>>
    %dma_start3A_615 = arith.constant 0 : i32
    %dma_start3A_616 = arith.constant 0 : i32
    %dma_start3A_617 = tpu.memref_slice %arg6[%dma_start3A_615, %dma_start3A_616] : memref<128x768xf32, #tpu.memory_space<vmem>> -> memref<64x768xf32, #tpu.memory_space<vmem>>
    tpu.enqueue_dma source(%dma_start3A_617 : memref<64x768xf32, #tpu.memory_space<vmem>>) target(%dma_start3A_614 : memref<64x768xf32, #tpu.memory_space<hbm>>) target_semaphore(%arg11 : memref<!tpu.dma_semaphore, #tpu.memory_space<semaphore_mem>>)
    %dma_wait3A_618 = arith.constant 64 : i32
    %dma_wait3A_619 = arith.constant 0 : i32
    %dma_wait3A_620 = tpu.memref_slice %arg6[%dma_wait3A_618, %dma_wait3A_619] : memref<128x768xf32, #tpu.memory_space<vmem>> -> memref<32x768xf32, #tpu.memory_space<vmem>>
    %dma_wait3A_621 = arith.constant 0 : i32
    %dma_wait3A_622 = tpu.memref_slice %arg5[%dma_wait3A_621] : memref<1024xi32, #tpu.memory_space<vmem>> -> memref<32xi32, #tpu.memory_space<vmem>>
    %dma_wait3A_623 = arith.constant 0 : i32
    %dma_wait3A_624 = arith.constant 0 : i32
    %dma_wait3A_625 = tpu.memref_slice %arg3[%dma_wait3A_623, %dma_wait3A_624] : memref<100000x768xf32, #tpu.memory_space<hbm>> -> memref<100000x768xf32, #tpu.memory_space<hbm>>
    tpu.wait_indirect_dma semaphore(%arg9 : memref<!tpu.dma_semaphore, #tpu.memory_space<semaphore_mem>>) src(%dma_wait3A_625 : memref<100000x768xf32, #tpu.memory_space<hbm>>) dst(%dma_wait3A_620 : memref<32x768xf32, #tpu.memory_space<vmem>>)
    %dma_wait3A_626 = arith.constant 0 : i32
    %dma_wait3A_627 = arith.constant 0 : i32
    %dma_wait3A_628 = tpu.memref_slice %arg6[%dma_wait3A_626, %dma_wait3A_627] : memref<128x768xf32, #tpu.memory_space<vmem>> -> memref<64x768xf32, #tpu.memory_space<vmem>>
    %dma_wait3A_629 = arith.constant 0 : i32
    %dma_wait3A_630 = tpu.memref_slice %arg4[%mul3A_32, %dma_wait3A_629] : memref<32768x768xf32, #tpu.memory_space<hbm>> -> memref<64x768xf32, #tpu.memory_space<hbm>>
    %dma_wait3A_631 = arith.constant 0 : i32
    %dma_wait3A_632 = tpu.memref_slice %arg4[%mul3A_32, %dma_wait3A_631] : memref<32768x768xf32, #tpu.memory_space<hbm>> -> memref<64x768xf32, #tpu.memory_space<hbm>>
    %dma_wait3A_633 = arith.constant 0 : i32
    %dma_wait3A_634 = arith.constant 0 : i32
    %dma_wait3A_635 = tpu.memref_slice %arg6[%dma_wait3A_633, %dma_wait3A_634] : memref<128x768xf32, #tpu.memory_space<vmem>> -> memref<64x768xf32, #tpu.memory_space<vmem>>
    tpu.wait_dma2 semaphore(%arg11 : memref<!tpu.dma_semaphore, #tpu.memory_space<semaphore_mem>>) src(%dma_wait3A_635 : memref<64x768xf32, #tpu.memory_space<vmem>>) dst(%dma_wait3A_632 : memref<64x768xf32, #tpu.memory_space<hbm>>)
    %get3A_636 = arith.constant 384 : index
    %get3A_637 = tpu.vector_load %arg5[%get3A_636] {strides = array<i32>} : memref<1024xi32, #tpu.memory_space<vmem>>, vector<16xi32>,
    %get3A_638 = vector.shape_cast %get3A_637 : vector<16xi32> to vector<16xi32>
    %eq3A_639 = arith.constant 99999 : i32
    %eq3A_640 = vector.broadcast %eq3A_639 : i32 to vector<16xi32>
    %eq3A_641 = arith.cmpi eq, %get3A_638, %eq3A_640 : vector<16xi32>
    %jit3A_642 = arith.constant 1 : i32
    %broadcast_in_dim3A_643 = vector.broadcast %jit3A_642 : i32 to vector<16xi32>
    %select_n3A_644 = arith.select %eq3A_641, %broadcast_in_dim3A_643, %get3A_638 : vector<16xi1>, vector<16xi32>
    %swap3A_645 = arith.constant 384 : index
    %swap3A_646 = tpu.vector_load %arg5[%swap3A_645] {strides = array<i32>} : memref<1024xi32, #tpu.memory_space<vmem>>, vector<16xi32>,
    %swap3A_647 = vector.shape_cast %swap3A_646 : vector<16xi32> to vector<16xi32>
    %swap3A_648 = vector.shape_cast %select_n3A_644 : vector<16xi32> to vector<16xi32>
    tpu.vector_store %arg5[%swap3A_645], %swap3A_648 {strides = array<i32>} : memref<1024xi32, #tpu.memory_space<vmem>>, vector<16xi32>,
    %get3A_649 = arith.constant 400 : index
    %get3A_650 = tpu.vector_load %arg5[%get3A_649] {strides = array<i32>} : memref<1024xi32, #tpu.memory_space<vmem>>, vector<16xi32>,
    %get3A_651 = vector.shape_cast %get3A_650 : vector<16xi32> to vector<16xi32>
    %eq3A_652 = arith.constant 99999 : i32
    %eq3A_653 = vector.broadcast %eq3A_652 : i32 to vector<16xi32>
    %eq3A_654 = arith.cmpi eq, %get3A_651, %eq3A_653 : vector<16xi32>
    %jit3A_655 = arith.constant 1 : i32
    %broadcast_in_dim3A_656 = vector.broadcast %jit3A_655 : i32 to vector<16xi32>
    %select_n3A_657 = arith.select %eq3A_654, %broadcast_in_dim3A_656, %get3A_651 : vector<16xi1>, vector<16xi32>
    %swap3A_658 = arith.constant 400 : index
    %swap3A_659 = tpu.vector_load %arg5[%swap3A_658] {strides = array<i32>} : memref<1024xi32, #tpu.memory_space<vmem>>, vector<16xi32>,
    %swap3A_660 = vector.shape_cast %swap3A_659 : vector<16xi32> to vector<16xi32>
    %swap3A_661 = vector.shape_cast %select_n3A_657 : vector<16xi32> to vector<16xi32>
    tpu.vector_store %arg5[%swap3A_658], %swap3A_661 {strides = array<i32>} : memref<1024xi32, #tpu.memory_space<vmem>>, vector<16xi32>,
    %dma_start3A_662 = arith.constant 0 : i32
    %dma_start3A_663 = arith.constant 0 : i32
    %dma_start3A_664 = tpu.memref_slice %arg6[%dma_start3A_662, %dma_start3A_663] : memref<128x768xf32, #tpu.memory_space<vmem>> -> memref<32x768xf32, #tpu.memory_space<vmem>>
    %dma_start3A_665 = arith.constant 384 : i32
    %dma_start3A_666 = tpu.memref_slice %arg5[%dma_start3A_665] : memref<1024xi32, #tpu.memory_space<vmem>> -> memref<32xi32, #tpu.memory_space<vmem>>
    %dma_start3A_667 = arith.constant 0 : i32
    %dma_start3A_668 = arith.constant 0 : i32
    %dma_start3A_669 = tpu.memref_slice %arg3[%dma_start3A_667, %dma_start3A_668] : memref<100000x768xf32, #tpu.memory_space<hbm>> -> memref<100000x768xf32, #tpu.memory_space<hbm>>
    tpu.enqueue_indirect_dma source(%dma_start3A_669 : memref<100000x768xf32, #tpu.memory_space<hbm>>) target(%dma_start3A_664 : memref<32x768xf32, #tpu.memory_space<vmem>>) offsets(%dma_start3A_666 : memref<32xi32, #tpu.memory_space<vmem>>) semaphore(%arg7 : memref<!tpu.dma_semaphore, #tpu.memory_space<semaphore_mem>>)
    %dma_wait3A_670 = arith.constant 96 : i32
    %dma_wait3A_671 = arith.constant 0 : i32
    %dma_wait3A_672 = tpu.memref_slice %arg6[%dma_wait3A_670, %dma_wait3A_671] : memref<128x768xf32, #tpu.memory_space<vmem>> -> memref<32x768xf32, #tpu.memory_space<vmem>>
    %dma_wait3A_673 = arith.constant 0 : i32
    %dma_wait3A_674 = tpu.memref_slice %arg5[%dma_wait3A_673] : memref<1024xi32, #tpu.memory_space<vmem>> -> memref<32xi32, #tpu.memory_space<vmem>>
    %dma_wait3A_675 = arith.constant 0 : i32
    %dma_wait3A_676 = arith.constant 0 : i32
    %dma_wait3A_677 = tpu.memref_slice %arg3[%dma_wait3A_675, %dma_wait3A_676] : memref<100000x768xf32, #tpu.memory_space<hbm>> -> memref<100000x768xf32, #tpu.memory_space<hbm>>
    tpu.wait_indirect_dma semaphore(%arg10 : memref<!tpu.dma_semaphore, #tpu.memory_space<semaphore_mem>>) src(%dma_wait3A_677 : memref<100000x768xf32, #tpu.memory_space<hbm>>) dst(%dma_wait3A_672 : memref<32x768xf32, #tpu.memory_space<vmem>>)
    %get3A_678 = arith.constant 416 : index
    %get3A_679 = tpu.vector_load %arg5[%get3A_678] {strides = array<i32>} : memref<1024xi32, #tpu.memory_space<vmem>>, vector<16xi32>,
    %get3A_680 = vector.shape_cast %get3A_679 : vector<16xi32> to vector<16xi32>
    %eq3A_681 = arith.constant 99999 : i32
    %eq3A_682 = vector.broadcast %eq3A_681 : i32 to vector<16xi32>
    %eq3A_683 = arith.cmpi eq, %get3A_680, %eq3A_682 : vector<16xi32>
    %jit3A_684 = arith.constant 1 : i32
    %broadcast_in_dim3A_685 = vector.broadcast %jit3A_684 : i32 to vector<16xi32>
    %select_n3A_686 = arith.select %eq3A_683, %broadcast_in_dim3A_685, %get3A_680 : vector<16xi1>, vector<16xi32>
    %swap3A_687 = arith.constant 416 : index
    %swap3A_688 = tpu.vector_load %arg5[%swap3A_687] {strides = array<i32>} : memref<1024xi32, #tpu.memory_space<vmem>>, vector<16xi32>,
    %swap3A_689 = vector.shape_cast %swap3A_688 : vector<16xi32> to vector<16xi32>
    %swap3A_690 = vector.shape_cast %select_n3A_686 : vector<16xi32> to vector<16xi32>
    tpu.vector_store %arg5[%swap3A_687], %swap3A_690 {strides = array<i32>} : memref<1024xi32, #tpu.memory_space<vmem>>, vector<16xi32>,
    %get3A_691 = arith.constant 432 : index
    %get3A_692 = tpu.vector_load %arg5[%get3A_691] {strides = array<i32>} : memref<1024xi32, #tpu.memory_space<vmem>>, vector<16xi32>,
    %get3A_693 = vector.shape_cast %get3A_692 : vector<16xi32> to vector<16xi32>
    %eq3A_694 = arith.constant 99999 : i32
    %eq3A_695 = vector.broadcast %eq3A_694 : i32 to vector<16xi32>
    %eq3A_696 = arith.cmpi eq, %get3A_693, %eq3A_695 : vector<16xi32>
    %jit3A_697 = arith.constant 1 : i32
    %broadcast_in_dim3A_698 = vector.broadcast %jit3A_697 : i32 to vector<16xi32>
    %select_n3A_699 = arith.select %eq3A_696, %broadcast_in_dim3A_698, %get3A_693 : vector<16xi1>, vector<16xi32>
    %swap3A_700 = arith.constant 432 : index
    %swap3A_701 = tpu.vector_load %arg5[%swap3A_700] {strides = array<i32>} : memref<1024xi32, #tpu.memory_space<vmem>>, vector<16xi32>,
    %swap3A_702 = vector.shape_cast %swap3A_701 : vector<16xi32> to vector<16xi32>
    %swap3A_703 = vector.shape_cast %select_n3A_699 : vector<16xi32> to vector<16xi32>
    tpu.vector_store %arg5[%swap3A_700], %swap3A_703 {strides = array<i32>} : memref<1024xi32, #tpu.memory_space<vmem>>, vector<16xi32>,
    %dma_start3A_704 = arith.constant 32 : i32
    %dma_start3A_705 = arith.constant 0 : i32
    %dma_start3A_706 = tpu.memref_slice %arg6[%dma_start3A_704, %dma_start3A_705] : memref<128x768xf32, #tpu.memory_space<vmem>> -> memref<32x768xf32, #tpu.memory_space<vmem>>
    %dma_start3A_707 = arith.constant 416 : i32
    %dma_start3A_708 = tpu.memref_slice %arg5[%dma_start3A_707] : memref<1024xi32, #tpu.memory_space<vmem>> -> memref<32xi32, #tpu.memory_space<vmem>>
    %dma_start3A_709 = arith.constant 0 : i32
    %dma_start3A_710 = arith.constant 0 : i32
    %dma_start3A_711 = tpu.memref_slice %arg3[%dma_start3A_709, %dma_start3A_710] : memref<100000x768xf32, #tpu.memory_space<hbm>> -> memref<100000x768xf32, #tpu.memory_space<hbm>>
    tpu.enqueue_indirect_dma source(%dma_start3A_711 : memref<100000x768xf32, #tpu.memory_space<hbm>>) target(%dma_start3A_706 : memref<32x768xf32, #tpu.memory_space<vmem>>) offsets(%dma_start3A_708 : memref<32xi32, #tpu.memory_space<vmem>>) semaphore(%arg8 : memref<!tpu.dma_semaphore, #tpu.memory_space<semaphore_mem>>)
    %add3A_712 = arith.constant 320 : i32
    %add3A_713 = arith.addi %mul3A_32, %add3A_712 : i32
    %dma_start3A_714 = arith.constant 64 : i32
    %dma_start3A_715 = arith.constant 0 : i32
    %dma_start3A_716 = tpu.memref_slice %arg6[%dma_start3A_714, %dma_start3A_715] : memref<128x768xf32, #tpu.memory_space<vmem>> -> memref<64x768xf32, #tpu.memory_space<vmem>>
    %dma_start3A_717 = arith.constant 0 : i32
    %dma_start3A_718 = tpu.memref_slice %arg4[%add3A_713, %dma_start3A_717] : memref<32768x768xf32, #tpu.memory_space<hbm>> -> memref<64x768xf32, #tpu.memory_space<hbm>>
    %dma_start3A_719 = arith.constant 0 : i32
    %dma_start3A_720 = tpu.memref_slice %arg4[%add3A_713, %dma_start3A_719] : memref<32768x768xf32, #tpu.memory_space<hbm>> -> memref<64x768xf32, #tpu.memory_space<hbm>>
    %dma_start3A_721 = arith.constant 64 : i32
    %dma_start3A_722 = arith.constant 0 : i32
    %dma_start3A_723 = tpu.memref_slice %arg6[%dma_start3A_721, %dma_start3A_722] : memref<128x768xf32, #tpu.memory_space<vmem>> -> memref<64x768xf32, #tpu.memory_space<vmem>>
    tpu.enqueue_dma source(%dma_start3A_723 : memref<64x768xf32, #tpu.memory_space<vmem>>) target(%dma_start3A_720 : memref<64x768xf32, #tpu.memory_space<hbm>>) target_semaphore(%arg12 : memref<!tpu.dma_semaphore, #tpu.memory_space<semaphore_mem>>)
    %dma_wait3A_724 = arith.constant 0 : i32
    %dma_wait3A_725 = arith.constant 0 : i32
    %dma_wait3A_726 = tpu.memref_slice %arg6[%dma_wait3A_724, %dma_wait3A_725] : memref<128x768xf32, #tpu.memory_space<vmem>> -> memref<32x768xf32, #tpu.memory_space<vmem>>
    %dma_wait3A_727 = arith.constant 0 : i32
    %dma_wait3A_728 = tpu.memref_slice %arg5[%dma_wait3A_727] : memref<1024xi32, #tpu.memory_space<vmem>> -> memref<32xi32, #tpu.memory_space<vmem>>
    %dma_wait3A_729 = arith.constant 0 : i32
    %dma_wait3A_730 = arith.constant 0 : i32
    %dma_wait3A_731 = tpu.memref_slice %arg3[%dma_wait3A_729, %dma_wait3A_730] : memref<100000x768xf32, #tpu.memory_space<hbm>> -> memref<100000x768xf32, #tpu.memory_space<hbm>>
    tpu.wait_indirect_dma semaphore(%arg7 : memref<!tpu.dma_semaphore, #tpu.memory_space<semaphore_mem>>) src(%dma_wait3A_731 : memref<100000x768xf32, #tpu.memory_space<hbm>>) dst(%dma_wait3A_726 : memref<32x768xf32, #tpu.memory_space<vmem>>)
    %dma_wait3A_732 = arith.constant 64 : i32
    %dma_wait3A_733 = arith.constant 0 : i32
    %dma_wait3A_734 = tpu.memref_slice %arg6[%dma_wait3A_732, %dma_wait3A_733] : memref<128x768xf32, #tpu.memory_space<vmem>> -> memref<64x768xf32, #tpu.memory_space<vmem>>
    %dma_wait3A_735 = arith.constant 0 : i32
    %dma_wait3A_736 = tpu.memref_slice %arg4[%mul3A_32, %dma_wait3A_735] : memref<32768x768xf32, #tpu.memory_space<hbm>> -> memref<64x768xf32, #tpu.memory_space<hbm>>
    %dma_wait3A_737 = arith.constant 0 : i32
    %dma_wait3A_738 = tpu.memref_slice %arg4[%mul3A_32, %dma_wait3A_737] : memref<32768x768xf32, #tpu.memory_space<hbm>> -> memref<64x768xf32, #tpu.memory_space<hbm>>
    %dma_wait3A_739 = arith.constant 64 : i32
    %dma_wait3A_740 = arith.constant 0 : i32
    %dma_wait3A_741 = tpu.memref_slice %arg6[%dma_wait3A_739, %dma_wait3A_740] : memref<128x768xf32, #tpu.memory_space<vmem>> -> memref<64x768xf32, #tpu.memory_space<vmem>>
    tpu.wait_dma2 semaphore(%arg12 : memref<!tpu.dma_semaphore, #tpu.memory_space<semaphore_mem>>) src(%dma_wait3A_741 : memref<64x768xf32, #tpu.memory_space<vmem>>) dst(%dma_wait3A_738 : memref<64x768xf32, #tpu.memory_space<hbm>>)
    %get3A_742 = arith.constant 448 : index
    %get3A_743 = tpu.vector_load %arg5[%get3A_742] {strides = array<i32>} : memref<1024xi32, #tpu.memory_space<vmem>>, vector<16xi32>,
    %get3A_744 = vector.shape_cast %get3A_743 : vector<16xi32> to vector<16xi32>
    %eq3A_745 = arith.constant 99999 : i32
    %eq3A_746 = vector.broadcast %eq3A_745 : i32 to vector<16xi32>
    %eq3A_747 = arith.cmpi eq, %get3A_744, %eq3A_746 : vector<16xi32>
    %jit3A_748 = arith.constant 1 : i32
    %broadcast_in_dim3A_749 = vector.broadcast %jit3A_748 : i32 to vector<16xi32>
    %select_n3A_750 = arith.select %eq3A_747, %broadcast_in_dim3A_749, %get3A_744 : vector<16xi1>, vector<16xi32>
    %swap3A_751 = arith.constant 448 : index
    %swap3A_752 = tpu.vector_load %arg5[%swap3A_751] {strides = array<i32>} : memref<1024xi32, #tpu.memory_space<vmem>>, vector<16xi32>,
    %swap3A_753 = vector.shape_cast %swap3A_752 : vector<16xi32> to vector<16xi32>
    %swap3A_754 = vector.shape_cast %select_n3A_750 : vector<16xi32> to vector<16xi32>
    tpu.vector_store %arg5[%swap3A_751], %swap3A_754 {strides = array<i32>} : memref<1024xi32, #tpu.memory_space<vmem>>, vector<16xi32>,
    %get3A_755 = arith.constant 464 : index
    %get3A_756 = tpu.vector_load %arg5[%get3A_755] {strides = array<i32>} : memref<1024xi32, #tpu.memory_space<vmem>>, vector<16xi32>,
    %get3A_757 = vector.shape_cast %get3A_756 : vector<16xi32> to vector<16xi32>
    %eq3A_758 = arith.constant 99999 : i32
    %eq3A_759 = vector.broadcast %eq3A_758 : i32 to vector<16xi32>
    %eq3A_760 = arith.cmpi eq, %get3A_757, %eq3A_759 : vector<16xi32>
    %jit3A_761 = arith.constant 1 : i32
    %broadcast_in_dim3A_762 = vector.broadcast %jit3A_761 : i32 to vector<16xi32>
    %select_n3A_763 = arith.select %eq3A_760, %broadcast_in_dim3A_762, %get3A_757 : vector<16xi1>, vector<16xi32>
    %swap3A_764 = arith.constant 464 : index
    %swap3A_765 = tpu.vector_load %arg5[%swap3A_764] {strides = array<i32>} : memref<1024xi32, #tpu.memory_space<vmem>>, vector<16xi32>,
    %swap3A_766 = vector.shape_cast %swap3A_765 : vector<16xi32> to vector<16xi32>
    %swap3A_767 = vector.shape_cast %select_n3A_763 : vector<16xi32> to vector<16xi32>
    tpu.vector_store %arg5[%swap3A_764], %swap3A_767 {strides = array<i32>} : memref<1024xi32, #tpu.memory_space<vmem>>, vector<16xi32>,
    %dma_start3A_768 = arith.constant 64 : i32
    %dma_start3A_769 = arith.constant 0 : i32
    %dma_start3A_770 = tpu.memref_slice %arg6[%dma_start3A_768, %dma_start3A_769] : memref<128x768xf32, #tpu.memory_space<vmem>> -> memref<32x768xf32, #tpu.memory_space<vmem>>
    %dma_start3A_771 = arith.constant 448 : i32
    %dma_start3A_772 = tpu.memref_slice %arg5[%dma_start3A_771] : memref<1024xi32, #tpu.memory_space<vmem>> -> memref<32xi32, #tpu.memory_space<vmem>>
    %dma_start3A_773 = arith.constant 0 : i32
    %dma_start3A_774 = arith.constant 0 : i32
    %dma_start3A_775 = tpu.memref_slice %arg3[%dma_start3A_773, %dma_start3A_774] : memref<100000x768xf32, #tpu.memory_space<hbm>> -> memref<100000x768xf32, #tpu.memory_space<hbm>>
    tpu.enqueue_indirect_dma source(%dma_start3A_775 : memref<100000x768xf32, #tpu.memory_space<hbm>>) target(%dma_start3A_770 : memref<32x768xf32, #tpu.memory_space<vmem>>) offsets(%dma_start3A_772 : memref<32xi32, #tpu.memory_space<vmem>>) semaphore(%arg9 : memref<!tpu.dma_semaphore, #tpu.memory_space<semaphore_mem>>)
    %dma_wait3A_776 = arith.constant 32 : i32
    %dma_wait3A_777 = arith.constant 0 : i32
    %dma_wait3A_778 = tpu.memref_slice %arg6[%dma_wait3A_776, %dma_wait3A_777] : memref<128x768xf32, #tpu.memory_space<vmem>> -> memref<32x768xf32, #tpu.memory_space<vmem>>
    %dma_wait3A_779 = arith.constant 0 : i32
    %dma_wait3A_780 = tpu.memref_slice %arg5[%dma_wait3A_779] : memref<1024xi32, #tpu.memory_space<vmem>> -> memref<32xi32, #tpu.memory_space<vmem>>
    %dma_wait3A_781 = arith.constant 0 : i32
    %dma_wait3A_782 = arith.constant 0 : i32
    %dma_wait3A_783 = tpu.memref_slice %arg3[%dma_wait3A_781, %dma_wait3A_782] : memref<100000x768xf32, #tpu.memory_space<hbm>> -> memref<100000x768xf32, #tpu.memory_space<hbm>>
    tpu.wait_indirect_dma semaphore(%arg8 : memref<!tpu.dma_semaphore, #tpu.memory_space<semaphore_mem>>) src(%dma_wait3A_783 : memref<100000x768xf32, #tpu.memory_space<hbm>>) dst(%dma_wait3A_778 : memref<32x768xf32, #tpu.memory_space<vmem>>)
    %get3A_784 = arith.constant 480 : index
    %get3A_785 = tpu.vector_load %arg5[%get3A_784] {strides = array<i32>} : memref<1024xi32, #tpu.memory_space<vmem>>, vector<16xi32>,
    %get3A_786 = vector.shape_cast %get3A_785 : vector<16xi32> to vector<16xi32>
    %eq3A_787 = arith.constant 99999 : i32
    %eq3A_788 = vector.broadcast %eq3A_787 : i32 to vector<16xi32>
    %eq3A_789 = arith.cmpi eq, %get3A_786, %eq3A_788 : vector<16xi32>
    %jit3A_790 = arith.constant 1 : i32
    %broadcast_in_dim3A_791 = vector.broadcast %jit3A_790 : i32 to vector<16xi32>
    %select_n3A_792 = arith.select %eq3A_789, %broadcast_in_dim3A_791, %get3A_786 : vector<16xi1>, vector<16xi32>
    %swap3A_793 = arith.constant 480 : index
    %swap3A_794 = tpu.vector_load %arg5[%swap3A_793] {strides = array<i32>} : memref<1024xi32, #tpu.memory_space<vmem>>, vector<16xi32>,
    %swap3A_795 = vector.shape_cast %swap3A_794 : vector<16xi32> to vector<16xi32>
    %swap3A_796 = vector.shape_cast %select_n3A_792 : vector<16xi32> to vector<16xi32>
    tpu.vector_store %arg5[%swap3A_793], %swap3A_796 {strides = array<i32>} : memref<1024xi32, #tpu.memory_space<vmem>>, vector<16xi32>,
    %get3A_797 = arith.constant 496 : index
    %get3A_798 = tpu.vector_load %arg5[%get3A_797] {strides = array<i32>} : memref<1024xi32, #tpu.memory_space<vmem>>, vector<16xi32>,
    %get3A_799 = vector.shape_cast %get3A_798 : vector<16xi32> to vector<16xi32>
    %eq3A_800 = arith.constant 99999 : i32
    %eq3A_801 = vector.broadcast %eq3A_800 : i32 to vector<16xi32>
    %eq3A_802 = arith.cmpi eq, %get3A_799, %eq3A_801 : vector<16xi32>
    %jit3A_803 = arith.constant 1 : i32
    %broadcast_in_dim3A_804 = vector.broadcast %jit3A_803 : i32 to vector<16xi32>
    %select_n3A_805 = arith.select %eq3A_802, %broadcast_in_dim3A_804, %get3A_799 : vector<16xi1>, vector<16xi32>
    %swap3A_806 = arith.constant 496 : index
    %swap3A_807 = tpu.vector_load %arg5[%swap3A_806] {strides = array<i32>} : memref<1024xi32, #tpu.memory_space<vmem>>, vector<16xi32>,
    %swap3A_808 = vector.shape_cast %swap3A_807 : vector<16xi32> to vector<16xi32>
    %swap3A_809 = vector.shape_cast %select_n3A_805 : vector<16xi32> to vector<16xi32>
    tpu.vector_store %arg5[%swap3A_806], %swap3A_809 {strides = array<i32>} : memref<1024xi32, #tpu.memory_space<vmem>>, vector<16xi32>,
    %dma_start3A_810 = arith.constant 96 : i32
    %dma_start3A_811 = arith.constant 0 : i32
    %dma_start3A_812 = tpu.memref_slice %arg6[%dma_start3A_810, %dma_start3A_811] : memref<128x768xf32, #tpu.memory_space<vmem>> -> memref<32x768xf32, #tpu.memory_space<vmem>>
    %dma_start3A_813 = arith.constant 480 : i32
    %dma_start3A_814 = tpu.memref_slice %arg5[%dma_start3A_813] : memref<1024xi32, #tpu.memory_space<vmem>> -> memref<32xi32, #tpu.memory_space<vmem>>
    %dma_start3A_815 = arith.constant 0 : i32
    %dma_start3A_816 = arith.constant 0 : i32
    %dma_start3A_817 = tpu.memref_slice %arg3[%dma_start3A_815, %dma_start3A_816] : memref<100000x768xf32, #tpu.memory_space<hbm>> -> memref<100000x768xf32, #tpu.memory_space<hbm>>
    tpu.enqueue_indirect_dma source(%dma_start3A_817 : memref<100000x768xf32, #tpu.memory_space<hbm>>) target(%dma_start3A_812 : memref<32x768xf32, #tpu.memory_space<vmem>>) offsets(%dma_start3A_814 : memref<32xi32, #tpu.memory_space<vmem>>) semaphore(%arg10 : memref<!tpu.dma_semaphore, #tpu.memory_space<semaphore_mem>>)
    %add3A_818 = arith.constant 384 : i32
    %add3A_819 = arith.addi %mul3A_32, %add3A_818 : i32
    %dma_start3A_820 = arith.constant 0 : i32
    %dma_start3A_821 = arith.constant 0 : i32
    %dma_start3A_822 = tpu.memref_slice %arg6[%dma_start3A_820, %dma_start3A_821] : memref<128x768xf32, #tpu.memory_space<vmem>> -> memref<64x768xf32, #tpu.memory_space<vmem>>
    %dma_start3A_823 = arith.constant 0 : i32
    %dma_start3A_824 = tpu.memref_slice %arg4[%add3A_819, %dma_start3A_823] : memref<32768x768xf32, #tpu.memory_space<hbm>> -> memref<64x768xf32, #tpu.memory_space<hbm>>
    %dma_start3A_825 = arith.constant 0 : i32
    %dma_start3A_826 = tpu.memref_slice %arg4[%add3A_819, %dma_start3A_825] : memref<32768x768xf32, #tpu.memory_space<hbm>> -> memref<64x768xf32, #tpu.memory_space<hbm>>
    %dma_start3A_827 = arith.constant 0 : i32
    %dma_start3A_828 = arith.constant 0 : i32
    %dma_start3A_829 = tpu.memref_slice %arg6[%dma_start3A_827, %dma_start3A_828] : memref<128x768xf32, #tpu.memory_space<vmem>> -> memref<64x768xf32, #tpu.memory_space<vmem>>
    tpu.enqueue_dma source(%dma_start3A_829 : memref<64x768xf32, #tpu.memory_space<vmem>>) target(%dma_start3A_826 : memref<64x768xf32, #tpu.memory_space<hbm>>) target_semaphore(%arg11 : memref<!tpu.dma_semaphore, #tpu.memory_space<semaphore_mem>>)
    %dma_wait3A_830 = arith.constant 64 : i32
    %dma_wait3A_831 = arith.constant 0 : i32
    %dma_wait3A_832 = tpu.memref_slice %arg6[%dma_wait3A_830, %dma_wait3A_831] : memref<128x768xf32, #tpu.memory_space<vmem>> -> memref<32x768xf32, #tpu.memory_space<vmem>>
    %dma_wait3A_833 = arith.constant 0 : i32
    %dma_wait3A_834 = tpu.memref_slice %arg5[%dma_wait3A_833] : memref<1024xi32, #tpu.memory_space<vmem>> -> memref<32xi32, #tpu.memory_space<vmem>>
    %dma_wait3A_835 = arith.constant 0 : i32
    %dma_wait3A_836 = arith.constant 0 : i32
    %dma_wait3A_837 = tpu.memref_slice %arg3[%dma_wait3A_835, %dma_wait3A_836] : memref<100000x768xf32, #tpu.memory_space<hbm>> -> memref<100000x768xf32, #tpu.memory_space<hbm>>
    tpu.wait_indirect_dma semaphore(%arg9 : memref<!tpu.dma_semaphore, #tpu.memory_space<semaphore_mem>>) src(%dma_wait3A_837 : memref<100000x768xf32, #tpu.memory_space<hbm>>) dst(%dma_wait3A_832 : memref<32x768xf32, #tpu.memory_space<vmem>>)
    %dma_wait3A_838 = arith.constant 0 : i32
    %dma_wait3A_839 = arith.constant 0 : i32
    %dma_wait3A_840 = tpu.memref_slice %arg6[%dma_wait3A_838, %dma_wait3A_839] : memref<128x768xf32, #tpu.memory_space<vmem>> -> memref<64x768xf32, #tpu.memory_space<vmem>>
    %dma_wait3A_841 = arith.constant 0 : i32
    %dma_wait3A_842 = tpu.memref_slice %arg4[%mul3A_32, %dma_wait3A_841] : memref<32768x768xf32, #tpu.memory_space<hbm>> -> memref<64x768xf32, #tpu.memory_space<hbm>>
    %dma_wait3A_843 = arith.constant 0 : i32
    %dma_wait3A_844 = tpu.memref_slice %arg4[%mul3A_32, %dma_wait3A_843] : memref<32768x768xf32, #tpu.memory_space<hbm>> -> memref<64x768xf32, #tpu.memory_space<hbm>>
    %dma_wait3A_845 = arith.constant 0 : i32
    %dma_wait3A_846 = arith.constant 0 : i32
    %dma_wait3A_847 = tpu.memref_slice %arg6[%dma_wait3A_845, %dma_wait3A_846] : memref<128x768xf32, #tpu.memory_space<vmem>> -> memref<64x768xf32, #tpu.memory_space<vmem>>
    tpu.wait_dma2 semaphore(%arg11 : memref<!tpu.dma_semaphore, #tpu.memory_space<semaphore_mem>>) src(%dma_wait3A_847 : memref<64x768xf32, #tpu.memory_space<vmem>>) dst(%dma_wait3A_844 : memref<64x768xf32, #tpu.memory_space<hbm>>)
    %get3A_848 = arith.constant 512 : index
    %get3A_849 = tpu.vector_load %arg5[%get3A_848] {strides = array<i32>} : memref<1024xi32, #tpu.memory_space<vmem>>, vector<16xi32>,
    %get3A_850 = vector.shape_cast %get3A_849 : vector<16xi32> to vector<16xi32>
    %eq3A_851 = arith.constant 99999 : i32
    %eq3A_852 = vector.broadcast %eq3A_851 : i32 to vector<16xi32>
    %eq3A_853 = arith.cmpi eq, %get3A_850, %eq3A_852 : vector<16xi32>
    %jit3A_854 = arith.constant 1 : i32
    %broadcast_in_dim3A_855 = vector.broadcast %jit3A_854 : i32 to vector<16xi32>
    %select_n3A_856 = arith.select %eq3A_853, %broadcast_in_dim3A_855, %get3A_850 : vector<16xi1>, vector<16xi32>
    %swap3A_857 = arith.constant 512 : index
    %swap3A_858 = tpu.vector_load %arg5[%swap3A_857] {strides = array<i32>} : memref<1024xi32, #tpu.memory_space<vmem>>, vector<16xi32>,
    %swap3A_859 = vector.shape_cast %swap3A_858 : vector<16xi32> to vector<16xi32>
    %swap3A_860 = vector.shape_cast %select_n3A_856 : vector<16xi32> to vector<16xi32>
    tpu.vector_store %arg5[%swap3A_857], %swap3A_860 {strides = array<i32>} : memref<1024xi32, #tpu.memory_space<vmem>>, vector<16xi32>,
    %get3A_861 = arith.constant 528 : index
    %get3A_862 = tpu.vector_load %arg5[%get3A_861] {strides = array<i32>} : memref<1024xi32, #tpu.memory_space<vmem>>, vector<16xi32>,
    %get3A_863 = vector.shape_cast %get3A_862 : vector<16xi32> to vector<16xi32>
    %eq3A_864 = arith.constant 99999 : i32
    %eq3A_865 = vector.broadcast %eq3A_864 : i32 to vector<16xi32>
    %eq3A_866 = arith.cmpi eq, %get3A_863, %eq3A_865 : vector<16xi32>
    %jit3A_867 = arith.constant 1 : i32
    %broadcast_in_dim3A_868 = vector.broadcast %jit3A_867 : i32 to vector<16xi32>
    %select_n3A_869 = arith.select %eq3A_866, %broadcast_in_dim3A_868, %get3A_863 : vector<16xi1>, vector<16xi32>
    %swap3A_870 = arith.constant 528 : index
    %swap3A_871 = tpu.vector_load %arg5[%swap3A_870] {strides = array<i32>} : memref<1024xi32, #tpu.memory_space<vmem>>, vector<16xi32>,
    %swap3A_872 = vector.shape_cast %swap3A_871 : vector<16xi32> to vector<16xi32>
    %swap3A_873 = vector.shape_cast %select_n3A_869 : vector<16xi32> to vector<16xi32>
    tpu.vector_store %arg5[%swap3A_870], %swap3A_873 {strides = array<i32>} : memref<1024xi32, #tpu.memory_space<vmem>>, vector<16xi32>,
    %dma_start3A_874 = arith.constant 0 : i32
    %dma_start3A_875 = arith.constant 0 : i32
    %dma_start3A_876 = tpu.memref_slice %arg6[%dma_start3A_874, %dma_start3A_875] : memref<128x768xf32, #tpu.memory_space<vmem>> -> memref<32x768xf32, #tpu.memory_space<vmem>>
    %dma_start3A_877 = arith.constant 512 : i32
    %dma_start3A_878 = tpu.memref_slice %arg5[%dma_start3A_877] : memref<1024xi32, #tpu.memory_space<vmem>> -> memref<32xi32, #tpu.memory_space<vmem>>
    %dma_start3A_879 = arith.constant 0 : i32
    %dma_start3A_880 = arith.constant 0 : i32
    %dma_start3A_881 = tpu.memref_slice %arg3[%dma_start3A_879, %dma_start3A_880] : memref<100000x768xf32, #tpu.memory_space<hbm>> -> memref<100000x768xf32, #tpu.memory_space<hbm>>
    tpu.enqueue_indirect_dma source(%dma_start3A_881 : memref<100000x768xf32, #tpu.memory_space<hbm>>) target(%dma_start3A_876 : memref<32x768xf32, #tpu.memory_space<vmem>>) offsets(%dma_start3A_878 : memref<32xi32, #tpu.memory_space<vmem>>) semaphore(%arg7 : memref<!tpu.dma_semaphore, #tpu.memory_space<semaphore_mem>>)
    %dma_wait3A_882 = arith.constant 96 : i32
    %dma_wait3A_883 = arith.constant 0 : i32
    %dma_wait3A_884 = tpu.memref_slice %arg6[%dma_wait3A_882, %dma_wait3A_883] : memref<128x768xf32, #tpu.memory_space<vmem>> -> memref<32x768xf32, #tpu.memory_space<vmem>>
    %dma_wait3A_885 = arith.constant 0 : i32
    %dma_wait3A_886 = tpu.memref_slice %arg5[%dma_wait3A_885] : memref<1024xi32, #tpu.memory_space<vmem>> -> memref<32xi32, #tpu.memory_space<vmem>>
    %dma_wait3A_887 = arith.constant 0 : i32
    %dma_wait3A_888 = arith.constant 0 : i32
    %dma_wait3A_889 = tpu.memref_slice %arg3[%dma_wait3A_887, %dma_wait3A_888] : memref<100000x768xf32, #tpu.memory_space<hbm>> -> memref<100000x768xf32, #tpu.memory_space<hbm>>
    tpu.wait_indirect_dma semaphore(%arg10 : memref<!tpu.dma_semaphore, #tpu.memory_space<semaphore_mem>>) src(%dma_wait3A_889 : memref<100000x768xf32, #tpu.memory_space<hbm>>) dst(%dma_wait3A_884 : memref<32x768xf32, #tpu.memory_space<vmem>>)
    %get3A_890 = arith.constant 544 : index
    %get3A_891 = tpu.vector_load %arg5[%get3A_890] {strides = array<i32>} : memref<1024xi32, #tpu.memory_space<vmem>>, vector<16xi32>,
    %get3A_892 = vector.shape_cast %get3A_891 : vector<16xi32> to vector<16xi32>
    %eq3A_893 = arith.constant 99999 : i32
    %eq3A_894 = vector.broadcast %eq3A_893 : i32 to vector<16xi32>
    %eq3A_895 = arith.cmpi eq, %get3A_892, %eq3A_894 : vector<16xi32>
    %jit3A_896 = arith.constant 1 : i32
    %broadcast_in_dim3A_897 = vector.broadcast %jit3A_896 : i32 to vector<16xi32>
    %select_n3A_898 = arith.select %eq3A_895, %broadcast_in_dim3A_897, %get3A_892 : vector<16xi1>, vector<16xi32>
    %swap3A_899 = arith.constant 544 : index
    %swap3A_900 = tpu.vector_load %arg5[%swap3A_899] {strides = array<i32>} : memref<1024xi32, #tpu.memory_space<vmem>>, vector<16xi32>,
    %swap3A_901 = vector.shape_cast %swap3A_900 : vector<16xi32> to vector<16xi32>
    %swap3A_902 = vector.shape_cast %select_n3A_898 : vector<16xi32> to vector<16xi32>
    tpu.vector_store %arg5[%swap3A_899], %swap3A_902 {strides = array<i32>} : memref<1024xi32, #tpu.memory_space<vmem>>, vector<16xi32>,
    %get3A_903 = arith.constant 560 : index
    %get3A_904 = tpu.vector_load %arg5[%get3A_903] {strides = array<i32>} : memref<1024xi32, #tpu.memory_space<vmem>>, vector<16xi32>,
    %get3A_905 = vector.shape_cast %get3A_904 : vector<16xi32> to vector<16xi32>
    %eq3A_906 = arith.constant 99999 : i32
    %eq3A_907 = vector.broadcast %eq3A_906 : i32 to vector<16xi32>
    %eq3A_908 = arith.cmpi eq, %get3A_905, %eq3A_907 : vector<16xi32>
    %jit3A_909 = arith.constant 1 : i32
    %broadcast_in_dim3A_910 = vector.broadcast %jit3A_909 : i32 to vector<16xi32>
    %select_n3A_911 = arith.select %eq3A_908, %broadcast_in_dim3A_910, %get3A_905 : vector<16xi1>, vector<16xi32>
    %swap3A_912 = arith.constant 560 : index
    %swap3A_913 = tpu.vector_load %arg5[%swap3A_912] {strides = array<i32>} : memref<1024xi32, #tpu.memory_space<vmem>>, vector<16xi32>,
    %swap3A_914 = vector.shape_cast %swap3A_913 : vector<16xi32> to vector<16xi32>
    %swap3A_915 = vector.shape_cast %select_n3A_911 : vector<16xi32> to vector<16xi32>
    tpu.vector_store %arg5[%swap3A_912], %swap3A_915 {strides = array<i32>} : memref<1024xi32, #tpu.memory_space<vmem>>, vector<16xi32>,
    %dma_start3A_916 = arith.constant 32 : i32
    %dma_start3A_917 = arith.constant 0 : i32
    %dma_start3A_918 = tpu.memref_slice %arg6[%dma_start3A_916, %dma_start3A_917] : memref<128x768xf32, #tpu.memory_space<vmem>> -> memref<32x768xf32, #tpu.memory_space<vmem>>
    %dma_start3A_919 = arith.constant 544 : i32
    %dma_start3A_920 = tpu.memref_slice %arg5[%dma_start3A_919] : memref<1024xi32, #tpu.memory_space<vmem>> -> memref<32xi32, #tpu.memory_space<vmem>>
    %dma_start3A_921 = arith.constant 0 : i32
    %dma_start3A_922 = arith.constant 0 : i32
    %dma_start3A_923 = tpu.memref_slice %arg3[%dma_start3A_921, %dma_start3A_922] : memref<100000x768xf32, #tpu.memory_space<hbm>> -> memref<100000x768xf32, #tpu.memory_space<hbm>>
    tpu.enqueue_indirect_dma source(%dma_start3A_923 : memref<100000x768xf32, #tpu.memory_space<hbm>>) target(%dma_start3A_918 : memref<32x768xf32, #tpu.memory_space<vmem>>) offsets(%dma_start3A_920 : memref<32xi32, #tpu.memory_space<vmem>>) semaphore(%arg8 : memref<!tpu.dma_semaphore, #tpu.memory_space<semaphore_mem>>)
    %add3A_924 = arith.constant 448 : i32
    %add3A_925 = arith.addi %mul3A_32, %add3A_924 : i32
    %dma_start3A_926 = arith.constant 64 : i32
    %dma_start3A_927 = arith.constant 0 : i32
    %dma_start3A_928 = tpu.memref_slice %arg6[%dma_start3A_926, %dma_start3A_927] : memref<128x768xf32, #tpu.memory_space<vmem>> -> memref<64x768xf32, #tpu.memory_space<vmem>>
    %dma_start3A_929 = arith.constant 0 : i32
    %dma_start3A_930 = tpu.memref_slice %arg4[%add3A_925, %dma_start3A_929] : memref<32768x768xf32, #tpu.memory_space<hbm>> -> memref<64x768xf32, #tpu.memory_space<hbm>>
    %dma_start3A_931 = arith.constant 0 : i32
    %dma_start3A_932 = tpu.memref_slice %arg4[%add3A_925, %dma_start3A_931] : memref<32768x768xf32, #tpu.memory_space<hbm>> -> memref<64x768xf32, #tpu.memory_space<hbm>>
    %dma_start3A_933 = arith.constant 64 : i32
    %dma_start3A_934 = arith.constant 0 : i32
    %dma_start3A_935 = tpu.memref_slice %arg6[%dma_start3A_933, %dma_start3A_934] : memref<128x768xf32, #tpu.memory_space<vmem>> -> memref<64x768xf32, #tpu.memory_space<vmem>>
    tpu.enqueue_dma source(%dma_start3A_935 : memref<64x768xf32, #tpu.memory_space<vmem>>) target(%dma_start3A_932 : memref<64x768xf32, #tpu.memory_space<hbm>>) target_semaphore(%arg12 : memref<!tpu.dma_semaphore, #tpu.memory_space<semaphore_mem>>)
    %dma_wait3A_936 = arith.constant 0 : i32
    %dma_wait3A_937 = arith.constant 0 : i32
    %dma_wait3A_938 = tpu.memref_slice %arg6[%dma_wait3A_936, %dma_wait3A_937] : memref<128x768xf32, #tpu.memory_space<vmem>> -> memref<32x768xf32, #tpu.memory_space<vmem>>
    %dma_wait3A_939 = arith.constant 0 : i32
    %dma_wait3A_940 = tpu.memref_slice %arg5[%dma_wait3A_939] : memref<1024xi32, #tpu.memory_space<vmem>> -> memref<32xi32, #tpu.memory_space<vmem>>
    %dma_wait3A_941 = arith.constant 0 : i32
    %dma_wait3A_942 = arith.constant 0 : i32
    %dma_wait3A_943 = tpu.memref_slice %arg3[%dma_wait3A_941, %dma_wait3A_942] : memref<100000x768xf32, #tpu.memory_space<hbm>> -> memref<100000x768xf32, #tpu.memory_space<hbm>>
    tpu.wait_indirect_dma semaphore(%arg7 : memref<!tpu.dma_semaphore, #tpu.memory_space<semaphore_mem>>) src(%dma_wait3A_943 : memref<100000x768xf32, #tpu.memory_space<hbm>>) dst(%dma_wait3A_938 : memref<32x768xf32, #tpu.memory_space<vmem>>)
    %dma_wait3A_944 = arith.constant 64 : i32
    %dma_wait3A_945 = arith.constant 0 : i32
    %dma_wait3A_946 = tpu.memref_slice %arg6[%dma_wait3A_944, %dma_wait3A_945] : memref<128x768xf32, #tpu.memory_space<vmem>> -> memref<64x768xf32, #tpu.memory_space<vmem>>
    %dma_wait3A_947 = arith.constant 0 : i32
    %dma_wait3A_948 = tpu.memref_slice %arg4[%mul3A_32, %dma_wait3A_947] : memref<32768x768xf32, #tpu.memory_space<hbm>> -> memref<64x768xf32, #tpu.memory_space<hbm>>
    %dma_wait3A_949 = arith.constant 0 : i32
    %dma_wait3A_950 = tpu.memref_slice %arg4[%mul3A_32, %dma_wait3A_949] : memref<32768x768xf32, #tpu.memory_space<hbm>> -> memref<64x768xf32, #tpu.memory_space<hbm>>
    %dma_wait3A_951 = arith.constant 64 : i32
    %dma_wait3A_952 = arith.constant 0 : i32
    %dma_wait3A_953 = tpu.memref_slice %arg6[%dma_wait3A_951, %dma_wait3A_952] : memref<128x768xf32, #tpu.memory_space<vmem>> -> memref<64x768xf32, #tpu.memory_space<vmem>>
    tpu.wait_dma2 semaphore(%arg12 : memref<!tpu.dma_semaphore, #tpu.memory_space<semaphore_mem>>) src(%dma_wait3A_953 : memref<64x768xf32, #tpu.memory_space<vmem>>) dst(%dma_wait3A_950 : memref<64x768xf32, #tpu.memory_space<hbm>>)
    %get3A_954 = arith.constant 576 : index
    %get3A_955 = tpu.vector_load %arg5[%get3A_954] {strides = array<i32>} : memref<1024xi32, #tpu.memory_space<vmem>>, vector<16xi32>,
    %get3A_956 = vector.shape_cast %get3A_955 : vector<16xi32> to vector<16xi32>
    %eq3A_957 = arith.constant 99999 : i32
    %eq3A_958 = vector.broadcast %eq3A_957 : i32 to vector<16xi32>
    %eq3A_959 = arith.cmpi eq, %get3A_956, %eq3A_958 : vector<16xi32>
    %jit3A_960 = arith.constant 1 : i32
    %broadcast_in_dim3A_961 = vector.broadcast %jit3A_960 : i32 to vector<16xi32>
    %select_n3A_962 = arith.select %eq3A_959, %broadcast_in_dim3A_961, %get3A_956 : vector<16xi1>, vector<16xi32>
    %swap3A_963 = arith.constant 576 : index
    %swap3A_964 = tpu.vector_load %arg5[%swap3A_963] {strides = array<i32>} : memref<1024xi32, #tpu.memory_space<vmem>>, vector<16xi32>,
    %swap3A_965 = vector.shape_cast %swap3A_964 : vector<16xi32> to vector<16xi32>
    %swap3A_966 = vector.shape_cast %select_n3A_962 : vector<16xi32> to vector<16xi32>
    tpu.vector_store %arg5[%swap3A_963], %swap3A_966 {strides = array<i32>} : memref<1024xi32, #tpu.memory_space<vmem>>, vector<16xi32>,
    %get3A_967 = arith.constant 592 : index
    %get3A_968 = tpu.vector_load %arg5[%get3A_967] {strides = array<i32>} : memref<1024xi32, #tpu.memory_space<vmem>>, vector<16xi32>,
    %get3A_969 = vector.shape_cast %get3A_968 : vector<16xi32> to vector<16xi32>
    %eq3A_970 = arith.constant 99999 : i32
    %eq3A_971 = vector.broadcast %eq3A_970 : i32 to vector<16xi32>
    %eq3A_972 = arith.cmpi eq, %get3A_969, %eq3A_971 : vector<16xi32>
    %jit3A_973 = arith.constant 1 : i32
    %broadcast_in_dim3A_974 = vector.broadcast %jit3A_973 : i32 to vector<16xi32>
    %select_n3A_975 = arith.select %eq3A_972, %broadcast_in_dim3A_974, %get3A_969 : vector<16xi1>, vector<16xi32>
    %swap3A_976 = arith.constant 592 : index
    %swap3A_977 = tpu.vector_load %arg5[%swap3A_976] {strides = array<i32>} : memref<1024xi32, #tpu.memory_space<vmem>>, vector<16xi32>,
    %swap3A_978 = vector.shape_cast %swap3A_977 : vector<16xi32> to vector<16xi32>
    %swap3A_979 = vector.shape_cast %select_n3A_975 : vector<16xi32> to vector<16xi32>
    tpu.vector_store %arg5[%swap3A_976], %swap3A_979 {strides = array<i32>} : memref<1024xi32, #tpu.memory_space<vmem>>, vector<16xi32>,
    %dma_start3A_980 = arith.constant 64 : i32
    %dma_start3A_981 = arith.constant 0 : i32
    %dma_start3A_982 = tpu.memref_slice %arg6[%dma_start3A_980, %dma_start3A_981] : memref<128x768xf32, #tpu.memory_space<vmem>> -> memref<32x768xf32, #tpu.memory_space<vmem>>
    %dma_start3A_983 = arith.constant 576 : i32
    %dma_start3A_984 = tpu.memref_slice %arg5[%dma_start3A_983] : memref<1024xi32, #tpu.memory_space<vmem>> -> memref<32xi32, #tpu.memory_space<vmem>>
    %dma_start3A_985 = arith.constant 0 : i32
    %dma_start3A_986 = arith.constant 0 : i32
    %dma_start3A_987 = tpu.memref_slice %arg3[%dma_start3A_985, %dma_start3A_986] : memref<100000x768xf32, #tpu.memory_space<hbm>> -> memref<100000x768xf32, #tpu.memory_space<hbm>>
    tpu.enqueue_indirect_dma source(%dma_start3A_987 : memref<100000x768xf32, #tpu.memory_space<hbm>>) target(%dma_start3A_982 : memref<32x768xf32, #tpu.memory_space<vmem>>) offsets(%dma_start3A_984 : memref<32xi32, #tpu.memory_space<vmem>>) semaphore(%arg9 : memref<!tpu.dma_semaphore, #tpu.memory_space<semaphore_mem>>)
    %dma_wait3A_988 = arith.constant 32 : i32
    %dma_wait3A_989 = arith.constant 0 : i32
    %dma_wait3A_990 = tpu.memref_slice %arg6[%dma_wait3A_988, %dma_wait3A_989] : memref<128x768xf32, #tpu.memory_space<vmem>> -> memref<32x768xf32, #tpu.memory_space<vmem>>
    %dma_wait3A_991 = arith.constant 0 : i32
    %dma_wait3A_992 = tpu.memref_slice %arg5[%dma_wait3A_991] : memref<1024xi32, #tpu.memory_space<vmem>> -> memref<32xi32, #tpu.memory_space<vmem>>
    %dma_wait3A_993 = arith.constant 0 : i32
    %dma_wait3A_994 = arith.constant 0 : i32
    %dma_wait3A_995 = tpu.memref_slice %arg3[%dma_wait3A_993, %dma_wait3A_994] : memref<100000x768xf32, #tpu.memory_space<hbm>> -> memref<100000x768xf32, #tpu.memory_space<hbm>>
    tpu.wait_indirect_dma semaphore(%arg8 : memref<!tpu.dma_semaphore, #tpu.memory_space<semaphore_mem>>) src(%dma_wait3A_995 : memref<100000x768xf32, #tpu.memory_space<hbm>>) dst(%dma_wait3A_990 : memref<32x768xf32, #tpu.memory_space<vmem>>)
    %get3A_996 = arith.constant 608 : index
    %get3A_997 = tpu.vector_load %arg5[%get3A_996] {strides = array<i32>} : memref<1024xi32, #tpu.memory_space<vmem>>, vector<16xi32>,
    %get3A_998 = vector.shape_cast %get3A_997 : vector<16xi32> to vector<16xi32>
    %eq3A_999 = arith.constant 99999 : i32
    %eq3A_1000 = vector.broadcast %eq3A_999 : i32 to vector<16xi32>
    %eq3A_1001 = arith.cmpi eq, %get3A_998, %eq3A_1000 : vector<16xi32>
    %jit3A_1002 = arith.constant 1 : i32
    %broadcast_in_dim3A_1003 = vector.broadcast %jit3A_1002 : i32 to vector<16xi32>
    %select_n3A_1004 = arith.select %eq3A_1001, %broadcast_in_dim3A_1003, %get3A_998 : vector<16xi1>, vector<16xi32>
    %swap3A_1005 = arith.constant 608 : index
    %swap3A_1006 = tpu.vector_load %arg5[%swap3A_1005] {strides = array<i32>} : memref<1024xi32, #tpu.memory_space<vmem>>, vector<16xi32>,
    %swap3A_1007 = vector.shape_cast %swap3A_1006 : vector<16xi32> to vector<16xi32>
    %swap3A_1008 = vector.shape_cast %select_n3A_1004 : vector<16xi32> to vector<16xi32>
    tpu.vector_store %arg5[%swap3A_1005], %swap3A_1008 {strides = array<i32>} : memref<1024xi32, #tpu.memory_space<vmem>>, vector<16xi32>,
    %get3A_1009 = arith.constant 624 : index
    %get3A_1010 = tpu.vector_load %arg5[%get3A_1009] {strides = array<i32>} : memref<1024xi32, #tpu.memory_space<vmem>>, vector<16xi32>,
    %get3A_1011 = vector.shape_cast %get3A_1010 : vector<16xi32> to vector<16xi32>
    %eq3A_1012 = arith.constant 99999 : i32
    %eq3A_1013 = vector.broadcast %eq3A_1012 : i32 to vector<16xi32>
    %eq3A_1014 = arith.cmpi eq, %get3A_1011, %eq3A_1013 : vector<16xi32>
    %jit3A_1015 = arith.constant 1 : i32
    %broadcast_in_dim3A_1016 = vector.broadcast %jit3A_1015 : i32 to vector<16xi32>
    %select_n3A_1017 = arith.select %eq3A_1014, %broadcast_in_dim3A_1016, %get3A_1011 : vector<16xi1>, vector<16xi32>
    %swap3A_1018 = arith.constant 624 : index
    %swap3A_1019 = tpu.vector_load %arg5[%swap3A_1018] {strides = array<i32>} : memref<1024xi32, #tpu.memory_space<vmem>>, vector<16xi32>,
    %swap3A_1020 = vector.shape_cast %swap3A_1019 : vector<16xi32> to vector<16xi32>
    %swap3A_1021 = vector.shape_cast %select_n3A_1017 : vector<16xi32> to vector<16xi32>
    tpu.vector_store %arg5[%swap3A_1018], %swap3A_1021 {strides = array<i32>} : memref<1024xi32, #tpu.memory_space<vmem>>, vector<16xi32>,
    %dma_start3A_1022 = arith.constant 96 : i32
    %dma_start3A_1023 = arith.constant 0 : i32
    %dma_start3A_1024 = tpu.memref_slice %arg6[%dma_start3A_1022, %dma_start3A_1023] : memref<128x768xf32, #tpu.memory_space<vmem>> -> memref<32x768xf32, #tpu.memory_space<vmem>>
    %dma_start3A_1025 = arith.constant 608 : i32
    %dma_start3A_1026 = tpu.memref_slice %arg5[%dma_start3A_1025] : memref<1024xi32, #tpu.memory_space<vmem>> -> memref<32xi32, #tpu.memory_space<vmem>>
    %dma_start3A_1027 = arith.constant 0 : i32
    %dma_start3A_1028 = arith.constant 0 : i32
    %dma_start3A_1029 = tpu.memref_slice %arg3[%dma_start3A_1027, %dma_start3A_1028] : memref<100000x768xf32, #tpu.memory_space<hbm>> -> memref<100000x768xf32, #tpu.memory_space<hbm>>
    tpu.enqueue_indirect_dma source(%dma_start3A_1029 : memref<100000x768xf32, #tpu.memory_space<hbm>>) target(%dma_start3A_1024 : memref<32x768xf32, #tpu.memory_space<vmem>>) offsets(%dma_start3A_1026 : memref<32xi32, #tpu.memory_space<vmem>>) semaphore(%arg10 : memref<!tpu.dma_semaphore, #tpu.memory_space<semaphore_mem>>)
    %add3A_1030 = arith.constant 512 : i32
    %add3A_1031 = arith.addi %mul3A_32, %add3A_1030 : i32
    %dma_start3A_1032 = arith.constant 0 : i32
    %dma_start3A_1033 = arith.constant 0 : i32
    %dma_start3A_1034 = tpu.memref_slice %arg6[%dma_start3A_1032, %dma_start3A_1033] : memref<128x768xf32, #tpu.memory_space<vmem>> -> memref<64x768xf32, #tpu.memory_space<vmem>>
    %dma_start3A_1035 = arith.constant 0 : i32
    %dma_start3A_1036 = tpu.memref_slice %arg4[%add3A_1031, %dma_start3A_1035] : memref<32768x768xf32, #tpu.memory_space<hbm>> -> memref<64x768xf32, #tpu.memory_space<hbm>>
    %dma_start3A_1037 = arith.constant 0 : i32
    %dma_start3A_1038 = tpu.memref_slice %arg4[%add3A_1031, %dma_start3A_1037] : memref<32768x768xf32, #tpu.memory_space<hbm>> -> memref<64x768xf32, #tpu.memory_space<hbm>>
    %dma_start3A_1039 = arith.constant 0 : i32
    %dma_start3A_1040 = arith.constant 0 : i32
    %dma_start3A_1041 = tpu.memref_slice %arg6[%dma_start3A_1039, %dma_start3A_1040] : memref<128x768xf32, #tpu.memory_space<vmem>> -> memref<64x768xf32, #tpu.memory_space<vmem>>
    tpu.enqueue_dma source(%dma_start3A_1041 : memref<64x768xf32, #tpu.memory_space<vmem>>) target(%dma_start3A_1038 : memref<64x768xf32, #tpu.memory_space<hbm>>) target_semaphore(%arg11 : memref<!tpu.dma_semaphore, #tpu.memory_space<semaphore_mem>>)
    %dma_wait3A_1042 = arith.constant 64 : i32
    %dma_wait3A_1043 = arith.constant 0 : i32
    %dma_wait3A_1044 = tpu.memref_slice %arg6[%dma_wait3A_1042, %dma_wait3A_1043] : memref<128x768xf32, #tpu.memory_space<vmem>> -> memref<32x768xf32, #tpu.memory_space<vmem>>
    %dma_wait3A_1045 = arith.constant 0 : i32
    %dma_wait3A_1046 = tpu.memref_slice %arg5[%dma_wait3A_1045] : memref<1024xi32, #tpu.memory_space<vmem>> -> memref<32xi32, #tpu.memory_space<vmem>>
    %dma_wait3A_1047 = arith.constant 0 : i32
    %dma_wait3A_1048 = arith.constant 0 : i32
    %dma_wait3A_1049 = tpu.memref_slice %arg3[%dma_wait3A_1047, %dma_wait3A_1048] : memref<100000x768xf32, #tpu.memory_space<hbm>> -> memref<100000x768xf32, #tpu.memory_space<hbm>>
    tpu.wait_indirect_dma semaphore(%arg9 : memref<!tpu.dma_semaphore, #tpu.memory_space<semaphore_mem>>) src(%dma_wait3A_1049 : memref<100000x768xf32, #tpu.memory_space<hbm>>) dst(%dma_wait3A_1044 : memref<32x768xf32, #tpu.memory_space<vmem>>)
    %dma_wait3A_1050 = arith.constant 0 : i32
    %dma_wait3A_1051 = arith.constant 0 : i32
    %dma_wait3A_1052 = tpu.memref_slice %arg6[%dma_wait3A_1050, %dma_wait3A_1051] : memref<128x768xf32, #tpu.memory_space<vmem>> -> memref<64x768xf32, #tpu.memory_space<vmem>>
    %dma_wait3A_1053 = arith.constant 0 : i32
    %dma_wait3A_1054 = tpu.memref_slice %arg4[%mul3A_32, %dma_wait3A_1053] : memref<32768x768xf32, #tpu.memory_space<hbm>> -> memref<64x768xf32, #tpu.memory_space<hbm>>
    %dma_wait3A_1055 = arith.constant 0 : i32
    %dma_wait3A_1056 = tpu.memref_slice %arg4[%mul3A_32, %dma_wait3A_1055] : memref<32768x768xf32, #tpu.memory_space<hbm>> -> memref<64x768xf32, #tpu.memory_space<hbm>>
    %dma_wait3A_1057 = arith.constant 0 : i32
    %dma_wait3A_1058 = arith.constant 0 : i32
    %dma_wait3A_1059 = tpu.memref_slice %arg6[%dma_wait3A_1057, %dma_wait3A_1058] : memref<128x768xf32, #tpu.memory_space<vmem>> -> memref<64x768xf32, #tpu.memory_space<vmem>>
    tpu.wait_dma2 semaphore(%arg11 : memref<!tpu.dma_semaphore, #tpu.memory_space<semaphore_mem>>) src(%dma_wait3A_1059 : memref<64x768xf32, #tpu.memory_space<vmem>>) dst(%dma_wait3A_1056 : memref<64x768xf32, #tpu.memory_space<hbm>>)
    %get3A_1060 = arith.constant 640 : index
    %get3A_1061 = tpu.vector_load %arg5[%get3A_1060] {strides = array<i32>} : memref<1024xi32, #tpu.memory_space<vmem>>, vector<16xi32>,
    %get3A_1062 = vector.shape_cast %get3A_1061 : vector<16xi32> to vector<16xi32>
    %eq3A_1063 = arith.constant 99999 : i32
    %eq3A_1064 = vector.broadcast %eq3A_1063 : i32 to vector<16xi32>
    %eq3A_1065 = arith.cmpi eq, %get3A_1062, %eq3A_1064 : vector<16xi32>
    %jit3A_1066 = arith.constant 1 : i32
    %broadcast_in_dim3A_1067 = vector.broadcast %jit3A_1066 : i32 to vector<16xi32>
    %select_n3A_1068 = arith.select %eq3A_1065, %broadcast_in_dim3A_1067, %get3A_1062 : vector<16xi1>, vector<16xi32>
    %swap3A_1069 = arith.constant 640 : index
    %swap3A_1070 = tpu.vector_load %arg5[%swap3A_1069] {strides = array<i32>} : memref<1024xi32, #tpu.memory_space<vmem>>, vector<16xi32>,
    %swap3A_1071 = vector.shape_cast %swap3A_1070 : vector<16xi32> to vector<16xi32>
    %swap3A_1072 = vector.shape_cast %select_n3A_1068 : vector<16xi32> to vector<16xi32>
    tpu.vector_store %arg5[%swap3A_1069], %swap3A_1072 {strides = array<i32>} : memref<1024xi32, #tpu.memory_space<vmem>>, vector<16xi32>,
    %get3A_1073 = arith.constant 656 : index
    %get3A_1074 = tpu.vector_load %arg5[%get3A_1073] {strides = array<i32>} : memref<1024xi32, #tpu.memory_space<vmem>>, vector<16xi32>,
    %get3A_1075 = vector.shape_cast %get3A_1074 : vector<16xi32> to vector<16xi32>
    %eq3A_1076 = arith.constant 99999 : i32
    %eq3A_1077 = vector.broadcast %eq3A_1076 : i32 to vector<16xi32>
    %eq3A_1078 = arith.cmpi eq, %get3A_1075, %eq3A_1077 : vector<16xi32>
    %jit3A_1079 = arith.constant 1 : i32
    %broadcast_in_dim3A_1080 = vector.broadcast %jit3A_1079 : i32 to vector<16xi32>
    %select_n3A_1081 = arith.select %eq3A_1078, %broadcast_in_dim3A_1080, %get3A_1075 : vector<16xi1>, vector<16xi32>
    %swap3A_1082 = arith.constant 656 : index
    %swap3A_1083 = tpu.vector_load %arg5[%swap3A_1082] {strides = array<i32>} : memref<1024xi32, #tpu.memory_space<vmem>>, vector<16xi32>,
    %swap3A_1084 = vector.shape_cast %swap3A_1083 : vector<16xi32> to vector<16xi32>
    %swap3A_1085 = vector.shape_cast %select_n3A_1081 : vector<16xi32> to vector<16xi32>
    tpu.vector_store %arg5[%swap3A_1082], %swap3A_1085 {strides = array<i32>} : memref<1024xi32, #tpu.memory_space<vmem>>, vector<16xi32>,
    %dma_start3A_1086 = arith.constant 0 : i32
    %dma_start3A_1087 = arith.constant 0 : i32
    %dma_start3A_1088 = tpu.memref_slice %arg6[%dma_start3A_1086, %dma_start3A_1087] : memref<128x768xf32, #tpu.memory_space<vmem>> -> memref<32x768xf32, #tpu.memory_space<vmem>>
    %dma_start3A_1089 = arith.constant 640 : i32
    %dma_start3A_1090 = tpu.memref_slice %arg5[%dma_start3A_1089] : memref<1024xi32, #tpu.memory_space<vmem>> -> memref<32xi32, #tpu.memory_space<vmem>>
    %dma_start3A_1091 = arith.constant 0 : i32
    %dma_start3A_1092 = arith.constant 0 : i32
    %dma_start3A_1093 = tpu.memref_slice %arg3[%dma_start3A_1091, %dma_start3A_1092] : memref<100000x768xf32, #tpu.memory_space<hbm>> -> memref<100000x768xf32, #tpu.memory_space<hbm>>
    tpu.enqueue_indirect_dma source(%dma_start3A_1093 : memref<100000x768xf32, #tpu.memory_space<hbm>>) target(%dma_start3A_1088 : memref<32x768xf32, #tpu.memory_space<vmem>>) offsets(%dma_start3A_1090 : memref<32xi32, #tpu.memory_space<vmem>>) semaphore(%arg7 : memref<!tpu.dma_semaphore, #tpu.memory_space<semaphore_mem>>)
    %dma_wait3A_1094 = arith.constant 96 : i32
    %dma_wait3A_1095 = arith.constant 0 : i32
    %dma_wait3A_1096 = tpu.memref_slice %arg6[%dma_wait3A_1094, %dma_wait3A_1095] : memref<128x768xf32, #tpu.memory_space<vmem>> -> memref<32x768xf32, #tpu.memory_space<vmem>>
    %dma_wait3A_1097 = arith.constant 0 : i32
    %dma_wait3A_1098 = tpu.memref_slice %arg5[%dma_wait3A_1097] : memref<1024xi32, #tpu.memory_space<vmem>> -> memref<32xi32, #tpu.memory_space<vmem>>
    %dma_wait3A_1099 = arith.constant 0 : i32
    %dma_wait3A_1100 = arith.constant 0 : i32
    %dma_wait3A_1101 = tpu.memref_slice %arg3[%dma_wait3A_1099, %dma_wait3A_1100] : memref<100000x768xf32, #tpu.memory_space<hbm>> -> memref<100000x768xf32, #tpu.memory_space<hbm>>
    tpu.wait_indirect_dma semaphore(%arg10 : memref<!tpu.dma_semaphore, #tpu.memory_space<semaphore_mem>>) src(%dma_wait3A_1101 : memref<100000x768xf32, #tpu.memory_space<hbm>>) dst(%dma_wait3A_1096 : memref<32x768xf32, #tpu.memory_space<vmem>>)
    %get3A_1102 = arith.constant 672 : index
    %get3A_1103 = tpu.vector_load %arg5[%get3A_1102] {strides = array<i32>} : memref<1024xi32, #tpu.memory_space<vmem>>, vector<16xi32>,
    %get3A_1104 = vector.shape_cast %get3A_1103 : vector<16xi32> to vector<16xi32>
    %eq3A_1105 = arith.constant 99999 : i32
    %eq3A_1106 = vector.broadcast %eq3A_1105 : i32 to vector<16xi32>
    %eq3A_1107 = arith.cmpi eq, %get3A_1104, %eq3A_1106 : vector<16xi32>
    %jit3A_1108 = arith.constant 1 : i32
    %broadcast_in_dim3A_1109 = vector.broadcast %jit3A_1108 : i32 to vector<16xi32>
    %select_n3A_1110 = arith.select %eq3A_1107, %broadcast_in_dim3A_1109, %get3A_1104 : vector<16xi1>, vector<16xi32>
    %swap3A_1111 = arith.constant 672 : index
    %swap3A_1112 = tpu.vector_load %arg5[%swap3A_1111] {strides = array<i32>} : memref<1024xi32, #tpu.memory_space<vmem>>, vector<16xi32>,
    %swap3A_1113 = vector.shape_cast %swap3A_1112 : vector<16xi32> to vector<16xi32>
    %swap3A_1114 = vector.shape_cast %select_n3A_1110 : vector<16xi32> to vector<16xi32>
    tpu.vector_store %arg5[%swap3A_1111], %swap3A_1114 {strides = array<i32>} : memref<1024xi32, #tpu.memory_space<vmem>>, vector<16xi32>,
    %get3A_1115 = arith.constant 688 : index
    %get3A_1116 = tpu.vector_load %arg5[%get3A_1115] {strides = array<i32>} : memref<1024xi32, #tpu.memory_space<vmem>>, vector<16xi32>,
    %get3A_1117 = vector.shape_cast %get3A_1116 : vector<16xi32> to vector<16xi32>
    %eq3A_1118 = arith.constant 99999 : i32
    %eq3A_1119 = vector.broadcast %eq3A_1118 : i32 to vector<16xi32>
    %eq3A_1120 = arith.cmpi eq, %get3A_1117, %eq3A_1119 : vector<16xi32>
    %jit3A_1121 = arith.constant 1 : i32
    %broadcast_in_dim3A_1122 = vector.broadcast %jit3A_1121 : i32 to vector<16xi32>
    %select_n3A_1123 = arith.select %eq3A_1120, %broadcast_in_dim3A_1122, %get3A_1117 : vector<16xi1>, vector<16xi32>
    %swap3A_1124 = arith.constant 688 : index
    %swap3A_1125 = tpu.vector_load %arg5[%swap3A_1124] {strides = array<i32>} : memref<1024xi32, #tpu.memory_space<vmem>>, vector<16xi32>,
    %swap3A_1126 = vector.shape_cast %swap3A_1125 : vector<16xi32> to vector<16xi32>
    %swap3A_1127 = vector.shape_cast %select_n3A_1123 : vector<16xi32> to vector<16xi32>
    tpu.vector_store %arg5[%swap3A_1124], %swap3A_1127 {strides = array<i32>} : memref<1024xi32, #tpu.memory_space<vmem>>, vector<16xi32>,
    %dma_start3A_1128 = arith.constant 32 : i32
    %dma_start3A_1129 = arith.constant 0 : i32
    %dma_start3A_1130 = tpu.memref_slice %arg6[%dma_start3A_1128, %dma_start3A_1129] : memref<128x768xf32, #tpu.memory_space<vmem>> -> memref<32x768xf32, #tpu.memory_space<vmem>>
    %dma_start3A_1131 = arith.constant 672 : i32
    %dma_start3A_1132 = tpu.memref_slice %arg5[%dma_start3A_1131] : memref<1024xi32, #tpu.memory_space<vmem>> -> memref<32xi32, #tpu.memory_space<vmem>>
    %dma_start3A_1133 = arith.constant 0 : i32
    %dma_start3A_1134 = arith.constant 0 : i32
    %dma_start3A_1135 = tpu.memref_slice %arg3[%dma_start3A_1133, %dma_start3A_1134] : memref<100000x768xf32, #tpu.memory_space<hbm>> -> memref<100000x768xf32, #tpu.memory_space<hbm>>
    tpu.enqueue_indirect_dma source(%dma_start3A_1135 : memref<100000x768xf32, #tpu.memory_space<hbm>>) target(%dma_start3A_1130 : memref<32x768xf32, #tpu.memory_space<vmem>>) offsets(%dma_start3A_1132 : memref<32xi32, #tpu.memory_space<vmem>>) semaphore(%arg8 : memref<!tpu.dma_semaphore, #tpu.memory_space<semaphore_mem>>)
    %add3A_1136 = arith.constant 576 : i32
    %add3A_1137 = arith.addi %mul3A_32, %add3A_1136 : i32
    %dma_start3A_1138 = arith.constant 64 : i32
    %dma_start3A_1139 = arith.constant 0 : i32
    %dma_start3A_1140 = tpu.memref_slice %arg6[%dma_start3A_1138, %dma_start3A_1139] : memref<128x768xf32, #tpu.memory_space<vmem>> -> memref<64x768xf32, #tpu.memory_space<vmem>>
    %dma_start3A_1141 = arith.constant 0 : i32
    %dma_start3A_1142 = tpu.memref_slice %arg4[%add3A_1137, %dma_start3A_1141] : memref<32768x768xf32, #tpu.memory_space<hbm>> -> memref<64x768xf32, #tpu.memory_space<hbm>>
    %dma_start3A_1143 = arith.constant 0 : i32
    %dma_start3A_1144 = tpu.memref_slice %arg4[%add3A_1137, %dma_start3A_1143] : memref<32768x768xf32, #tpu.memory_space<hbm>> -> memref<64x768xf32, #tpu.memory_space<hbm>>
    %dma_start3A_1145 = arith.constant 64 : i32
    %dma_start3A_1146 = arith.constant 0 : i32
    %dma_start3A_1147 = tpu.memref_slice %arg6[%dma_start3A_1145, %dma_start3A_1146] : memref<128x768xf32, #tpu.memory_space<vmem>> -> memref<64x768xf32, #tpu.memory_space<vmem>>
    tpu.enqueue_dma source(%dma_start3A_1147 : memref<64x768xf32, #tpu.memory_space<vmem>>) target(%dma_start3A_1144 : memref<64x768xf32, #tpu.memory_space<hbm>>) target_semaphore(%arg12 : memref<!tpu.dma_semaphore, #tpu.memory_space<semaphore_mem>>)
    %dma_wait3A_1148 = arith.constant 0 : i32
    %dma_wait3A_1149 = arith.constant 0 : i32
    %dma_wait3A_1150 = tpu.memref_slice %arg6[%dma_wait3A_1148, %dma_wait3A_1149] : memref<128x768xf32, #tpu.memory_space<vmem>> -> memref<32x768xf32, #tpu.memory_space<vmem>>
    %dma_wait3A_1151 = arith.constant 0 : i32
    %dma_wait3A_1152 = tpu.memref_slice %arg5[%dma_wait3A_1151] : memref<1024xi32, #tpu.memory_space<vmem>> -> memref<32xi32, #tpu.memory_space<vmem>>
    %dma_wait3A_1153 = arith.constant 0 : i32
    %dma_wait3A_1154 = arith.constant 0 : i32
    %dma_wait3A_1155 = tpu.memref_slice %arg3[%dma_wait3A_1153, %dma_wait3A_1154] : memref<100000x768xf32, #tpu.memory_space<hbm>> -> memref<100000x768xf32, #tpu.memory_space<hbm>>
    tpu.wait_indirect_dma semaphore(%arg7 : memref<!tpu.dma_semaphore, #tpu.memory_space<semaphore_mem>>) src(%dma_wait3A_1155 : memref<100000x768xf32, #tpu.memory_space<hbm>>) dst(%dma_wait3A_1150 : memref<32x768xf32, #tpu.memory_space<vmem>>)
    %dma_wait3A_1156 = arith.constant 64 : i32
    %dma_wait3A_1157 = arith.constant 0 : i32
    %dma_wait3A_1158 = tpu.memref_slice %arg6[%dma_wait3A_1156, %dma_wait3A_1157] : memref<128x768xf32, #tpu.memory_space<vmem>> -> memref<64x768xf32, #tpu.memory_space<vmem>>
    %dma_wait3A_1159 = arith.constant 0 : i32
    %dma_wait3A_1160 = tpu.memref_slice %arg4[%mul3A_32, %dma_wait3A_1159] : memref<32768x768xf32, #tpu.memory_space<hbm>> -> memref<64x768xf32, #tpu.memory_space<hbm>>
    %dma_wait3A_1161 = arith.constant 0 : i32
    %dma_wait3A_1162 = tpu.memref_slice %arg4[%mul3A_32, %dma_wait3A_1161] : memref<32768x768xf32, #tpu.memory_space<hbm>> -> memref<64x768xf32, #tpu.memory_space<hbm>>
    %dma_wait3A_1163 = arith.constant 64 : i32
    %dma_wait3A_1164 = arith.constant 0 : i32
    %dma_wait3A_1165 = tpu.memref_slice %arg6[%dma_wait3A_1163, %dma_wait3A_1164] : memref<128x768xf32, #tpu.memory_space<vmem>> -> memref<64x768xf32, #tpu.memory_space<vmem>>
    tpu.wait_dma2 semaphore(%arg12 : memref<!tpu.dma_semaphore, #tpu.memory_space<semaphore_mem>>) src(%dma_wait3A_1165 : memref<64x768xf32, #tpu.memory_space<vmem>>) dst(%dma_wait3A_1162 : memref<64x768xf32, #tpu.memory_space<hbm>>)
    %get3A_1166 = arith.constant 704 : index
    %get3A_1167 = tpu.vector_load %arg5[%get3A_1166] {strides = array<i32>} : memref<1024xi32, #tpu.memory_space<vmem>>, vector<16xi32>,
    %get3A_1168 = vector.shape_cast %get3A_1167 : vector<16xi32> to vector<16xi32>
    %eq3A_1169 = arith.constant 99999 : i32
    %eq3A_1170 = vector.broadcast %eq3A_1169 : i32 to vector<16xi32>
    %eq3A_1171 = arith.cmpi eq, %get3A_1168, %eq3A_1170 : vector<16xi32>
    %jit3A_1172 = arith.constant 1 : i32
    %broadcast_in_dim3A_1173 = vector.broadcast %jit3A_1172 : i32 to vector<16xi32>
    %select_n3A_1174 = arith.select %eq3A_1171, %broadcast_in_dim3A_1173, %get3A_1168 : vector<16xi1>, vector<16xi32>
    %swap3A_1175 = arith.constant 704 : index
    %swap3A_1176 = tpu.vector_load %arg5[%swap3A_1175] {strides = array<i32>} : memref<1024xi32, #tpu.memory_space<vmem>>, vector<16xi32>,
    %swap3A_1177 = vector.shape_cast %swap3A_1176 : vector<16xi32> to vector<16xi32>
    %swap3A_1178 = vector.shape_cast %select_n3A_1174 : vector<16xi32> to vector<16xi32>
    tpu.vector_store %arg5[%swap3A_1175], %swap3A_1178 {strides = array<i32>} : memref<1024xi32, #tpu.memory_space<vmem>>, vector<16xi32>,
    %get3A_1179 = arith.constant 720 : index
    %get3A_1180 = tpu.vector_load %arg5[%get3A_1179] {strides = array<i32>} : memref<1024xi32, #tpu.memory_space<vmem>>, vector<16xi32>,
    %get3A_1181 = vector.shape_cast %get3A_1180 : vector<16xi32> to vector<16xi32>
    %eq3A_1182 = arith.constant 99999 : i32
    %eq3A_1183 = vector.broadcast %eq3A_1182 : i32 to vector<16xi32>
    %eq3A_1184 = arith.cmpi eq, %get3A_1181, %eq3A_1183 : vector<16xi32>
    %jit3A_1185 = arith.constant 1 : i32
    %broadcast_in_dim3A_1186 = vector.broadcast %jit3A_1185 : i32 to vector<16xi32>
    %select_n3A_1187 = arith.select %eq3A_1184, %broadcast_in_dim3A_1186, %get3A_1181 : vector<16xi1>, vector<16xi32>
    %swap3A_1188 = arith.constant 720 : index
    %swap3A_1189 = tpu.vector_load %arg5[%swap3A_1188] {strides = array<i32>} : memref<1024xi32, #tpu.memory_space<vmem>>, vector<16xi32>,
    %swap3A_1190 = vector.shape_cast %swap3A_1189 : vector<16xi32> to vector<16xi32>
    %swap3A_1191 = vector.shape_cast %select_n3A_1187 : vector<16xi32> to vector<16xi32>
    tpu.vector_store %arg5[%swap3A_1188], %swap3A_1191 {strides = array<i32>} : memref<1024xi32, #tpu.memory_space<vmem>>, vector<16xi32>,
    %dma_start3A_1192 = arith.constant 64 : i32
    %dma_start3A_1193 = arith.constant 0 : i32
    %dma_start3A_1194 = tpu.memref_slice %arg6[%dma_start3A_1192, %dma_start3A_1193] : memref<128x768xf32, #tpu.memory_space<vmem>> -> memref<32x768xf32, #tpu.memory_space<vmem>>
    %dma_start3A_1195 = arith.constant 704 : i32
    %dma_start3A_1196 = tpu.memref_slice %arg5[%dma_start3A_1195] : memref<1024xi32, #tpu.memory_space<vmem>> -> memref<32xi32, #tpu.memory_space<vmem>>
    %dma_start3A_1197 = arith.constant 0 : i32
    %dma_start3A_1198 = arith.constant 0 : i32
    %dma_start3A_1199 = tpu.memref_slice %arg3[%dma_start3A_1197, %dma_start3A_1198] : memref<100000x768xf32, #tpu.memory_space<hbm>> -> memref<100000x768xf32, #tpu.memory_space<hbm>>
    tpu.enqueue_indirect_dma source(%dma_start3A_1199 : memref<100000x768xf32, #tpu.memory_space<hbm>>) target(%dma_start3A_1194 : memref<32x768xf32, #tpu.memory_space<vmem>>) offsets(%dma_start3A_1196 : memref<32xi32, #tpu.memory_space<vmem>>) semaphore(%arg9 : memref<!tpu.dma_semaphore, #tpu.memory_space<semaphore_mem>>)
    %dma_wait3A_1200 = arith.constant 32 : i32
    %dma_wait3A_1201 = arith.constant 0 : i32
    %dma_wait3A_1202 = tpu.memref_slice %arg6[%dma_wait3A_1200, %dma_wait3A_1201] : memref<128x768xf32, #tpu.memory_space<vmem>> -> memref<32x768xf32, #tpu.memory_space<vmem>>
    %dma_wait3A_1203 = arith.constant 0 : i32
    %dma_wait3A_1204 = tpu.memref_slice %arg5[%dma_wait3A_1203] : memref<1024xi32, #tpu.memory_space<vmem>> -> memref<32xi32, #tpu.memory_space<vmem>>
    %dma_wait3A_1205 = arith.constant 0 : i32
    %dma_wait3A_1206 = arith.constant 0 : i32
    %dma_wait3A_1207 = tpu.memref_slice %arg3[%dma_wait3A_1205, %dma_wait3A_1206] : memref<100000x768xf32, #tpu.memory_space<hbm>> -> memref<100000x768xf32, #tpu.memory_space<hbm>>
    tpu.wait_indirect_dma semaphore(%arg8 : memref<!tpu.dma_semaphore, #tpu.memory_space<semaphore_mem>>) src(%dma_wait3A_1207 : memref<100000x768xf32, #tpu.memory_space<hbm>>) dst(%dma_wait3A_1202 : memref<32x768xf32, #tpu.memory_space<vmem>>)
    %get3A_1208 = arith.constant 736 : index
    %get3A_1209 = tpu.vector_load %arg5[%get3A_1208] {strides = array<i32>} : memref<1024xi32, #tpu.memory_space<vmem>>, vector<16xi32>,
    %get3A_1210 = vector.shape_cast %get3A_1209 : vector<16xi32> to vector<16xi32>
    %eq3A_1211 = arith.constant 99999 : i32
    %eq3A_1212 = vector.broadcast %eq3A_1211 : i32 to vector<16xi32>
    %eq3A_1213 = arith.cmpi eq, %get3A_1210, %eq3A_1212 : vector<16xi32>
    %jit3A_1214 = arith.constant 1 : i32
    %broadcast_in_dim3A_1215 = vector.broadcast %jit3A_1214 : i32 to vector<16xi32>
    %select_n3A_1216 = arith.select %eq3A_1213, %broadcast_in_dim3A_1215, %get3A_1210 : vector<16xi1>, vector<16xi32>
    %swap3A_1217 = arith.constant 736 : index
    %swap3A_1218 = tpu.vector_load %arg5[%swap3A_1217] {strides = array<i32>} : memref<1024xi32, #tpu.memory_space<vmem>>, vector<16xi32>,
    %swap3A_1219 = vector.shape_cast %swap3A_1218 : vector<16xi32> to vector<16xi32>
    %swap3A_1220 = vector.shape_cast %select_n3A_1216 : vector<16xi32> to vector<16xi32>
    tpu.vector_store %arg5[%swap3A_1217], %swap3A_1220 {strides = array<i32>} : memref<1024xi32, #tpu.memory_space<vmem>>, vector<16xi32>,
    %get3A_1221 = arith.constant 752 : index
    %get3A_1222 = tpu.vector_load %arg5[%get3A_1221] {strides = array<i32>} : memref<1024xi32, #tpu.memory_space<vmem>>, vector<16xi32>,
    %get3A_1223 = vector.shape_cast %get3A_1222 : vector<16xi32> to vector<16xi32>
    %eq3A_1224 = arith.constant 99999 : i32
    %eq3A_1225 = vector.broadcast %eq3A_1224 : i32 to vector<16xi32>
    %eq3A_1226 = arith.cmpi eq, %get3A_1223, %eq3A_1225 : vector<16xi32>
    %jit3A_1227 = arith.constant 1 : i32
    %broadcast_in_dim3A_1228 = vector.broadcast %jit3A_1227 : i32 to vector<16xi32>
    %select_n3A_1229 = arith.select %eq3A_1226, %broadcast_in_dim3A_1228, %get3A_1223 : vector<16xi1>, vector<16xi32>
    %swap3A_1230 = arith.constant 752 : index
    %swap3A_1231 = tpu.vector_load %arg5[%swap3A_1230] {strides = array<i32>} : memref<1024xi32, #tpu.memory_space<vmem>>, vector<16xi32>,
    %swap3A_1232 = vector.shape_cast %swap3A_1231 : vector<16xi32> to vector<16xi32>
    %swap3A_1233 = vector.shape_cast %select_n3A_1229 : vector<16xi32> to vector<16xi32>
    tpu.vector_store %arg5[%swap3A_1230], %swap3A_1233 {strides = array<i32>} : memref<1024xi32, #tpu.memory_space<vmem>>, vector<16xi32>,
    %dma_start3A_1234 = arith.constant 96 : i32
    %dma_start3A_1235 = arith.constant 0 : i32
    %dma_start3A_1236 = tpu.memref_slice %arg6[%dma_start3A_1234, %dma_start3A_1235] : memref<128x768xf32, #tpu.memory_space<vmem>> -> memref<32x768xf32, #tpu.memory_space<vmem>>
    %dma_start3A_1237 = arith.constant 736 : i32
    %dma_start3A_1238 = tpu.memref_slice %arg5[%dma_start3A_1237] : memref<1024xi32, #tpu.memory_space<vmem>> -> memref<32xi32, #tpu.memory_space<vmem>>
    %dma_start3A_1239 = arith.constant 0 : i32
    %dma_start3A_1240 = arith.constant 0 : i32
    %dma_start3A_1241 = tpu.memref_slice %arg3[%dma_start3A_1239, %dma_start3A_1240] : memref<100000x768xf32, #tpu.memory_space<hbm>> -> memref<100000x768xf32, #tpu.memory_space<hbm>>
    tpu.enqueue_indirect_dma source(%dma_start3A_1241 : memref<100000x768xf32, #tpu.memory_space<hbm>>) target(%dma_start3A_1236 : memref<32x768xf32, #tpu.memory_space<vmem>>) offsets(%dma_start3A_1238 : memref<32xi32, #tpu.memory_space<vmem>>) semaphore(%arg10 : memref<!tpu.dma_semaphore, #tpu.memory_space<semaphore_mem>>)
    %add3A_1242 = arith.constant 640 : i32
    %add3A_1243 = arith.addi %mul3A_32, %add3A_1242 : i32
    %dma_start3A_1244 = arith.constant 0 : i32
    %dma_start3A_1245 = arith.constant 0 : i32
    %dma_start3A_1246 = tpu.memref_slice %arg6[%dma_start3A_1244, %dma_start3A_1245] : memref<128x768xf32, #tpu.memory_space<vmem>> -> memref<64x768xf32, #tpu.memory_space<vmem>>
    %dma_start3A_1247 = arith.constant 0 : i32
    %dma_start3A_1248 = tpu.memref_slice %arg4[%add3A_1243, %dma_start3A_1247] : memref<32768x768xf32, #tpu.memory_space<hbm>> -> memref<64x768xf32, #tpu.memory_space<hbm>>
    %dma_start3A_1249 = arith.constant 0 : i32
    %dma_start3A_1250 = tpu.memref_slice %arg4[%add3A_1243, %dma_start3A_1249] : memref<32768x768xf32, #tpu.memory_space<hbm>> -> memref<64x768xf32, #tpu.memory_space<hbm>>
    %dma_start3A_1251 = arith.constant 0 : i32
    %dma_start3A_1252 = arith.constant 0 : i32
    %dma_start3A_1253 = tpu.memref_slice %arg6[%dma_start3A_1251, %dma_start3A_1252] : memref<128x768xf32, #tpu.memory_space<vmem>> -> memref<64x768xf32, #tpu.memory_space<vmem>>
    tpu.enqueue_dma source(%dma_start3A_1253 : memref<64x768xf32, #tpu.memory_space<vmem>>) target(%dma_start3A_1250 : memref<64x768xf32, #tpu.memory_space<hbm>>) target_semaphore(%arg11 : memref<!tpu.dma_semaphore, #tpu.memory_space<semaphore_mem>>)
    %dma_wait3A_1254 = arith.constant 64 : i32
    %dma_wait3A_1255 = arith.constant 0 : i32
    %dma_wait3A_1256 = tpu.memref_slice %arg6[%dma_wait3A_1254, %dma_wait3A_1255] : memref<128x768xf32, #tpu.memory_space<vmem>> -> memref<32x768xf32, #tpu.memory_space<vmem>>
    %dma_wait3A_1257 = arith.constant 0 : i32
    %dma_wait3A_1258 = tpu.memref_slice %arg5[%dma_wait3A_1257] : memref<1024xi32, #tpu.memory_space<vmem>> -> memref<32xi32, #tpu.memory_space<vmem>>
    %dma_wait3A_1259 = arith.constant 0 : i32
    %dma_wait3A_1260 = arith.constant 0 : i32
    %dma_wait3A_1261 = tpu.memref_slice %arg3[%dma_wait3A_1259, %dma_wait3A_1260] : memref<100000x768xf32, #tpu.memory_space<hbm>> -> memref<100000x768xf32, #tpu.memory_space<hbm>>
    tpu.wait_indirect_dma semaphore(%arg9 : memref<!tpu.dma_semaphore, #tpu.memory_space<semaphore_mem>>) src(%dma_wait3A_1261 : memref<100000x768xf32, #tpu.memory_space<hbm>>) dst(%dma_wait3A_1256 : memref<32x768xf32, #tpu.memory_space<vmem>>)
    %dma_wait3A_1262 = arith.constant 0 : i32
    %dma_wait3A_1263 = arith.constant 0 : i32
    %dma_wait3A_1264 = tpu.memref_slice %arg6[%dma_wait3A_1262, %dma_wait3A_1263] : memref<128x768xf32, #tpu.memory_space<vmem>> -> memref<64x768xf32, #tpu.memory_space<vmem>>
    %dma_wait3A_1265 = arith.constant 0 : i32
    %dma_wait3A_1266 = tpu.memref_slice %arg4[%mul3A_32, %dma_wait3A_1265] : memref<32768x768xf32, #tpu.memory_space<hbm>> -> memref<64x768xf32, #tpu.memory_space<hbm>>
    %dma_wait3A_1267 = arith.constant 0 : i32
    %dma_wait3A_1268 = tpu.memref_slice %arg4[%mul3A_32, %dma_wait3A_1267] : memref<32768x768xf32, #tpu.memory_space<hbm>> -> memref<64x768xf32, #tpu.memory_space<hbm>>
    %dma_wait3A_1269 = arith.constant 0 : i32
    %dma_wait3A_1270 = arith.constant 0 : i32
    %dma_wait3A_1271 = tpu.memref_slice %arg6[%dma_wait3A_1269, %dma_wait3A_1270] : memref<128x768xf32, #tpu.memory_space<vmem>> -> memref<64x768xf32, #tpu.memory_space<vmem>>
    tpu.wait_dma2 semaphore(%arg11 : memref<!tpu.dma_semaphore, #tpu.memory_space<semaphore_mem>>) src(%dma_wait3A_1271 : memref<64x768xf32, #tpu.memory_space<vmem>>) dst(%dma_wait3A_1268 : memref<64x768xf32, #tpu.memory_space<hbm>>)
    %get3A_1272 = arith.constant 768 : index
    %get3A_1273 = tpu.vector_load %arg5[%get3A_1272] {strides = array<i32>} : memref<1024xi32, #tpu.memory_space<vmem>>, vector<16xi32>,
    %get3A_1274 = vector.shape_cast %get3A_1273 : vector<16xi32> to vector<16xi32>
    %eq3A_1275 = arith.constant 99999 : i32
    %eq3A_1276 = vector.broadcast %eq3A_1275 : i32 to vector<16xi32>
    %eq3A_1277 = arith.cmpi eq, %get3A_1274, %eq3A_1276 : vector<16xi32>
    %jit3A_1278 = arith.constant 1 : i32
    %broadcast_in_dim3A_1279 = vector.broadcast %jit3A_1278 : i32 to vector<16xi32>
    %select_n3A_1280 = arith.select %eq3A_1277, %broadcast_in_dim3A_1279, %get3A_1274 : vector<16xi1>, vector<16xi32>
    %swap3A_1281 = arith.constant 768 : index
    %swap3A_1282 = tpu.vector_load %arg5[%swap3A_1281] {strides = array<i32>} : memref<1024xi32, #tpu.memory_space<vmem>>, vector<16xi32>,
    %swap3A_1283 = vector.shape_cast %swap3A_1282 : vector<16xi32> to vector<16xi32>
    %swap3A_1284 = vector.shape_cast %select_n3A_1280 : vector<16xi32> to vector<16xi32>
    tpu.vector_store %arg5[%swap3A_1281], %swap3A_1284 {strides = array<i32>} : memref<1024xi32, #tpu.memory_space<vmem>>, vector<16xi32>,
    %get3A_1285 = arith.constant 784 : index
    %get3A_1286 = tpu.vector_load %arg5[%get3A_1285] {strides = array<i32>} : memref<1024xi32, #tpu.memory_space<vmem>>, vector<16xi32>,
    %get3A_1287 = vector.shape_cast %get3A_1286 : vector<16xi32> to vector<16xi32>
    %eq3A_1288 = arith.constant 99999 : i32
    %eq3A_1289 = vector.broadcast %eq3A_1288 : i32 to vector<16xi32>
    %eq3A_1290 = arith.cmpi eq, %get3A_1287, %eq3A_1289 : vector<16xi32>
    %jit3A_1291 = arith.constant 1 : i32
    %broadcast_in_dim3A_1292 = vector.broadcast %jit3A_1291 : i32 to vector<16xi32>
    %select_n3A_1293 = arith.select %eq3A_1290, %broadcast_in_dim3A_1292, %get3A_1287 : vector<16xi1>, vector<16xi32>
    %swap3A_1294 = arith.constant 784 : index
    %swap3A_1295 = tpu.vector_load %arg5[%swap3A_1294] {strides = array<i32>} : memref<1024xi32, #tpu.memory_space<vmem>>, vector<16xi32>,
    %swap3A_1296 = vector.shape_cast %swap3A_1295 : vector<16xi32> to vector<16xi32>
    %swap3A_1297 = vector.shape_cast %select_n3A_1293 : vector<16xi32> to vector<16xi32>
    tpu.vector_store %arg5[%swap3A_1294], %swap3A_1297 {strides = array<i32>} : memref<1024xi32, #tpu.memory_space<vmem>>, vector<16xi32>,
    %dma_start3A_1298 = arith.constant 0 : i32
    %dma_start3A_1299 = arith.constant 0 : i32
    %dma_start3A_1300 = tpu.memref_slice %arg6[%dma_start3A_1298, %dma_start3A_1299] : memref<128x768xf32, #tpu.memory_space<vmem>> -> memref<32x768xf32, #tpu.memory_space<vmem>>
    %dma_start3A_1301 = arith.constant 768 : i32
    %dma_start3A_1302 = tpu.memref_slice %arg5[%dma_start3A_1301] : memref<1024xi32, #tpu.memory_space<vmem>> -> memref<32xi32, #tpu.memory_space<vmem>>
    %dma_start3A_1303 = arith.constant 0 : i32
    %dma_start3A_1304 = arith.constant 0 : i32
    %dma_start3A_1305 = tpu.memref_slice %arg3[%dma_start3A_1303, %dma_start3A_1304] : memref<100000x768xf32, #tpu.memory_space<hbm>> -> memref<100000x768xf32, #tpu.memory_space<hbm>>
    tpu.enqueue_indirect_dma source(%dma_start3A_1305 : memref<100000x768xf32, #tpu.memory_space<hbm>>) target(%dma_start3A_1300 : memref<32x768xf32, #tpu.memory_space<vmem>>) offsets(%dma_start3A_1302 : memref<32xi32, #tpu.memory_space<vmem>>) semaphore(%arg7 : memref<!tpu.dma_semaphore, #tpu.memory_space<semaphore_mem>>)
    %dma_wait3A_1306 = arith.constant 96 : i32
    %dma_wait3A_1307 = arith.constant 0 : i32
    %dma_wait3A_1308 = tpu.memref_slice %arg6[%dma_wait3A_1306, %dma_wait3A_1307] : memref<128x768xf32, #tpu.memory_space<vmem>> -> memref<32x768xf32, #tpu.memory_space<vmem>>
    %dma_wait3A_1309 = arith.constant 0 : i32
    %dma_wait3A_1310 = tpu.memref_slice %arg5[%dma_wait3A_1309] : memref<1024xi32, #tpu.memory_space<vmem>> -> memref<32xi32, #tpu.memory_space<vmem>>
    %dma_wait3A_1311 = arith.constant 0 : i32
    %dma_wait3A_1312 = arith.constant 0 : i32
    %dma_wait3A_1313 = tpu.memref_slice %arg3[%dma_wait3A_1311, %dma_wait3A_1312] : memref<100000x768xf32, #tpu.memory_space<hbm>> -> memref<100000x768xf32, #tpu.memory_space<hbm>>
    tpu.wait_indirect_dma semaphore(%arg10 : memref<!tpu.dma_semaphore, #tpu.memory_space<semaphore_mem>>) src(%dma_wait3A_1313 : memref<100000x768xf32, #tpu.memory_space<hbm>>) dst(%dma_wait3A_1308 : memref<32x768xf32, #tpu.memory_space<vmem>>)
    %get3A_1314 = arith.constant 800 : index
    %get3A_1315 = tpu.vector_load %arg5[%get3A_1314] {strides = array<i32>} : memref<1024xi32, #tpu.memory_space<vmem>>, vector<16xi32>,
    %get3A_1316 = vector.shape_cast %get3A_1315 : vector<16xi32> to vector<16xi32>
    %eq3A_1317 = arith.constant 99999 : i32
    %eq3A_1318 = vector.broadcast %eq3A_1317 : i32 to vector<16xi32>
    %eq3A_1319 = arith.cmpi eq, %get3A_1316, %eq3A_1318 : vector<16xi32>
    %jit3A_1320 = arith.constant 1 : i32
    %broadcast_in_dim3A_1321 = vector.broadcast %jit3A_1320 : i32 to vector<16xi32>
    %select_n3A_1322 = arith.select %eq3A_1319, %broadcast_in_dim3A_1321, %get3A_1316 : vector<16xi1>, vector<16xi32>
    %swap3A_1323 = arith.constant 800 : index
    %swap3A_1324 = tpu.vector_load %arg5[%swap3A_1323] {strides = array<i32>} : memref<1024xi32, #tpu.memory_space<vmem>>, vector<16xi32>,
    %swap3A_1325 = vector.shape_cast %swap3A_1324 : vector<16xi32> to vector<16xi32>
    %swap3A_1326 = vector.shape_cast %select_n3A_1322 : vector<16xi32> to vector<16xi32>
    tpu.vector_store %arg5[%swap3A_1323], %swap3A_1326 {strides = array<i32>} : memref<1024xi32, #tpu.memory_space<vmem>>, vector<16xi32>,
    %get3A_1327 = arith.constant 816 : index
    %get3A_1328 = tpu.vector_load %arg5[%get3A_1327] {strides = array<i32>} : memref<1024xi32, #tpu.memory_space<vmem>>, vector<16xi32>,
    %get3A_1329 = vector.shape_cast %get3A_1328 : vector<16xi32> to vector<16xi32>
    %eq3A_1330 = arith.constant 99999 : i32
    %eq3A_1331 = vector.broadcast %eq3A_1330 : i32 to vector<16xi32>
    %eq3A_1332 = arith.cmpi eq, %get3A_1329, %eq3A_1331 : vector<16xi32>
    %jit3A_1333 = arith.constant 1 : i32
    %broadcast_in_dim3A_1334 = vector.broadcast %jit3A_1333 : i32 to vector<16xi32>
    %select_n3A_1335 = arith.select %eq3A_1332, %broadcast_in_dim3A_1334, %get3A_1329 : vector<16xi1>, vector<16xi32>
    %swap3A_1336 = arith.constant 816 : index
    %swap3A_1337 = tpu.vector_load %arg5[%swap3A_1336] {strides = array<i32>} : memref<1024xi32, #tpu.memory_space<vmem>>, vector<16xi32>,
    %swap3A_1338 = vector.shape_cast %swap3A_1337 : vector<16xi32> to vector<16xi32>
    %swap3A_1339 = vector.shape_cast %select_n3A_1335 : vector<16xi32> to vector<16xi32>
    tpu.vector_store %arg5[%swap3A_1336], %swap3A_1339 {strides = array<i32>} : memref<1024xi32, #tpu.memory_space<vmem>>, vector<16xi32>,
    %dma_start3A_1340 = arith.constant 32 : i32
    %dma_start3A_1341 = arith.constant 0 : i32
    %dma_start3A_1342 = tpu.memref_slice %arg6[%dma_start3A_1340, %dma_start3A_1341] : memref<128x768xf32, #tpu.memory_space<vmem>> -> memref<32x768xf32, #tpu.memory_space<vmem>>
    %dma_start3A_1343 = arith.constant 800 : i32
    %dma_start3A_1344 = tpu.memref_slice %arg5[%dma_start3A_1343] : memref<1024xi32, #tpu.memory_space<vmem>> -> memref<32xi32, #tpu.memory_space<vmem>>
    %dma_start3A_1345 = arith.constant 0 : i32
    %dma_start3A_1346 = arith.constant 0 : i32
    %dma_start3A_1347 = tpu.memref_slice %arg3[%dma_start3A_1345, %dma_start3A_1346] : memref<100000x768xf32, #tpu.memory_space<hbm>> -> memref<100000x768xf32, #tpu.memory_space<hbm>>
    tpu.enqueue_indirect_dma source(%dma_start3A_1347 : memref<100000x768xf32, #tpu.memory_space<hbm>>) target(%dma_start3A_1342 : memref<32x768xf32, #tpu.memory_space<vmem>>) offsets(%dma_start3A_1344 : memref<32xi32, #tpu.memory_space<vmem>>) semaphore(%arg8 : memref<!tpu.dma_semaphore, #tpu.memory_space<semaphore_mem>>)
    %add3A_1348 = arith.constant 704 : i32
    %add3A_1349 = arith.addi %mul3A_32, %add3A_1348 : i32
    %dma_start3A_1350 = arith.constant 64 : i32
    %dma_start3A_1351 = arith.constant 0 : i32
    %dma_start3A_1352 = tpu.memref_slice %arg6[%dma_start3A_1350, %dma_start3A_1351] : memref<128x768xf32, #tpu.memory_space<vmem>> -> memref<64x768xf32, #tpu.memory_space<vmem>>
    %dma_start3A_1353 = arith.constant 0 : i32
    %dma_start3A_1354 = tpu.memref_slice %arg4[%add3A_1349, %dma_start3A_1353] : memref<32768x768xf32, #tpu.memory_space<hbm>> -> memref<64x768xf32, #tpu.memory_space<hbm>>
    %dma_start3A_1355 = arith.constant 0 : i32
    %dma_start3A_1356 = tpu.memref_slice %arg4[%add3A_1349, %dma_start3A_1355] : memref<32768x768xf32, #tpu.memory_space<hbm>> -> memref<64x768xf32, #tpu.memory_space<hbm>>
    %dma_start3A_1357 = arith.constant 64 : i32
    %dma_start3A_1358 = arith.constant 0 : i32
    %dma_start3A_1359 = tpu.memref_slice %arg6[%dma_start3A_1357, %dma_start3A_1358] : memref<128x768xf32, #tpu.memory_space<vmem>> -> memref<64x768xf32, #tpu.memory_space<vmem>>
    tpu.enqueue_dma source(%dma_start3A_1359 : memref<64x768xf32, #tpu.memory_space<vmem>>) target(%dma_start3A_1356 : memref<64x768xf32, #tpu.memory_space<hbm>>) target_semaphore(%arg12 : memref<!tpu.dma_semaphore, #tpu.memory_space<semaphore_mem>>)
    %dma_wait3A_1360 = arith.constant 0 : i32
    %dma_wait3A_1361 = arith.constant 0 : i32
    %dma_wait3A_1362 = tpu.memref_slice %arg6[%dma_wait3A_1360, %dma_wait3A_1361] : memref<128x768xf32, #tpu.memory_space<vmem>> -> memref<32x768xf32, #tpu.memory_space<vmem>>
    %dma_wait3A_1363 = arith.constant 0 : i32
    %dma_wait3A_1364 = tpu.memref_slice %arg5[%dma_wait3A_1363] : memref<1024xi32, #tpu.memory_space<vmem>> -> memref<32xi32, #tpu.memory_space<vmem>>
    %dma_wait3A_1365 = arith.constant 0 : i32
    %dma_wait3A_1366 = arith.constant 0 : i32
    %dma_wait3A_1367 = tpu.memref_slice %arg3[%dma_wait3A_1365, %dma_wait3A_1366] : memref<100000x768xf32, #tpu.memory_space<hbm>> -> memref<100000x768xf32, #tpu.memory_space<hbm>>
    tpu.wait_indirect_dma semaphore(%arg7 : memref<!tpu.dma_semaphore, #tpu.memory_space<semaphore_mem>>) src(%dma_wait3A_1367 : memref<100000x768xf32, #tpu.memory_space<hbm>>) dst(%dma_wait3A_1362 : memref<32x768xf32, #tpu.memory_space<vmem>>)
    %dma_wait3A_1368 = arith.constant 64 : i32
    %dma_wait3A_1369 = arith.constant 0 : i32
    %dma_wait3A_1370 = tpu.memref_slice %arg6[%dma_wait3A_1368, %dma_wait3A_1369] : memref<128x768xf32, #tpu.memory_space<vmem>> -> memref<64x768xf32, #tpu.memory_space<vmem>>
    %dma_wait3A_1371 = arith.constant 0 : i32
    %dma_wait3A_1372 = tpu.memref_slice %arg4[%mul3A_32, %dma_wait3A_1371] : memref<32768x768xf32, #tpu.memory_space<hbm>> -> memref<64x768xf32, #tpu.memory_space<hbm>>
    %dma_wait3A_1373 = arith.constant 0 : i32
    %dma_wait3A_1374 = tpu.memref_slice %arg4[%mul3A_32, %dma_wait3A_1373] : memref<32768x768xf32, #tpu.memory_space<hbm>> -> memref<64x768xf32, #tpu.memory_space<hbm>>
    %dma_wait3A_1375 = arith.constant 64 : i32
    %dma_wait3A_1376 = arith.constant 0 : i32
    %dma_wait3A_1377 = tpu.memref_slice %arg6[%dma_wait3A_1375, %dma_wait3A_1376] : memref<128x768xf32, #tpu.memory_space<vmem>> -> memref<64x768xf32, #tpu.memory_space<vmem>>
    tpu.wait_dma2 semaphore(%arg12 : memref<!tpu.dma_semaphore, #tpu.memory_space<semaphore_mem>>) src(%dma_wait3A_1377 : memref<64x768xf32, #tpu.memory_space<vmem>>) dst(%dma_wait3A_1374 : memref<64x768xf32, #tpu.memory_space<hbm>>)
    %get3A_1378 = arith.constant 832 : index
    %get3A_1379 = tpu.vector_load %arg5[%get3A_1378] {strides = array<i32>} : memref<1024xi32, #tpu.memory_space<vmem>>, vector<16xi32>,
    %get3A_1380 = vector.shape_cast %get3A_1379 : vector<16xi32> to vector<16xi32>
    %eq3A_1381 = arith.constant 99999 : i32
    %eq3A_1382 = vector.broadcast %eq3A_1381 : i32 to vector<16xi32>
    %eq3A_1383 = arith.cmpi eq, %get3A_1380, %eq3A_1382 : vector<16xi32>
    %jit3A_1384 = arith.constant 1 : i32
    %broadcast_in_dim3A_1385 = vector.broadcast %jit3A_1384 : i32 to vector<16xi32>
    %select_n3A_1386 = arith.select %eq3A_1383, %broadcast_in_dim3A_1385, %get3A_1380 : vector<16xi1>, vector<16xi32>
    %swap3A_1387 = arith.constant 832 : index
    %swap3A_1388 = tpu.vector_load %arg5[%swap3A_1387] {strides = array<i32>} : memref<1024xi32, #tpu.memory_space<vmem>>, vector<16xi32>,
    %swap3A_1389 = vector.shape_cast %swap3A_1388 : vector<16xi32> to vector<16xi32>
    %swap3A_1390 = vector.shape_cast %select_n3A_1386 : vector<16xi32> to vector<16xi32>
    tpu.vector_store %arg5[%swap3A_1387], %swap3A_1390 {strides = array<i32>} : memref<1024xi32, #tpu.memory_space<vmem>>, vector<16xi32>,
    %get3A_1391 = arith.constant 848 : index
    %get3A_1392 = tpu.vector_load %arg5[%get3A_1391] {strides = array<i32>} : memref<1024xi32, #tpu.memory_space<vmem>>, vector<16xi32>,
    %get3A_1393 = vector.shape_cast %get3A_1392 : vector<16xi32> to vector<16xi32>
    %eq3A_1394 = arith.constant 99999 : i32
    %eq3A_1395 = vector.broadcast %eq3A_1394 : i32 to vector<16xi32>
    %eq3A_1396 = arith.cmpi eq, %get3A_1393, %eq3A_1395 : vector<16xi32>
    %jit3A_1397 = arith.constant 1 : i32
    %broadcast_in_dim3A_1398 = vector.broadcast %jit3A_1397 : i32 to vector<16xi32>
    %select_n3A_1399 = arith.select %eq3A_1396, %broadcast_in_dim3A_1398, %get3A_1393 : vector<16xi1>, vector<16xi32>
    %swap3A_1400 = arith.constant 848 : index
    %swap3A_1401 = tpu.vector_load %arg5[%swap3A_1400] {strides = array<i32>} : memref<1024xi32, #tpu.memory_space<vmem>>, vector<16xi32>,
    %swap3A_1402 = vector.shape_cast %swap3A_1401 : vector<16xi32> to vector<16xi32>
    %swap3A_1403 = vector.shape_cast %select_n3A_1399 : vector<16xi32> to vector<16xi32>
    tpu.vector_store %arg5[%swap3A_1400], %swap3A_1403 {strides = array<i32>} : memref<1024xi32, #tpu.memory_space<vmem>>, vector<16xi32>,
    %dma_start3A_1404 = arith.constant 64 : i32
    %dma_start3A_1405 = arith.constant 0 : i32
    %dma_start3A_1406 = tpu.memref_slice %arg6[%dma_start3A_1404, %dma_start3A_1405] : memref<128x768xf32, #tpu.memory_space<vmem>> -> memref<32x768xf32, #tpu.memory_space<vmem>>
    %dma_start3A_1407 = arith.constant 832 : i32
    %dma_start3A_1408 = tpu.memref_slice %arg5[%dma_start3A_1407] : memref<1024xi32, #tpu.memory_space<vmem>> -> memref<32xi32, #tpu.memory_space<vmem>>
    %dma_start3A_1409 = arith.constant 0 : i32
    %dma_start3A_1410 = arith.constant 0 : i32
    %dma_start3A_1411 = tpu.memref_slice %arg3[%dma_start3A_1409, %dma_start3A_1410] : memref<100000x768xf32, #tpu.memory_space<hbm>> -> memref<100000x768xf32, #tpu.memory_space<hbm>>
    tpu.enqueue_indirect_dma source(%dma_start3A_1411 : memref<100000x768xf32, #tpu.memory_space<hbm>>) target(%dma_start3A_1406 : memref<32x768xf32, #tpu.memory_space<vmem>>) offsets(%dma_start3A_1408 : memref<32xi32, #tpu.memory_space<vmem>>) semaphore(%arg9 : memref<!tpu.dma_semaphore, #tpu.memory_space<semaphore_mem>>)
    %dma_wait3A_1412 = arith.constant 32 : i32
    %dma_wait3A_1413 = arith.constant 0 : i32
    %dma_wait3A_1414 = tpu.memref_slice %arg6[%dma_wait3A_1412, %dma_wait3A_1413] : memref<128x768xf32, #tpu.memory_space<vmem>> -> memref<32x768xf32, #tpu.memory_space<vmem>>
    %dma_wait3A_1415 = arith.constant 0 : i32
    %dma_wait3A_1416 = tpu.memref_slice %arg5[%dma_wait3A_1415] : memref<1024xi32, #tpu.memory_space<vmem>> -> memref<32xi32, #tpu.memory_space<vmem>>
    %dma_wait3A_1417 = arith.constant 0 : i32
    %dma_wait3A_1418 = arith.constant 0 : i32
    %dma_wait3A_1419 = tpu.memref_slice %arg3[%dma_wait3A_1417, %dma_wait3A_1418] : memref<100000x768xf32, #tpu.memory_space<hbm>> -> memref<100000x768xf32, #tpu.memory_space<hbm>>
    tpu.wait_indirect_dma semaphore(%arg8 : memref<!tpu.dma_semaphore, #tpu.memory_space<semaphore_mem>>) src(%dma_wait3A_1419 : memref<100000x768xf32, #tpu.memory_space<hbm>>) dst(%dma_wait3A_1414 : memref<32x768xf32, #tpu.memory_space<vmem>>)
    %get3A_1420 = arith.constant 864 : index
    %get3A_1421 = tpu.vector_load %arg5[%get3A_1420] {strides = array<i32>} : memref<1024xi32, #tpu.memory_space<vmem>>, vector<16xi32>,
    %get3A_1422 = vector.shape_cast %get3A_1421 : vector<16xi32> to vector<16xi32>
    %eq3A_1423 = arith.constant 99999 : i32
    %eq3A_1424 = vector.broadcast %eq3A_1423 : i32 to vector<16xi32>
    %eq3A_1425 = arith.cmpi eq, %get3A_1422, %eq3A_1424 : vector<16xi32>
    %jit3A_1426 = arith.constant 1 : i32
    %broadcast_in_dim3A_1427 = vector.broadcast %jit3A_1426 : i32 to vector<16xi32>
    %select_n3A_1428 = arith.select %eq3A_1425, %broadcast_in_dim3A_1427, %get3A_1422 : vector<16xi1>, vector<16xi32>
    %swap3A_1429 = arith.constant 864 : index
    %swap3A_1430 = tpu.vector_load %arg5[%swap3A_1429] {strides = array<i32>} : memref<1024xi32, #tpu.memory_space<vmem>>, vector<16xi32>,
    %swap3A_1431 = vector.shape_cast %swap3A_1430 : vector<16xi32> to vector<16xi32>
    %swap3A_1432 = vector.shape_cast %select_n3A_1428 : vector<16xi32> to vector<16xi32>
    tpu.vector_store %arg5[%swap3A_1429], %swap3A_1432 {strides = array<i32>} : memref<1024xi32, #tpu.memory_space<vmem>>, vector<16xi32>,
    %get3A_1433 = arith.constant 880 : index
    %get3A_1434 = tpu.vector_load %arg5[%get3A_1433] {strides = array<i32>} : memref<1024xi32, #tpu.memory_space<vmem>>, vector<16xi32>,
    %get3A_1435 = vector.shape_cast %get3A_1434 : vector<16xi32> to vector<16xi32>
    %eq3A_1436 = arith.constant 99999 : i32
    %eq3A_1437 = vector.broadcast %eq3A_1436 : i32 to vector<16xi32>
    %eq3A_1438 = arith.cmpi eq, %get3A_1435, %eq3A_1437 : vector<16xi32>
    %jit3A_1439 = arith.constant 1 : i32
    %broadcast_in_dim3A_1440 = vector.broadcast %jit3A_1439 : i32 to vector<16xi32>
    %select_n3A_1441 = arith.select %eq3A_1438, %broadcast_in_dim3A_1440, %get3A_1435 : vector<16xi1>, vector<16xi32>
    %swap3A_1442 = arith.constant 880 : index
    %swap3A_1443 = tpu.vector_load %arg5[%swap3A_1442] {strides = array<i32>} : memref<1024xi32, #tpu.memory_space<vmem>>, vector<16xi32>,
    %swap3A_1444 = vector.shape_cast %swap3A_1443 : vector<16xi32> to vector<16xi32>
    %swap3A_1445 = vector.shape_cast %select_n3A_1441 : vector<16xi32> to vector<16xi32>
    tpu.vector_store %arg5[%swap3A_1442], %swap3A_1445 {strides = array<i32>} : memref<1024xi32, #tpu.memory_space<vmem>>, vector<16xi32>,
    %dma_start3A_1446 = arith.constant 96 : i32
    %dma_start3A_1447 = arith.constant 0 : i32
    %dma_start3A_1448 = tpu.memref_slice %arg6[%dma_start3A_1446, %dma_start3A_1447] : memref<128x768xf32, #tpu.memory_space<vmem>> -> memref<32x768xf32, #tpu.memory_space<vmem>>
    %dma_start3A_1449 = arith.constant 864 : i32
    %dma_start3A_1450 = tpu.memref_slice %arg5[%dma_start3A_1449] : memref<1024xi32, #tpu.memory_space<vmem>> -> memref<32xi32, #tpu.memory_space<vmem>>
    %dma_start3A_1451 = arith.constant 0 : i32
    %dma_start3A_1452 = arith.constant 0 : i32
    %dma_start3A_1453 = tpu.memref_slice %arg3[%dma_start3A_1451, %dma_start3A_1452] : memref<100000x768xf32, #tpu.memory_space<hbm>> -> memref<100000x768xf32, #tpu.memory_space<hbm>>
    tpu.enqueue_indirect_dma source(%dma_start3A_1453 : memref<100000x768xf32, #tpu.memory_space<hbm>>) target(%dma_start3A_1448 : memref<32x768xf32, #tpu.memory_space<vmem>>) offsets(%dma_start3A_1450 : memref<32xi32, #tpu.memory_space<vmem>>) semaphore(%arg10 : memref<!tpu.dma_semaphore, #tpu.memory_space<semaphore_mem>>)
    %add3A_1454 = arith.constant 768 : i32
    %add3A_1455 = arith.addi %mul3A_32, %add3A_1454 : i32
    %dma_start3A_1456 = arith.constant 0 : i32
    %dma_start3A_1457 = arith.constant 0 : i32
    %dma_start3A_1458 = tpu.memref_slice %arg6[%dma_start3A_1456, %dma_start3A_1457] : memref<128x768xf32, #tpu.memory_space<vmem>> -> memref<64x768xf32, #tpu.memory_space<vmem>>
    %dma_start3A_1459 = arith.constant 0 : i32
    %dma_start3A_1460 = tpu.memref_slice %arg4[%add3A_1455, %dma_start3A_1459] : memref<32768x768xf32, #tpu.memory_space<hbm>> -> memref<64x768xf32, #tpu.memory_space<hbm>>
    %dma_start3A_1461 = arith.constant 0 : i32
    %dma_start3A_1462 = tpu.memref_slice %arg4[%add3A_1455, %dma_start3A_1461] : memref<32768x768xf32, #tpu.memory_space<hbm>> -> memref<64x768xf32, #tpu.memory_space<hbm>>
    %dma_start3A_1463 = arith.constant 0 : i32
    %dma_start3A_1464 = arith.constant 0 : i32
    %dma_start3A_1465 = tpu.memref_slice %arg6[%dma_start3A_1463, %dma_start3A_1464] : memref<128x768xf32, #tpu.memory_space<vmem>> -> memref<64x768xf32, #tpu.memory_space<vmem>>
    tpu.enqueue_dma source(%dma_start3A_1465 : memref<64x768xf32, #tpu.memory_space<vmem>>) target(%dma_start3A_1462 : memref<64x768xf32, #tpu.memory_space<hbm>>) target_semaphore(%arg11 : memref<!tpu.dma_semaphore, #tpu.memory_space<semaphore_mem>>)
    %dma_wait3A_1466 = arith.constant 64 : i32
    %dma_wait3A_1467 = arith.constant 0 : i32
    %dma_wait3A_1468 = tpu.memref_slice %arg6[%dma_wait3A_1466, %dma_wait3A_1467] : memref<128x768xf32, #tpu.memory_space<vmem>> -> memref<32x768xf32, #tpu.memory_space<vmem>>
    %dma_wait3A_1469 = arith.constant 0 : i32
    %dma_wait3A_1470 = tpu.memref_slice %arg5[%dma_wait3A_1469] : memref<1024xi32, #tpu.memory_space<vmem>> -> memref<32xi32, #tpu.memory_space<vmem>>
    %dma_wait3A_1471 = arith.constant 0 : i32
    %dma_wait3A_1472 = arith.constant 0 : i32
    %dma_wait3A_1473 = tpu.memref_slice %arg3[%dma_wait3A_1471, %dma_wait3A_1472] : memref<100000x768xf32, #tpu.memory_space<hbm>> -> memref<100000x768xf32, #tpu.memory_space<hbm>>
    tpu.wait_indirect_dma semaphore(%arg9 : memref<!tpu.dma_semaphore, #tpu.memory_space<semaphore_mem>>) src(%dma_wait3A_1473 : memref<100000x768xf32, #tpu.memory_space<hbm>>) dst(%dma_wait3A_1468 : memref<32x768xf32, #tpu.memory_space<vmem>>)
    %dma_wait3A_1474 = arith.constant 0 : i32
    %dma_wait3A_1475 = arith.constant 0 : i32
    %dma_wait3A_1476 = tpu.memref_slice %arg6[%dma_wait3A_1474, %dma_wait3A_1475] : memref<128x768xf32, #tpu.memory_space<vmem>> -> memref<64x768xf32, #tpu.memory_space<vmem>>
    %dma_wait3A_1477 = arith.constant 0 : i32
    %dma_wait3A_1478 = tpu.memref_slice %arg4[%mul3A_32, %dma_wait3A_1477] : memref<32768x768xf32, #tpu.memory_space<hbm>> -> memref<64x768xf32, #tpu.memory_space<hbm>>
    %dma_wait3A_1479 = arith.constant 0 : i32
    %dma_wait3A_1480 = tpu.memref_slice %arg4[%mul3A_32, %dma_wait3A_1479] : memref<32768x768xf32, #tpu.memory_space<hbm>> -> memref<64x768xf32, #tpu.memory_space<hbm>>
    %dma_wait3A_1481 = arith.constant 0 : i32
    %dma_wait3A_1482 = arith.constant 0 : i32
    %dma_wait3A_1483 = tpu.memref_slice %arg6[%dma_wait3A_1481, %dma_wait3A_1482] : memref<128x768xf32, #tpu.memory_space<vmem>> -> memref<64x768xf32, #tpu.memory_space<vmem>>
    tpu.wait_dma2 semaphore(%arg11 : memref<!tpu.dma_semaphore, #tpu.memory_space<semaphore_mem>>) src(%dma_wait3A_1483 : memref<64x768xf32, #tpu.memory_space<vmem>>) dst(%dma_wait3A_1480 : memref<64x768xf32, #tpu.memory_space<hbm>>)
    %get3A_1484 = arith.constant 896 : index
    %get3A_1485 = tpu.vector_load %arg5[%get3A_1484] {strides = array<i32>} : memref<1024xi32, #tpu.memory_space<vmem>>, vector<16xi32>,
    %get3A_1486 = vector.shape_cast %get3A_1485 : vector<16xi32> to vector<16xi32>
    %eq3A_1487 = arith.constant 99999 : i32
    %eq3A_1488 = vector.broadcast %eq3A_1487 : i32 to vector<16xi32>
    %eq3A_1489 = arith.cmpi eq, %get3A_1486, %eq3A_1488 : vector<16xi32>
    %jit3A_1490 = arith.constant 1 : i32
    %broadcast_in_dim3A_1491 = vector.broadcast %jit3A_1490 : i32 to vector<16xi32>
    %select_n3A_1492 = arith.select %eq3A_1489, %broadcast_in_dim3A_1491, %get3A_1486 : vector<16xi1>, vector<16xi32>
    %swap3A_1493 = arith.constant 896 : index
    %swap3A_1494 = tpu.vector_load %arg5[%swap3A_1493] {strides = array<i32>} : memref<1024xi32, #tpu.memory_space<vmem>>, vector<16xi32>,
    %swap3A_1495 = vector.shape_cast %swap3A_1494 : vector<16xi32> to vector<16xi32>
    %swap3A_1496 = vector.shape_cast %select_n3A_1492 : vector<16xi32> to vector<16xi32>
    tpu.vector_store %arg5[%swap3A_1493], %swap3A_1496 {strides = array<i32>} : memref<1024xi32, #tpu.memory_space<vmem>>, vector<16xi32>,
    %get3A_1497 = arith.constant 912 : index
    %get3A_1498 = tpu.vector_load %arg5[%get3A_1497] {strides = array<i32>} : memref<1024xi32, #tpu.memory_space<vmem>>, vector<16xi32>,
    %get3A_1499 = vector.shape_cast %get3A_1498 : vector<16xi32> to vector<16xi32>
    %eq3A_1500 = arith.constant 99999 : i32
    %eq3A_1501 = vector.broadcast %eq3A_1500 : i32 to vector<16xi32>
    %eq3A_1502 = arith.cmpi eq, %get3A_1499, %eq3A_1501 : vector<16xi32>
    %jit3A_1503 = arith.constant 1 : i32
    %broadcast_in_dim3A_1504 = vector.broadcast %jit3A_1503 : i32 to vector<16xi32>
    %select_n3A_1505 = arith.select %eq3A_1502, %broadcast_in_dim3A_1504, %get3A_1499 : vector<16xi1>, vector<16xi32>
    %swap3A_1506 = arith.constant 912 : index
    %swap3A_1507 = tpu.vector_load %arg5[%swap3A_1506] {strides = array<i32>} : memref<1024xi32, #tpu.memory_space<vmem>>, vector<16xi32>,
    %swap3A_1508 = vector.shape_cast %swap3A_1507 : vector<16xi32> to vector<16xi32>
    %swap3A_1509 = vector.shape_cast %select_n3A_1505 : vector<16xi32> to vector<16xi32>
    tpu.vector_store %arg5[%swap3A_1506], %swap3A_1509 {strides = array<i32>} : memref<1024xi32, #tpu.memory_space<vmem>>, vector<16xi32>,
    %dma_start3A_1510 = arith.constant 0 : i32
    %dma_start3A_1511 = arith.constant 0 : i32
    %dma_start3A_1512 = tpu.memref_slice %arg6[%dma_start3A_1510, %dma_start3A_1511] : memref<128x768xf32, #tpu.memory_space<vmem>> -> memref<32x768xf32, #tpu.memory_space<vmem>>
    %dma_start3A_1513 = arith.constant 896 : i32
    %dma_start3A_1514 = tpu.memref_slice %arg5[%dma_start3A_1513] : memref<1024xi32, #tpu.memory_space<vmem>> -> memref<32xi32, #tpu.memory_space<vmem>>
    %dma_start3A_1515 = arith.constant 0 : i32
    %dma_start3A_1516 = arith.constant 0 : i32
    %dma_start3A_1517 = tpu.memref_slice %arg3[%dma_start3A_1515, %dma_start3A_1516] : memref<100000x768xf32, #tpu.memory_space<hbm>> -> memref<100000x768xf32, #tpu.memory_space<hbm>>
    tpu.enqueue_indirect_dma source(%dma_start3A_1517 : memref<100000x768xf32, #tpu.memory_space<hbm>>) target(%dma_start3A_1512 : memref<32x768xf32, #tpu.memory_space<vmem>>) offsets(%dma_start3A_1514 : memref<32xi32, #tpu.memory_space<vmem>>) semaphore(%arg7 : memref<!tpu.dma_semaphore, #tpu.memory_space<semaphore_mem>>)
    %dma_wait3A_1518 = arith.constant 96 : i32
    %dma_wait3A_1519 = arith.constant 0 : i32
    %dma_wait3A_1520 = tpu.memref_slice %arg6[%dma_wait3A_1518, %dma_wait3A_1519] : memref<128x768xf32, #tpu.memory_space<vmem>> -> memref<32x768xf32, #tpu.memory_space<vmem>>
    %dma_wait3A_1521 = arith.constant 0 : i32
    %dma_wait3A_1522 = tpu.memref_slice %arg5[%dma_wait3A_1521] : memref<1024xi32, #tpu.memory_space<vmem>> -> memref<32xi32, #tpu.memory_space<vmem>>
    %dma_wait3A_1523 = arith.constant 0 : i32
    %dma_wait3A_1524 = arith.constant 0 : i32
    %dma_wait3A_1525 = tpu.memref_slice %arg3[%dma_wait3A_1523, %dma_wait3A_1524] : memref<100000x768xf32, #tpu.memory_space<hbm>> -> memref<100000x768xf32, #tpu.memory_space<hbm>>
    tpu.wait_indirect_dma semaphore(%arg10 : memref<!tpu.dma_semaphore, #tpu.memory_space<semaphore_mem>>) src(%dma_wait3A_1525 : memref<100000x768xf32, #tpu.memory_space<hbm>>) dst(%dma_wait3A_1520 : memref<32x768xf32, #tpu.memory_space<vmem>>)
    %get3A_1526 = arith.constant 928 : index
    %get3A_1527 = tpu.vector_load %arg5[%get3A_1526] {strides = array<i32>} : memref<1024xi32, #tpu.memory_space<vmem>>, vector<16xi32>,
    %get3A_1528 = vector.shape_cast %get3A_1527 : vector<16xi32> to vector<16xi32>
    %eq3A_1529 = arith.constant 99999 : i32
    %eq3A_1530 = vector.broadcast %eq3A_1529 : i32 to vector<16xi32>
    %eq3A_1531 = arith.cmpi eq, %get3A_1528, %eq3A_1530 : vector<16xi32>
    %jit3A_1532 = arith.constant 1 : i32
    %broadcast_in_dim3A_1533 = vector.broadcast %jit3A_1532 : i32 to vector<16xi32>
    %select_n3A_1534 = arith.select %eq3A_1531, %broadcast_in_dim3A_1533, %get3A_1528 : vector<16xi1>, vector<16xi32>
    %swap3A_1535 = arith.constant 928 : index
    %swap3A_1536 = tpu.vector_load %arg5[%swap3A_1535] {strides = array<i32>} : memref<1024xi32, #tpu.memory_space<vmem>>, vector<16xi32>,
    %swap3A_1537 = vector.shape_cast %swap3A_1536 : vector<16xi32> to vector<16xi32>
    %swap3A_1538 = vector.shape_cast %select_n3A_1534 : vector<16xi32> to vector<16xi32>
    tpu.vector_store %arg5[%swap3A_1535], %swap3A_1538 {strides = array<i32>} : memref<1024xi32, #tpu.memory_space<vmem>>, vector<16xi32>,
    %get3A_1539 = arith.constant 944 : index
    %get3A_1540 = tpu.vector_load %arg5[%get3A_1539] {strides = array<i32>} : memref<1024xi32, #tpu.memory_space<vmem>>, vector<16xi32>,
    %get3A_1541 = vector.shape_cast %get3A_1540 : vector<16xi32> to vector<16xi32>
    %eq3A_1542 = arith.constant 99999 : i32
    %eq3A_1543 = vector.broadcast %eq3A_1542 : i32 to vector<16xi32>
    %eq3A_1544 = arith.cmpi eq, %get3A_1541, %eq3A_1543 : vector<16xi32>
    %jit3A_1545 = arith.constant 1 : i32
    %broadcast_in_dim3A_1546 = vector.broadcast %jit3A_1545 : i32 to vector<16xi32>
    %select_n3A_1547 = arith.select %eq3A_1544, %broadcast_in_dim3A_1546, %get3A_1541 : vector<16xi1>, vector<16xi32>
    %swap3A_1548 = arith.constant 944 : index
    %swap3A_1549 = tpu.vector_load %arg5[%swap3A_1548] {strides = array<i32>} : memref<1024xi32, #tpu.memory_space<vmem>>, vector<16xi32>,
    %swap3A_1550 = vector.shape_cast %swap3A_1549 : vector<16xi32> to vector<16xi32>
    %swap3A_1551 = vector.shape_cast %select_n3A_1547 : vector<16xi32> to vector<16xi32>
    tpu.vector_store %arg5[%swap3A_1548], %swap3A_1551 {strides = array<i32>} : memref<1024xi32, #tpu.memory_space<vmem>>, vector<16xi32>,
    %dma_start3A_1552 = arith.constant 32 : i32
    %dma_start3A_1553 = arith.constant 0 : i32
    %dma_start3A_1554 = tpu.memref_slice %arg6[%dma_start3A_1552, %dma_start3A_1553] : memref<128x768xf32, #tpu.memory_space<vmem>> -> memref<32x768xf32, #tpu.memory_space<vmem>>
    %dma_start3A_1555 = arith.constant 928 : i32
    %dma_start3A_1556 = tpu.memref_slice %arg5[%dma_start3A_1555] : memref<1024xi32, #tpu.memory_space<vmem>> -> memref<32xi32, #tpu.memory_space<vmem>>
    %dma_start3A_1557 = arith.constant 0 : i32
    %dma_start3A_1558 = arith.constant 0 : i32
    %dma_start3A_1559 = tpu.memref_slice %arg3[%dma_start3A_1557, %dma_start3A_1558] : memref<100000x768xf32, #tpu.memory_space<hbm>> -> memref<100000x768xf32, #tpu.memory_space<hbm>>
    tpu.enqueue_indirect_dma source(%dma_start3A_1559 : memref<100000x768xf32, #tpu.memory_space<hbm>>) target(%dma_start3A_1554 : memref<32x768xf32, #tpu.memory_space<vmem>>) offsets(%dma_start3A_1556 : memref<32xi32, #tpu.memory_space<vmem>>) semaphore(%arg8 : memref<!tpu.dma_semaphore, #tpu.memory_space<semaphore_mem>>)
    %add3A_1560 = arith.constant 832 : i32
    %add3A_1561 = arith.addi %mul3A_32, %add3A_1560 : i32
    %dma_start3A_1562 = arith.constant 64 : i32
    %dma_start3A_1563 = arith.constant 0 : i32
    %dma_start3A_1564 = tpu.memref_slice %arg6[%dma_start3A_1562, %dma_start3A_1563] : memref<128x768xf32, #tpu.memory_space<vmem>> -> memref<64x768xf32, #tpu.memory_space<vmem>>
    %dma_start3A_1565 = arith.constant 0 : i32
    %dma_start3A_1566 = tpu.memref_slice %arg4[%add3A_1561, %dma_start3A_1565] : memref<32768x768xf32, #tpu.memory_space<hbm>> -> memref<64x768xf32, #tpu.memory_space<hbm>>
    %dma_start3A_1567 = arith.constant 0 : i32
    %dma_start3A_1568 = tpu.memref_slice %arg4[%add3A_1561, %dma_start3A_1567] : memref<32768x768xf32, #tpu.memory_space<hbm>> -> memref<64x768xf32, #tpu.memory_space<hbm>>
    %dma_start3A_1569 = arith.constant 64 : i32
    %dma_start3A_1570 = arith.constant 0 : i32
    %dma_start3A_1571 = tpu.memref_slice %arg6[%dma_start3A_1569, %dma_start3A_1570] : memref<128x768xf32, #tpu.memory_space<vmem>> -> memref<64x768xf32, #tpu.memory_space<vmem>>
    tpu.enqueue_dma source(%dma_start3A_1571 : memref<64x768xf32, #tpu.memory_space<vmem>>) target(%dma_start3A_1568 : memref<64x768xf32, #tpu.memory_space<hbm>>) target_semaphore(%arg12 : memref<!tpu.dma_semaphore, #tpu.memory_space<semaphore_mem>>)
    %dma_wait3A_1572 = arith.constant 0 : i32
    %dma_wait3A_1573 = arith.constant 0 : i32
    %dma_wait3A_1574 = tpu.memref_slice %arg6[%dma_wait3A_1572, %dma_wait3A_1573] : memref<128x768xf32, #tpu.memory_space<vmem>> -> memref<32x768xf32, #tpu.memory_space<vmem>>
    %dma_wait3A_1575 = arith.constant 0 : i32
    %dma_wait3A_1576 = tpu.memref_slice %arg5[%dma_wait3A_1575] : memref<1024xi32, #tpu.memory_space<vmem>> -> memref<32xi32, #tpu.memory_space<vmem>>
    %dma_wait3A_1577 = arith.constant 0 : i32
    %dma_wait3A_1578 = arith.constant 0 : i32
    %dma_wait3A_1579 = tpu.memref_slice %arg3[%dma_wait3A_1577, %dma_wait3A_1578] : memref<100000x768xf32, #tpu.memory_space<hbm>> -> memref<100000x768xf32, #tpu.memory_space<hbm>>
    tpu.wait_indirect_dma semaphore(%arg7 : memref<!tpu.dma_semaphore, #tpu.memory_space<semaphore_mem>>) src(%dma_wait3A_1579 : memref<100000x768xf32, #tpu.memory_space<hbm>>) dst(%dma_wait3A_1574 : memref<32x768xf32, #tpu.memory_space<vmem>>)
    %dma_wait3A_1580 = arith.constant 64 : i32
    %dma_wait3A_1581 = arith.constant 0 : i32
    %dma_wait3A_1582 = tpu.memref_slice %arg6[%dma_wait3A_1580, %dma_wait3A_1581] : memref<128x768xf32, #tpu.memory_space<vmem>> -> memref<64x768xf32, #tpu.memory_space<vmem>>
    %dma_wait3A_1583 = arith.constant 0 : i32
    %dma_wait3A_1584 = tpu.memref_slice %arg4[%mul3A_32, %dma_wait3A_1583] : memref<32768x768xf32, #tpu.memory_space<hbm>> -> memref<64x768xf32, #tpu.memory_space<hbm>>
    %dma_wait3A_1585 = arith.constant 0 : i32
    %dma_wait3A_1586 = tpu.memref_slice %arg4[%mul3A_32, %dma_wait3A_1585] : memref<32768x768xf32, #tpu.memory_space<hbm>> -> memref<64x768xf32, #tpu.memory_space<hbm>>
    %dma_wait3A_1587 = arith.constant 64 : i32
    %dma_wait3A_1588 = arith.constant 0 : i32
    %dma_wait3A_1589 = tpu.memref_slice %arg6[%dma_wait3A_1587, %dma_wait3A_1588] : memref<128x768xf32, #tpu.memory_space<vmem>> -> memref<64x768xf32, #tpu.memory_space<vmem>>
    tpu.wait_dma2 semaphore(%arg12 : memref<!tpu.dma_semaphore, #tpu.memory_space<semaphore_mem>>) src(%dma_wait3A_1589 : memref<64x768xf32, #tpu.memory_space<vmem>>) dst(%dma_wait3A_1586 : memref<64x768xf32, #tpu.memory_space<hbm>>)
    %get3A_1590 = arith.constant 960 : index
    %get3A_1591 = tpu.vector_load %arg5[%get3A_1590] {strides = array<i32>} : memref<1024xi32, #tpu.memory_space<vmem>>, vector<16xi32>,
    %get3A_1592 = vector.shape_cast %get3A_1591 : vector<16xi32> to vector<16xi32>
    %eq3A_1593 = arith.constant 99999 : i32
    %eq3A_1594 = vector.broadcast %eq3A_1593 : i32 to vector<16xi32>
    %eq3A_1595 = arith.cmpi eq, %get3A_1592, %eq3A_1594 : vector<16xi32>
    %jit3A_1596 = arith.constant 1 : i32
    %broadcast_in_dim3A_1597 = vector.broadcast %jit3A_1596 : i32 to vector<16xi32>
    %select_n3A_1598 = arith.select %eq3A_1595, %broadcast_in_dim3A_1597, %get3A_1592 : vector<16xi1>, vector<16xi32>
    %swap3A_1599 = arith.constant 960 : index
    %swap3A_1600 = tpu.vector_load %arg5[%swap3A_1599] {strides = array<i32>} : memref<1024xi32, #tpu.memory_space<vmem>>, vector<16xi32>,
    %swap3A_1601 = vector.shape_cast %swap3A_1600 : vector<16xi32> to vector<16xi32>
    %swap3A_1602 = vector.shape_cast %select_n3A_1598 : vector<16xi32> to vector<16xi32>
    tpu.vector_store %arg5[%swap3A_1599], %swap3A_1602 {strides = array<i32>} : memref<1024xi32, #tpu.memory_space<vmem>>, vector<16xi32>,
    %get3A_1603 = arith.constant 976 : index
    %get3A_1604 = tpu.vector_load %arg5[%get3A_1603] {strides = array<i32>} : memref<1024xi32, #tpu.memory_space<vmem>>, vector<16xi32>,
    %get3A_1605 = vector.shape_cast %get3A_1604 : vector<16xi32> to vector<16xi32>
    %eq3A_1606 = arith.constant 99999 : i32
    %eq3A_1607 = vector.broadcast %eq3A_1606 : i32 to vector<16xi32>
    %eq3A_1608 = arith.cmpi eq, %get3A_1605, %eq3A_1607 : vector<16xi32>
    %jit3A_1609 = arith.constant 1 : i32
    %broadcast_in_dim3A_1610 = vector.broadcast %jit3A_1609 : i32 to vector<16xi32>
    %select_n3A_1611 = arith.select %eq3A_1608, %broadcast_in_dim3A_1610, %get3A_1605 : vector<16xi1>, vector<16xi32>
    %swap3A_1612 = arith.constant 976 : index
    %swap3A_1613 = tpu.vector_load %arg5[%swap3A_1612] {strides = array<i32>} : memref<1024xi32, #tpu.memory_space<vmem>>, vector<16xi32>,
    %swap3A_1614 = vector.shape_cast %swap3A_1613 : vector<16xi32> to vector<16xi32>
    %swap3A_1615 = vector.shape_cast %select_n3A_1611 : vector<16xi32> to vector<16xi32>
    tpu.vector_store %arg5[%swap3A_1612], %swap3A_1615 {strides = array<i32>} : memref<1024xi32, #tpu.memory_space<vmem>>, vector<16xi32>,
    %dma_start3A_1616 = arith.constant 64 : i32
    %dma_start3A_1617 = arith.constant 0 : i32
    %dma_start3A_1618 = tpu.memref_slice %arg6[%dma_start3A_1616, %dma_start3A_1617] : memref<128x768xf32, #tpu.memory_space<vmem>> -> memref<32x768xf32, #tpu.memory_space<vmem>>
    %dma_start3A_1619 = arith.constant 960 : i32
    %dma_start3A_1620 = tpu.memref_slice %arg5[%dma_start3A_1619] : memref<1024xi32, #tpu.memory_space<vmem>> -> memref<32xi32, #tpu.memory_space<vmem>>
    %dma_start3A_1621 = arith.constant 0 : i32
    %dma_start3A_1622 = arith.constant 0 : i32
    %dma_start3A_1623 = tpu.memref_slice %arg3[%dma_start3A_1621, %dma_start3A_1622] : memref<100000x768xf32, #tpu.memory_space<hbm>> -> memref<100000x768xf32, #tpu.memory_space<hbm>>
    tpu.enqueue_indirect_dma source(%dma_start3A_1623 : memref<100000x768xf32, #tpu.memory_space<hbm>>) target(%dma_start3A_1618 : memref<32x768xf32, #tpu.memory_space<vmem>>) offsets(%dma_start3A_1620 : memref<32xi32, #tpu.memory_space<vmem>>) semaphore(%arg9 : memref<!tpu.dma_semaphore, #tpu.memory_space<semaphore_mem>>)
    %dma_wait3A_1624 = arith.constant 32 : i32
    %dma_wait3A_1625 = arith.constant 0 : i32
    %dma_wait3A_1626 = tpu.memref_slice %arg6[%dma_wait3A_1624, %dma_wait3A_1625] : memref<128x768xf32, #tpu.memory_space<vmem>> -> memref<32x768xf32, #tpu.memory_space<vmem>>
    %dma_wait3A_1627 = arith.constant 0 : i32
    %dma_wait3A_1628 = tpu.memref_slice %arg5[%dma_wait3A_1627] : memref<1024xi32, #tpu.memory_space<vmem>> -> memref<32xi32, #tpu.memory_space<vmem>>
    %dma_wait3A_1629 = arith.constant 0 : i32
    %dma_wait3A_1630 = arith.constant 0 : i32
    %dma_wait3A_1631 = tpu.memref_slice %arg3[%dma_wait3A_1629, %dma_wait3A_1630] : memref<100000x768xf32, #tpu.memory_space<hbm>> -> memref<100000x768xf32, #tpu.memory_space<hbm>>
    tpu.wait_indirect_dma semaphore(%arg8 : memref<!tpu.dma_semaphore, #tpu.memory_space<semaphore_mem>>) src(%dma_wait3A_1631 : memref<100000x768xf32, #tpu.memory_space<hbm>>) dst(%dma_wait3A_1626 : memref<32x768xf32, #tpu.memory_space<vmem>>)
    %get3A_1632 = arith.constant 992 : index
    %get3A_1633 = tpu.vector_load %arg5[%get3A_1632] {strides = array<i32>} : memref<1024xi32, #tpu.memory_space<vmem>>, vector<16xi32>,
    %get3A_1634 = vector.shape_cast %get3A_1633 : vector<16xi32> to vector<16xi32>
    %eq3A_1635 = arith.constant 99999 : i32
    %eq3A_1636 = vector.broadcast %eq3A_1635 : i32 to vector<16xi32>
    %eq3A_1637 = arith.cmpi eq, %get3A_1634, %eq3A_1636 : vector<16xi32>
    %jit3A_1638 = arith.constant 1 : i32
    %broadcast_in_dim3A_1639 = vector.broadcast %jit3A_1638 : i32 to vector<16xi32>
    %select_n3A_1640 = arith.select %eq3A_1637, %broadcast_in_dim3A_1639, %get3A_1634 : vector<16xi1>, vector<16xi32>
    %swap3A_1641 = arith.constant 992 : index
    %swap3A_1642 = tpu.vector_load %arg5[%swap3A_1641] {strides = array<i32>} : memref<1024xi32, #tpu.memory_space<vmem>>, vector<16xi32>,
    %swap3A_1643 = vector.shape_cast %swap3A_1642 : vector<16xi32> to vector<16xi32>
    %swap3A_1644 = vector.shape_cast %select_n3A_1640 : vector<16xi32> to vector<16xi32>
    tpu.vector_store %arg5[%swap3A_1641], %swap3A_1644 {strides = array<i32>} : memref<1024xi32, #tpu.memory_space<vmem>>, vector<16xi32>,
    %get3A_1645 = arith.constant 1008 : index
    %get3A_1646 = tpu.vector_load %arg5[%get3A_1645] {strides = array<i32>} : memref<1024xi32, #tpu.memory_space<vmem>>, vector<16xi32>,
    %get3A_1647 = vector.shape_cast %get3A_1646 : vector<16xi32> to vector<16xi32>
    %eq3A_1648 = arith.constant 99999 : i32
    %eq3A_1649 = vector.broadcast %eq3A_1648 : i32 to vector<16xi32>
    %eq3A_1650 = arith.cmpi eq, %get3A_1647, %eq3A_1649 : vector<16xi32>
    %jit3A_1651 = arith.constant 1 : i32
    %broadcast_in_dim3A_1652 = vector.broadcast %jit3A_1651 : i32 to vector<16xi32>
    %select_n3A_1653 = arith.select %eq3A_1650, %broadcast_in_dim3A_1652, %get3A_1647 : vector<16xi1>, vector<16xi32>
    %swap3A_1654 = arith.constant 1008 : index
    %swap3A_1655 = tpu.vector_load %arg5[%swap3A_1654] {strides = array<i32>} : memref<1024xi32, #tpu.memory_space<vmem>>, vector<16xi32>,
    %swap3A_1656 = vector.shape_cast %swap3A_1655 : vector<16xi32> to vector<16xi32>
    %swap3A_1657 = vector.shape_cast %select_n3A_1653 : vector<16xi32> to vector<16xi32>
    tpu.vector_store %arg5[%swap3A_1654], %swap3A_1657 {strides = array<i32>} : memref<1024xi32, #tpu.memory_space<vmem>>, vector<16xi32>,
    %dma_start3A_1658 = arith.constant 96 : i32
    %dma_start3A_1659 = arith.constant 0 : i32
    %dma_start3A_1660 = tpu.memref_slice %arg6[%dma_start3A_1658, %dma_start3A_1659] : memref<128x768xf32, #tpu.memory_space<vmem>> -> memref<32x768xf32, #tpu.memory_space<vmem>>
    %dma_start3A_1661 = arith.constant 992 : i32
    %dma_start3A_1662 = tpu.memref_slice %arg5[%dma_start3A_1661] : memref<1024xi32, #tpu.memory_space<vmem>> -> memref<32xi32, #tpu.memory_space<vmem>>
    %dma_start3A_1663 = arith.constant 0 : i32
    %dma_start3A_1664 = arith.constant 0 : i32
    %dma_start3A_1665 = tpu.memref_slice %arg3[%dma_start3A_1663, %dma_start3A_1664] : memref<100000x768xf32, #tpu.memory_space<hbm>> -> memref<100000x768xf32, #tpu.memory_space<hbm>>
    tpu.enqueue_indirect_dma source(%dma_start3A_1665 : memref<100000x768xf32, #tpu.memory_space<hbm>>) target(%dma_start3A_1660 : memref<32x768xf32, #tpu.memory_space<vmem>>) offsets(%dma_start3A_1662 : memref<32xi32, #tpu.memory_space<vmem>>) semaphore(%arg10 : memref<!tpu.dma_semaphore, #tpu.memory_space<semaphore_mem>>)
    %add3A_1666 = arith.constant 896 : i32
    %add3A_1667 = arith.addi %mul3A_32, %add3A_1666 : i32
    %dma_start3A_1668 = arith.constant 0 : i32
    %dma_start3A_1669 = arith.constant 0 : i32
    %dma_start3A_1670 = tpu.memref_slice %arg6[%dma_start3A_1668, %dma_start3A_1669] : memref<128x768xf32, #tpu.memory_space<vmem>> -> memref<64x768xf32, #tpu.memory_space<vmem>>
    %dma_start3A_1671 = arith.constant 0 : i32
    %dma_start3A_1672 = tpu.memref_slice %arg4[%add3A_1667, %dma_start3A_1671] : memref<32768x768xf32, #tpu.memory_space<hbm>> -> memref<64x768xf32, #tpu.memory_space<hbm>>
    %dma_start3A_1673 = arith.constant 0 : i32
    %dma_start3A_1674 = tpu.memref_slice %arg4[%add3A_1667, %dma_start3A_1673] : memref<32768x768xf32, #tpu.memory_space<hbm>> -> memref<64x768xf32, #tpu.memory_space<hbm>>
    %dma_start3A_1675 = arith.constant 0 : i32
    %dma_start3A_1676 = arith.constant 0 : i32
    %dma_start3A_1677 = tpu.memref_slice %arg6[%dma_start3A_1675, %dma_start3A_1676] : memref<128x768xf32, #tpu.memory_space<vmem>> -> memref<64x768xf32, #tpu.memory_space<vmem>>
    tpu.enqueue_dma source(%dma_start3A_1677 : memref<64x768xf32, #tpu.memory_space<vmem>>) target(%dma_start3A_1674 : memref<64x768xf32, #tpu.memory_space<hbm>>) target_semaphore(%arg11 : memref<!tpu.dma_semaphore, #tpu.memory_space<semaphore_mem>>)
    %dma_wait3A_1678 = arith.constant 64 : i32
    %dma_wait3A_1679 = arith.constant 0 : i32
    %dma_wait3A_1680 = tpu.memref_slice %arg6[%dma_wait3A_1678, %dma_wait3A_1679] : memref<128x768xf32, #tpu.memory_space<vmem>> -> memref<32x768xf32, #tpu.memory_space<vmem>>
    %dma_wait3A_1681 = arith.constant 0 : i32
    %dma_wait3A_1682 = tpu.memref_slice %arg5[%dma_wait3A_1681] : memref<1024xi32, #tpu.memory_space<vmem>> -> memref<32xi32, #tpu.memory_space<vmem>>
    %dma_wait3A_1683 = arith.constant 0 : i32
    %dma_wait3A_1684 = arith.constant 0 : i32
    %dma_wait3A_1685 = tpu.memref_slice %arg3[%dma_wait3A_1683, %dma_wait3A_1684] : memref<100000x768xf32, #tpu.memory_space<hbm>> -> memref<100000x768xf32, #tpu.memory_space<hbm>>
    tpu.wait_indirect_dma semaphore(%arg9 : memref<!tpu.dma_semaphore, #tpu.memory_space<semaphore_mem>>) src(%dma_wait3A_1685 : memref<100000x768xf32, #tpu.memory_space<hbm>>) dst(%dma_wait3A_1680 : memref<32x768xf32, #tpu.memory_space<vmem>>)
    %dma_wait3A_1686 = arith.constant 96 : i32
    %dma_wait3A_1687 = arith.constant 0 : i32
    %dma_wait3A_1688 = tpu.memref_slice %arg6[%dma_wait3A_1686, %dma_wait3A_1687] : memref<128x768xf32, #tpu.memory_space<vmem>> -> memref<32x768xf32, #tpu.memory_space<vmem>>
    %dma_wait3A_1689 = arith.constant 0 : i32
    %dma_wait3A_1690 = tpu.memref_slice %arg5[%dma_wait3A_1689] : memref<1024xi32, #tpu.memory_space<vmem>> -> memref<32xi32, #tpu.memory_space<vmem>>
    %dma_wait3A_1691 = arith.constant 0 : i32
    %dma_wait3A_1692 = arith.constant 0 : i32
    %dma_wait3A_1693 = tpu.memref_slice %arg3[%dma_wait3A_1691, %dma_wait3A_1692] : memref<100000x768xf32, #tpu.memory_space<hbm>> -> memref<100000x768xf32, #tpu.memory_space<hbm>>
    tpu.wait_indirect_dma semaphore(%arg10 : memref<!tpu.dma_semaphore, #tpu.memory_space<semaphore_mem>>) src(%dma_wait3A_1693 : memref<100000x768xf32, #tpu.memory_space<hbm>>) dst(%dma_wait3A_1688 : memref<32x768xf32, #tpu.memory_space<vmem>>)
    %add3A_1694 = arith.constant 960 : i32
    %add3A_1695 = arith.addi %mul3A_32, %add3A_1694 : i32
    %dma_start3A_1696 = arith.constant 64 : i32
    %dma_start3A_1697 = arith.constant 0 : i32
    %dma_start3A_1698 = tpu.memref_slice %arg6[%dma_start3A_1696, %dma_start3A_1697] : memref<128x768xf32, #tpu.memory_space<vmem>> -> memref<64x768xf32, #tpu.memory_space<vmem>>
    %dma_start3A_1699 = arith.constant 0 : i32
    %dma_start3A_1700 = tpu.memref_slice %arg4[%add3A_1695, %dma_start3A_1699] : memref<32768x768xf32, #tpu.memory_space<hbm>> -> memref<64x768xf32, #tpu.memory_space<hbm>>
    %dma_start3A_1701 = arith.constant 0 : i32
    %dma_start3A_1702 = tpu.memref_slice %arg4[%add3A_1695, %dma_start3A_1701] : memref<32768x768xf32, #tpu.memory_space<hbm>> -> memref<64x768xf32, #tpu.memory_space<hbm>>
    %dma_start3A_1703 = arith.constant 64 : i32
    %dma_start3A_1704 = arith.constant 0 : i32
    %dma_start3A_1705 = tpu.memref_slice %arg6[%dma_start3A_1703, %dma_start3A_1704] : memref<128x768xf32, #tpu.memory_space<vmem>> -> memref<64x768xf32, #tpu.memory_space<vmem>>
    tpu.enqueue_dma source(%dma_start3A_1705 : memref<64x768xf32, #tpu.memory_space<vmem>>) target(%dma_start3A_1702 : memref<64x768xf32, #tpu.memory_space<hbm>>) target_semaphore(%arg12 : memref<!tpu.dma_semaphore, #tpu.memory_space<semaphore_mem>>)
    %dma_wait3A_1706 = arith.constant 0 : i32
    %dma_wait3A_1707 = arith.constant 0 : i32
    %dma_wait3A_1708 = tpu.memref_slice %arg6[%dma_wait3A_1706, %dma_wait3A_1707] : memref<128x768xf32, #tpu.memory_space<vmem>> -> memref<64x768xf32, #tpu.memory_space<vmem>>
    %dma_wait3A_1709 = arith.constant 0 : i32
    %dma_wait3A_1710 = tpu.memref_slice %arg4[%mul3A_32, %dma_wait3A_1709] : memref<32768x768xf32, #tpu.memory_space<hbm>> -> memref<64x768xf32, #tpu.memory_space<hbm>>
    %dma_wait3A_1711 = arith.constant 0 : i32
    %dma_wait3A_1712 = tpu.memref_slice %arg4[%mul3A_32, %dma_wait3A_1711] : memref<32768x768xf32, #tpu.memory_space<hbm>> -> memref<64x768xf32, #tpu.memory_space<hbm>>
    %dma_wait3A_1713 = arith.constant 0 : i32
    %dma_wait3A_1714 = arith.constant 0 : i32
    %dma_wait3A_1715 = tpu.memref_slice %arg6[%dma_wait3A_1713, %dma_wait3A_1714] : memref<128x768xf32, #tpu.memory_space<vmem>> -> memref<64x768xf32, #tpu.memory_space<vmem>>
    tpu.wait_dma2 semaphore(%arg11 : memref<!tpu.dma_semaphore, #tpu.memory_space<semaphore_mem>>) src(%dma_wait3A_1715 : memref<64x768xf32, #tpu.memory_space<vmem>>) dst(%dma_wait3A_1712 : memref<64x768xf32, #tpu.memory_space<hbm>>)
    %dma_wait3A_1716 = arith.constant 64 : i32
    %dma_wait3A_1717 = arith.constant 0 : i32
    %dma_wait3A_1718 = tpu.memref_slice %arg6[%dma_wait3A_1716, %dma_wait3A_1717] : memref<128x768xf32, #tpu.memory_space<vmem>> -> memref<64x768xf32, #tpu.memory_space<vmem>>
    %dma_wait3A_1719 = arith.constant 0 : i32
    %dma_wait3A_1720 = tpu.memref_slice %arg4[%mul3A_32, %dma_wait3A_1719] : memref<32768x768xf32, #tpu.memory_space<hbm>> -> memref<64x768xf32, #tpu.memory_space<hbm>>
    %dma_wait3A_1721 = arith.constant 0 : i32
    %dma_wait3A_1722 = tpu.memref_slice %arg4[%mul3A_32, %dma_wait3A_1721] : memref<32768x768xf32, #tpu.memory_space<hbm>> -> memref<64x768xf32, #tpu.memory_space<hbm>>
    %dma_wait3A_1723 = arith.constant 64 : i32
    %dma_wait3A_1724 = arith.constant 0 : i32
    %dma_wait3A_1725 = tpu.memref_slice %arg6[%dma_wait3A_1723, %dma_wait3A_1724] : memref<128x768xf32, #tpu.memory_space<vmem>> -> memref<64x768xf32, #tpu.memory_space<vmem>>
    tpu.wait_dma2 semaphore(%arg12 : memref<!tpu.dma_semaphore, #tpu.memory_space<semaphore_mem>>) src(%dma_wait3A_1725 : memref<64x768xf32, #tpu.memory_space<vmem>>) dst(%dma_wait3A_1722 : memref<64x768xf32, #tpu.memory_space<hbm>>)
    return
  }
}

module attributes {stable_mosaic.version = 14 : i64} {
  func.func @_mlp_mask_body(%arg0: memref<16x2048xi32, #tpu.memory_space<vmem>>, %arg1: memref<128x768xf32, #tpu.memory_space<vmem>>, %arg2: memref<768x768xf32, #tpu.memory_space<vmem>>, %arg3: memref<1x768xf32, #tpu.memory_space<vmem>>, %arg4: memref<768x768xf32, #tpu.memory_space<vmem>>, %arg5: memref<1x768xf32, #tpu.memory_space<vmem>>, %arg6: memref<16x128x768xf32, #tpu.memory_space<vmem>>, %arg7: memref<16x2048xi8, #tpu.memory_space<vmem>>) attributes {dimension_semantics = [], scalar_prefetch = 0 : i64, scratch_operands = 0 : i64, tpu.core_type = #tpu.core_type<tc>} {
    %get3A = arith.constant 0 : index
    %get3A_0 = arith.constant 0 : index
    %get3A_1 = vector.load %arg1[%get3A, %get3A_0] : memref<128x768xf32, #tpu.memory_space<vmem>>, vector<128x768xf32>
    %get3A_2 = arith.constant 0 : index
    %get3A_3 = arith.constant 0 : index
    %get3A_4 = vector.load %arg2[%get3A_2, %get3A_3] : memref<768x768xf32, #tpu.memory_space<vmem>>, vector<768x768xf32>
    %dot_general3A = arith.constant dense<0.000000e+00> : vector<128x768xf32>
    %dot_general3A_5 = tpu.matmul %get3A_1, %get3A_4, %dot_general3A {dimension_numbers = #tpu.dot_dimension_numbers<[1], [0], [0], [1], [0, 0, 1, 1], [], []>, transpose_lhs_hint = false} : vector<128x768xf32>, vector<768x768xf32>, vector<128x768xf32> -> vector<128x768xf32>
    %get3A_6 = arith.constant 0 : index
    %get3A_7 = arith.constant 0 : index
    %get3A_8 = vector.load %arg3[%get3A_6, %get3A_7] : memref<1x768xf32, #tpu.memory_space<vmem>>, vector<1x768xf32>
    %add3A = vector.broadcast %get3A_8 : vector<1x768xf32> to vector<128x768xf32>
    %add3A_9 = arith.addf %dot_general3A_5, %add3A : vector<128x768xf32>
    %max3A = arith.constant 0.000000e+00 : f32
    %max3A_10 = vector.broadcast %max3A : f32 to vector<128x768xf32>
    %max3A_11 = arith.maximumf %add3A_9, %max3A_10 : vector<128x768xf32>
    %get3A_12 = arith.constant 0 : index
    %get3A_13 = arith.constant 0 : index
    %get3A_14 = vector.load %arg4[%get3A_12, %get3A_13] : memref<768x768xf32, #tpu.memory_space<vmem>>, vector<768x768xf32>
    %dot_general3A_15 = arith.constant dense<0.000000e+00> : vector<128x768xf32>
    %dot_general3A_16 = tpu.matmul %max3A_11, %get3A_14, %dot_general3A_15 {dimension_numbers = #tpu.dot_dimension_numbers<[1], [0], [0], [1], [0, 0, 1, 1], [], []>, transpose_lhs_hint = false} : vector<128x768xf32>, vector<768x768xf32>, vector<128x768xf32> -> vector<128x768xf32>
    %get3A_17 = arith.constant 0 : index
    %get3A_18 = arith.constant 0 : index
    %get3A_19 = vector.load %arg5[%get3A_17, %get3A_18] : memref<1x768xf32, #tpu.memory_space<vmem>>, vector<1x768xf32>
    %add3A_20 = vector.broadcast %get3A_19 : vector<1x768xf32> to vector<128x768xf32>
    %add3A_21 = arith.addf %dot_general3A_16, %add3A_20 : vector<128x768xf32>
    %max3A_22 = arith.constant 0.000000e+00 : f32
    %max3A_23 = vector.broadcast %max3A_22 : f32 to vector<128x768xf32>
    %max3A_24 = arith.maximumf %add3A_21, %max3A_23 : vector<128x768xf32>
    %broadcast_in_dim3A = vector.shape_cast %max3A_24 : vector<128x768xf32> to vector<1x128x768xf32>
    %broadcast_in_dim3A_25 = vector.shape_cast %broadcast_in_dim3A : vector<1x128x768xf32> to vector<1x128x768xf32>
    %broadcast_in_dim3A_26 = vector.broadcast %broadcast_in_dim3A_25 : vector<1x128x768xf32> to vector<16x128x768xf32>
    %swap3A = arith.constant 0 : index
    %swap3A_27 = arith.constant 0 : index
    %swap3A_28 = arith.constant 0 : index
    %swap3A_29 = vector.load %arg6[%swap3A, %swap3A_27, %swap3A_28] : memref<16x128x768xf32, #tpu.memory_space<vmem>>, vector<16x128x768xf32>
    tpu.vector_store %arg6[%swap3A, %swap3A_27, %swap3A_28], %broadcast_in_dim3A_26 {strides = array<i32>} : memref<16x128x768xf32, #tpu.memory_space<vmem>>, vector<16x128x768xf32>,
    %get3A_30 = arith.constant 0 : index
    %get3A_31 = arith.constant 0 : index
    %get3A_32 = vector.load %arg0[%get3A_30, %get3A_31] : memref<16x2048xi32, #tpu.memory_space<vmem>>, vector<16x2048xi32>
    %ne3A = arith.constant 0 : i32
    %ne3A_33 = vector.broadcast %ne3A : i32 to vector<16x2048xi32>
    %ne3A_34 = arith.cmpi ne, %get3A_32, %ne3A_33 : vector<16x2048xi32>
    %convert_element_type3A = arith.extui %ne3A_34 : vector<16x2048xi1> to vector<16x2048xi8>
    %swap3A_35 = arith.constant 0 : index
    %swap3A_36 = arith.constant 0 : index
    %swap3A_37 = vector.load %arg7[%swap3A_35, %swap3A_36] : memref<16x2048xi8, #tpu.memory_space<vmem>>, vector<16x2048xi8>
    tpu.vector_store %arg7[%swap3A_35, %swap3A_36], %convert_element_type3A {strides = array<i32>} : memref<16x2048xi8, #tpu.memory_space<vmem>>, vector<16x2048xi8>,
    return
  }
}

</mosaic_0001>

<sc_bundles>
// kernel: kernel.4.cloned.1.call-start
scs
__scs_entry_jumppad:
0x0: {  	(pc) =	sbr.rel $0x88, $3  }
0x1: {  	(tag) =	ssettag $0x0;
	lr =	simm.s32 $0x1  }
0x2: {  	[smem:$0x3F9A] =	sst lr;
	_ =	strace $0xD0000000  }
0x3: {  	_ = 	snop  }
0x4: {  	_ = 	snop  }
0x5: {  	_ = 	snop  }
0x6: {  	_ = 	snop  }
0x7: {  	_ = 	snop  }
__scs_overlays_trampoline_lowered:
0x8: {  	[smem:$0x3FA9] =	sst s0  }
0x9: {  	[smem:$0x3FAA] =	sst s1  }
0xa: {  	[smem:$0x3FAB] =	sst s2  }
0xb: {  	[smem:$0x3FAC] =	sst s3  }
0xc: {  	[smem:$0x3FAD] =	sst s4  }
0xd: {  	[smem:$0x3FAE] =	sst s5  }
0xe: {  	[smem:$0x3FAF] =	sst s6  }
0xf: {  	[smem:$0x3FB0] =	sst s7  }
0x10: {  	[smem:$0x3FB1] =	sst s8  }
0x11: {  	[smem:$0x3FB2] =	sst s9;
	s0 =	simm.s32 @!p0 $0x0  }
0x12: {  	s1 =	sld [smem:$0x3F98];
	s0 =	simm.s32 @p0 $0x1  }
0x13: {  	[smem:$0x3FB3] =	sst s0;
	s0 =	simm.s32 @!p1 $0x0  }
0x14: {  	s2 =	sld [smem:$0x3F97];
	s0 =	simm.s32 @p1 $0x1  }
0x15: {  	[smem:$0x3FB4] =	sst s0;
	s0 =	simm.s32 @!p2 $0x0  }
0x16: {  	s3 =	sld [smem:$0x3FDB];
	s0 =	simm.s32 @p2 $0x1  }
0x17: {  	s4 =	simm.s32 $0x1BF5;
	[smem:$0x3FB6] =	sst s0  }
0x18: {  	s0 =	sld [smem:$0x3F99];
	_ =	swait.ge [sflag:s4], $0x0  }
0x19: {  	s7 =	sld [smem:$0x3F9A]  }
0x1a: {  	s8 =	sadd.s32 $0xFFFFE003, lr  }
0x1b: {  	s9 =	sadd.s32 $0xFFFFFEF7, lr;
	s5 =	simm.s32 $0xFFFFFFFF;
	p2 =	slt.u32 s8, $0xFFFFF086  }
0x1c: {  	p1 =	slt.u32 s9, $0xF7A;
	s5 =	simm.s32 @!p2 $0x0  }
0x1d: {  	s5 =	simm.s32 @p1 $0x1;
	p0 =	seq.s32 s7, s2  }
0x1e: {  	s7 =	smul.u32 @!p0 $0xF7A, s2;
	p2 =	seq.s32 @!p0 s5, $0x0  }
0x1f: {  	s9 =	smul.u32 $0xF7A, s1;
	s8 =	simm.s32 @!p0 $0x1BF5;
	p2 =	por !p2, p0  }
0x20: {  	[sflag:s8] =	ssyncset.s32 @!p0 $0xFFFFF086;
	s6 =	sadd.s32 @!p0 s3, s7;
	s7 =	simm.s32 @!p0 $0x108  }
0x21: {  	s3 =	sadd.s32 s3, s9;
	s6 =	sadd.s32 @!p0 $0x88, s6;
	s7 =	simm.s32 @p2 $0x1082  }
0x22: {  	[simem:s7], [sflag:s8] =	dma.local @!p0 [hbm:s6], $0xF7A  }
0x23: {  	s9 =	sor.u32 $0xD0000000, s2;
	s6 =	simm.s32 $0x108;
	_ =	swait.ge @!p0 [sflag:s8], $0x0  }
0x24: {  	s3 =	sadd.s32 $0x88, s3;
	s6 =	simm.s32 @!p1 $0x1082;
	[sflag:s4] =	ssyncset.s32 $0xFFFFF086  }
0x25: {  	[simem:s6], [sflag:s4] =	dma.local [hbm:s3], $0xF7A  }
0x26: {  	[smem:$0x3F9A] =	sst s1;
	(tag) =	ssettag s2;
	_ =	strace s9  }
0x27: {  	s1 =	sld [smem:$0x3FAA]  }
0x28: {  	s2 =	sld [smem:$0x3FAB]  }
0x29: {  	s4 =	sld [smem:$0x3FAD]  }
0x2a: {  	p0 =	seq.s32 s5, $0x0;
	s5 =	sld [smem:$0x3FAE]  }
0x2b: {  	s6 =	sld [smem:$0x3FAF]  }
0x2c: {  	s7 =	sld [smem:$0x3FB0]  }
0x2d: {  	s3 =	simm.s32 $0x108;
	s8 =	sld [smem:$0x3FB1]  }
0x2e: {  	s3 =	simm.s32 @!p0 $0x1082;
	s9 =	sld [smem:$0x3FB2]  }
0x2f: {  	lr =	sadd.s32 s0, s3;
	s0 =	sld [smem:$0x3FA9]  }
0x30: {  	s3 =	sld [smem:$0x3FAC]  }
0x31: {  	[smem:$0x3FB5] =	sst s10  }
0x32: {  	s10 =	sld [smem:$0x3FB3];
	_ =	sdelay $0x3  }
0x33: {  	p0 =	seq.s32 s10, $0x1;
	s10 =	sld [smem:$0x3FB5];
	_ =	sdelay $0x3  }
0x34: {  	[smem:$0x3FB5] =	sst s10  }
0x35: {  	s10 =	sld [smem:$0x3FB4];
	_ =	sdelay $0x3  }
0x36: {  	p1 =	seq.s32 s10, $0x1;
	s10 =	sld [smem:$0x3FB5];
	_ =	sdelay $0x3  }
0x37: {  	[smem:$0x3FB5] =	sst s10  }
0x38: {  	s10 =	sld [smem:$0x3FB6]  }
0x39: {  	_ = 	snop;
	(pc) =	sbr.ind lr, $3  }
0x3a: {  	_ = 	snop  }
0x3b: {  	_ = 	snop  }
0x3c: {  	p2 =	seq.s32 s10, $0x1;
	s10 =	sld [smem:$0x3FB5]  }
0x3d: {  	_ =	shalt  }
0x3e: {  	_ =	shalt  }
0x3f: {  	_ =	shalt  }
0x40: {  	_ =	shalt  }
0x41: {  	_ =	shalt  }
0x42: {  	_ =	shalt  }
0x43: {  	_ =	shalt  }
0x44: {  	_ =	shalt  }
0x45: {  	_ =	shalt  }
0x46: {  	_ =	shalt  }
0x47: {  	_ =	shalt  }
0x48: {  	_ =	shalt  }
0x49: {  	_ =	shalt  }
0x4a: {  	_ =	shalt  }
0x4b: {  	_ =	shalt  }
0x4c: {  	_ =	shalt  }
0x4d: {  	_ =	shalt  }
0x4e: {  	_ =	shalt  }
0x4f: {  	_ =	shalt  }
0x50: {  	_ =	shalt  }
0x51: {  	_ =	shalt  }
0x52: {  	_ =	shalt  }
0x53: {  	_ =	shalt  }
0x54: {  	_ =	shalt  }
0x55: {  	_ =	shalt  }
0x56: {  	_ =	shalt  }
0x57: {  	_ =	shalt  }
0x58: {  	_ =	shalt  }
0x59: {  	_ =	shalt  }
0x5a: {  	_ =	shalt  }
0x5b: {  	_ =	shalt  }
0x5c: {  	_ =	shalt  }
0x5d: {  	_ =	shalt  }
0x5e: {  	_ =	shalt  }
0x5f: {  	_ =	shalt  }
0x60: {  	_ =	shalt  }
0x61: {  	_ =	shalt  }
0x62: {  	_ =	shalt  }
0x63: {  	_ =	shalt  }
0x64: {  	_ =	shalt  }
0x65: {  	_ =	shalt  }
0x66: {  	_ =	shalt  }
0x67: {  	_ =	shalt  }
0x68: {  	_ =	shalt  }
0x69: {  	_ =	shalt  }
0x6a: {  	_ =	shalt  }
0x6b: {  	_ =	shalt  }
0x6c: {  	_ =	shalt  }
0x6d: {  	_ =	shalt  }
0x6e: {  	_ =	shalt  }
0x6f: {  	_ =	shalt  }
0x70: {  	_ =	shalt  }
0x71: {  	_ =	shalt  }
0x72: {  	_ =	shalt  }
0x73: {  	_ =	shalt  }
0x74: {  	_ =	shalt  }
0x75: {  	_ =	shalt  }
0x76: {  	_ =	shalt  }
0x77: {  	_ =	shalt  }
0x78: {  	_ =	shalt  }
0x79: {  	_ =	shalt  }
0x7a: {  	_ =	shalt  }
0x7b: {  	_ =	shalt  }
0x7c: {  	_ =	shalt  }
0x7d: {  	_ =	shalt  }
0x7e: {  	_ =	shalt  }
0x7f: {  	_ =	shalt  }
0x80: {  	_ =	shalt  }
0x81: {  	_ =	shalt  }
0x82: {  	_ =	shalt  }
0x83: {  	_ =	shalt  }
0x84: {  	_ =	shalt  }
0x85: {  	_ =	shalt  }
0x86: {  	_ =	shalt  }
0x87: {  	_ =	shalt  }
.Lfunc_end0:
.L_simem_size_0:
called_computation_lowered:
.L_overlay_start_0:
0x88: {  	s2 =	sld [smem:$0x3FD9]  }
0x89: {  	s3 =	sld [smem:$0x3FFE];
	_ =	sdelay $0x1  }
0x8a: {  	s1 =	srdreg.scid  }
0x8b: {  	s0 =	sand.u32 $0x1, s1  }
0x8c: {  	s15 =	sshll.u32 s0, $0xA;
	s2 =	sadd.s32 s3, s2  }
0x8d: {  	s2 =	sadd.s32 s2, s15  }
0x8e: {  	[smem:$0x3FC1] =	sst s2  }
0x8f: {  	_ = 	snop  }
0x90: {  	s2 =	sld [smem:$0x3FD0];
	_ =	sdelay $0x1  }
0x91: {  	s16 =	sld [smem:$0x3FC9]  }
0x92: {  	s5 =	simm.s32 $0xA;
	s6 =	simm.s32 $0x10;
	s4 =	sld [smem:$0x3FC8]  }
0x93: {  	[smem:s6], [sflag:s5] =	dma.local [hbm:s2], $0x1  }
0x94: {  	_ =	swait.eq [sflag:s5], $0x1  }
0x95: {  	[sflag:s5] =	ssyncset.done $0x0  }
0x96: {  	[sflag:s5] =	ssyncadd.s32 $0xFFFFFFFF  }
0x97: {  	s17 =	sld [smem:$0x10];
	(tm) =	ssettm $0x1  }
0x98: {  	s18 =	sld [smem:$0x3FFB];
	_ =	sdelay $0x3  }
0x99: {  	_ =	strace s18  }
0x9a: {  	s5 =	sld [smem:$0x3FFC];
	_ =	sdelay $0x3  }
0x9b: {  	_ =	strace s5  }
0x9c: {  	s5 =	sld [smem:$0x3FFD];
	_ =	sdelay $0x3  }
0x9d: {  	_ =	strace s5  }
0x9e: {  	_ =	strace $0x8FFFFFFF  }
0x9f: {  	s19 =	sld [smem:$0x3FDB];
	_ =	sdelay $0x1  }
0xa0: {  	s20 =	simm.s32 $_scs_section_size  }
0xa1: {  	s7 =	simm.s32 $_size__tile_overlayer_lowered;
	s8 =	simm.s32 $_tile_overlayer_lowered  }
0xa2: {  	s23 =	simm.s32 $0x1BFF;
	s22 =	sshll.u32 s8, $0x1;
	s5 =	sadd.s32 s20, s19  }
0xa3: {  	s9 =	simm.s32 $0x0;
	s21 =	sshll.u32 s7, $0x1;
	s7 =	sadd.s32 s22, s5  }
0xa4: {  	[timem:s9], [sflag:s23] =	dma.local [hbm:s7], s21  }
0xa5: {  	_ =	swait.ge [sflag:s23], s21  }
0xa6: {  	s6 =	ssub.s32 $0x0, s21;
	[sflag:s23] =	ssyncset.done $0x0  }
0xa7: {  	[sflag:s23] =	ssyncadd.s32 s6;
	_ =	sdelay $0x1  }
0xa8: {  	s24 =	simm.s32 $0x1B8B  }
0xa9: {  	_ =	swait.ge [sflag:s24], $0x1  }
0xaa: {  	[sflag:s24] =	ssyncset.done $0x0  }
0xab: {  	s25 =	simm.s32 $0x1B8E;
	[sflag:s24] =	ssyncadd.s32 $0xFFFFFFFF  }
0xac: {  	s26 =	simm.s32 $execute0_lowered;
	[smem:$0x3FD2] =	sst s25  }
0xad: {  	s6 =	sshll.u32 s26, $0x1;
	_ =	strace $0x80000046;
	[dreg:$0x1] =	wrdreg $0xFFFFFFFF  }
0xae: {  	s28 =	simm.s32 $_size_execute0_lowered;
	s5 =	sadd.s32 s5, s6;
	[dreg:$0x0] =	wrdreg $0x0  }
0xaf: {  	s6 =	sshll.u32 s28, $0x1;
	[dreg:$0x2] =	wrdreg s5  }
0xb0: {  	[dreg:$0x3] =	wrdreg s6  }
0xb1: {  	[dreg:$0x4] =	wrdreg $0xC0  }
0xb2: {  	_ =	task [dreg:s9], $0x5FFFF  }
0xb3: {  	[dreg:$0x1] =	wrdreg $0xFFFFFFFF  }
0xb4: {  	[dreg:$0x0] =	wrdreg $0x60  }
0xb5: {  	[dreg:$0x2] =	wrdreg s16  }
0xb6: {  	[dreg:$0x3] =	wrdreg s4  }
0xb7: {  	[dreg:$0x4] =	wrdreg s17  }
0xb8: {  	[dreg:$0x5] =	wrdreg $0x9  }
0xb9: {  	_ =	task.clear_ibuf [dreg:s9], $0x6FFFF;
	_ =	strace $0x90000046  }
0xba: {  	s29 =	simm.s32 $0x9;
	_ =	strace $0x80000048  }
0xbb: {  	_ =	swait.ge [sflag:s29], $0x1  }
0xbc: {  	[sflag:s29] =	ssyncadd.s32 $0xFFFFFFFF  }
0xbd: {  	_ =	strace $0x90000048  }
0xbe: {  	_ =	sfence  }
0xbf: {  	s30 =	sld [smem:$0x0];
	_ =	sdelay $0x2  }
0xc0: {  	s31 =	sshll.u32 s1, $0xD;
	s1 =	sshrl.u32 s1, $0x2  }
0xc1: {  	s3 =	sand.u32 $0x4000, s31;
	s1 =	sadd.s32 s1, s30  }
0xc2: {  	s0 =	sor.u32 s3, s0;
	s1 =	sshll.u32 s1, $0x11  }
0xc3: {  	s0 =	sor.u32 s1, s0  }
0xc4: {  	s0 =	sadd.s32 $0x8F2B, s0  }
0xc5: {  	[sflag:s0] =	ssyncadd.remote.s32 $0x1  }
0xc6: {  	_ =	sfence.sel $0xFFFF  }
0xc7: {  	[dreg:$0x0] =	wrdreg $0xFFFFFFFF;
	(pc) =	sbr.abs _section_cstart, $3  }
0xc8: {  	[dreg:$0x1] =	wrdreg $0xFFFFFFFF  }
0xc9: {  	_ =	task.clear_ibuf [dreg:s9], $0x2FFFF;
	_ =	strace $0x9FFFFFFF  }
0xca: {  	(tm) =	ssettm $0x7FFFFFFF  }
0xcb: {  	_ =	shalt  }
tec
execute0_lowered:
.L_overlay_start_1:
0x0: {  	(tag) =	ssettag $0x1  }
0x1: {  	s0 =	srdreg.scid;
	s5 =	stileid.u32  }
0x2: {  	s0 =	sand.u32 $0x1, s0;
	s1 =	sshll.u32 s5, $0x1  }
0x3: {  	s2 =	sor.u32 s0, s1  }
0x4: {  	p1 =	seq.s32 s0, $0x1;
	p0 =	seq.s32 s2, $0x0  }
0x5: {  	p0 =	por !p0, !p1  }
0x6: {  	s3 =	simm.s32 $0x1;
	p0 =	por !p0, !p0  }
0x7: {  	s4 =	rddreg [dreg:$0x0];
	s3 =	simm.s32 @!p0 $0x0  }
0x8: {  	s11 =	rddreg [dreg:$0x2];
	s13 =	smul.u32 $0x18000, s2;
	s3 =	ssub.s32 s5, s3  }
0x9: {  	s1 =	rddreg [dreg:$0x1];
	s6 =	sshll.u32 s3, $0xB;
	s3 =	sshll.u32 s3, $0x7  }
0xa: {  	s14 =	sadd.s32 s11, s13;
	s12 =	sand.u32 $0x380, s3;
	s3 =	simm.s32 $0x0  }
0xb: {  	s15 =	sadd.s32 $0x1800, s14;
	[smem:$0x7FF] =	sst s3  }
0xc: {  	s16 =	sadd.s32 $0x3000, s14;
	_ =	strace $0x80000047;
	[dreg:$0x5] =	wrdreg s15  }
0xd: {  	s2 =	smul.u32 $0xC0000, s2;
	s17 =	sadd.s32 $0x4800, s14;
	[dreg:$0x6] =	wrdreg s16  }
0xe: {  	s18 =	sadd.s32 $0x6000, s14;
	[dreg:$0x7] =	wrdreg s17  }
0xf: {  	s2 =	sshrl.u32 s2, $0x3;
	[dreg:$0x8] =	wrdreg s18  }
0x10: {  	s19 =	sadd.s32 $0x7800, s14;
	s2 =	sadd.s32 s11, s2;
	[dreg:$0x15] =	wrdreg s14  }
0x11: {  	s31 =	simm.s32 $0x80;
	s20 =	sadd.s32 $0x9000, s2;
	[dreg:$0x9] =	wrdreg s19  }
0x12: {  	s7 =	sshll.u32 s0, $0xD;
	s21 =	sadd.s32 $0xA800, s2;
	[dreg:$0xa] =	wrdreg s20  }
0x13: {  	s0 =	ssub.s32 $0x2, s0;
	s22 =	sadd.s32 $0xC000, s2;
	[dreg:$0xb] =	wrdreg s21  }
0x14: {  	s28 =	sshrl.u32 s0, $0x1;
	s23 =	sadd.s32 $0xD800, s2;
	[dreg:$0xc] =	wrdreg s22  }
0x15: {  	s0 =	ssub.s32 s0, s28;
	s24 =	sadd.s32 $0xF000, s2;
	[dreg:$0xd] =	wrdreg s23  }
0x16: {  	s0 =	smax.u32 s0, $0x1;
	s25 =	sadd.s32 $0x10800, s2;
	[dreg:$0xe] =	wrdreg s24  }
0x17: {  	s13 =	simm.s32 $0x5;
	s26 =	sadd.s32 $0x12000, s2;
	[dreg:$0xf] =	wrdreg s25  }
0x18: {  	s29 =	sadd.s32 $0x13800, s2;
	s30 =	sadd.s32 $0x15000, s2;
	[dreg:$0x10] =	wrdreg s26  }
0x19: {  	s5 =	simm.s32 $0x1;
	s6 =	sand.u32 $0xFFFFC000, s6;
	[dreg:$0x11] =	wrdreg s29  }
0x1a: {  	s2 =	sadd.s32 $0x16800, s2;
	s6 =	sor.u32 s7, s6;
	[dreg:$0x12] =	wrdreg s30  }
0x1b: {  	s7 =	sadd.s32 $0x200, s1;
	s6 =	sor.u32 s12, s6;
	[dreg:$0x13] =	wrdreg s2  }
0x1c: {  	v2 =	vlaneseq.u32;
	[dreg:$0x14] =	wrdreg s31;
	s22 =	simm.s32 $0x2;
	s6 =	sshrl.u32 s6, $0x3  }
0x1d: {  	vm0 =	vmmov $0xffff;
	v1 =	vshrl.u32 v2, $0x3;
	s12 =	simm.s32 $0x3;
	s14 =	simm.s32 $0x4;
	s4 =	sadd.s32 s4, s6  }
0x1e: {  	v0 =	vand.u32 $0x7, v2;
	v2 =	vor.u32 $0x8, v2;
	v1 =	vmul.u32 $0x8, v1;
	s15 =	simm.s32 $0x6;
	s6 =	sadd.s32 $0x100, s1;
	[dreg:$0x4] =	wrdreg s4  }
.LBB2_1:
0x1f: {  	[dreg:$0x16] =	wrdreg s0  }
0x20: {  	s16 =	rddreg [dreg:$0x4]  }
0x21: {  	s17 =	rddreg [dreg:$0x14];
	s4 =	simm.s32 $0x400;
	s9 =	simm.s32 $0x7  }
0x22: {  	[tilespmem:s3], [sflag:$0x7] =	stream.strided.gather [hbm4b:s16+s17], $0x400, s4, s17, $0x38;
	[tilespmem:$0x18400] =	vst v63  }
0x23: {  	_ =	swait.ge [sflag:s9], $0x400  }
0x24: {  	[sflag:s9] =	ssyncset.done $0x0  }
0x25: {  	[sflag:s9] =	ssyncadd.s32 $0xFFFFFC00  }
0x26: {  	v3 =	vld [tilespmem:$0x0];
	_ =	sdelay $0x4  }
0x27: {  	vm1 =	veq.s32 v3, $0x1869F  }
0x28: {  	v3 =	vsel vm1, $0x1, v3  }
0x29: {  	v4 =	vshrl.u32 v3, $0x3  }
0x2a: {  	v4 =	vmul.u32 $0x30, v4  }
0x2b: {  	v5 =	vand.u32 $0x7, v3  }
0x2c: {  	v6 =	vld [tilespmem:$0x10];
	v4 =	vor.u32 v5, v4  }
0x2d: {  	v5 =	vperm.xlane v4, v0;
	_ =	sdelay $0x1  }
0x2e: {  	v5 =	vadd.s32 v1, v5;
	_ =	sdelay $0x1  }
0x2f: {  	vm1 =	veq.s32 v6, $0x1869F  }
0x30: {  	[tilespmem:$0x0] =	vst v3;
	v3 =	vsel vm1, $0x1, v6  }
0x31: {  	s8 =	simm.s32 $0x400;
	[tilespmem:$0x10] =	vst v3;
	v3 =	vperm.xlane v4, v2  }
0x32: {  	[tilespmem:s8], [sflag:$0x1] =	stream.indirect_vreg.gather [hbm4b:s1+s3], $0x80, v5, vm0, $0xb8;
	[tilespmem:$0x18400] =	vst v63  }
0x33: {  	s10 =	simm.s32 $0xC00;
	v3 =	vadd.s32 v1, v3  }
0x34: {  	[tilespmem:s10], [sflag:$0x1] =	stream.indirect_vreg.gather [hbm4b:s6+s3], $0x80, v5, vm0, $0xb8;
	[tilespmem:$0x18400] =	vst v63  }
0x35: {  	s11 =	simm.s32 $0x1400  }
0x36: {  	[tilespmem:s11], [sflag:$0x1] =	stream.indirect_vreg.gather [hbm4b:s7+s3], $0x80, v5, vm0, $0xb8;
	[tilespmem:$0x18400] =	vst v63  }
0x37: {  	s16 =	simm.s32 $0x1C00  }
0x38: {  	[tilespmem:s16], [sflag:$0x1] =	stream.indirect_vreg.gather [hbm4b:s1+s3], $0x80, v3, vm0, $0xb8;
	[tilespmem:$0x18400] =	vst v63  }
0x39: {  	s17 =	simm.s32 $0x2400  }
0x3a: {  	[tilespmem:s17], [sflag:$0x1] =	stream.indirect_vreg.gather [hbm4b:s6+s3], $0x80, v3, vm0, $0xb8;
	[tilespmem:$0x18400] =	vst v63  }
0x3b: {  	s18 =	simm.s32 $0x2C00  }
0x3c: {  	[tilespmem:s18], [sflag:$0x1] =	stream.indirect_vreg.gather [hbm4b:s7+s3], $0x80, v3, vm0, $0xb8;
	[tilespmem:$0x18400] =	vst v63  }
0x3d: {  	v3 =	vld [tilespmem:$0x10];
	_ =	sdelay $0x4  }
0x3e: {  	v51 =	vshrl.u32 v3, $0x3  }
0x3f: {  	v4 =	vmul.u32 $0x30, v51  }
0x40: {  	v3 =	vand.u32 $0x7, v3  }
0x41: {  	v3 =	vor.u32 v3, v4  }
0x42: {  	v4 =	vperm.xlane v3, v0;
	_ =	sdelay $0x1  }
0x43: {  	v4 =	vadd.s32 v1, v4;
	_ =	sdelay $0x3  }
0x44: {  	s19 =	simm.s32 $0x3400;
	v3 =	vperm.xlane v3, v2  }
0x45: {  	[tilespmem:s19], [sflag:$0x1] =	stream.indirect_vreg.gather [hbm4b:s1+s3], $0x80, v4, vm0, $0xb8;
	[tilespmem:$0x18400] =	vst v63  }
0x46: {  	s20 =	simm.s32 $0x3C00;
	v3 =	vadd.s32 v1, v3  }
0x47: {  	[tilespmem:s20], [sflag:$0x1] =	stream.indirect_vreg.gather [hbm4b:s6+s3], $0x80, v4, vm0, $0xb8;
	[tilespmem:$0x18400] =	vst v63  }
0x48: {  	s21 =	simm.s32 $0x4400  }
0x49: {  	[tilespmem:s21], [sflag:$0x1] =	stream.indirect_vreg.gather [hbm4b:s7+s3], $0x80, v4, vm0, $0xb8;
	[tilespmem:$0x18400] =	vst v63  }
0x4a: {  	s23 =	simm.s32 $0x4C00  }
0x4b: {  	[tilespmem:s23], [sflag:$0x1] =	stream.indirect_vreg.gather [hbm4b:s1+s3], $0x80, v3, vm0, $0xb8;
	[tilespmem:$0x18400] =	vst v63  }
0x4c: {  	s24 =	simm.s32 $0x5400  }
0x4d: {  	[tilespmem:s24], [sflag:$0x1] =	stream.indirect_vreg.gather [hbm4b:s6+s3], $0x80, v3, vm0, $0xb8;
	[tilespmem:$0x18400] =	vst v63  }
0x4e: {  	s25 =	simm.s32 $0x5C00  }
0x4f: {  	[tilespmem:s25], [sflag:$0x1] =	stream.indirect_vreg.gather [hbm4b:s7+s3], $0x80, v3, vm0, $0xb8;
	[tilespmem:$0x18400] =	vst v63  }
0x50: {  	v3 =	vld [tilespmem:$0x20];
	_ =	sdelay $0x4  }
0x51: {  	vm1 =	veq.s32 v3, $0x1869F  }
0x52: {  	v3 =	vsel vm1, $0x1, v3  }
0x53: {  	v52 =	vshrl.u32 v3, $0x3  }
0x54: {  	v4 =	vmul.u32 $0x30, v52  }
0x55: {  	v53 =	vand.u32 $0x7, v3  }
0x56: {  	v54 =	vld [tilespmem:$0x30];
	v4 =	vor.u32 v53, v4  }
0x57: {  	v5 =	vperm.xlane v4, v0;
	_ =	sdelay $0x1  }
0x58: {  	v5 =	vadd.s32 v1, v5;
	_ =	sdelay $0x1  }
0x59: {  	vm1 =	veq.s32 v54, $0x1869F  }
0x5a: {  	[tilespmem:$0x20] =	vst v3;
	v3 =	vsel vm1, $0x1, v54  }
0x5b: {  	s26 =	simm.s32 $0x6400;
	[tilespmem:$0x30] =	vst v3;
	v3 =	vperm.xlane v4, v2  }
0x5c: {  	[tilespmem:s26], [sflag:$0x2] =	stream.indirect_vreg.gather [hbm4b:s1+s3], $0x80, v5, vm0, $0xb8;
	[tilespmem:$0x18400] =	vst v63  }
0x5d: {  	s28 =	simm.s32 $0x6C00;
	v3 =	vadd.s32 v1, v3  }
0x5e: {  	[tilespmem:s28], [sflag:$0x2] =	stream.indirect_vreg.gather [hbm4b:s6+s3], $0x80, v5, vm0, $0xb8;
	[tilespmem:$0x18400] =	vst v63  }
0x5f: {  	s30 =	simm.s32 $0x7400  }
0x60: {  	[tilespmem:s30], [sflag:$0x2] =	stream.indirect_vreg.gather [hbm4b:s7+s3], $0x80, v5, vm0, $0xb8;
	[tilespmem:$0x18400] =	vst v63  }
0x61: {  	s31 =	simm.s32 $0x7C00  }
0x62: {  	[tilespmem:s31], [sflag:$0x2] =	stream.indirect_vreg.gather [hbm4b:s1+s3], $0x80, v3, vm0, $0xb8;
	[tilespmem:$0x18400] =	vst v63  }
0x63: {  	s4 =	simm.s32 $0x8400  }
0x64: {  	[tilespmem:s4], [sflag:$0x2] =	stream.indirect_vreg.gather [hbm4b:s6+s3], $0x80, v3, vm0, $0xb8;
	[tilespmem:$0x18400] =	vst v63  }
0x65: {  	s16 =	simm.s32 $0x8C00  }
0x66: {  	[tilespmem:s16], [sflag:$0x2] =	stream.indirect_vreg.gather [hbm4b:s7+s3], $0x80, v3, vm0, $0xb8;
	[tilespmem:$0x18400] =	vst v63  }
0x67: {  	v3 =	vld [tilespmem:$0x30];
	_ =	sdelay $0x4  }
0x68: {  	v55 =	vshrl.u32 v3, $0x3  }
0x69: {  	v4 =	vmul.u32 $0x30, v55  }
0x6a: {  	v3 =	vand.u32 $0x7, v3  }
0x6b: {  	v3 =	vor.u32 v3, v4  }
0x6c: {  	v4 =	vperm.xlane v3, v0;
	_ =	sdelay $0x1  }
0x6d: {  	v4 =	vadd.s32 v1, v4;
	_ =	sdelay $0x3  }
0x6e: {  	s24 =	simm.s32 $0x9400;
	v3 =	vperm.xlane v3, v2  }
0x6f: {  	[tilespmem:s24], [sflag:$0x2] =	stream.indirect_vreg.gather [hbm4b:s1+s3], $0x80, v4, vm0, $0xb8;
	[tilespmem:$0x18400] =	vst v63  }
0x70: {  	s26 =	simm.s32 $0x9C00;
	v3 =	vadd.s32 v1, v3  }
0x71: {  	[tilespmem:s26], [sflag:$0x2] =	stream.indirect_vreg.gather [hbm4b:s6+s3], $0x80, v4, vm0, $0xb8;
	[tilespmem:$0x18400] =	vst v63  }
0x72: {  	s28 =	simm.s32 $0xA400  }
0x73: {  	[tilespmem:s28], [sflag:$0x2] =	stream.indirect_vreg.gather [hbm4b:s7+s3], $0x80, v4, vm0, $0xb8;
	[tilespmem:$0x18400] =	vst v63  }
0x74: {  	s30 =	simm.s32 $0xAC00  }
0x75: {  	[tilespmem:s30], [sflag:$0x2] =	stream.indirect_vreg.gather [hbm4b:s1+s3], $0x80, v3, vm0, $0xb8;
	[tilespmem:$0x18400] =	vst v63  }
0x76: {  	s31 =	simm.s32 $0xB400  }
0x77: {  	[tilespmem:s31], [sflag:$0x2] =	stream.indirect_vreg.gather [hbm4b:s6+s3], $0x80, v3, vm0, $0xb8;
	[tilespmem:$0x18400] =	vst v63  }
0x78: {  	s4 =	simm.s32 $0xBC00  }
0x79: {  	[tilespmem:s4], [sflag:$0x2] =	stream.indirect_vreg.gather [hbm4b:s7+s3], $0x80, v3, vm0, $0xb8;
	[tilespmem:$0x18400] =	vst v63  }
0x7a: {  	_ =	swait.ge [sflag:s5], $0x6000  }
0x7b: {  	[sflag:s5] =	ssyncset.done $0x0  }
0x7c: {  	[sflag:s5] =	ssyncadd.s32 $0xFFFFA000  }
0x7d: {  	v3 =	vld [tilespmem:$0x40];
	_ =	sdelay $0x4  }
0x7e: {  	vm1 =	veq.s32 v3, $0x1869F  }
0x7f: {  	v3 =	vsel vm1, $0x1, v3  }
0x80: {  	v56 =	vshrl.u32 v3, $0x3  }
0x81: {  	v4 =	vmul.u32 $0x30, v56  }
0x82: {  	v57 =	vand.u32 $0x7, v3  }
0x83: {  	v58 =	vld [tilespmem:$0x50];
	v4 =	vor.u32 v57, v4  }
0x84: {  	v5 =	vperm.xlane v4, v0;
	_ =	sdelay $0x1  }
0x85: {  	v5 =	vadd.s32 v1, v5;
	_ =	sdelay $0x1  }
0x86: {  	vm1 =	veq.s32 v58, $0x1869F  }
0x87: {  	[tilespmem:$0x40] =	vst v3;
	v3 =	vsel vm1, $0x1, v58  }
0x88: {  	s16 =	simm.s32 $0xC400;
	[tilespmem:$0x50] =	vst v3;
	v3 =	vperm.xlane v4, v2  }
0x89: {  	[tilespmem:s16], [sflag:$0x3] =	stream.indirect_vreg.gather [hbm4b:s1+s3], $0x80, v5, vm0, $0xb8;
	[tilespmem:$0x18400] =	vst v63  }
0x8a: {  	s4 =	simm.s32 $0xCC00;
	v3 =	vadd.s32 v1, v3  }
0x8b: {  	[tilespmem:s4], [sflag:$0x3] =	stream.indirect_vreg.gather [hbm4b:s6+s3], $0x80, v5, vm0, $0xb8;
	[tilespmem:$0x18400] =	vst v63  }
0x8c: {  	s16 =	simm.s32 $0xD400  }
0x8d: {  	[tilespmem:s16], [sflag:$0x3] =	stream.indirect_vreg.gather [hbm4b:s7+s3], $0x80, v5, vm0, $0xb8;
	[tilespmem:$0x18400] =	vst v63  }
0x8e: {  	s4 =	simm.s32 $0xDC00  }
0x8f: {  	[tilespmem:s4], [sflag:$0x3] =	stream.indirect_vreg.gather [hbm4b:s1+s3], $0x80, v3, vm0, $0xb8;
	[tilespmem:$0x18400] =	vst v63  }
0x90: {  	s16 =	simm.s32 $0xE400  }
0x91: {  	[tilespmem:s16], [sflag:$0x3] =	stream.indirect_vreg.gather [hbm4b:s6+s3], $0x80, v3, vm0, $0xb8;
	[tilespmem:$0x18400] =	vst v63  }
0x92: {  	s4 =	simm.s32 $0xEC00  }
0x93: {  	[tilespmem:s4], [sflag:$0x3] =	stream.indirect_vreg.gather [hbm4b:s7+s3], $0x80, v3, vm0, $0xb8;
	[tilespmem:$0x18400] =	vst v63  }
0x94: {  	v3 =	vld [tilespmem:$0x50];
	_ =	sdelay $0x4  }
0x95: {  	v59 =	vshrl.u32 v3, $0x3  }
0x96: {  	v4 =	vmul.u32 $0x30, v59  }
0x97: {  	v3 =	vand.u32 $0x7, v3  }
0x98: {  	v3 =	vor.u32 v3, v4  }
0x99: {  	v4 =	vperm.xlane v3, v0;
	_ =	sdelay $0x1  }
0x9a: {  	v4 =	vadd.s32 v1, v4;
	_ =	sdelay $0x3  }
0x9b: {  	s16 =	simm.s32 $0xF400;
	v3 =	vperm.xlane v3, v2  }
0x9c: {  	[tilespmem:s16], [sflag:$0x3] =	stream.indirect_vreg.gather [hbm4b:s1+s3], $0x80, v4, vm0, $0xb8;
	[tilespmem:$0x18400] =	vst v63  }
0x9d: {  	s4 =	simm.s32 $0xFC00;
	v3 =	vadd.s32 v1, v3  }
0x9e: {  	[tilespmem:s4], [sflag:$0x3] =	stream.indirect_vreg.gather [hbm4b:s6+s3], $0x80, v4, vm0, $0xb8;
	[tilespmem:$0x18400] =	vst v63  }
0x9f: {  	s16 =	simm.s32 $0x10400  }
0xa0: {  	[tilespmem:s16], [sflag:$0x3] =	stream.indirect_vreg.gather [hbm4b:s7+s3], $0x80, v4, vm0, $0xb8;
	[tilespmem:$0x18400] =	vst v63  }
0xa1: {  	s4 =	simm.s32 $0x10C00  }
0xa2: {  	[tilespmem:s4], [sflag:$0x3] =	stream.indirect_vreg.gather [hbm4b:s1+s3], $0x80, v3, vm0, $0xb8;
	[tilespmem:$0x18400] =	vst v63  }
0xa3: {  	s16 =	simm.s32 $0x11400  }
0xa4: {  	[tilespmem:s16], [sflag:$0x3] =	stream.indirect_vreg.gather [hbm4b:s6+s3], $0x80, v3, vm0, $0xb8;
	[tilespmem:$0x18400] =	vst v63  }
0xa5: {  	s4 =	simm.s32 $0x11C00  }
0xa6: {  	[tilespmem:s4], [sflag:$0x3] =	stream.indirect_vreg.gather [hbm4b:s7+s3], $0x80, v3, vm0, $0xb8;
	[tilespmem:$0x18400] =	vst v63  }
0xa7: {  	_ =	swait.ge [sflag:s22], $0x6000  }
0xa8: {  	[sflag:s22] =	ssyncset.done $0x0  }
0xa9: {  	[sflag:s22] =	ssyncadd.s32 $0xFFFFA000  }
0xaa: {  	v3 =	vld [tilespmem:$0x60];
	_ =	sdelay $0x4  }
0xab: {  	vm1 =	veq.s32 v3, $0x1869F  }
0xac: {  	v3 =	vsel vm1, $0x1, v3  }
0xad: {  	v60 =	vshrl.u32 v3, $0x3  }
0xae: {  	v4 =	vmul.u32 $0x30, v60  }
0xaf: {  	v61 =	vand.u32 $0x7, v3  }
0xb0: {  	v62 =	vld [tilespmem:$0x70];
	v4 =	vor.u32 v61, v4  }
0xb1: {  	v5 =	vperm.xlane v4, v0;
	_ =	sdelay $0x1  }
0xb2: {  	v5 =	vadd.s32 v1, v5;
	_ =	sdelay $0x1  }
0xb3: {  	vm1 =	veq.s32 v62, $0x1869F  }
0xb4: {  	[tilespmem:$0x60] =	vst v3;
	v3 =	vsel vm1, $0x1, v62  }
0xb5: {  	s16 =	simm.s32 $0x12400;
	[tilespmem:$0x70] =	vst v3;
	v3 =	vperm.xlane v4, v2  }
0xb6: {  	[tilespmem:s16], [sflag:$0x4] =	stream.indirect_vreg.gather [hbm4b:s1+s3], $0x80, v5, vm0, $0xb8;
	[tilespmem:$0x18400] =	vst v63  }
0xb7: {  	s4 =	simm.s32 $0x12C00;
	v3 =	vadd.s32 v1, v3  }
0xb8: {  	[tilespmem:s4], [sflag:$0x4] =	stream.indirect_vreg.gather [hbm4b:s6+s3], $0x80, v5, vm0, $0xb8;
	[tilespmem:$0x18400] =	vst v63  }
0xb9: {  	s16 =	simm.s32 $0x13400  }
0xba: {  	[tilespmem:s16], [sflag:$0x4] =	stream.indirect_vreg.gather [hbm4b:s7+s3], $0x80, v5, vm0, $0xb8;
	[tilespmem:$0x18400] =	vst v63  }
0xbb: {  	s4 =	simm.s32 $0x13C00  }
0xbc: {  	[tilespmem:s4], [sflag:$0x4] =	stream.indirect_vreg.gather [hbm4b:s1+s3], $0x80, v3, vm0, $0xb8;
	[tilespmem:$0x18400] =	vst v63  }
0xbd: {  	s16 =	simm.s32 $0x14400  }
0xbe: {  	[tilespmem:s16], [sflag:$0x4] =	stream.indirect_vreg.gather [hbm4b:s6+s3], $0x80, v3, vm0, $0xb8;
	[tilespmem:$0x18400] =	vst v63  }
0xbf: {  	s4 =	simm.s32 $0x14C00  }
0xc0: {  	[tilespmem:s4], [sflag:$0x4] =	stream.indirect_vreg.gather [hbm4b:s7+s3], $0x80, v3, vm0, $0xb8;
	[tilespmem:$0x18400] =	vst v63  }
0xc1: {  	v3 =	vld [tilespmem:$0x70];
	_ =	sdelay $0x4  }
0xc2: {  	v63 =	vshrl.u32 v3, $0x3  }
0xc3: {  	v4 =	vmul.u32 $0x30, v63  }
0xc4: {  	v3 =	vand.u32 $0x7, v3  }
0xc5: {  	v3 =	vor.u32 v3, v4  }
0xc6: {  	v4 =	vperm.xlane v3, v0;
	_ =	sdelay $0x1  }
0xc7: {  	v4 =	vadd.s32 v1, v4;
	_ =	sdelay $0x3  }
0xc8: {  	s16 =	simm.s32 $0x15400;
	v3 =	vperm.xlane v3, v2  }
0xc9: {  	[tilespmem:s16], [sflag:$0x4] =	stream.indirect_vreg.gather [hbm4b:s1+s3], $0x80, v4, vm0, $0xb8;
	[tilespmem:$0x18400] =	vst v63  }
0xca: {  	s4 =	simm.s32 $0x15C00;
	v3 =	vadd.s32 v1, v3  }
0xcb: {  	[tilespmem:s4], [sflag:$0x4] =	stream.indirect_vreg.gather [hbm4b:s6+s3], $0x80, v4, vm0, $0xb8;
	[tilespmem:$0x18400] =	vst v63  }
0xcc: {  	s16 =	simm.s32 $0x16400  }
0xcd: {  	[tilespmem:s16], [sflag:$0x4] =	stream.indirect_vreg.gather [hbm4b:s7+s3], $0x80, v4, vm0, $0xb8;
	[tilespmem:$0x18400] =	vst v63  }
0xce: {  	s4 =	simm.s32 $0x16C00  }
0xcf: {  	[tilespmem:s4], [sflag:$0x4] =	stream.indirect_vreg.gather [hbm4b:s1+s3], $0x80, v3, vm0, $0xb8;
	[tilespmem:$0x18400] =	vst v63  }
0xd0: {  	s16 =	simm.s32 $0x17400  }
0xd1: {  	[tilespmem:s16], [sflag:$0x4] =	stream.indirect_vreg.gather [hbm4b:s6+s3], $0x80, v3, vm0, $0xb8;
	[tilespmem:$0x18400] =	vst v63  }
0xd2: {  	s4 =	simm.s32 $0x17C00  }
0xd3: {  	[tilespmem:s4], [sflag:$0x4] =	stream.indirect_vreg.gather [hbm4b:s7+s3], $0x80, v3, vm0, $0xb8;
	[tilespmem:$0x18400] =	vst v63  }
0xd4: {  	s0 =	rddreg [dreg:$0x15];
	s4 =	simm.s32 $0x400  }
0xd5: {  	[hbm4b:s0+s3] =	stream.linear.scatter [tilespmem:s4], [sflag:$0x5], $0xC000, $0x38;
	[tilespmem:$0x18400] =	vst v63  }
0xd6: {  	_ =	swait.ge [sflag:s12], $0x6000  }
0xd7: {  	[sflag:s12] =	ssyncset.done $0x0  }
0xd8: {  	[sflag:s12] =	ssyncadd.s32 $0xFFFFA000  }
0xd9: {  	_ =	swait.ge [sflag:s13], $0xC000  }
0xda: {  	[sflag:s13] =	ssyncset.done $0x0  }
0xdb: {  	[sflag:s13] =	ssyncadd.s32 $0xFFFF4000  }
0xdc: {  	v3 =	vld [tilespmem:$0x80];
	_ =	sdelay $0x4  }
0xdd: {  	vm1 =	veq.s32 v3, $0x1869F  }
0xde: {  	v3 =	vsel vm1, $0x1, v3  }
0xdf: {  	v8 =	vshrl.u32 v3, $0x3  }
0xe0: {  	v4 =	vmul.u32 $0x30, v8  }
0xe1: {  	v9 =	vand.u32 $0x7, v3  }
0xe2: {  	v10 =	vld [tilespmem:$0x90];
	v4 =	vor.u32 v9, v4  }
0xe3: {  	v5 =	vperm.xlane v4, v0;
	_ =	sdelay $0x1  }
0xe4: {  	v5 =	vadd.s32 v1, v5;
	_ =	sdelay $0x1  }
0xe5: {  	vm1 =	veq.s32 v10, $0x1869F  }
0xe6: {  	[tilespmem:$0x80] =	vst v3;
	v3 =	vsel vm1, $0x1, v10  }
0xe7: {  	[tilespmem:$0x90] =	vst v3;
	v3 =	vperm.xlane v4, v2  }
0xe8: {  	[tilespmem:s4], [sflag:$0x1] =	stream.indirect_vreg.gather [hbm4b:s1+s3], $0x80, v5, vm0, $0xb8;
	[tilespmem:$0x18400] =	vst v63  }
0xe9: {  	s10 =	simm.s32 $0xC00;
	v3 =	vadd.s32 v1, v3  }
0xea: {  	[tilespmem:s10], [sflag:$0x1] =	stream.indirect_vreg.gather [hbm4b:s6+s3], $0x80, v5, vm0, $0xb8;
	[tilespmem:$0x18400] =	vst v63  }
0xeb: {  	s29 =	simm.s32 $0x1400  }
0xec: {  	[tilespmem:s29], [sflag:$0x1] =	stream.indirect_vreg.gather [hbm4b:s7+s3], $0x80, v5, vm0, $0xb8;
	[tilespmem:$0x18400] =	vst v63  }
0xed: {  	s4 =	simm.s32 $0x1C00  }
0xee: {  	[tilespmem:s4], [sflag:$0x1] =	stream.indirect_vreg.gather [hbm4b:s1+s3], $0x80, v3, vm0, $0xb8;
	[tilespmem:$0x18400] =	vst v63  }
0xef: {  	s9 =	simm.s32 $0x2400  }
0xf0: {  	[tilespmem:s9], [sflag:$0x1] =	stream.indirect_vreg.gather [hbm4b:s6+s3], $0x80, v3, vm0, $0xb8;
	[tilespmem:$0x18400] =	vst v63  }
0xf1: {  	s17 =	simm.s32 $0x2C00  }
0xf2: {  	[tilespmem:s17], [sflag:$0x1] =	stream.indirect_vreg.gather [hbm4b:s7+s3], $0x80, v3, vm0, $0xb8;
	[tilespmem:$0x18400] =	vst v63  }
0xf3: {  	v3 =	vld [tilespmem:$0x90];
	_ =	sdelay $0x4  }
0xf4: {  	v11 =	vshrl.u32 v3, $0x3  }
0xf5: {  	v4 =	vmul.u32 $0x30, v11  }
0xf6: {  	v3 =	vand.u32 $0x7, v3  }
0xf7: {  	v3 =	vor.u32 v3, v4  }
0xf8: {  	v4 =	vperm.xlane v3, v0;
	_ =	sdelay $0x1  }
0xf9: {  	v4 =	vadd.s32 v1, v4;
	_ =	sdelay $0x3  }
0xfa: {  	s2 =	simm.s32 $0x3400;
	v3 =	vperm.xlane v3, v2  }
0xfb: {  	[tilespmem:s2], [sflag:$0x1] =	stream.indirect_vreg.gather [hbm4b:s1+s3], $0x80, v4, vm0, $0xb8;
	[tilespmem:$0x18400] =	vst v63  }
0xfc: {  	s17 =	simm.s32 $0x3C00;
	v3 =	vadd.s32 v1, v3  }
0xfd: {  	[tilespmem:s17], [sflag:$0x1] =	stream.indirect_vreg.gather [hbm4b:s6+s3], $0x80, v4, vm0, $0xb8;
	[tilespmem:$0x18400] =	vst v63  }
0xfe: {  	s11 =	simm.s32 $0x4400  }
0xff: {  	[tilespmem:s11], [sflag:$0x1] =	stream.indirect_vreg.gather [hbm4b:s7+s3], $0x80, v4, vm0, $0xb8;
	[tilespmem:$0x18400] =	vst v63  }
0x100: {  	s18 =	simm.s32 $0x4C00  }
0x101: {  	[tilespmem:s18], [sflag:$0x1] =	stream.indirect_vreg.gather [hbm4b:s1+s3], $0x80, v3, vm0, $0xb8;
	[tilespmem:$0x18400] =	vst v63  }
0x102: {  	s19 =	simm.s32 $0x5400  }
0x103: {  	[tilespmem:s19], [sflag:$0x1] =	stream.indirect_vreg.gather [hbm4b:s6+s3], $0x80, v3, vm0, $0xb8;
	[tilespmem:$0x18400] =	vst v63  }
0x104: {  	s8 =	simm.s32 $0x5C00  }
0x105: {  	[tilespmem:s8], [sflag:$0x1] =	stream.indirect_vreg.gather [hbm4b:s7+s3], $0x80, v3, vm0, $0xb8;
	[tilespmem:$0x18400] =	vst v63  }
0x106: {  	_ =	swait.ge [sflag:s14], $0x6000  }
0x107: {  	[sflag:s14] =	ssyncset.done $0x0  }
0x108: {  	[sflag:s14] =	ssyncadd.s32 $0xFFFFA000  }
0x109: {  	v3 =	vld [tilespmem:$0xA0];
	_ =	sdelay $0x4  }
0x10a: {  	vm1 =	veq.s32 v3, $0x1869F  }
0x10b: {  	v3 =	vsel vm1, $0x1, v3  }
0x10c: {  	v12 =	vshrl.u32 v3, $0x3  }
0x10d: {  	v4 =	vmul.u32 $0x30, v12  }
0x10e: {  	v13 =	vand.u32 $0x7, v3  }
0x10f: {  	v14 =	vld [tilespmem:$0xB0];
	v4 =	vor.u32 v13, v4  }
0x110: {  	v5 =	vperm.xlane v4, v0;
	_ =	sdelay $0x1  }
0x111: {  	v5 =	vadd.s32 v1, v5;
	_ =	sdelay $0x1  }
0x112: {  	vm1 =	veq.s32 v14, $0x1869F  }
0x113: {  	[tilespmem:$0xA0] =	vst v3;
	v3 =	vsel vm1, $0x1, v14  }
0x114: {  	s9 =	simm.s32 $0x6400;
	[tilespmem:$0xB0] =	vst v3;
	v3 =	vperm.xlane v4, v2  }
0x115: {  	[tilespmem:s9], [sflag:$0x2] =	stream.indirect_vreg.gather [hbm4b:s1+s3], $0x80, v5, vm0, $0xb8;
	[tilespmem:$0x18400] =	vst v63  }
0x116: {  	s21 =	simm.s32 $0x6C00;
	v3 =	vadd.s32 v1, v3  }
0x117: {  	[tilespmem:s21], [sflag:$0x2] =	stream.indirect_vreg.gather [hbm4b:s6+s3], $0x80, v5, vm0, $0xb8;
	[tilespmem:$0x18400] =	vst v63  }
0x118: {  	s25 =	simm.s32 $0x7400  }
0x119: {  	[tilespmem:s25], [sflag:$0x2] =	stream.indirect_vreg.gather [hbm4b:s7+s3], $0x80, v5, vm0, $0xb8;
	[tilespmem:$0x18400] =	vst v63  }
0x11a: {  	s20 =	simm.s32 $0x7C00  }
0x11b: {  	[tilespmem:s20], [sflag:$0x2] =	stream.indirect_vreg.gather [hbm4b:s1+s3], $0x80, v3, vm0, $0xb8;
	[tilespmem:$0x18400] =	vst v63  }
0x11c: {  	s23 =	simm.s32 $0x8400  }
0x11d: {  	[tilespmem:s23], [sflag:$0x2] =	stream.indirect_vreg.gather [hbm4b:s6+s3], $0x80, v3, vm0, $0xb8;
	[tilespmem:$0x18400] =	vst v63  }
0x11e: {  	s10 =	simm.s32 $0x8C00  }
0x11f: {  	[tilespmem:s10], [sflag:$0x2] =	stream.indirect_vreg.gather [hbm4b:s7+s3], $0x80, v3, vm0, $0xb8;
	[tilespmem:$0x18400] =	vst v63  }
0x120: {  	v3 =	vld [tilespmem:$0xB0];
	_ =	sdelay $0x4  }
0x121: {  	v15 =	vshrl.u32 v3, $0x3  }
0x122: {  	v4 =	vmul.u32 $0x30, v15  }
0x123: {  	v3 =	vand.u32 $0x7, v3  }
0x124: {  	v3 =	vor.u32 v3, v4  }
0x125: {  	v4 =	vperm.xlane v3, v0;
	_ =	sdelay $0x1  }
0x126: {  	v4 =	vadd.s32 v1, v4;
	_ =	sdelay $0x3  }
0x127: {  	s29 =	simm.s32 $0x9400;
	v3 =	vperm.xlane v3, v2  }
0x128: {  	[tilespmem:s29], [sflag:$0x2] =	stream.indirect_vreg.gather [hbm4b:s1+s3], $0x80, v4, vm0, $0xb8;
	[tilespmem:$0x18400] =	vst v63  }
0x129: {  	s24 =	simm.s32 $0x9C00;
	v3 =	vadd.s32 v1, v3  }
0x12a: {  	[tilespmem:s24], [sflag:$0x2] =	stream.indirect_vreg.gather [hbm4b:s6+s3], $0x80, v4, vm0, $0xb8;
	[tilespmem:$0x18400] =	vst v63  }
0x12b: {  	s28 =	simm.s32 $0xA400  }
0x12c: {  	[tilespmem:s28], [sflag:$0x2] =	stream.indirect_vreg.gather [hbm4b:s7+s3], $0x80, v4, vm0, $0xb8;
	[tilespmem:$0x18400] =	vst v63  }
0x12d: {  	s30 =	simm.s32 $0xAC00  }
0x12e: {  	[tilespmem:s30], [sflag:$0x2] =	stream.indirect_vreg.gather [hbm4b:s1+s3], $0x80, v3, vm0, $0xb8;
	[tilespmem:$0x18400] =	vst v63  }
0x12f: {  	s31 =	simm.s32 $0xB400  }
0x130: {  	[tilespmem:s31], [sflag:$0x2] =	stream.indirect_vreg.gather [hbm4b:s6+s3], $0x80, v3, vm0, $0xb8;
	[tilespmem:$0x18400] =	vst v63  }
0x131: {  	s26 =	simm.s32 $0xBC00  }
0x132: {  	[tilespmem:s26], [sflag:$0x2] =	stream.indirect_vreg.gather [hbm4b:s7+s3], $0x80, v3, vm0, $0xb8;
	[tilespmem:$0x18400] =	vst v63  }
0x133: {  	s19 =	simm.s32 $0xC400;
	s18 =	rddreg [dreg:$0x5]  }
0x134: {  	[hbm4b:s18+s3] =	stream.linear.scatter [tilespmem:s19], [sflag:$0x6], $0xC000, $0x38;
	[tilespmem:$0x18400] =	vst v63  }
0x135: {  	_ =	swait.ge [sflag:s5], $0x6000  }
0x136: {  	[sflag:s5] =	ssyncset.done $0x0  }
0x137: {  	[sflag:s5] =	ssyncadd.s32 $0xFFFFA000  }
0x138: {  	_ =	swait.ge [sflag:s15], $0xC000  }
0x139: {  	[sflag:s15] =	ssyncset.done $0x0  }
0x13a: {  	[sflag:s15] =	ssyncadd.s32 $0xFFFF4000  }
0x13b: {  	v3 =	vld [tilespmem:$0xC0];
	_ =	sdelay $0x4  }
0x13c: {  	vm1 =	veq.s32 v3, $0x1869F  }
0x13d: {  	v3 =	vsel vm1, $0x1, v3  }
0x13e: {  	v16 =	vshrl.u32 v3, $0x3  }
0x13f: {  	v4 =	vmul.u32 $0x30, v16  }
0x140: {  	v17 =	vand.u32 $0x7, v3  }
0x141: {  	v18 =	vld [tilespmem:$0xD0];
	v4 =	vor.u32 v17, v4  }
0x142: {  	v5 =	vperm.xlane v4, v0;
	_ =	sdelay $0x1  }
0x143: {  	v5 =	vadd.s32 v1, v5;
	_ =	sdelay $0x1  }
0x144: {  	vm1 =	veq.s32 v18, $0x1869F  }
0x145: {  	[tilespmem:$0xC0] =	vst v3;
	v3 =	vsel vm1, $0x1, v18  }
0x146: {  	[tilespmem:$0xD0] =	vst v3;
	v3 =	vperm.xlane v4, v2  }
0x147: {  	[tilespmem:s19], [sflag:$0x3] =	stream.indirect_vreg.gather [hbm4b:s1+s3], $0x80, v5, vm0, $0xb8;
	[tilespmem:$0x18400] =	vst v63  }
0x148: {  	s8 =	simm.s32 $0xCC00;
	v3 =	vadd.s32 v1, v3  }
0x149: {  	[tilespmem:s8], [sflag:$0x3] =	stream.indirect_vreg.gather [hbm4b:s6+s3], $0x80, v5, vm0, $0xb8;
	[tilespmem:$0x18400] =	vst v63  }
0x14a: {  	s2 =	simm.s32 $0xD400  }
0x14b: {  	[tilespmem:s2], [sflag:$0x3] =	stream.indirect_vreg.gather [hbm4b:s7+s3], $0x80, v5, vm0, $0xb8;
	[tilespmem:$0x18400] =	vst v63  }
0x14c: {  	s20 =	simm.s32 $0xDC00  }
0x14d: {  	[tilespmem:s20], [sflag:$0x3] =	stream.indirect_vreg.gather [hbm4b:s1+s3], $0x80, v3, vm0, $0xb8;
	[tilespmem:$0x18400] =	vst v63  }
0x14e: {  	s11 =	simm.s32 $0xE400  }
0x14f: {  	[tilespmem:s11], [sflag:$0x3] =	stream.indirect_vreg.gather [hbm4b:s6+s3], $0x80, v3, vm0, $0xb8;
	[tilespmem:$0x18400] =	vst v63  }
0x150: {  	s21 =	simm.s32 $0xEC00  }
0x151: {  	[tilespmem:s21], [sflag:$0x3] =	stream.indirect_vreg.gather [hbm4b:s7+s3], $0x80, v3, vm0, $0xb8;
	[tilespmem:$0x18400] =	vst v63  }
0x152: {  	v3 =	vld [tilespmem:$0xD0];
	_ =	sdelay $0x4  }
0x153: {  	v19 =	vshrl.u32 v3, $0x3  }
0x154: {  	v4 =	vmul.u32 $0x30, v19  }
0x155: {  	v3 =	vand.u32 $0x7, v3  }
0x156: {  	v3 =	vor.u32 v3, v4  }
0x157: {  	v4 =	vperm.xlane v3, v0;
	_ =	sdelay $0x1  }
0x158: {  	v4 =	vadd.s32 v1, v4;
	_ =	sdelay $0x3  }
0x159: {  	s23 =	simm.s32 $0xF400;
	v3 =	vperm.xlane v3, v2  }
0x15a: {  	[tilespmem:s23], [sflag:$0x3] =	stream.indirect_vreg.gather [hbm4b:s1+s3], $0x80, v4, vm0, $0xb8;
	[tilespmem:$0x18400] =	vst v63  }
0x15b: {  	s30 =	simm.s32 $0xFC00;
	v3 =	vadd.s32 v1, v3  }
0x15c: {  	[tilespmem:s30], [sflag:$0x3] =	stream.indirect_vreg.gather [hbm4b:s6+s3], $0x80, v4, vm0, $0xb8;
	[tilespmem:$0x18400] =	vst v63  }
0x15d: {  	s31 =	simm.s32 $0x10400  }
0x15e: {  	[tilespmem:s31], [sflag:$0x3] =	stream.indirect_vreg.gather [hbm4b:s7+s3], $0x80, v4, vm0, $0xb8;
	[tilespmem:$0x18400] =	vst v63  }
0x15f: {  	s18 =	simm.s32 $0x10C00  }
0x160: {  	[tilespmem:s18], [sflag:$0x3] =	stream.indirect_vreg.gather [hbm4b:s1+s3], $0x80, v3, vm0, $0xb8;
	[tilespmem:$0x18400] =	vst v63  }
0x161: {  	s19 =	simm.s32 $0x11400  }
0x162: {  	[tilespmem:s19], [sflag:$0x3] =	stream.indirect_vreg.gather [hbm4b:s6+s3], $0x80, v3, vm0, $0xb8;
	[tilespmem:$0x18400] =	vst v63  }
0x163: {  	s24 =	simm.s32 $0x11C00  }
0x164: {  	[tilespmem:s24], [sflag:$0x3] =	stream.indirect_vreg.gather [hbm4b:s7+s3], $0x80, v3, vm0, $0xb8;
	[tilespmem:$0x18400] =	vst v63  }
0x165: {  	_ =	swait.ge [sflag:s22], $0x6000  }
0x166: {  	[sflag:s22] =	ssyncset.done $0x0  }
0x167: {  	[sflag:s22] =	ssyncadd.s32 $0xFFFFA000  }
0x168: {  	v3 =	vld [tilespmem:$0xE0];
	_ =	sdelay $0x4  }
0x169: {  	vm1 =	veq.s32 v3, $0x1869F  }
0x16a: {  	v3 =	vsel vm1, $0x1, v3  }
0x16b: {  	v20 =	vshrl.u32 v3, $0x3  }
0x16c: {  	v4 =	vmul.u32 $0x30, v20  }
0x16d: {  	v21 =	vand.u32 $0x7, v3  }
0x16e: {  	v22 =	vld [tilespmem:$0xF0];
	v4 =	vor.u32 v21, v4  }
0x16f: {  	v5 =	vperm.xlane v4, v0;
	_ =	sdelay $0x1  }
0x170: {  	v5 =	vadd.s32 v1, v5;
	_ =	sdelay $0x1  }
0x171: {  	vm1 =	veq.s32 v22, $0x1869F  }
0x172: {  	[tilespmem:$0xE0] =	vst v3;
	v3 =	vsel vm1, $0x1, v22  }
0x173: {  	s25 =	simm.s32 $0x12400;
	[tilespmem:$0xF0] =	vst v3;
	v3 =	vperm.xlane v4, v2  }
0x174: {  	[tilespmem:s25], [sflag:$0x4] =	stream.indirect_vreg.gather [hbm4b:s1+s3], $0x80, v5, vm0, $0xb8;
	[tilespmem:$0x18400] =	vst v63  }
0x175: {  	s20 =	simm.s32 $0x12C00;
	v3 =	vadd.s32 v1, v3  }
0x176: {  	[tilespmem:s20], [sflag:$0x4] =	stream.indirect_vreg.gather [hbm4b:s6+s3], $0x80, v5, vm0, $0xb8;
	[tilespmem:$0x18400] =	vst v63  }
0x177: {  	s21 =	simm.s32 $0x13400  }
0x178: {  	[tilespmem:s21], [sflag:$0x4] =	stream.indirect_vreg.gather [hbm4b:s7+s3], $0x80, v5, vm0, $0xb8;
	[tilespmem:$0x18400] =	vst v63  }
0x179: {  	s23 =	simm.s32 $0x13C00  }
0x17a: {  	[tilespmem:s23], [sflag:$0x4] =	stream.indirect_vreg.gather [hbm4b:s1+s3], $0x80, v3, vm0, $0xb8;
	[tilespmem:$0x18400] =	vst v63  }
0x17b: {  	s24 =	simm.s32 $0x14400  }
0x17c: {  	[tilespmem:s24], [sflag:$0x4] =	stream.indirect_vreg.gather [hbm4b:s6+s3], $0x80, v3, vm0, $0xb8;
	[tilespmem:$0x18400] =	vst v63  }
0x17d: {  	s26 =	simm.s32 $0x14C00  }
0x17e: {  	[tilespmem:s26], [sflag:$0x4] =	stream.indirect_vreg.gather [hbm4b:s7+s3], $0x80, v3, vm0, $0xb8;
	[tilespmem:$0x18400] =	vst v63  }
0x17f: {  	v3 =	vld [tilespmem:$0xF0];
	_ =	sdelay $0x4  }
0x180: {  	v23 =	vshrl.u32 v3, $0x3  }
0x181: {  	v4 =	vmul.u32 $0x30, v23  }
0x182: {  	v3 =	vand.u32 $0x7, v3  }
0x183: {  	v3 =	vor.u32 v3, v4  }
0x184: {  	v4 =	vperm.xlane v3, v0;
	_ =	sdelay $0x1  }
0x185: {  	v4 =	vadd.s32 v1, v4;
	_ =	sdelay $0x3  }
0x186: {  	s28 =	simm.s32 $0x15400;
	v3 =	vperm.xlane v3, v2  }
0x187: {  	[tilespmem:s28], [sflag:$0x4] =	stream.indirect_vreg.gather [hbm4b:s1+s3], $0x80, v4, vm0, $0xb8;
	[tilespmem:$0x18400] =	vst v63  }
0x188: {  	s25 =	simm.s32 $0x15C00;
	v3 =	vadd.s32 v1, v3  }
0x189: {  	[tilespmem:s25], [sflag:$0x4] =	stream.indirect_vreg.gather [hbm4b:s6+s3], $0x80, v4, vm0, $0xb8;
	[tilespmem:$0x18400] =	vst v63  }
0x18a: {  	s26 =	simm.s32 $0x16400  }
0x18b: {  	[tilespmem:s26], [sflag:$0x4] =	stream.indirect_vreg.gather [hbm4b:s7+s3], $0x80, v4, vm0, $0xb8;
	[tilespmem:$0x18400] =	vst v63  }
0x18c: {  	s28 =	simm.s32 $0x16C00  }
0x18d: {  	[tilespmem:s28], [sflag:$0x4] =	stream.indirect_vreg.gather [hbm4b:s1+s3], $0x80, v3, vm0, $0xb8;
	[tilespmem:$0x18400] =	vst v63  }
0x18e: {  	s16 =	simm.s32 $0x17400  }
0x18f: {  	[tilespmem:s16], [sflag:$0x4] =	stream.indirect_vreg.gather [hbm4b:s6+s3], $0x80, v3, vm0, $0xb8;
	[tilespmem:$0x18400] =	vst v63  }
0x190: {  	s0 =	simm.s32 $0x17C00  }
0x191: {  	[tilespmem:s0], [sflag:$0x4] =	stream.indirect_vreg.gather [hbm4b:s7+s3], $0x80, v3, vm0, $0xb8;
	[tilespmem:$0x18400] =	vst v63  }
0x192: {  	s16 =	rddreg [dreg:$0x6];
	s0 =	simm.s32 $0x400  }
0x193: {  	[hbm4b:s16+s3] =	stream.linear.scatter [tilespmem:s0], [sflag:$0x5], $0xC000, $0x38;
	[tilespmem:$0x18400] =	vst v63  }
0x194: {  	_ =	swait.ge [sflag:s12], $0x6000  }
0x195: {  	[sflag:s12] =	ssyncset.done $0x0  }
0x196: {  	[sflag:s12] =	ssyncadd.s32 $0xFFFFA000  }
0x197: {  	_ =	swait.ge [sflag:s13], $0xC000  }
0x198: {  	[sflag:s13] =	ssyncset.done $0x0  }
0x199: {  	[sflag:s13] =	ssyncadd.s32 $0xFFFF4000  }
0x19a: {  	v3 =	vld [tilespmem:$0x100];
	_ =	sdelay $0x4  }
0x19b: {  	vm1 =	veq.s32 v3, $0x1869F  }
0x19c: {  	v3 =	vsel vm1, $0x1, v3  }
0x19d: {  	v24 =	vshrl.u32 v3, $0x3  }
0x19e: {  	v4 =	vmul.u32 $0x30, v24  }
0x19f: {  	v25 =	vand.u32 $0x7, v3  }
0x1a0: {  	v26 =	vld [tilespmem:$0x110];
	v4 =	vor.u32 v25, v4  }
0x1a1: {  	v5 =	vperm.xlane v4, v0;
	_ =	sdelay $0x1  }
0x1a2: {  	v5 =	vadd.s32 v1, v5;
	_ =	sdelay $0x1  }
0x1a3: {  	vm1 =	veq.s32 v26, $0x1869F  }
0x1a4: {  	[tilespmem:$0x100] =	vst v3;
	v3 =	vsel vm1, $0x1, v26  }
0x1a5: {  	[tilespmem:$0x110] =	vst v3;
	v3 =	vperm.xlane v4, v2  }
0x1a6: {  	[tilespmem:s0], [sflag:$0x1] =	stream.indirect_vreg.gather [hbm4b:s1+s3], $0x80, v5, vm0, $0xb8;
	[tilespmem:$0x18400] =	vst v63  }
0x1a7: {  	s16 =	simm.s32 $0xC00;
	v3 =	vadd.s32 v1, v3  }
0x1a8: {  	[tilespmem:s16], [sflag:$0x1] =	stream.indirect_vreg.gather [hbm4b:s6+s3], $0x80, v5, vm0, $0xb8;
	[tilespmem:$0x18400] =	vst v63  }
0x1a9: {  	s16 =	simm.s32 $0x1400  }
0x1aa: {  	[tilespmem:s16], [sflag:$0x1] =	stream.indirect_vreg.gather [hbm4b:s7+s3], $0x80, v5, vm0, $0xb8;
	[tilespmem:$0x18400] =	vst v63  }
0x1ab: {  	_ = 	snop  }
0x1ac: {  	[tilespmem:s4], [sflag:$0x1] =	stream.indirect_vreg.gather [hbm4b:s1+s3], $0x80, v3, vm0, $0xb8;
	[tilespmem:$0x18400] =	vst v63  }
0x1ad: {  	s16 =	simm.s32 $0x2400  }
0x1ae: {  	[tilespmem:s16], [sflag:$0x1] =	stream.indirect_vreg.gather [hbm4b:s6+s3], $0x80, v3, vm0, $0xb8;
	[tilespmem:$0x18400] =	vst v63  }
0x1af: {  	s4 =	simm.s32 $0x2C00  }
0x1b0: {  	[tilespmem:s4], [sflag:$0x1] =	stream.indirect_vreg.gather [hbm4b:s7+s3], $0x80, v3, vm0, $0xb8;
	[tilespmem:$0x18400] =	vst v63  }
0x1b1: {  	v3 =	vld [tilespmem:$0x110];
	_ =	sdelay $0x4  }
0x1b2: {  	v27 =	vshrl.u32 v3, $0x3  }
0x1b3: {  	v4 =	vmul.u32 $0x30, v27  }
0x1b4: {  	v3 =	vand.u32 $0x7, v3  }
0x1b5: {  	v3 =	vor.u32 v3, v4  }
0x1b6: {  	v4 =	vperm.xlane v3, v0;
	_ =	sdelay $0x1  }
0x1b7: {  	v4 =	vadd.s32 v1, v4;
	_ =	sdelay $0x3  }
0x1b8: {  	s16 =	simm.s32 $0x3400;
	v3 =	vperm.xlane v3, v2  }
0x1b9: {  	[tilespmem:s16], [sflag:$0x1] =	stream.indirect_vreg.gather [hbm4b:s1+s3], $0x80, v4, vm0, $0xb8;
	[tilespmem:$0x18400] =	vst v63  }
0x1ba: {  	v3 =	vadd.s32 v1, v3  }
0x1bb: {  	[tilespmem:s17], [sflag:$0x1] =	stream.indirect_vreg.gather [hbm4b:s6+s3], $0x80, v4, vm0, $0xb8;
	[tilespmem:$0x18400] =	vst v63  }
0x1bc: {  	s17 =	simm.s32 $0x4400  }
0x1bd: {  	[tilespmem:s17], [sflag:$0x1] =	stream.indirect_vreg.gather [hbm4b:s7+s3], $0x80, v4, vm0, $0xb8;
	[tilespmem:$0x18400] =	vst v63  }
0x1be: {  	s4 =	simm.s32 $0x4C00  }
0x1bf: {  	[tilespmem:s4], [sflag:$0x1] =	stream.indirect_vreg.gather [hbm4b:s1+s3], $0x80, v3, vm0, $0xb8;
	[tilespmem:$0x18400] =	vst v63  }
0x1c0: {  	s16 =	simm.s32 $0x5400  }
0x1c1: {  	[tilespmem:s16], [sflag:$0x1] =	stream.indirect_vreg.gather [hbm4b:s6+s3], $0x80, v3, vm0, $0xb8;
	[tilespmem:$0x18400] =	vst v63  }
0x1c2: {  	s4 =	simm.s32 $0x5C00  }
0x1c3: {  	[tilespmem:s4], [sflag:$0x1] =	stream.indirect_vreg.gather [hbm4b:s7+s3], $0x80, v3, vm0, $0xb8;
	[tilespmem:$0x18400] =	vst v63  }
0x1c4: {  	_ =	swait.ge [sflag:s14], $0x6000  }
0x1c5: {  	[sflag:s14] =	ssyncset.done $0x0  }
0x1c6: {  	[sflag:s14] =	ssyncadd.s32 $0xFFFFA000  }
0x1c7: {  	v3 =	vld [tilespmem:$0x120];
	_ =	sdelay $0x4  }
0x1c8: {  	vm1 =	veq.s32 v3, $0x1869F  }
0x1c9: {  	v3 =	vsel vm1, $0x1, v3  }
0x1ca: {  	v28 =	vshrl.u32 v3, $0x3  }
0x1cb: {  	v4 =	vmul.u32 $0x30, v28  }
0x1cc: {  	v29 =	vand.u32 $0x7, v3  }
0x1cd: {  	v30 =	vld [tilespmem:$0x130];
	v4 =	vor.u32 v29, v4  }
0x1ce: {  	v5 =	vperm.xlane v4, v0;
	_ =	sdelay $0x1  }
0x1cf: {  	v5 =	vadd.s32 v1, v5;
	_ =	sdelay $0x1  }
0x1d0: {  	vm1 =	veq.s32 v30, $0x1869F  }
0x1d1: {  	[tilespmem:$0x120] =	vst v3;
	v3 =	vsel vm1, $0x1, v30  }
0x1d2: {  	[tilespmem:$0x130] =	vst v3;
	v3 =	vperm.xlane v4, v2  }
0x1d3: {  	[tilespmem:s9], [sflag:$0x2] =	stream.indirect_vreg.gather [hbm4b:s1+s3], $0x80, v5, vm0, $0xb8;
	[tilespmem:$0x18400] =	vst v63  }
0x1d4: {  	v3 =	vadd.s32 v1, v3;
	s9 =	simm.s32 $0x6C00  }
0x1d5: {  	[tilespmem:s9], [sflag:$0x2] =	stream.indirect_vreg.gather [hbm4b:s6+s3], $0x80, v5, vm0, $0xb8;
	[tilespmem:$0x18400] =	vst v63  }
0x1d6: {  	s16 =	simm.s32 $0x7400  }
0x1d7: {  	[tilespmem:s16], [sflag:$0x2] =	stream.indirect_vreg.gather [hbm4b:s7+s3], $0x80, v5, vm0, $0xb8;
	[tilespmem:$0x18400] =	vst v63  }
0x1d8: {  	s9 =	simm.s32 $0x7C00  }
0x1d9: {  	[tilespmem:s9], [sflag:$0x2] =	stream.indirect_vreg.gather [hbm4b:s1+s3], $0x80, v3, vm0, $0xb8;
	[tilespmem:$0x18400] =	vst v63  }
0x1da: {  	s16 =	simm.s32 $0x8400  }
0x1db: {  	[tilespmem:s16], [sflag:$0x2] =	stream.indirect_vreg.gather [hbm4b:s6+s3], $0x80, v3, vm0, $0xb8;
	[tilespmem:$0x18400] =	vst v63  }
0x1dc: {  	_ = 	snop  }
0x1dd: {  	[tilespmem:s10], [sflag:$0x2] =	stream.indirect_vreg.gather [hbm4b:s7+s3], $0x80, v3, vm0, $0xb8;
	[tilespmem:$0x18400] =	vst v63  }
0x1de: {  	v3 =	vld [tilespmem:$0x130];
	_ =	sdelay $0x4  }
0x1df: {  	v31 =	vshrl.u32 v3, $0x3  }
0x1e0: {  	v4 =	vmul.u32 $0x30, v31  }
0x1e1: {  	v3 =	vand.u32 $0x7, v3  }
0x1e2: {  	v3 =	vor.u32 v3, v4  }
0x1e3: {  	v4 =	vperm.xlane v3, v0;
	_ =	sdelay $0x1  }
0x1e4: {  	v4 =	vadd.s32 v1, v4;
	_ =	sdelay $0x3  }
0x1e5: {  	v3 =	vperm.xlane v3, v2  }
0x1e6: {  	[tilespmem:s29], [sflag:$0x2] =	stream.indirect_vreg.gather [hbm4b:s1+s3], $0x80, v4, vm0, $0xb8;
	[tilespmem:$0x18400] =	vst v63  }
0x1e7: {  	v3 =	vadd.s32 v1, v3;
	s29 =	simm.s32 $0x9C00  }
0x1e8: {  	[tilespmem:s29], [sflag:$0x2] =	stream.indirect_vreg.gather [hbm4b:s6+s3], $0x80, v4, vm0, $0xb8;
	[tilespmem:$0x18400] =	vst v63  }
0x1e9: {  	s9 =	simm.s32 $0xA400  }
0x1ea: {  	[tilespmem:s9], [sflag:$0x2] =	stream.indirect_vreg.gather [hbm4b:s7+s3], $0x80, v4, vm0, $0xb8;
	[tilespmem:$0x18400] =	vst v63  }
0x1eb: {  	s10 =	simm.s32 $0xAC00  }
0x1ec: {  	[tilespmem:s10], [sflag:$0x2] =	stream.indirect_vreg.gather [hbm4b:s1+s3], $0x80, v3, vm0, $0xb8;
	[tilespmem:$0x18400] =	vst v63  }
0x1ed: {  	s16 =	simm.s32 $0xB400  }
0x1ee: {  	[tilespmem:s16], [sflag:$0x2] =	stream.indirect_vreg.gather [hbm4b:s6+s3], $0x80, v3, vm0, $0xb8;
	[tilespmem:$0x18400] =	vst v63  }
0x1ef: {  	s9 =	simm.s32 $0xBC00  }
0x1f0: {  	[tilespmem:s9], [sflag:$0x2] =	stream.indirect_vreg.gather [hbm4b:s7+s3], $0x80, v3, vm0, $0xb8;
	[tilespmem:$0x18400] =	vst v63  }
0x1f1: {  	s29 =	rddreg [dreg:$0x7];
	s10 =	simm.s32 $0xC400  }
0x1f2: {  	[hbm4b:s29+s3] =	stream.linear.scatter [tilespmem:s10], [sflag:$0x6], $0xC000, $0x38;
	[tilespmem:$0x18400] =	vst v63  }
0x1f3: {  	_ =	swait.ge [sflag:s5], $0x6000  }
0x1f4: {  	[sflag:s5] =	ssyncset.done $0x0  }
0x1f5: {  	[sflag:s5] =	ssyncadd.s32 $0xFFFFA000  }
0x1f6: {  	_ =	swait.ge [sflag:s15], $0xC000  }
0x1f7: {  	[sflag:s15] =	ssyncset.done $0x0  }
0x1f8: {  	[sflag:s15] =	ssyncadd.s32 $0xFFFF4000  }
0x1f9: {  	v3 =	vld [tilespmem:$0x140];
	_ =	sdelay $0x4  }
0x1fa: {  	vm1 =	veq.s32 v3, $0x1869F  }
0x1fb: {  	v3 =	vsel vm1, $0x1, v3  }
0x1fc: {  	v32 =	vshrl.u32 v3, $0x3  }
0x1fd: {  	v4 =	vmul.u32 $0x30, v32  }
0x1fe: {  	v33 =	vand.u32 $0x7, v3  }
0x1ff: {  	v34 =	vld [tilespmem:$0x150];
	v4 =	vor.u32 v33, v4  }
0x200: {  	v5 =	vperm.xlane v4, v0;
	_ =	sdelay $0x1  }
0x201: {  	v5 =	vadd.s32 v1, v5;
	_ =	sdelay $0x1  }
0x202: {  	vm1 =	veq.s32 v34, $0x1869F  }
0x203: {  	[tilespmem:$0x140] =	vst v3;
	v3 =	vsel vm1, $0x1, v34  }
0x204: {  	[tilespmem:$0x150] =	vst v3;
	v3 =	vperm.xlane v4, v2  }
0x205: {  	[tilespmem:s10], [sflag:$0x3] =	stream.indirect_vreg.gather [hbm4b:s1+s3], $0x80, v5, vm0, $0xb8;
	[tilespmem:$0x18400] =	vst v63  }
0x206: {  	v3 =	vadd.s32 v1, v3  }
0x207: {  	[tilespmem:s8], [sflag:$0x3] =	stream.indirect_vreg.gather [hbm4b:s6+s3], $0x80, v5, vm0, $0xb8;
	[tilespmem:$0x18400] =	vst v63  }
0x208: {  	_ = 	snop  }
0x209: {  	[tilespmem:s2], [sflag:$0x3] =	stream.indirect_vreg.gather [hbm4b:s7+s3], $0x80, v5, vm0, $0xb8;
	[tilespmem:$0x18400] =	vst v63  }
0x20a: {  	s16 =	simm.s32 $0xDC00  }
0x20b: {  	[tilespmem:s16], [sflag:$0x3] =	stream.indirect_vreg.gather [hbm4b:s1+s3], $0x80, v3, vm0, $0xb8;
	[tilespmem:$0x18400] =	vst v63  }
0x20c: {  	_ = 	snop  }
0x20d: {  	[tilespmem:s11], [sflag:$0x3] =	stream.indirect_vreg.gather [hbm4b:s6+s3], $0x80, v3, vm0, $0xb8;
	[tilespmem:$0x18400] =	vst v63  }
0x20e: {  	s11 =	simm.s32 $0xEC00  }
0x20f: {  	[tilespmem:s11], [sflag:$0x3] =	stream.indirect_vreg.gather [hbm4b:s7+s3], $0x80, v3, vm0, $0xb8;
	[tilespmem:$0x18400] =	vst v63  }
0x210: {  	v3 =	vld [tilespmem:$0x150];
	_ =	sdelay $0x4  }
0x211: {  	v35 =	vshrl.u32 v3, $0x3  }
0x212: {  	v4 =	vmul.u32 $0x30, v35  }
0x213: {  	v3 =	vand.u32 $0x7, v3  }
0x214: {  	v3 =	vor.u32 v3, v4  }
0x215: {  	v4 =	vperm.xlane v3, v0;
	_ =	sdelay $0x1  }
0x216: {  	v4 =	vadd.s32 v1, v4;
	_ =	sdelay $0x3  }
0x217: {  	s9 =	simm.s32 $0xF400;
	v3 =	vperm.xlane v3, v2  }
0x218: {  	[tilespmem:s9], [sflag:$0x3] =	stream.indirect_vreg.gather [hbm4b:s1+s3], $0x80, v4, vm0, $0xb8;
	[tilespmem:$0x18400] =	vst v63  }
0x219: {  	v3 =	vadd.s32 v1, v3  }
0x21a: {  	[tilespmem:s30], [sflag:$0x3] =	stream.indirect_vreg.gather [hbm4b:s6+s3], $0x80, v4, vm0, $0xb8;
	[tilespmem:$0x18400] =	vst v63  }
0x21b: {  	_ = 	snop  }
0x21c: {  	[tilespmem:s31], [sflag:$0x3] =	stream.indirect_vreg.gather [hbm4b:s7+s3], $0x80, v4, vm0, $0xb8;
	[tilespmem:$0x18400] =	vst v63  }
0x21d: {  	_ = 	snop  }
0x21e: {  	[tilespmem:s18], [sflag:$0x3] =	stream.indirect_vreg.gather [hbm4b:s1+s3], $0x80, v3, vm0, $0xb8;
	[tilespmem:$0x18400] =	vst v63  }
0x21f: {  	_ = 	snop  }
0x220: {  	[tilespmem:s19], [sflag:$0x3] =	stream.indirect_vreg.gather [hbm4b:s6+s3], $0x80, v3, vm0, $0xb8;
	[tilespmem:$0x18400] =	vst v63  }
0x221: {  	s4 =	simm.s32 $0x11C00  }
0x222: {  	[tilespmem:s4], [sflag:$0x3] =	stream.indirect_vreg.gather [hbm4b:s7+s3], $0x80, v3, vm0, $0xb8;
	[tilespmem:$0x18400] =	vst v63  }
0x223: {  	_ =	swait.ge [sflag:s22], $0x6000  }
0x224: {  	[sflag:s22] =	ssyncset.done $0x0  }
0x225: {  	[sflag:s22] =	ssyncadd.s32 $0xFFFFA000  }
0x226: {  	v3 =	vld [tilespmem:$0x160];
	_ =	sdelay $0x4  }
0x227: {  	vm1 =	veq.s32 v3, $0x1869F  }
0x228: {  	v3 =	vsel vm1, $0x1, v3  }
0x229: {  	v36 =	vshrl.u32 v3, $0x3  }
0x22a: {  	v4 =	vmul.u32 $0x30, v36  }
0x22b: {  	v37 =	vand.u32 $0x7, v3  }
0x22c: {  	v38 =	vld [tilespmem:$0x170];
	v4 =	vor.u32 v37, v4  }
0x22d: {  	v5 =	vperm.xlane v4, v0;
	_ =	sdelay $0x1  }
0x22e: {  	v5 =	vadd.s32 v1, v5;
	_ =	sdelay $0x1  }
0x22f: {  	vm1 =	veq.s32 v38, $0x1869F  }
0x230: {  	[tilespmem:$0x160] =	vst v3;
	v3 =	vsel vm1, $0x1, v38  }
0x231: {  	s19 =	simm.s32 $0x12400;
	[tilespmem:$0x170] =	vst v3;
	v3 =	vperm.xlane v4, v2  }
0x232: {  	[tilespmem:s19], [sflag:$0x4] =	stream.indirect_vreg.gather [hbm4b:s1+s3], $0x80, v5, vm0, $0xb8;
	[tilespmem:$0x18400] =	vst v63  }
0x233: {  	v3 =	vadd.s32 v1, v3  }
0x234: {  	[tilespmem:s20], [sflag:$0x4] =	stream.indirect_vreg.gather [hbm4b:s6+s3], $0x80, v5, vm0, $0xb8;
	[tilespmem:$0x18400] =	vst v63  }
0x235: {  	_ = 	snop  }
0x236: {  	[tilespmem:s21], [sflag:$0x4] =	stream.indirect_vreg.gather [hbm4b:s7+s3], $0x80, v5, vm0, $0xb8;
	[tilespmem:$0x18400] =	vst v63  }
0x237: {  	_ = 	snop  }
0x238: {  	[tilespmem:s23], [sflag:$0x4] =	stream.indirect_vreg.gather [hbm4b:s1+s3], $0x80, v3, vm0, $0xb8;
	[tilespmem:$0x18400] =	vst v63  }
0x239: {  	_ = 	snop  }
0x23a: {  	[tilespmem:s24], [sflag:$0x4] =	stream.indirect_vreg.gather [hbm4b:s6+s3], $0x80, v3, vm0, $0xb8;
	[tilespmem:$0x18400] =	vst v63  }
0x23b: {  	s2 =	simm.s32 $0x14C00  }
0x23c: {  	[tilespmem:s2], [sflag:$0x4] =	stream.indirect_vreg.gather [hbm4b:s7+s3], $0x80, v3, vm0, $0xb8;
	[tilespmem:$0x18400] =	vst v63  }
0x23d: {  	v3 =	vld [tilespmem:$0x170];
	_ =	sdelay $0x4  }
0x23e: {  	v39 =	vshrl.u32 v3, $0x3  }
0x23f: {  	v4 =	vmul.u32 $0x30, v39  }
0x240: {  	v3 =	vand.u32 $0x7, v3  }
0x241: {  	v3 =	vor.u32 v3, v4  }
0x242: {  	v4 =	vperm.xlane v3, v0;
	_ =	sdelay $0x1  }
0x243: {  	v4 =	vadd.s32 v1, v4;
	_ =	sdelay $0x3  }
0x244: {  	s18 =	simm.s32 $0x15400;
	v3 =	vperm.xlane v3, v2  }
0x245: {  	[tilespmem:s18], [sflag:$0x4] =	stream.indirect_vreg.gather [hbm4b:s1+s3], $0x80, v4, vm0, $0xb8;
	[tilespmem:$0x18400] =	vst v63  }
0x246: {  	v3 =	vadd.s32 v1, v3  }
0x247: {  	[tilespmem:s25], [sflag:$0x4] =	stream.indirect_vreg.gather [hbm4b:s6+s3], $0x80, v4, vm0, $0xb8;
	[tilespmem:$0x18400] =	vst v63  }
0x248: {  	_ = 	snop  }
0x249: {  	[tilespmem:s26], [sflag:$0x4] =	stream.indirect_vreg.gather [hbm4b:s7+s3], $0x80, v4, vm0, $0xb8;
	[tilespmem:$0x18400] =	vst v63  }
0x24a: {  	_ = 	snop  }
0x24b: {  	[tilespmem:s28], [sflag:$0x4] =	stream.indirect_vreg.gather [hbm4b:s1+s3], $0x80, v3, vm0, $0xb8;
	[tilespmem:$0x18400] =	vst v63  }
0x24c: {  	s10 =	simm.s32 $0x17400  }
0x24d: {  	[tilespmem:s10], [sflag:$0x4] =	stream.indirect_vreg.gather [hbm4b:s6+s3], $0x80, v3, vm0, $0xb8;
	[tilespmem:$0x18400] =	vst v63  }
0x24e: {  	s8 =	simm.s32 $0x17C00  }
0x24f: {  	[tilespmem:s8], [sflag:$0x4] =	stream.indirect_vreg.gather [hbm4b:s7+s3], $0x80, v3, vm0, $0xb8;
	[tilespmem:$0x18400] =	vst v63  }
0x250: {  	s30 =	simm.s32 $0x400;
	s29 =	rddreg [dreg:$0x8]  }
0x251: {  	[hbm4b:s29+s3] =	stream.linear.scatter [tilespmem:s30], [sflag:$0x5], $0xC000, $0x38;
	[tilespmem:$0x18400] =	vst v63  }
0x252: {  	_ =	swait.ge [sflag:s12], $0x6000  }
0x253: {  	[sflag:s12] =	ssyncset.done $0x0  }
0x254: {  	[sflag:s12] =	ssyncadd.s32 $0xFFFFA000  }
0x255: {  	_ =	swait.ge [sflag:s13], $0xC000  }
0x256: {  	[sflag:s13] =	ssyncset.done $0x0  }
0x257: {  	[sflag:s13] =	ssyncadd.s32 $0xFFFF4000  }
0x258: {  	v3 =	vld [tilespmem:$0x180];
	_ =	sdelay $0x4  }
0x259: {  	vm1 =	veq.s32 v3, $0x1869F  }
0x25a: {  	v3 =	vsel vm1, $0x1, v3  }
0x25b: {  	v40 =	vshrl.u32 v3, $0x3  }
0x25c: {  	v4 =	vmul.u32 $0x30, v40  }
0x25d: {  	v41 =	vand.u32 $0x7, v3  }
0x25e: {  	v42 =	vld [tilespmem:$0x190];
	v4 =	vor.u32 v41, v4  }
0x25f: {  	v5 =	vperm.xlane v4, v0;
	_ =	sdelay $0x1  }
0x260: {  	v5 =	vadd.s32 v1, v5;
	_ =	sdelay $0x1  }
0x261: {  	vm1 =	veq.s32 v42, $0x1869F  }
0x262: {  	[tilespmem:$0x180] =	vst v3;
	v3 =	vsel vm1, $0x1, v42  }
0x263: {  	[tilespmem:$0x190] =	vst v3;
	v3 =	vperm.xlane v4, v2  }
0x264: {  	[tilespmem:s30], [sflag:$0x1] =	stream.indirect_vreg.gather [hbm4b:s1+s3], $0x80, v5, vm0, $0xb8;
	[tilespmem:$0x18400] =	vst v63  }
0x265: {  	s29 =	simm.s32 $0xC00;
	v3 =	vadd.s32 v1, v3  }
0x266: {  	[tilespmem:s29], [sflag:$0x1] =	stream.indirect_vreg.gather [hbm4b:s6+s3], $0x80, v5, vm0, $0xb8;
	[tilespmem:$0x18400] =	vst v63  }
0x267: {  	s30 =	simm.s32 $0x1400  }
0x268: {  	[tilespmem:s30], [sflag:$0x1] =	stream.indirect_vreg.gather [hbm4b:s7+s3], $0x80, v5, vm0, $0xb8;
	[tilespmem:$0x18400] =	vst v63  }
0x269: {  	s31 =	simm.s32 $0x1C00  }
0x26a: {  	[tilespmem:s31], [sflag:$0x1] =	stream.indirect_vreg.gather [hbm4b:s1+s3], $0x80, v3, vm0, $0xb8;
	[tilespmem:$0x18400] =	vst v63  }
0x26b: {  	s31 =	simm.s32 $0x2400  }
0x26c: {  	[tilespmem:s31], [sflag:$0x1] =	stream.indirect_vreg.gather [hbm4b:s6+s3], $0x80, v3, vm0, $0xb8;
	[tilespmem:$0x18400] =	vst v63  }
0x26d: {  	s19 =	simm.s32 $0x2C00  }
0x26e: {  	[tilespmem:s19], [sflag:$0x1] =	stream.indirect_vreg.gather [hbm4b:s7+s3], $0x80, v3, vm0, $0xb8;
	[tilespmem:$0x18400] =	vst v63  }
0x26f: {  	v3 =	vld [tilespmem:$0x190];
	_ =	sdelay $0x4  }
0x270: {  	v43 =	vshrl.u32 v3, $0x3  }
0x271: {  	v4 =	vmul.u32 $0x30, v43  }
0x272: {  	v3 =	vand.u32 $0x7, v3  }
0x273: {  	v3 =	vor.u32 v3, v4  }
0x274: {  	v4 =	vperm.xlane v3, v0;
	_ =	sdelay $0x1  }
0x275: {  	v4 =	vadd.s32 v1, v4;
	_ =	sdelay $0x3  }
0x276: {  	s20 =	simm.s32 $0x3400;
	v3 =	vperm.xlane v3, v2  }
0x277: {  	[tilespmem:s20], [sflag:$0x1] =	stream.indirect_vreg.gather [hbm4b:s1+s3], $0x80, v4, vm0, $0xb8;
	[tilespmem:$0x18400] =	vst v63  }
0x278: {  	s21 =	simm.s32 $0x3C00;
	v3 =	vadd.s32 v1, v3  }
0x279: {  	[tilespmem:s21], [sflag:$0x1] =	stream.indirect_vreg.gather [hbm4b:s6+s3], $0x80, v4, vm0, $0xb8;
	[tilespmem:$0x18400] =	vst v63  }
0x27a: {  	_ = 	snop  }
0x27b: {  	[tilespmem:s17], [sflag:$0x1] =	stream.indirect_vreg.gather [hbm4b:s7+s3], $0x80, v4, vm0, $0xb8;
	[tilespmem:$0x18400] =	vst v63  }
0x27c: {  	s23 =	simm.s32 $0x4C00  }
0x27d: {  	[tilespmem:s23], [sflag:$0x1] =	stream.indirect_vreg.gather [hbm4b:s1+s3], $0x80, v3, vm0, $0xb8;
	[tilespmem:$0x18400] =	vst v63  }
0x27e: {  	s24 =	simm.s32 $0x5400  }
0x27f: {  	[tilespmem:s24], [sflag:$0x1] =	stream.indirect_vreg.gather [hbm4b:s6+s3], $0x80, v3, vm0, $0xb8;
	[tilespmem:$0x18400] =	vst v63  }
0x280: {  	s25 =	simm.s32 $0x5C00  }
0x281: {  	[tilespmem:s25], [sflag:$0x1] =	stream.indirect_vreg.gather [hbm4b:s7+s3], $0x80, v3, vm0, $0xb8;
	[tilespmem:$0x18400] =	vst v63  }
0x282: {  	_ =	swait.ge [sflag:s14], $0x6000  }
0x283: {  	[sflag:s14] =	ssyncset.done $0x0  }
0x284: {  	[sflag:s14] =	ssyncadd.s32 $0xFFFFA000  }
0x285: {  	v3 =	vld [tilespmem:$0x1A0];
	_ =	sdelay $0x4  }
0x286: {  	vm1 =	veq.s32 v3, $0x1869F  }
0x287: {  	v3 =	vsel vm1, $0x1, v3  }
0x288: {  	v44 =	vshrl.u32 v3, $0x3  }
0x289: {  	v4 =	vmul.u32 $0x30, v44  }
0x28a: {  	v45 =	vand.u32 $0x7, v3  }
0x28b: {  	v46 =	vld [tilespmem:$0x1B0];
	v4 =	vor.u32 v45, v4  }
0x28c: {  	v5 =	vperm.xlane v4, v0;
	_ =	sdelay $0x1  }
0x28d: {  	v5 =	vadd.s32 v1, v5;
	_ =	sdelay $0x1  }
0x28e: {  	vm1 =	veq.s32 v46, $0x1869F  }
0x28f: {  	[tilespmem:$0x1A0] =	vst v3;
	v3 =	vsel vm1, $0x1, v46  }
0x290: {  	s0 =	simm.s32 $0x6400;
	[tilespmem:$0x1B0] =	vst v3;
	v3 =	vperm.xlane v4, v2  }
0x291: {  	[tilespmem:s0], [sflag:$0x2] =	stream.indirect_vreg.gather [hbm4b:s1+s3], $0x80, v5, vm0, $0xb8;
	[tilespmem:$0x18400] =	vst v63  }
0x292: {  	s19 =	simm.s32 $0x6C00;
	v3 =	vadd.s32 v1, v3  }
0x293: {  	[tilespmem:s19], [sflag:$0x2] =	stream.indirect_vreg.gather [hbm4b:s6+s3], $0x80, v5, vm0, $0xb8;
	[tilespmem:$0x18400] =	vst v63  }
0x294: {  	s20 =	simm.s32 $0x7400  }
0x295: {  	[tilespmem:s20], [sflag:$0x2] =	stream.indirect_vreg.gather [hbm4b:s7+s3], $0x80, v5, vm0, $0xb8;
	[tilespmem:$0x18400] =	vst v63  }
0x296: {  	s21 =	simm.s32 $0x7C00  }
0x297: {  	[tilespmem:s21], [sflag:$0x2] =	stream.indirect_vreg.gather [hbm4b:s1+s3], $0x80, v3, vm0, $0xb8;
	[tilespmem:$0x18400] =	vst v63  }
0x298: {  	s23 =	simm.s32 $0x8400  }
0x299: {  	[tilespmem:s23], [sflag:$0x2] =	stream.indirect_vreg.gather [hbm4b:s6+s3], $0x80, v3, vm0, $0xb8;
	[tilespmem:$0x18400] =	vst v63  }
0x29a: {  	s26 =	simm.s32 $0x8C00  }
0x29b: {  	[tilespmem:s26], [sflag:$0x2] =	stream.indirect_vreg.gather [hbm4b:s7+s3], $0x80, v3, vm0, $0xb8;
	[tilespmem:$0x18400] =	vst v63  }
0x29c: {  	v3 =	vld [tilespmem:$0x1B0];
	_ =	sdelay $0x4  }
0x29d: {  	v47 =	vshrl.u32 v3, $0x3  }
0x29e: {  	v4 =	vmul.u32 $0x30, v47  }
0x29f: {  	v3 =	vand.u32 $0x7, v3  }
0x2a0: {  	v3 =	vor.u32 v3, v4  }
0x2a1: {  	v4 =	vperm.xlane v3, v0;
	_ =	sdelay $0x1  }
0x2a2: {  	v4 =	vadd.s32 v1, v4;
	_ =	sdelay $0x3  }
0x2a3: {  	s28 =	simm.s32 $0x9400;
	v3 =	vperm.xlane v3, v2  }
0x2a4: {  	[tilespmem:s28], [sflag:$0x2] =	stream.indirect_vreg.gather [hbm4b:s1+s3], $0x80, v4, vm0, $0xb8;
	[tilespmem:$0x18400] =	vst v63  }
0x2a5: {  	s24 =	simm.s32 $0x9C00;
	v3 =	vadd.s32 v1, v3  }
0x2a6: {  	[tilespmem:s24], [sflag:$0x2] =	stream.indirect_vreg.gather [hbm4b:s6+s3], $0x80, v4, vm0, $0xb8;
	[tilespmem:$0x18400] =	vst v63  }
0x2a7: {  	s25 =	simm.s32 $0xA400  }
0x2a8: {  	[tilespmem:s25], [sflag:$0x2] =	stream.indirect_vreg.gather [hbm4b:s7+s3], $0x80, v4, vm0, $0xb8;
	[tilespmem:$0x18400] =	vst v63  }
0x2a9: {  	s26 =	simm.s32 $0xAC00  }
0x2aa: {  	[tilespmem:s26], [sflag:$0x2] =	stream.indirect_vreg.gather [hbm4b:s1+s3], $0x80, v3, vm0, $0xb8;
	[tilespmem:$0x18400] =	vst v63  }
0x2ab: {  	s28 =	simm.s32 $0xB400  }
0x2ac: {  	[tilespmem:s28], [sflag:$0x2] =	stream.indirect_vreg.gather [hbm4b:s6+s3], $0x80, v3, vm0, $0xb8;
	[tilespmem:$0x18400] =	vst v63  }
0x2ad: {  	s17 =	simm.s32 $0xBC00  }
0x2ae: {  	[tilespmem:s17], [sflag:$0x2] =	stream.indirect_vreg.gather [hbm4b:s7+s3], $0x80, v3, vm0, $0xb8;
	[tilespmem:$0x18400] =	vst v63  }
0x2af: {  	s16 =	rddreg [dreg:$0x9];
	s0 =	simm.s32 $0xC400  }
0x2b0: {  	[hbm4b:s16+s3] =	stream.linear.scatter [tilespmem:s0], [sflag:$0x6], $0xC000, $0x38;
	[tilespmem:$0x18400] =	vst v63  }
0x2b1: {  	_ =	swait.ge [sflag:s5], $0x6000  }
0x2b2: {  	[sflag:s5] =	ssyncset.done $0x0  }
0x2b3: {  	[sflag:s5] =	ssyncadd.s32 $0xFFFFA000  }
0x2b4: {  	_ =	swait.ge [sflag:s15], $0xC000  }
0x2b5: {  	[sflag:s15] =	ssyncset.done $0x0  }
0x2b6: {  	[sflag:s15] =	ssyncadd.s32 $0xFFFF4000  }
0x2b7: {  	v3 =	vld [tilespmem:$0x1C0];
	_ =	sdelay $0x4  }
0x2b8: {  	vm1 =	veq.s32 v3, $0x1869F  }
0x2b9: {  	v3 =	vsel vm1, $0x1, v3  }
0x2ba: {  	v48 =	vshrl.u32 v3, $0x3  }
0x2bb: {  	v4 =	vmul.u32 $0x30, v48  }
0x2bc: {  	v49 =	vand.u32 $0x7, v3  }
0x2bd: {  	v50 =	vld [tilespmem:$0x1D0];
	v4 =	vor.u32 v49, v4  }
0x2be: {  	v5 =	vperm.xlane v4, v0;
	_ =	sdelay $0x1  }
0x2bf: {  	v5 =	vadd.s32 v1, v5;
	_ =	sdelay $0x1  }
0x2c0: {  	vm1 =	veq.s32 v50, $0x1869F  }
0x2c1: {  	[tilespmem:$0x1C0] =	vst v3;
	v3 =	vsel vm1, $0x1, v50  }
0x2c2: {  	[tilespmem:$0x1D0] =	vst v3;
	v3 =	vperm.xlane v4, v2  }
0x2c3: {  	[tilespmem:s0], [sflag:$0x3] =	stream.indirect_vreg.gather [hbm4b:s1+s3], $0x80, v5, vm0, $0xb8;
	[tilespmem:$0x18400] =	vst v63  }
0x2c4: {  	v3 =	vadd.s32 v1, v3;
	s0 =	simm.s32 $0xCC00  }
0x2c5: {  	[tilespmem:s0], [sflag:$0x3] =	stream.indirect_vreg.gather [hbm4b:s6+s3], $0x80, v5, vm0, $0xb8;
	[tilespmem:$0x18400] =	vst v63  }
0x2c6: {  	s16 =	simm.s32 $0xD400  }
0x2c7: {  	[tilespmem:s16], [sflag:$0x3] =	stream.indirect_vreg.gather [hbm4b:s7+s3], $0x80, v5, vm0, $0xb8;
	[tilespmem:$0x18400] =	vst v63  }
0x2c8: {  	s16 =	simm.s32 $0xDC00  }
0x2c9: {  	[tilespmem:s16], [sflag:$0x3] =	stream.indirect_vreg.gather [hbm4b:s1+s3], $0x80, v3, vm0, $0xb8;
	[tilespmem:$0x18400] =	vst v63  }
0x2ca: {  	s16 =	simm.s32 $0xE400  }
0x2cb: {  	[tilespmem:s16], [sflag:$0x3] =	stream.indirect_vreg.gather [hbm4b:s6+s3], $0x80, v3, vm0, $0xb8;
	[tilespmem:$0x18400] =	vst v63  }
0x2cc: {  	_ = 	snop  }
0x2cd: {  	[tilespmem:s11], [sflag:$0x3] =	stream.indirect_vreg.gather [hbm4b:s7+s3], $0x80, v3, vm0, $0xb8;
	[tilespmem:$0x18400] =	vst v63  }
0x2ce: {  	v3 =	vld [tilespmem:$0x1D0];
	_ =	sdelay $0x4  }
0x2cf: {  	v51 =	vshrl.u32 v3, $0x3  }
0x2d0: {  	v4 =	vmul.u32 $0x30, v51  }
0x2d1: {  	v3 =	vand.u32 $0x7, v3  }
0x2d2: {  	v3 =	vor.u32 v3, v4  }
0x2d3: {  	v4 =	vperm.xlane v3, v0;
	_ =	sdelay $0x1  }
0x2d4: {  	v4 =	vadd.s32 v1, v4;
	_ =	sdelay $0x3  }
0x2d5: {  	v3 =	vperm.xlane v3, v2  }
0x2d6: {  	[tilespmem:s9], [sflag:$0x3] =	stream.indirect_vreg.gather [hbm4b:s1+s3], $0x80, v4, vm0, $0xb8;
	[tilespmem:$0x18400] =	vst v63  }
0x2d7: {  	v3 =	vadd.s32 v1, v3;
	s9 =	simm.s32 $0xFC00  }
0x2d8: {  	[tilespmem:s9], [sflag:$0x3] =	stream.indirect_vreg.gather [hbm4b:s6+s3], $0x80, v4, vm0, $0xb8;
	[tilespmem:$0x18400] =	vst v63  }
0x2d9: {  	s11 =	simm.s32 $0x10400  }
0x2da: {  	[tilespmem:s11], [sflag:$0x3] =	stream.indirect_vreg.gather [hbm4b:s7+s3], $0x80, v4, vm0, $0xb8;
	[tilespmem:$0x18400] =	vst v63  }
0x2db: {  	s16 =	simm.s32 $0x10C00  }
0x2dc: {  	[tilespmem:s16], [sflag:$0x3] =	stream.indirect_vreg.gather [hbm4b:s1+s3], $0x80, v3, vm0, $0xb8;
	[tilespmem:$0x18400] =	vst v63  }
0x2dd: {  	s16 =	simm.s32 $0x11400  }
0x2de: {  	[tilespmem:s16], [sflag:$0x3] =	stream.indirect_vreg.gather [hbm4b:s6+s3], $0x80, v3, vm0, $0xb8;
	[tilespmem:$0x18400] =	vst v63  }
0x2df: {  	_ = 	snop  }
0x2e0: {  	[tilespmem:s4], [sflag:$0x3] =	stream.indirect_vreg.gather [hbm4b:s7+s3], $0x80, v3, vm0, $0xb8;
	[tilespmem:$0x18400] =	vst v63  }
0x2e1: {  	_ =	swait.ge [sflag:s22], $0x6000  }
0x2e2: {  	[sflag:s22] =	ssyncset.done $0x0  }
0x2e3: {  	[sflag:s22] =	ssyncadd.s32 $0xFFFFA000  }
0x2e4: {  	v3 =	vld [tilespmem:$0x1E0];
	_ =	sdelay $0x4  }
0x2e5: {  	vm1 =	veq.s32 v3, $0x1869F  }
0x2e6: {  	v3 =	vsel vm1, $0x1, v3  }
0x2e7: {  	v52 =	vshrl.u32 v3, $0x3  }
0x2e8: {  	v4 =	vmul.u32 $0x30, v52  }
0x2e9: {  	v53 =	vand.u32 $0x7, v3  }
0x2ea: {  	v54 =	vld [tilespmem:$0x1F0];
	v4 =	vor.u32 v53, v4  }
0x2eb: {  	v5 =	vperm.xlane v4, v0;
	_ =	sdelay $0x1  }
0x2ec: {  	v5 =	vadd.s32 v1, v5;
	_ =	sdelay $0x1  }
0x2ed: {  	vm1 =	veq.s32 v54, $0x1869F  }
0x2ee: {  	[tilespmem:$0x1E0] =	vst v3;
	v3 =	vsel vm1, $0x1, v54  }
0x2ef: {  	s16 =	simm.s32 $0x12400;
	[tilespmem:$0x1F0] =	vst v3;
	v3 =	vperm.xlane v4, v2  }
0x2f0: {  	[tilespmem:s16], [sflag:$0x4] =	stream.indirect_vreg.gather [hbm4b:s1+s3], $0x80, v5, vm0, $0xb8;
	[tilespmem:$0x18400] =	vst v63  }
0x2f1: {  	v3 =	vadd.s32 v1, v3;
	s16 =	simm.s32 $0x12C00  }
0x2f2: {  	[tilespmem:s16], [sflag:$0x4] =	stream.indirect_vreg.gather [hbm4b:s6+s3], $0x80, v5, vm0, $0xb8;
	[tilespmem:$0x18400] =	vst v63  }
0x2f3: {  	s16 =	simm.s32 $0x13400  }
0x2f4: {  	[tilespmem:s16], [sflag:$0x4] =	stream.indirect_vreg.gather [hbm4b:s7+s3], $0x80, v5, vm0, $0xb8;
	[tilespmem:$0x18400] =	vst v63  }
0x2f5: {  	s16 =	simm.s32 $0x13C00  }
0x2f6: {  	[tilespmem:s16], [sflag:$0x4] =	stream.indirect_vreg.gather [hbm4b:s1+s3], $0x80, v3, vm0, $0xb8;
	[tilespmem:$0x18400] =	vst v63  }
0x2f7: {  	s16 =	simm.s32 $0x14400  }
0x2f8: {  	[tilespmem:s16], [sflag:$0x4] =	stream.indirect_vreg.gather [hbm4b:s6+s3], $0x80, v3, vm0, $0xb8;
	[tilespmem:$0x18400] =	vst v63  }
0x2f9: {  	_ = 	snop  }
0x2fa: {  	[tilespmem:s2], [sflag:$0x4] =	stream.indirect_vreg.gather [hbm4b:s7+s3], $0x80, v3, vm0, $0xb8;
	[tilespmem:$0x18400] =	vst v63  }
0x2fb: {  	v3 =	vld [tilespmem:$0x1F0];
	_ =	sdelay $0x4  }
0x2fc: {  	v55 =	vshrl.u32 v3, $0x3  }
0x2fd: {  	v4 =	vmul.u32 $0x30, v55  }
0x2fe: {  	v3 =	vand.u32 $0x7, v3  }
0x2ff: {  	v3 =	vor.u32 v3, v4  }
0x300: {  	v4 =	vperm.xlane v3, v0;
	_ =	sdelay $0x1  }
0x301: {  	v4 =	vadd.s32 v1, v4;
	_ =	sdelay $0x3  }
0x302: {  	v3 =	vperm.xlane v3, v2  }
0x303: {  	[tilespmem:s18], [sflag:$0x4] =	stream.indirect_vreg.gather [hbm4b:s1+s3], $0x80, v4, vm0, $0xb8;
	[tilespmem:$0x18400] =	vst v63  }
0x304: {  	s2 =	simm.s32 $0x15C00;
	v3 =	vadd.s32 v1, v3  }
0x305: {  	[tilespmem:s2], [sflag:$0x4] =	stream.indirect_vreg.gather [hbm4b:s6+s3], $0x80, v4, vm0, $0xb8;
	[tilespmem:$0x18400] =	vst v63  }
0x306: {  	s18 =	simm.s32 $0x16400  }
0x307: {  	[tilespmem:s18], [sflag:$0x4] =	stream.indirect_vreg.gather [hbm4b:s7+s3], $0x80, v4, vm0, $0xb8;
	[tilespmem:$0x18400] =	vst v63  }
0x308: {  	s16 =	simm.s32 $0x16C00  }
0x309: {  	[tilespmem:s16], [sflag:$0x4] =	stream.indirect_vreg.gather [hbm4b:s1+s3], $0x80, v3, vm0, $0xb8;
	[tilespmem:$0x18400] =	vst v63  }
0x30a: {  	_ = 	snop  }
0x30b: {  	[tilespmem:s10], [sflag:$0x4] =	stream.indirect_vreg.gather [hbm4b:s6+s3], $0x80, v3, vm0, $0xb8;
	[tilespmem:$0x18400] =	vst v63  }
0x30c: {  	_ = 	snop  }
0x30d: {  	[tilespmem:s8], [sflag:$0x4] =	stream.indirect_vreg.gather [hbm4b:s7+s3], $0x80, v3, vm0, $0xb8;
	[tilespmem:$0x18400] =	vst v63  }
0x30e: {  	s4 =	rddreg [dreg:$0xa];
	s10 =	simm.s32 $0x400  }
0x30f: {  	[hbm4b:s4+s3] =	stream.linear.scatter [tilespmem:s10], [sflag:$0x5], $0xC000, $0x38;
	[tilespmem:$0x18400] =	vst v63  }
0x310: {  	_ =	swait.ge [sflag:s12], $0x6000  }
0x311: {  	[sflag:s12] =	ssyncset.done $0x0  }
0x312: {  	[sflag:s12] =	ssyncadd.s32 $0xFFFFA000  }
0x313: {  	_ =	swait.ge [sflag:s13], $0xC000  }
0x314: {  	[sflag:s13] =	ssyncset.done $0x0  }
0x315: {  	[sflag:s13] =	ssyncadd.s32 $0xFFFF4000  }
0x316: {  	v3 =	vld [tilespmem:$0x200];
	_ =	sdelay $0x4  }
0x317: {  	vm1 =	veq.s32 v3, $0x1869F  }
0x318: {  	v3 =	vsel vm1, $0x1, v3  }
0x319: {  	v56 =	vshrl.u32 v3, $0x3  }
0x31a: {  	v4 =	vmul.u32 $0x30, v56  }
0x31b: {  	v57 =	vand.u32 $0x7, v3  }
0x31c: {  	v58 =	vld [tilespmem:$0x210];
	v4 =	vor.u32 v57, v4  }
0x31d: {  	v5 =	vperm.xlane v4, v0;
	_ =	sdelay $0x1  }
0x31e: {  	v5 =	vadd.s32 v1, v5;
	_ =	sdelay $0x1  }
0x31f: {  	vm1 =	veq.s32 v58, $0x1869F  }
0x320: {  	[tilespmem:$0x200] =	vst v3;
	v3 =	vsel vm1, $0x1, v58  }
0x321: {  	[tilespmem:$0x210] =	vst v3;
	v3 =	vperm.xlane v4, v2  }
0x322: {  	[tilespmem:s10], [sflag:$0x1] =	stream.indirect_vreg.gather [hbm4b:s1+s3], $0x80, v5, vm0, $0xb8;
	[tilespmem:$0x18400] =	vst v63  }
0x323: {  	v3 =	vadd.s32 v1, v3  }
0x324: {  	[tilespmem:s29], [sflag:$0x1] =	stream.indirect_vreg.gather [hbm4b:s6+s3], $0x80, v5, vm0, $0xb8;
	[tilespmem:$0x18400] =	vst v63  }
0x325: {  	_ = 	snop  }
0x326: {  	[tilespmem:s30], [sflag:$0x1] =	stream.indirect_vreg.gather [hbm4b:s7+s3], $0x80, v5, vm0, $0xb8;
	[tilespmem:$0x18400] =	vst v63  }
0x327: {  	s30 =	simm.s32 $0x1C00  }
0x328: {  	[tilespmem:s30], [sflag:$0x1] =	stream.indirect_vreg.gather [hbm4b:s1+s3], $0x80, v3, vm0, $0xb8;
	[tilespmem:$0x18400] =	vst v63  }
0x329: {  	_ = 	snop  }
0x32a: {  	[tilespmem:s31], [sflag:$0x1] =	stream.indirect_vreg.gather [hbm4b:s6+s3], $0x80, v3, vm0, $0xb8;
	[tilespmem:$0x18400] =	vst v63  }
0x32b: {  	s10 =	simm.s32 $0x2C00  }
0x32c: {  	[tilespmem:s10], [sflag:$0x1] =	stream.indirect_vreg.gather [hbm4b:s7+s3], $0x80, v3, vm0, $0xb8;
	[tilespmem:$0x18400] =	vst v63  }
0x32d: {  	v3 =	vld [tilespmem:$0x210];
	_ =	sdelay $0x4  }
0x32e: {  	v59 =	vshrl.u32 v3, $0x3  }
0x32f: {  	v4 =	vmul.u32 $0x30, v59  }
0x330: {  	v3 =	vand.u32 $0x7, v3  }
0x331: {  	v3 =	vor.u32 v3, v4  }
0x332: {  	v4 =	vperm.xlane v3, v0;
	_ =	sdelay $0x1  }
0x333: {  	v4 =	vadd.s32 v1, v4;
	_ =	sdelay $0x3  }
0x334: {  	s16 =	simm.s32 $0x3400;
	v3 =	vperm.xlane v3, v2  }
0x335: {  	[tilespmem:s16], [sflag:$0x1] =	stream.indirect_vreg.gather [hbm4b:s1+s3], $0x80, v4, vm0, $0xb8;
	[tilespmem:$0x18400] =	vst v63  }
0x336: {  	s10 =	simm.s32 $0x3C00;
	v3 =	vadd.s32 v1, v3  }
0x337: {  	[tilespmem:s10], [sflag:$0x1] =	stream.indirect_vreg.gather [hbm4b:s6+s3], $0x80, v4, vm0, $0xb8;
	[tilespmem:$0x18400] =	vst v63  }
0x338: {  	s16 =	simm.s32 $0x4400  }
0x339: {  	[tilespmem:s16], [sflag:$0x1] =	stream.indirect_vreg.gather [hbm4b:s7+s3], $0x80, v4, vm0, $0xb8;
	[tilespmem:$0x18400] =	vst v63  }
0x33a: {  	s10 =	simm.s32 $0x4C00  }
0x33b: {  	[tilespmem:s10], [sflag:$0x1] =	stream.indirect_vreg.gather [hbm4b:s1+s3], $0x80, v3, vm0, $0xb8;
	[tilespmem:$0x18400] =	vst v63  }
0x33c: {  	s16 =	simm.s32 $0x5400  }
0x33d: {  	[tilespmem:s16], [sflag:$0x1] =	stream.indirect_vreg.gather [hbm4b:s6+s3], $0x80, v3, vm0, $0xb8;
	[tilespmem:$0x18400] =	vst v63  }
0x33e: {  	s10 =	simm.s32 $0x5C00  }
0x33f: {  	[tilespmem:s10], [sflag:$0x1] =	stream.indirect_vreg.gather [hbm4b:s7+s3], $0x80, v3, vm0, $0xb8;
	[tilespmem:$0x18400] =	vst v63  }
0x340: {  	_ =	swait.ge [sflag:s14], $0x6000  }
0x341: {  	[sflag:s14] =	ssyncset.done $0x0  }
0x342: {  	[sflag:s14] =	ssyncadd.s32 $0xFFFFA000  }
0x343: {  	v3 =	vld [tilespmem:$0x220];
	_ =	sdelay $0x4  }
0x344: {  	vm1 =	veq.s32 v3, $0x1869F  }
0x345: {  	v3 =	vsel vm1, $0x1, v3  }
0x346: {  	v60 =	vshrl.u32 v3, $0x3  }
0x347: {  	v4 =	vmul.u32 $0x30, v60  }
0x348: {  	v61 =	vand.u32 $0x7, v3  }
0x349: {  	v62 =	vld [tilespmem:$0x230];
	v4 =	vor.u32 v61, v4  }
0x34a: {  	v5 =	vperm.xlane v4, v0;
	_ =	sdelay $0x1  }
0x34b: {  	v5 =	vadd.s32 v1, v5;
	_ =	sdelay $0x1  }
0x34c: {  	vm1 =	veq.s32 v62, $0x1869F  }
0x34d: {  	[tilespmem:$0x220] =	vst v3;
	v3 =	vsel vm1, $0x1, v62  }
0x34e: {  	s16 =	simm.s32 $0x6400;
	[tilespmem:$0x230] =	vst v3;
	v3 =	vperm.xlane v4, v2  }
0x34f: {  	[tilespmem:s16], [sflag:$0x2] =	stream.indirect_vreg.gather [hbm4b:s1+s3], $0x80, v5, vm0, $0xb8;
	[tilespmem:$0x18400] =	vst v63  }
0x350: {  	v3 =	vadd.s32 v1, v3  }
0x351: {  	[tilespmem:s19], [sflag:$0x2] =	stream.indirect_vreg.gather [hbm4b:s6+s3], $0x80, v5, vm0, $0xb8;
	[tilespmem:$0x18400] =	vst v63  }
0x352: {  	_ = 	snop  }
0x353: {  	[tilespmem:s20], [sflag:$0x2] =	stream.indirect_vreg.gather [hbm4b:s7+s3], $0x80, v5, vm0, $0xb8;
	[tilespmem:$0x18400] =	vst v63  }
0x354: {  	_ = 	snop  }
0x355: {  	[tilespmem:s21], [sflag:$0x2] =	stream.indirect_vreg.gather [hbm4b:s1+s3], $0x80, v3, vm0, $0xb8;
	[tilespmem:$0x18400] =	vst v63  }
0x356: {  	_ = 	snop  }
0x357: {  	[tilespmem:s23], [sflag:$0x2] =	stream.indirect_vreg.gather [hbm4b:s6+s3], $0x80, v3, vm0, $0xb8;
	[tilespmem:$0x18400] =	vst v63  }
0x358: {  	s21 =	simm.s32 $0x8C00  }
0x359: {  	[tilespmem:s21], [sflag:$0x2] =	stream.indirect_vreg.gather [hbm4b:s7+s3], $0x80, v3, vm0, $0xb8;
	[tilespmem:$0x18400] =	vst v63  }
0x35a: {  	v3 =	vld [tilespmem:$0x230];
	_ =	sdelay $0x4  }
0x35b: {  	v63 =	vshrl.u32 v3, $0x3  }
0x35c: {  	v4 =	vmul.u32 $0x30, v63  }
0x35d: {  	v3 =	vand.u32 $0x7, v3  }
0x35e: {  	v3 =	vor.u32 v3, v4  }
0x35f: {  	v4 =	vperm.xlane v3, v0;
	_ =	sdelay $0x1  }
0x360: {  	v4 =	vadd.s32 v1, v4;
	_ =	sdelay $0x3  }
0x361: {  	s23 =	simm.s32 $0x9400;
	v3 =	vperm.xlane v3, v2  }
0x362: {  	[tilespmem:s23], [sflag:$0x2] =	stream.indirect_vreg.gather [hbm4b:s1+s3], $0x80, v4, vm0, $0xb8;
	[tilespmem:$0x18400] =	vst v63  }
0x363: {  	v3 =	vadd.s32 v1, v3  }
0x364: {  	[tilespmem:s24], [sflag:$0x2] =	stream.indirect_vreg.gather [hbm4b:s6+s3], $0x80, v4, vm0, $0xb8;
	[tilespmem:$0x18400] =	vst v63  }
0x365: {  	_ = 	snop  }
0x366: {  	[tilespmem:s25], [sflag:$0x2] =	stream.indirect_vreg.gather [hbm4b:s7+s3], $0x80, v4, vm0, $0xb8;
	[tilespmem:$0x18400] =	vst v63  }
0x367: {  	_ = 	snop  }
0x368: {  	[tilespmem:s26], [sflag:$0x2] =	stream.indirect_vreg.gather [hbm4b:s1+s3], $0x80, v3, vm0, $0xb8;
	[tilespmem:$0x18400] =	vst v63  }
0x369: {  	_ = 	snop  }
0x36a: {  	[tilespmem:s28], [sflag:$0x2] =	stream.indirect_vreg.gather [hbm4b:s6+s3], $0x80, v3, vm0, $0xb8;
	[tilespmem:$0x18400] =	vst v63  }
0x36b: {  	_ = 	snop  }
0x36c: {  	[tilespmem:s17], [sflag:$0x2] =	stream.indirect_vreg.gather [hbm4b:s7+s3], $0x80, v3, vm0, $0xb8;
	[tilespmem:$0x18400] =	vst v63  }
0x36d: {  	s4 =	simm.s32 $0xC400;
	s28 =	rddreg [dreg:$0xb]  }
0x36e: {  	[hbm4b:s28+s3] =	stream.linear.scatter [tilespmem:s4], [sflag:$0x6], $0xC000, $0x38;
	[tilespmem:$0x18400] =	vst v63  }
0x36f: {  	_ =	swait.ge [sflag:s5], $0x6000  }
0x370: {  	[sflag:s5] =	ssyncset.done $0x0  }
0x371: {  	[sflag:s5] =	ssyncadd.s32 $0xFFFFA000  }
0x372: {  	_ =	swait.ge [sflag:s15], $0xC000  }
0x373: {  	[sflag:s15] =	ssyncset.done $0x0  }
0x374: {  	[sflag:s15] =	ssyncadd.s32 $0xFFFF4000  }
0x375: {  	v3 =	vld [tilespmem:$0x240];
	_ =	sdelay $0x4  }
0x376: {  	vm1 =	veq.s32 v3, $0x1869F  }
0x377: {  	v3 =	vsel vm1, $0x1, v3  }
0x378: {  	v8 =	vshrl.u32 v3, $0x3  }
0x379: {  	v4 =	vmul.u32 $0x30, v8  }
0x37a: {  	v9 =	vand.u32 $0x7, v3  }
0x37b: {  	v10 =	vld [tilespmem:$0x250];
	v4 =	vor.u32 v9, v4  }
0x37c: {  	v5 =	vperm.xlane v4, v0;
	_ =	sdelay $0x1  }
0x37d: {  	v5 =	vadd.s32 v1, v5;
	_ =	sdelay $0x1  }
0x37e: {  	vm1 =	veq.s32 v10, $0x1869F  }
0x37f: {  	[tilespmem:$0x240] =	vst v3;
	v3 =	vsel vm1, $0x1, v10  }
0x380: {  	[tilespmem:$0x250] =	vst v3;
	v3 =	vperm.xlane v4, v2  }
0x381: {  	[tilespmem:s4], [sflag:$0x3] =	stream.indirect_vreg.gather [hbm4b:s1+s3], $0x80, v5, vm0, $0xb8;
	[tilespmem:$0x18400] =	vst v63  }
0x382: {  	v3 =	vadd.s32 v1, v3  }
0x383: {  	[tilespmem:s0], [sflag:$0x3] =	stream.indirect_vreg.gather [hbm4b:s6+s3], $0x80, v5, vm0, $0xb8;
	[tilespmem:$0x18400] =	vst v63  }
0x384: {  	s17 =	simm.s32 $0xD400  }
0x385: {  	[tilespmem:s17], [sflag:$0x3] =	stream.indirect_vreg.gather [hbm4b:s7+s3], $0x80, v5, vm0, $0xb8;
	[tilespmem:$0x18400] =	vst v63  }
0x386: {  	s19 =	simm.s32 $0xDC00  }
0x387: {  	[tilespmem:s19], [sflag:$0x3] =	stream.indirect_vreg.gather [hbm4b:s1+s3], $0x80, v3, vm0, $0xb8;
	[tilespmem:$0x18400] =	vst v63  }
0x388: {  	s20 =	simm.s32 $0xE400  }
0x389: {  	[tilespmem:s20], [sflag:$0x3] =	stream.indirect_vreg.gather [hbm4b:s6+s3], $0x80, v3, vm0, $0xb8;
	[tilespmem:$0x18400] =	vst v63  }
0x38a: {  	s4 =	simm.s32 $0xEC00  }
0x38b: {  	[tilespmem:s4], [sflag:$0x3] =	stream.indirect_vreg.gather [hbm4b:s7+s3], $0x80, v3, vm0, $0xb8;
	[tilespmem:$0x18400] =	vst v63  }
0x38c: {  	v3 =	vld [tilespmem:$0x250];
	_ =	sdelay $0x4  }
0x38d: {  	v11 =	vshrl.u32 v3, $0x3  }
0x38e: {  	v4 =	vmul.u32 $0x30, v11  }
0x38f: {  	v3 =	vand.u32 $0x7, v3  }
0x390: {  	v3 =	vor.u32 v3, v4  }
0x391: {  	v4 =	vperm.xlane v3, v0;
	_ =	sdelay $0x1  }
0x392: {  	v4 =	vadd.s32 v1, v4;
	_ =	sdelay $0x3  }
0x393: {  	s20 =	simm.s32 $0xF400;
	v3 =	vperm.xlane v3, v2  }
0x394: {  	[tilespmem:s20], [sflag:$0x3] =	stream.indirect_vreg.gather [hbm4b:s1+s3], $0x80, v4, vm0, $0xb8;
	[tilespmem:$0x18400] =	vst v63  }
0x395: {  	v3 =	vadd.s32 v1, v3  }
0x396: {  	[tilespmem:s9], [sflag:$0x3] =	stream.indirect_vreg.gather [hbm4b:s6+s3], $0x80, v4, vm0, $0xb8;
	[tilespmem:$0x18400] =	vst v63  }
0x397: {  	_ = 	snop  }
0x398: {  	[tilespmem:s11], [sflag:$0x3] =	stream.indirect_vreg.gather [hbm4b:s7+s3], $0x80, v4, vm0, $0xb8;
	[tilespmem:$0x18400] =	vst v63  }
0x399: {  	s21 =	simm.s32 $0x10C00  }
0x39a: {  	[tilespmem:s21], [sflag:$0x3] =	stream.indirect_vreg.gather [hbm4b:s1+s3], $0x80, v3, vm0, $0xb8;
	[tilespmem:$0x18400] =	vst v63  }
0x39b: {  	s23 =	simm.s32 $0x11400  }
0x39c: {  	[tilespmem:s23], [sflag:$0x3] =	stream.indirect_vreg.gather [hbm4b:s6+s3], $0x80, v3, vm0, $0xb8;
	[tilespmem:$0x18400] =	vst v63  }
0x39d: {  	s21 =	simm.s32 $0x11C00  }
0x39e: {  	[tilespmem:s21], [sflag:$0x3] =	stream.indirect_vreg.gather [hbm4b:s7+s3], $0x80, v3, vm0, $0xb8;
	[tilespmem:$0x18400] =	vst v63  }
0x39f: {  	_ =	swait.ge [sflag:s22], $0x6000  }
0x3a0: {  	[sflag:s22] =	ssyncset.done $0x0  }
0x3a1: {  	[sflag:s22] =	ssyncadd.s32 $0xFFFFA000  }
0x3a2: {  	v3 =	vld [tilespmem:$0x260];
	_ =	sdelay $0x4  }
0x3a3: {  	vm1 =	veq.s32 v3, $0x1869F  }
0x3a4: {  	v3 =	vsel vm1, $0x1, v3  }
0x3a5: {  	v12 =	vshrl.u32 v3, $0x3  }
0x3a6: {  	v4 =	vmul.u32 $0x30, v12  }
0x3a7: {  	v13 =	vand.u32 $0x7, v3  }
0x3a8: {  	v14 =	vld [tilespmem:$0x270];
	v4 =	vor.u32 v13, v4  }
0x3a9: {  	v5 =	vperm.xlane v4, v0;
	_ =	sdelay $0x1  }
0x3aa: {  	v5 =	vadd.s32 v1, v5;
	_ =	sdelay $0x1  }
0x3ab: {  	vm1 =	veq.s32 v14, $0x1869F  }
0x3ac: {  	[tilespmem:$0x260] =	vst v3;
	v3 =	vsel vm1, $0x1, v14  }
0x3ad: {  	s23 =	simm.s32 $0x12400;
	[tilespmem:$0x270] =	vst v3;
	v3 =	vperm.xlane v4, v2  }
0x3ae: {  	[tilespmem:s23], [sflag:$0x4] =	stream.indirect_vreg.gather [hbm4b:s1+s3], $0x80, v5, vm0, $0xb8;
	[tilespmem:$0x18400] =	vst v63  }
0x3af: {  	s24 =	simm.s32 $0x12C00;
	v3 =	vadd.s32 v1, v3  }
0x3b0: {  	[tilespmem:s24], [sflag:$0x4] =	stream.indirect_vreg.gather [hbm4b:s6+s3], $0x80, v5, vm0, $0xb8;
	[tilespmem:$0x18400] =	vst v63  }
0x3b1: {  	s25 =	simm.s32 $0x13400  }
0x3b2: {  	[tilespmem:s25], [sflag:$0x4] =	stream.indirect_vreg.gather [hbm4b:s7+s3], $0x80, v5, vm0, $0xb8;
	[tilespmem:$0x18400] =	vst v63  }
0x3b3: {  	s26 =	simm.s32 $0x13C00  }
0x3b4: {  	[tilespmem:s26], [sflag:$0x4] =	stream.indirect_vreg.gather [hbm4b:s1+s3], $0x80, v3, vm0, $0xb8;
	[tilespmem:$0x18400] =	vst v63  }
0x3b5: {  	s28 =	simm.s32 $0x14400  }
0x3b6: {  	[tilespmem:s28], [sflag:$0x4] =	stream.indirect_vreg.gather [hbm4b:s6+s3], $0x80, v3, vm0, $0xb8;
	[tilespmem:$0x18400] =	vst v63  }
0x3b7: {  	s24 =	simm.s32 $0x14C00  }
0x3b8: {  	[tilespmem:s24], [sflag:$0x4] =	stream.indirect_vreg.gather [hbm4b:s7+s3], $0x80, v3, vm0, $0xb8;
	[tilespmem:$0x18400] =	vst v63  }
0x3b9: {  	v3 =	vld [tilespmem:$0x270];
	_ =	sdelay $0x4  }
0x3ba: {  	v15 =	vshrl.u32 v3, $0x3  }
0x3bb: {  	v4 =	vmul.u32 $0x30, v15  }
0x3bc: {  	v3 =	vand.u32 $0x7, v3  }
0x3bd: {  	v3 =	vor.u32 v3, v4  }
0x3be: {  	v4 =	vperm.xlane v3, v0;
	_ =	sdelay $0x1  }
0x3bf: {  	v4 =	vadd.s32 v1, v4;
	_ =	sdelay $0x3  }
0x3c0: {  	s25 =	simm.s32 $0x15400;
	v3 =	vperm.xlane v3, v2  }
0x3c1: {  	[tilespmem:s25], [sflag:$0x4] =	stream.indirect_vreg.gather [hbm4b:s1+s3], $0x80, v4, vm0, $0xb8;
	[tilespmem:$0x18400] =	vst v63  }
0x3c2: {  	v3 =	vadd.s32 v1, v3  }
0x3c3: {  	[tilespmem:s2], [sflag:$0x4] =	stream.indirect_vreg.gather [hbm4b:s6+s3], $0x80, v4, vm0, $0xb8;
	[tilespmem:$0x18400] =	vst v63  }
0x3c4: {  	_ = 	snop  }
0x3c5: {  	[tilespmem:s18], [sflag:$0x4] =	stream.indirect_vreg.gather [hbm4b:s7+s3], $0x80, v4, vm0, $0xb8;
	[tilespmem:$0x18400] =	vst v63  }
0x3c6: {  	s2 =	simm.s32 $0x16C00  }
0x3c7: {  	[tilespmem:s2], [sflag:$0x4] =	stream.indirect_vreg.gather [hbm4b:s1+s3], $0x80, v3, vm0, $0xb8;
	[tilespmem:$0x18400] =	vst v63  }
0x3c8: {  	s11 =	simm.s32 $0x17400  }
0x3c9: {  	[tilespmem:s11], [sflag:$0x4] =	stream.indirect_vreg.gather [hbm4b:s6+s3], $0x80, v3, vm0, $0xb8;
	[tilespmem:$0x18400] =	vst v63  }
0x3ca: {  	s10 =	simm.s32 $0x17C00  }
0x3cb: {  	[tilespmem:s10], [sflag:$0x4] =	stream.indirect_vreg.gather [hbm4b:s7+s3], $0x80, v3, vm0, $0xb8;
	[tilespmem:$0x18400] =	vst v63  }
0x3cc: {  	s17 =	simm.s32 $0x400;
	s9 =	rddreg [dreg:$0xc]  }
0x3cd: {  	[hbm4b:s9+s3] =	stream.linear.scatter [tilespmem:s17], [sflag:$0x5], $0xC000, $0x38;
	[tilespmem:$0x18400] =	vst v63  }
0x3ce: {  	_ =	swait.ge [sflag:s12], $0x6000  }
0x3cf: {  	[sflag:s12] =	ssyncset.done $0x0  }
0x3d0: {  	[sflag:s12] =	ssyncadd.s32 $0xFFFFA000  }
0x3d1: {  	_ =	swait.ge [sflag:s13], $0xC000  }
0x3d2: {  	[sflag:s13] =	ssyncset.done $0x0  }
0x3d3: {  	[sflag:s13] =	ssyncadd.s32 $0xFFFF4000  }
0x3d4: {  	v3 =	vld [tilespmem:$0x280];
	_ =	sdelay $0x4  }
0x3d5: {  	vm1 =	veq.s32 v3, $0x1869F  }
0x3d6: {  	v3 =	vsel vm1, $0x1, v3  }
0x3d7: {  	v16 =	vshrl.u32 v3, $0x3  }
0x3d8: {  	v4 =	vmul.u32 $0x30, v16  }
0x3d9: {  	v17 =	vand.u32 $0x7, v3  }
0x3da: {  	v18 =	vld [tilespmem:$0x290];
	v4 =	vor.u32 v17, v4  }
0x3db: {  	v5 =	vperm.xlane v4, v0;
	_ =	sdelay $0x1  }
0x3dc: {  	v5 =	vadd.s32 v1, v5;
	_ =	sdelay $0x1  }
0x3dd: {  	vm1 =	veq.s32 v18, $0x1869F  }
0x3de: {  	[tilespmem:$0x280] =	vst v3;
	v3 =	vsel vm1, $0x1, v18  }
0x3df: {  	[tilespmem:$0x290] =	vst v3;
	v3 =	vperm.xlane v4, v2  }
0x3e0: {  	[tilespmem:s17], [sflag:$0x1] =	stream.indirect_vreg.gather [hbm4b:s1+s3], $0x80, v5, vm0, $0xb8;
	[tilespmem:$0x18400] =	vst v63  }
0x3e1: {  	s8 =	simm.s32 $0xC00;
	v3 =	vadd.s32 v1, v3  }
0x3e2: {  	[tilespmem:s8], [sflag:$0x1] =	stream.indirect_vreg.gather [hbm4b:s6+s3], $0x80, v5, vm0, $0xb8;
	[tilespmem:$0x18400] =	vst v63  }
0x3e3: {  	s29 =	simm.s32 $0x1400  }
0x3e4: {  	[tilespmem:s29], [sflag:$0x1] =	stream.indirect_vreg.gather [hbm4b:s7+s3], $0x80, v5, vm0, $0xb8;
	[tilespmem:$0x18400] =	vst v63  }
0x3e5: {  	s8 =	simm.s32 $0x1C00  }
0x3e6: {  	[tilespmem:s8], [sflag:$0x1] =	stream.indirect_vreg.gather [hbm4b:s1+s3], $0x80, v3, vm0, $0xb8;
	[tilespmem:$0x18400] =	vst v63  }
0x3e7: {  	s30 =	simm.s32 $0x2400  }
0x3e8: {  	[tilespmem:s30], [sflag:$0x1] =	stream.indirect_vreg.gather [hbm4b:s6+s3], $0x80, v3, vm0, $0xb8;
	[tilespmem:$0x18400] =	vst v63  }
0x3e9: {  	s31 =	simm.s32 $0x2C00  }
0x3ea: {  	[tilespmem:s31], [sflag:$0x1] =	stream.indirect_vreg.gather [hbm4b:s7+s3], $0x80, v3, vm0, $0xb8;
	[tilespmem:$0x18400] =	vst v63  }
0x3eb: {  	v3 =	vld [tilespmem:$0x290];
	_ =	sdelay $0x4  }
0x3ec: {  	v19 =	vshrl.u32 v3, $0x3  }
0x3ed: {  	v4 =	vmul.u32 $0x30, v19  }
0x3ee: {  	v3 =	vand.u32 $0x7, v3  }
0x3ef: {  	v3 =	vor.u32 v3, v4  }
0x3f0: {  	v4 =	vperm.xlane v3, v0;
	_ =	sdelay $0x1  }
0x3f1: {  	v4 =	vadd.s32 v1, v4;
	_ =	sdelay $0x3  }
0x3f2: {  	s18 =	simm.s32 $0x3400;
	v3 =	vperm.xlane v3, v2  }
0x3f3: {  	[tilespmem:s18], [sflag:$0x1] =	stream.indirect_vreg.gather [hbm4b:s1+s3], $0x80, v4, vm0, $0xb8;
	[tilespmem:$0x18400] =	vst v63  }
0x3f4: {  	s19 =	simm.s32 $0x3C00;
	v3 =	vadd.s32 v1, v3  }
0x3f5: {  	[tilespmem:s19], [sflag:$0x1] =	stream.indirect_vreg.gather [hbm4b:s6+s3], $0x80, v4, vm0, $0xb8;
	[tilespmem:$0x18400] =	vst v63  }
0x3f6: {  	s17 =	simm.s32 $0x4400  }
0x3f7: {  	[tilespmem:s17], [sflag:$0x1] =	stream.indirect_vreg.gather [hbm4b:s7+s3], $0x80, v4, vm0, $0xb8;
	[tilespmem:$0x18400] =	vst v63  }
0x3f8: {  	s19 =	simm.s32 $0x4C00  }
0x3f9: {  	[tilespmem:s19], [sflag:$0x1] =	stream.indirect_vreg.gather [hbm4b:s1+s3], $0x80, v3, vm0, $0xb8;
	[tilespmem:$0x18400] =	vst v63  }
0x3fa: {  	s26 =	simm.s32 $0x5400  }
0x3fb: {  	[tilespmem:s26], [sflag:$0x1] =	stream.indirect_vreg.gather [hbm4b:s6+s3], $0x80, v3, vm0, $0xb8;
	[tilespmem:$0x18400] =	vst v63  }
0x3fc: {  	s28 =	simm.s32 $0x5C00  }
0x3fd: {  	[tilespmem:s28], [sflag:$0x1] =	stream.indirect_vreg.gather [hbm4b:s7+s3], $0x80, v3, vm0, $0xb8;
	[tilespmem:$0x18400] =	vst v63  }
0x3fe: {  	_ =	swait.ge [sflag:s14], $0x6000  }
0x3ff: {  	[sflag:s14] =	ssyncset.done $0x0  }
0x400: {  	[sflag:s14] =	ssyncadd.s32 $0xFFFFA000  }
0x401: {  	v3 =	vld [tilespmem:$0x2A0];
	_ =	sdelay $0x4  }
0x402: {  	vm1 =	veq.s32 v3, $0x1869F  }
0x403: {  	v3 =	vsel vm1, $0x1, v3  }
0x404: {  	v20 =	vshrl.u32 v3, $0x3  }
0x405: {  	v4 =	vmul.u32 $0x30, v20  }
0x406: {  	v21 =	vand.u32 $0x7, v3  }
0x407: {  	v22 =	vld [tilespmem:$0x2B0];
	v4 =	vor.u32 v21, v4  }
0x408: {  	v5 =	vperm.xlane v4, v0;
	_ =	sdelay $0x1  }
0x409: {  	v5 =	vadd.s32 v1, v5;
	_ =	sdelay $0x1  }
0x40a: {  	vm1 =	veq.s32 v22, $0x1869F  }
0x40b: {  	[tilespmem:$0x2A0] =	vst v3;
	v3 =	vsel vm1, $0x1, v22  }
0x40c: {  	s18 =	simm.s32 $0x6400;
	[tilespmem:$0x2B0] =	vst v3;
	v3 =	vperm.xlane v4, v2  }
0x40d: {  	[tilespmem:s18], [sflag:$0x2] =	stream.indirect_vreg.gather [hbm4b:s1+s3], $0x80, v5, vm0, $0xb8;
	[tilespmem:$0x18400] =	vst v63  }
0x40e: {  	s29 =	simm.s32 $0x6C00;
	v3 =	vadd.s32 v1, v3  }
0x40f: {  	[tilespmem:s29], [sflag:$0x2] =	stream.indirect_vreg.gather [hbm4b:s6+s3], $0x80, v5, vm0, $0xb8;
	[tilespmem:$0x18400] =	vst v63  }
0x410: {  	s9 =	simm.s32 $0x7400  }
0x411: {  	[tilespmem:s9], [sflag:$0x2] =	stream.indirect_vreg.gather [hbm4b:s7+s3], $0x80, v5, vm0, $0xb8;
	[tilespmem:$0x18400] =	vst v63  }
0x412: {  	s26 =	simm.s32 $0x7C00  }
0x413: {  	[tilespmem:s26], [sflag:$0x2] =	stream.indirect_vreg.gather [hbm4b:s1+s3], $0x80, v3, vm0, $0xb8;
	[tilespmem:$0x18400] =	vst v63  }
0x414: {  	s28 =	simm.s32 $0x8400  }
0x415: {  	[tilespmem:s28], [sflag:$0x2] =	stream.indirect_vreg.gather [hbm4b:s6+s3], $0x80, v3, vm0, $0xb8;
	[tilespmem:$0x18400] =	vst v63  }
0x416: {  	s30 =	simm.s32 $0x8C00  }
0x417: {  	[tilespmem:s30], [sflag:$0x2] =	stream.indirect_vreg.gather [hbm4b:s7+s3], $0x80, v3, vm0, $0xb8;
	[tilespmem:$0x18400] =	vst v63  }
0x418: {  	v3 =	vld [tilespmem:$0x2B0];
	_ =	sdelay $0x4  }
0x419: {  	v23 =	vshrl.u32 v3, $0x3  }
0x41a: {  	v4 =	vmul.u32 $0x30, v23  }
0x41b: {  	v3 =	vand.u32 $0x7, v3  }
0x41c: {  	v3 =	vor.u32 v3, v4  }
0x41d: {  	v4 =	vperm.xlane v3, v0;
	_ =	sdelay $0x1  }
0x41e: {  	v4 =	vadd.s32 v1, v4;
	_ =	sdelay $0x3  }
0x41f: {  	s31 =	simm.s32 $0x9400;
	v3 =	vperm.xlane v3, v2  }
0x420: {  	[tilespmem:s31], [sflag:$0x2] =	stream.indirect_vreg.gather [hbm4b:s1+s3], $0x80, v4, vm0, $0xb8;
	[tilespmem:$0x18400] =	vst v63  }
0x421: {  	s29 =	simm.s32 $0x9C00;
	v3 =	vadd.s32 v1, v3  }
0x422: {  	[tilespmem:s29], [sflag:$0x2] =	stream.indirect_vreg.gather [hbm4b:s6+s3], $0x80, v4, vm0, $0xb8;
	[tilespmem:$0x18400] =	vst v63  }
0x423: {  	s30 =	simm.s32 $0xA400  }
0x424: {  	[tilespmem:s30], [sflag:$0x2] =	stream.indirect_vreg.gather [hbm4b:s7+s3], $0x80, v4, vm0, $0xb8;
	[tilespmem:$0x18400] =	vst v63  }
0x425: {  	s31 =	simm.s32 $0xAC00  }
0x426: {  	[tilespmem:s31], [sflag:$0x2] =	stream.indirect_vreg.gather [hbm4b:s1+s3], $0x80, v3, vm0, $0xb8;
	[tilespmem:$0x18400] =	vst v63  }
0x427: {  	s16 =	simm.s32 $0xB400  }
0x428: {  	[tilespmem:s16], [sflag:$0x2] =	stream.indirect_vreg.gather [hbm4b:s6+s3], $0x80, v3, vm0, $0xb8;
	[tilespmem:$0x18400] =	vst v63  }
0x429: {  	s0 =	simm.s32 $0xBC00  }
0x42a: {  	[tilespmem:s0], [sflag:$0x2] =	stream.indirect_vreg.gather [hbm4b:s7+s3], $0x80, v3, vm0, $0xb8;
	[tilespmem:$0x18400] =	vst v63  }
0x42b: {  	s16 =	rddreg [dreg:$0xd];
	s0 =	simm.s32 $0xC400  }
0x42c: {  	[hbm4b:s16+s3] =	stream.linear.scatter [tilespmem:s0], [sflag:$0x6], $0xC000, $0x38;
	[tilespmem:$0x18400] =	vst v63  }
0x42d: {  	_ =	swait.ge [sflag:s5], $0x6000  }
0x42e: {  	[sflag:s5] =	ssyncset.done $0x0  }
0x42f: {  	[sflag:s5] =	ssyncadd.s32 $0xFFFFA000  }
0x430: {  	_ =	swait.ge [sflag:s15], $0xC000  }
0x431: {  	[sflag:s15] =	ssyncset.done $0x0  }
0x432: {  	[sflag:s15] =	ssyncadd.s32 $0xFFFF4000  }
0x433: {  	v3 =	vld [tilespmem:$0x2C0];
	_ =	sdelay $0x4  }
0x434: {  	vm1 =	veq.s32 v3, $0x1869F  }
0x435: {  	v3 =	vsel vm1, $0x1, v3  }
0x436: {  	v24 =	vshrl.u32 v3, $0x3  }
0x437: {  	v4 =	vmul.u32 $0x30, v24  }
0x438: {  	v25 =	vand.u32 $0x7, v3  }
0x439: {  	v26 =	vld [tilespmem:$0x2D0];
	v4 =	vor.u32 v25, v4  }
0x43a: {  	v5 =	vperm.xlane v4, v0;
	_ =	sdelay $0x1  }
0x43b: {  	v5 =	vadd.s32 v1, v5;
	_ =	sdelay $0x1  }
0x43c: {  	vm1 =	veq.s32 v26, $0x1869F  }
0x43d: {  	[tilespmem:$0x2C0] =	vst v3;
	v3 =	vsel vm1, $0x1, v26  }
0x43e: {  	[tilespmem:$0x2D0] =	vst v3;
	v3 =	vperm.xlane v4, v2  }
0x43f: {  	[tilespmem:s0], [sflag:$0x3] =	stream.indirect_vreg.gather [hbm4b:s1+s3], $0x80, v5, vm0, $0xb8;
	[tilespmem:$0x18400] =	vst v63  }
0x440: {  	v3 =	vadd.s32 v1, v3;
	s0 =	simm.s32 $0xCC00  }
0x441: {  	[tilespmem:s0], [sflag:$0x3] =	stream.indirect_vreg.gather [hbm4b:s6+s3], $0x80, v5, vm0, $0xb8;
	[tilespmem:$0x18400] =	vst v63  }
0x442: {  	s16 =	simm.s32 $0xD400  }
0x443: {  	[tilespmem:s16], [sflag:$0x3] =	stream.indirect_vreg.gather [hbm4b:s7+s3], $0x80, v5, vm0, $0xb8;
	[tilespmem:$0x18400] =	vst v63  }
0x444: {  	s16 =	simm.s32 $0xDC00  }
0x445: {  	[tilespmem:s16], [sflag:$0x3] =	stream.indirect_vreg.gather [hbm4b:s1+s3], $0x80, v3, vm0, $0xb8;
	[tilespmem:$0x18400] =	vst v63  }
0x446: {  	s16 =	simm.s32 $0xE400  }
0x447: {  	[tilespmem:s16], [sflag:$0x3] =	stream.indirect_vreg.gather [hbm4b:s6+s3], $0x80, v3, vm0, $0xb8;
	[tilespmem:$0x18400] =	vst v63  }
0x448: {  	_ = 	snop  }
0x449: {  	[tilespmem:s4], [sflag:$0x3] =	stream.indirect_vreg.gather [hbm4b:s7+s3], $0x80, v3, vm0, $0xb8;
	[tilespmem:$0x18400] =	vst v63  }
0x44a: {  	v3 =	vld [tilespmem:$0x2D0];
	_ =	sdelay $0x4  }
0x44b: {  	v27 =	vshrl.u32 v3, $0x3  }
0x44c: {  	v4 =	vmul.u32 $0x30, v27  }
0x44d: {  	v3 =	vand.u32 $0x7, v3  }
0x44e: {  	v3 =	vor.u32 v3, v4  }
0x44f: {  	v4 =	vperm.xlane v3, v0;
	_ =	sdelay $0x1  }
0x450: {  	v4 =	vadd.s32 v1, v4;
	_ =	sdelay $0x3  }
0x451: {  	v3 =	vperm.xlane v3, v2  }
0x452: {  	[tilespmem:s20], [sflag:$0x3] =	stream.indirect_vreg.gather [hbm4b:s1+s3], $0x80, v4, vm0, $0xb8;
	[tilespmem:$0x18400] =	vst v63  }
0x453: {  	v3 =	vadd.s32 v1, v3;
	s20 =	simm.s32 $0xFC00  }
0x454: {  	[tilespmem:s20], [sflag:$0x3] =	stream.indirect_vreg.gather [hbm4b:s6+s3], $0x80, v4, vm0, $0xb8;
	[tilespmem:$0x18400] =	vst v63  }
0x455: {  	s20 =	simm.s32 $0x10400  }
0x456: {  	[tilespmem:s20], [sflag:$0x3] =	stream.indirect_vreg.gather [hbm4b:s7+s3], $0x80, v4, vm0, $0xb8;
	[tilespmem:$0x18400] =	vst v63  }
0x457: {  	s4 =	simm.s32 $0x10C00  }
0x458: {  	[tilespmem:s4], [sflag:$0x3] =	stream.indirect_vreg.gather [hbm4b:s1+s3], $0x80, v3, vm0, $0xb8;
	[tilespmem:$0x18400] =	vst v63  }
0x459: {  	s4 =	simm.s32 $0x11400  }
0x45a: {  	[tilespmem:s4], [sflag:$0x3] =	stream.indirect_vreg.gather [hbm4b:s6+s3], $0x80, v3, vm0, $0xb8;
	[tilespmem:$0x18400] =	vst v63  }
0x45b: {  	_ = 	snop  }
0x45c: {  	[tilespmem:s21], [sflag:$0x3] =	stream.indirect_vreg.gather [hbm4b:s7+s3], $0x80, v3, vm0, $0xb8;
	[tilespmem:$0x18400] =	vst v63  }
0x45d: {  	_ =	swait.ge [sflag:s22], $0x6000  }
0x45e: {  	[sflag:s22] =	ssyncset.done $0x0  }
0x45f: {  	[sflag:s22] =	ssyncadd.s32 $0xFFFFA000  }
0x460: {  	v3 =	vld [tilespmem:$0x2E0];
	_ =	sdelay $0x4  }
0x461: {  	vm1 =	veq.s32 v3, $0x1869F  }
0x462: {  	v3 =	vsel vm1, $0x1, v3  }
0x463: {  	v28 =	vshrl.u32 v3, $0x3  }
0x464: {  	v4 =	vmul.u32 $0x30, v28  }
0x465: {  	v29 =	vand.u32 $0x7, v3  }
0x466: {  	v30 =	vld [tilespmem:$0x2F0];
	v4 =	vor.u32 v29, v4  }
0x467: {  	v5 =	vperm.xlane v4, v0;
	_ =	sdelay $0x1  }
0x468: {  	v5 =	vadd.s32 v1, v5;
	_ =	sdelay $0x1  }
0x469: {  	vm1 =	veq.s32 v30, $0x1869F  }
0x46a: {  	[tilespmem:$0x2E0] =	vst v3;
	v3 =	vsel vm1, $0x1, v30  }
0x46b: {  	[tilespmem:$0x2F0] =	vst v3;
	v3 =	vperm.xlane v4, v2  }
0x46c: {  	[tilespmem:s23], [sflag:$0x4] =	stream.indirect_vreg.gather [hbm4b:s1+s3], $0x80, v5, vm0, $0xb8;
	[tilespmem:$0x18400] =	vst v63  }
0x46d: {  	s21 =	simm.s32 $0x12C00;
	v3 =	vadd.s32 v1, v3  }
0x46e: {  	[tilespmem:s21], [sflag:$0x4] =	stream.indirect_vreg.gather [hbm4b:s6+s3], $0x80, v5, vm0, $0xb8;
	[tilespmem:$0x18400] =	vst v63  }
0x46f: {  	s23 =	simm.s32 $0x13400  }
0x470: {  	[tilespmem:s23], [sflag:$0x4] =	stream.indirect_vreg.gather [hbm4b:s7+s3], $0x80, v5, vm0, $0xb8;
	[tilespmem:$0x18400] =	vst v63  }
0x471: {  	s4 =	simm.s32 $0x13C00  }
0x472: {  	[tilespmem:s4], [sflag:$0x4] =	stream.indirect_vreg.gather [hbm4b:s1+s3], $0x80, v3, vm0, $0xb8;
	[tilespmem:$0x18400] =	vst v63  }
0x473: {  	s4 =	simm.s32 $0x14400  }
0x474: {  	[tilespmem:s4], [sflag:$0x4] =	stream.indirect_vreg.gather [hbm4b:s6+s3], $0x80, v3, vm0, $0xb8;
	[tilespmem:$0x18400] =	vst v63  }
0x475: {  	_ = 	snop  }
0x476: {  	[tilespmem:s24], [sflag:$0x4] =	stream.indirect_vreg.gather [hbm4b:s7+s3], $0x80, v3, vm0, $0xb8;
	[tilespmem:$0x18400] =	vst v63  }
0x477: {  	v3 =	vld [tilespmem:$0x2F0];
	_ =	sdelay $0x4  }
0x478: {  	v31 =	vshrl.u32 v3, $0x3  }
0x479: {  	v4 =	vmul.u32 $0x30, v31  }
0x47a: {  	v3 =	vand.u32 $0x7, v3  }
0x47b: {  	v3 =	vor.u32 v3, v4  }
0x47c: {  	v4 =	vperm.xlane v3, v0;
	_ =	sdelay $0x1  }
0x47d: {  	v4 =	vadd.s32 v1, v4;
	_ =	sdelay $0x3  }
0x47e: {  	v3 =	vperm.xlane v3, v2  }
0x47f: {  	[tilespmem:s25], [sflag:$0x4] =	stream.indirect_vreg.gather [hbm4b:s1+s3], $0x80, v4, vm0, $0xb8;
	[tilespmem:$0x18400] =	vst v63  }
0x480: {  	s24 =	simm.s32 $0x15C00;
	v3 =	vadd.s32 v1, v3  }
0x481: {  	[tilespmem:s24], [sflag:$0x4] =	stream.indirect_vreg.gather [hbm4b:s6+s3], $0x80, v4, vm0, $0xb8;
	[tilespmem:$0x18400] =	vst v63  }
0x482: {  	s25 =	simm.s32 $0x16400  }
0x483: {  	[tilespmem:s25], [sflag:$0x4] =	stream.indirect_vreg.gather [hbm4b:s7+s3], $0x80, v4, vm0, $0xb8;
	[tilespmem:$0x18400] =	vst v63  }
0x484: {  	s4 =	simm.s32 $0x16C00  }
0x485: {  	[tilespmem:s4], [sflag:$0x4] =	stream.indirect_vreg.gather [hbm4b:s1+s3], $0x80, v3, vm0, $0xb8;
	[tilespmem:$0x18400] =	vst v63  }
0x486: {  	_ = 	snop  }
0x487: {  	[tilespmem:s11], [sflag:$0x4] =	stream.indirect_vreg.gather [hbm4b:s6+s3], $0x80, v3, vm0, $0xb8;
	[tilespmem:$0x18400] =	vst v63  }
0x488: {  	_ = 	snop  }
0x489: {  	[tilespmem:s10], [sflag:$0x4] =	stream.indirect_vreg.gather [hbm4b:s7+s3], $0x80, v3, vm0, $0xb8;
	[tilespmem:$0x18400] =	vst v63  }
0x48a: {  	s2 =	simm.s32 $0x400;
	s4 =	rddreg [dreg:$0xe]  }
0x48b: {  	[hbm4b:s4+s3] =	stream.linear.scatter [tilespmem:s2], [sflag:$0x5], $0xC000, $0x38;
	[tilespmem:$0x18400] =	vst v63  }
0x48c: {  	_ =	swait.ge [sflag:s12], $0x6000  }
0x48d: {  	[sflag:s12] =	ssyncset.done $0x0  }
0x48e: {  	[sflag:s12] =	ssyncadd.s32 $0xFFFFA000  }
0x48f: {  	_ =	swait.ge [sflag:s13], $0xC000  }
0x490: {  	[sflag:s13] =	ssyncset.done $0x0  }
0x491: {  	[sflag:s13] =	ssyncadd.s32 $0xFFFF4000  }
0x492: {  	v3 =	vld [tilespmem:$0x300];
	_ =	sdelay $0x4  }
0x493: {  	vm1 =	veq.s32 v3, $0x1869F  }
0x494: {  	v3 =	vsel vm1, $0x1, v3  }
0x495: {  	v32 =	vshrl.u32 v3, $0x3  }
0x496: {  	v4 =	vmul.u32 $0x30, v32  }
0x497: {  	v33 =	vand.u32 $0x7, v3  }
0x498: {  	v34 =	vld [tilespmem:$0x310];
	v4 =	vor.u32 v33, v4  }
0x499: {  	v5 =	vperm.xlane v4, v0;
	_ =	sdelay $0x1  }
0x49a: {  	v5 =	vadd.s32 v1, v5;
	_ =	sdelay $0x1  }
0x49b: {  	vm1 =	veq.s32 v34, $0x1869F  }
0x49c: {  	[tilespmem:$0x300] =	vst v3;
	v3 =	vsel vm1, $0x1, v34  }
0x49d: {  	[tilespmem:$0x310] =	vst v3;
	v3 =	vperm.xlane v4, v2  }
0x49e: {  	[tilespmem:s2], [sflag:$0x1] =	stream.indirect_vreg.gather [hbm4b:s1+s3], $0x80, v5, vm0, $0xb8;
	[tilespmem:$0x18400] =	vst v63  }
0x49f: {  	s11 =	simm.s32 $0xC00;
	v3 =	vadd.s32 v1, v3  }
0x4a0: {  	[tilespmem:s11], [sflag:$0x1] =	stream.indirect_vreg.gather [hbm4b:s6+s3], $0x80, v5, vm0, $0xb8;
	[tilespmem:$0x18400] =	vst v63  }
0x4a1: {  	s16 =	simm.s32 $0x1400  }
0x4a2: {  	[tilespmem:s16], [sflag:$0x1] =	stream.indirect_vreg.gather [hbm4b:s7+s3], $0x80, v5, vm0, $0xb8;
	[tilespmem:$0x18400] =	vst v63  }
0x4a3: {  	_ = 	snop  }
0x4a4: {  	[tilespmem:s8], [sflag:$0x1] =	stream.indirect_vreg.gather [hbm4b:s1+s3], $0x80, v3, vm0, $0xb8;
	[tilespmem:$0x18400] =	vst v63  }
0x4a5: {  	s4 =	simm.s32 $0x2400  }
0x4a6: {  	[tilespmem:s4], [sflag:$0x1] =	stream.indirect_vreg.gather [hbm4b:s6+s3], $0x80, v3, vm0, $0xb8;
	[tilespmem:$0x18400] =	vst v63  }
0x4a7: {  	s8 =	simm.s32 $0x2C00  }
0x4a8: {  	[tilespmem:s8], [sflag:$0x1] =	stream.indirect_vreg.gather [hbm4b:s7+s3], $0x80, v3, vm0, $0xb8;
	[tilespmem:$0x18400] =	vst v63  }
0x4a9: {  	v3 =	vld [tilespmem:$0x310];
	_ =	sdelay $0x4  }
0x4aa: {  	v35 =	vshrl.u32 v3, $0x3  }
0x4ab: {  	v4 =	vmul.u32 $0x30, v35  }
0x4ac: {  	v3 =	vand.u32 $0x7, v3  }
0x4ad: {  	v3 =	vor.u32 v3, v4  }
0x4ae: {  	v4 =	vperm.xlane v3, v0;
	_ =	sdelay $0x1  }
0x4af: {  	v4 =	vadd.s32 v1, v4;
	_ =	sdelay $0x3  }
0x4b0: {  	s10 =	simm.s32 $0x3400;
	v3 =	vperm.xlane v3, v2  }
0x4b1: {  	[tilespmem:s10], [sflag:$0x1] =	stream.indirect_vreg.gather [hbm4b:s1+s3], $0x80, v4, vm0, $0xb8;
	[tilespmem:$0x18400] =	vst v63  }
0x4b2: {  	s11 =	simm.s32 $0x3C00;
	v3 =	vadd.s32 v1, v3  }
0x4b3: {  	[tilespmem:s11], [sflag:$0x1] =	stream.indirect_vreg.gather [hbm4b:s6+s3], $0x80, v4, vm0, $0xb8;
	[tilespmem:$0x18400] =	vst v63  }
0x4b4: {  	_ = 	snop  }
0x4b5: {  	[tilespmem:s17], [sflag:$0x1] =	stream.indirect_vreg.gather [hbm4b:s7+s3], $0x80, v4, vm0, $0xb8;
	[tilespmem:$0x18400] =	vst v63  }
0x4b6: {  	_ = 	snop  }
0x4b7: {  	[tilespmem:s19], [sflag:$0x1] =	stream.indirect_vreg.gather [hbm4b:s1+s3], $0x80, v3, vm0, $0xb8;
	[tilespmem:$0x18400] =	vst v63  }
0x4b8: {  	s16 =	simm.s32 $0x5400  }
0x4b9: {  	[tilespmem:s16], [sflag:$0x1] =	stream.indirect_vreg.gather [hbm4b:s6+s3], $0x80, v3, vm0, $0xb8;
	[tilespmem:$0x18400] =	vst v63  }
0x4ba: {  	s17 =	simm.s32 $0x5C00  }
0x4bb: {  	[tilespmem:s17], [sflag:$0x1] =	stream.indirect_vreg.gather [hbm4b:s7+s3], $0x80, v3, vm0, $0xb8;
	[tilespmem:$0x18400] =	vst v63  }
0x4bc: {  	_ =	swait.ge [sflag:s14], $0x6000  }
0x4bd: {  	[sflag:s14] =	ssyncset.done $0x0  }
0x4be: {  	[sflag:s14] =	ssyncadd.s32 $0xFFFFA000  }
0x4bf: {  	v3 =	vld [tilespmem:$0x320];
	_ =	sdelay $0x4  }
0x4c0: {  	vm1 =	veq.s32 v3, $0x1869F  }
0x4c1: {  	v3 =	vsel vm1, $0x1, v3  }
0x4c2: {  	v36 =	vshrl.u32 v3, $0x3  }
0x4c3: {  	v4 =	vmul.u32 $0x30, v36  }
0x4c4: {  	v37 =	vand.u32 $0x7, v3  }
0x4c5: {  	v38 =	vld [tilespmem:$0x330];
	v4 =	vor.u32 v37, v4  }
0x4c6: {  	v5 =	vperm.xlane v4, v0;
	_ =	sdelay $0x1  }
0x4c7: {  	v5 =	vadd.s32 v1, v5;
	_ =	sdelay $0x1  }
0x4c8: {  	vm1 =	veq.s32 v38, $0x1869F  }
0x4c9: {  	[tilespmem:$0x320] =	vst v3;
	v3 =	vsel vm1, $0x1, v38  }
0x4ca: {  	[tilespmem:$0x330] =	vst v3;
	v3 =	vperm.xlane v4, v2  }
0x4cb: {  	[tilespmem:s18], [sflag:$0x2] =	stream.indirect_vreg.gather [hbm4b:s1+s3], $0x80, v5, vm0, $0xb8;
	[tilespmem:$0x18400] =	vst v63  }
0x4cc: {  	v3 =	vadd.s32 v1, v3;
	s18 =	simm.s32 $0x6C00  }
0x4cd: {  	[tilespmem:s18], [sflag:$0x2] =	stream.indirect_vreg.gather [hbm4b:s6+s3], $0x80, v5, vm0, $0xb8;
	[tilespmem:$0x18400] =	vst v63  }
0x4ce: {  	_ = 	snop  }
0x4cf: {  	[tilespmem:s9], [sflag:$0x2] =	stream.indirect_vreg.gather [hbm4b:s7+s3], $0x80, v5, vm0, $0xb8;
	[tilespmem:$0x18400] =	vst v63  }
0x4d0: {  	_ = 	snop  }
0x4d1: {  	[tilespmem:s26], [sflag:$0x2] =	stream.indirect_vreg.gather [hbm4b:s1+s3], $0x80, v3, vm0, $0xb8;
	[tilespmem:$0x18400] =	vst v63  }
0x4d2: {  	_ = 	snop  }
0x4d3: {  	[tilespmem:s28], [sflag:$0x2] =	stream.indirect_vreg.gather [hbm4b:s6+s3], $0x80, v3, vm0, $0xb8;
	[tilespmem:$0x18400] =	vst v63  }
0x4d4: {  	s2 =	simm.s32 $0x8C00  }
0x4d5: {  	[tilespmem:s2], [sflag:$0x2] =	stream.indirect_vreg.gather [hbm4b:s7+s3], $0x80, v3, vm0, $0xb8;
	[tilespmem:$0x18400] =	vst v63  }
0x4d6: {  	v3 =	vld [tilespmem:$0x330];
	_ =	sdelay $0x4  }
0x4d7: {  	v39 =	vshrl.u32 v3, $0x3  }
0x4d8: {  	v4 =	vmul.u32 $0x30, v39  }
0x4d9: {  	v3 =	vand.u32 $0x7, v3  }
0x4da: {  	v3 =	vor.u32 v3, v4  }
0x4db: {  	v4 =	vperm.xlane v3, v0;
	_ =	sdelay $0x1  }
0x4dc: {  	v4 =	vadd.s32 v1, v4;
	_ =	sdelay $0x3  }
0x4dd: {  	s4 =	simm.s32 $0x9400;
	v3 =	vperm.xlane v3, v2  }
0x4de: {  	[tilespmem:s4], [sflag:$0x2] =	stream.indirect_vreg.gather [hbm4b:s1+s3], $0x80, v4, vm0, $0xb8;
	[tilespmem:$0x18400] =	vst v63  }
0x4df: {  	v3 =	vadd.s32 v1, v3  }
0x4e0: {  	[tilespmem:s29], [sflag:$0x2] =	stream.indirect_vreg.gather [hbm4b:s6+s3], $0x80, v4, vm0, $0xb8;
	[tilespmem:$0x18400] =	vst v63  }
0x4e1: {  	_ = 	snop  }
0x4e2: {  	[tilespmem:s30], [sflag:$0x2] =	stream.indirect_vreg.gather [hbm4b:s7+s3], $0x80, v4, vm0, $0xb8;
	[tilespmem:$0x18400] =	vst v63  }
0x4e3: {  	_ = 	snop  }
0x4e4: {  	[tilespmem:s31], [sflag:$0x2] =	stream.indirect_vreg.gather [hbm4b:s1+s3], $0x80, v3, vm0, $0xb8;
	[tilespmem:$0x18400] =	vst v63  }
0x4e5: {  	s8 =	simm.s32 $0xB400  }
0x4e6: {  	[tilespmem:s8], [sflag:$0x2] =	stream.indirect_vreg.gather [hbm4b:s6+s3], $0x80, v3, vm0, $0xb8;
	[tilespmem:$0x18400] =	vst v63  }
0x4e7: {  	s10 =	simm.s32 $0xBC00  }
0x4e8: {  	[tilespmem:s10], [sflag:$0x2] =	stream.indirect_vreg.gather [hbm4b:s7+s3], $0x80, v3, vm0, $0xb8;
	[tilespmem:$0x18400] =	vst v63  }
0x4e9: {  	s11 =	simm.s32 $0xC400;
	s9 =	rddreg [dreg:$0xf]  }
0x4ea: {  	[hbm4b:s9+s3] =	stream.linear.scatter [tilespmem:s11], [sflag:$0x6], $0xC000, $0x38;
	[tilespmem:$0x18400] =	vst v63  }
0x4eb: {  	_ =	swait.ge [sflag:s5], $0x6000  }
0x4ec: {  	[sflag:s5] =	ssyncset.done $0x0  }
0x4ed: {  	[sflag:s5] =	ssyncadd.s32 $0xFFFFA000  }
0x4ee: {  	_ =	swait.ge [sflag:s15], $0xC000  }
0x4ef: {  	[sflag:s15] =	ssyncset.done $0x0  }
0x4f0: {  	[sflag:s15] =	ssyncadd.s32 $0xFFFF4000  }
0x4f1: {  	v3 =	vld [tilespmem:$0x340];
	_ =	sdelay $0x4  }
0x4f2: {  	vm1 =	veq.s32 v3, $0x1869F  }
0x4f3: {  	v3 =	vsel vm1, $0x1, v3  }
0x4f4: {  	v40 =	vshrl.u32 v3, $0x3  }
0x4f5: {  	v4 =	vmul.u32 $0x30, v40  }
0x4f6: {  	v41 =	vand.u32 $0x7, v3  }
0x4f7: {  	v42 =	vld [tilespmem:$0x350];
	v4 =	vor.u32 v41, v4  }
0x4f8: {  	v5 =	vperm.xlane v4, v0;
	_ =	sdelay $0x1  }
0x4f9: {  	v5 =	vadd.s32 v1, v5;
	_ =	sdelay $0x1  }
0x4fa: {  	vm1 =	veq.s32 v42, $0x1869F  }
0x4fb: {  	[tilespmem:$0x340] =	vst v3;
	v3 =	vsel vm1, $0x1, v42  }
0x4fc: {  	[tilespmem:$0x350] =	vst v3;
	v3 =	vperm.xlane v4, v2  }
0x4fd: {  	[tilespmem:s11], [sflag:$0x3] =	stream.indirect_vreg.gather [hbm4b:s1+s3], $0x80, v5, vm0, $0xb8;
	[tilespmem:$0x18400] =	vst v63  }
0x4fe: {  	v3 =	vadd.s32 v1, v3  }
0x4ff: {  	[tilespmem:s0], [sflag:$0x3] =	stream.indirect_vreg.gather [hbm4b:s6+s3], $0x80, v5, vm0, $0xb8;
	[tilespmem:$0x18400] =	vst v63  }
0x500: {  	s16 =	simm.s32 $0xD400  }
0x501: {  	[tilespmem:s16], [sflag:$0x3] =	stream.indirect_vreg.gather [hbm4b:s7+s3], $0x80, v5, vm0, $0xb8;
	[tilespmem:$0x18400] =	vst v63  }
0x502: {  	s2 =	simm.s32 $0xDC00  }
0x503: {  	[tilespmem:s2], [sflag:$0x3] =	stream.indirect_vreg.gather [hbm4b:s1+s3], $0x80, v3, vm0, $0xb8;
	[tilespmem:$0x18400] =	vst v63  }
0x504: {  	s4 =	simm.s32 $0xE400  }
0x505: {  	[tilespmem:s4], [sflag:$0x3] =	stream.indirect_vreg.gather [hbm4b:s6+s3], $0x80, v3, vm0, $0xb8;
	[tilespmem:$0x18400] =	vst v63  }
0x506: {  	s4 =	simm.s32 $0xEC00  }
0x507: {  	[tilespmem:s4], [sflag:$0x3] =	stream.indirect_vreg.gather [hbm4b:s7+s3], $0x80, v3, vm0, $0xb8;
	[tilespmem:$0x18400] =	vst v63  }
0x508: {  	v3 =	vld [tilespmem:$0x350];
	_ =	sdelay $0x4  }
0x509: {  	v43 =	vshrl.u32 v3, $0x3  }
0x50a: {  	v4 =	vmul.u32 $0x30, v43  }
0x50b: {  	v3 =	vand.u32 $0x7, v3  }
0x50c: {  	v3 =	vor.u32 v3, v4  }
0x50d: {  	v4 =	vperm.xlane v3, v0;
	_ =	sdelay $0x1  }
0x50e: {  	v4 =	vadd.s32 v1, v4;
	_ =	sdelay $0x3  }
0x50f: {  	s10 =	simm.s32 $0xF400;
	v3 =	vperm.xlane v3, v2  }
0x510: {  	[tilespmem:s10], [sflag:$0x3] =	stream.indirect_vreg.gather [hbm4b:s1+s3], $0x80, v4, vm0, $0xb8;
	[tilespmem:$0x18400] =	vst v63  }
0x511: {  	s8 =	simm.s32 $0xFC00;
	v3 =	vadd.s32 v1, v3  }
0x512: {  	[tilespmem:s8], [sflag:$0x3] =	stream.indirect_vreg.gather [hbm4b:s6+s3], $0x80, v4, vm0, $0xb8;
	[tilespmem:$0x18400] =	vst v63  }
0x513: {  	_ = 	snop  }
0x514: {  	[tilespmem:s20], [sflag:$0x3] =	stream.indirect_vreg.gather [hbm4b:s7+s3], $0x80, v4, vm0, $0xb8;
	[tilespmem:$0x18400] =	vst v63  }
0x515: {  	s9 =	simm.s32 $0x10C00  }
0x516: {  	[tilespmem:s9], [sflag:$0x3] =	stream.indirect_vreg.gather [hbm4b:s1+s3], $0x80, v3, vm0, $0xb8;
	[tilespmem:$0x18400] =	vst v63  }
0x517: {  	s11 =	simm.s32 $0x11400  }
0x518: {  	[tilespmem:s11], [sflag:$0x3] =	stream.indirect_vreg.gather [hbm4b:s6+s3], $0x80, v3, vm0, $0xb8;
	[tilespmem:$0x18400] =	vst v63  }
0x519: {  	s8 =	simm.s32 $0x11C00  }
0x51a: {  	[tilespmem:s8], [sflag:$0x3] =	stream.indirect_vreg.gather [hbm4b:s7+s3], $0x80, v3, vm0, $0xb8;
	[tilespmem:$0x18400] =	vst v63  }
0x51b: {  	_ =	swait.ge [sflag:s22], $0x6000  }
0x51c: {  	[sflag:s22] =	ssyncset.done $0x0  }
0x51d: {  	[sflag:s22] =	ssyncadd.s32 $0xFFFFA000  }
0x51e: {  	v3 =	vld [tilespmem:$0x360];
	_ =	sdelay $0x4  }
0x51f: {  	vm1 =	veq.s32 v3, $0x1869F  }
0x520: {  	v3 =	vsel vm1, $0x1, v3  }
0x521: {  	v44 =	vshrl.u32 v3, $0x3  }
0x522: {  	v4 =	vmul.u32 $0x30, v44  }
0x523: {  	v45 =	vand.u32 $0x7, v3  }
0x524: {  	v46 =	vld [tilespmem:$0x370];
	v4 =	vor.u32 v45, v4  }
0x525: {  	v5 =	vperm.xlane v4, v0;
	_ =	sdelay $0x1  }
0x526: {  	v5 =	vadd.s32 v1, v5;
	_ =	sdelay $0x1  }
0x527: {  	vm1 =	veq.s32 v46, $0x1869F  }
0x528: {  	[tilespmem:$0x360] =	vst v3;
	v3 =	vsel vm1, $0x1, v46  }
0x529: {  	s16 =	simm.s32 $0x12400;
	[tilespmem:$0x370] =	vst v3;
	v3 =	vperm.xlane v4, v2  }
0x52a: {  	[tilespmem:s16], [sflag:$0x4] =	stream.indirect_vreg.gather [hbm4b:s1+s3], $0x80, v5, vm0, $0xb8;
	[tilespmem:$0x18400] =	vst v63  }
0x52b: {  	v3 =	vadd.s32 v1, v3  }
0x52c: {  	[tilespmem:s21], [sflag:$0x4] =	stream.indirect_vreg.gather [hbm4b:s6+s3], $0x80, v5, vm0, $0xb8;
	[tilespmem:$0x18400] =	vst v63  }
0x52d: {  	_ = 	snop  }
0x52e: {  	[tilespmem:s23], [sflag:$0x4] =	stream.indirect_vreg.gather [hbm4b:s7+s3], $0x80, v5, vm0, $0xb8;
	[tilespmem:$0x18400] =	vst v63  }
0x52f: {  	s9 =	simm.s32 $0x13C00  }
0x530: {  	[tilespmem:s9], [sflag:$0x4] =	stream.indirect_vreg.gather [hbm4b:s1+s3], $0x80, v3, vm0, $0xb8;
	[tilespmem:$0x18400] =	vst v63  }
0x531: {  	s11 =	simm.s32 $0x14400  }
0x532: {  	[tilespmem:s11], [sflag:$0x4] =	stream.indirect_vreg.gather [hbm4b:s6+s3], $0x80, v3, vm0, $0xb8;
	[tilespmem:$0x18400] =	vst v63  }
0x533: {  	s16 =	simm.s32 $0x14C00  }
0x534: {  	[tilespmem:s16], [sflag:$0x4] =	stream.indirect_vreg.gather [hbm4b:s7+s3], $0x80, v3, vm0, $0xb8;
	[tilespmem:$0x18400] =	vst v63  }
0x535: {  	v3 =	vld [tilespmem:$0x370];
	_ =	sdelay $0x4  }
0x536: {  	v47 =	vshrl.u32 v3, $0x3  }
0x537: {  	v4 =	vmul.u32 $0x30, v47  }
0x538: {  	v3 =	vand.u32 $0x7, v3  }
0x539: {  	v3 =	vor.u32 v3, v4  }
0x53a: {  	v4 =	vperm.xlane v3, v0;
	_ =	sdelay $0x1  }
0x53b: {  	v4 =	vadd.s32 v1, v4;
	_ =	sdelay $0x3  }
0x53c: {  	s9 =	simm.s32 $0x15400;
	v3 =	vperm.xlane v3, v2  }
0x53d: {  	[tilespmem:s9], [sflag:$0x4] =	stream.indirect_vreg.gather [hbm4b:s1+s3], $0x80, v4, vm0, $0xb8;
	[tilespmem:$0x18400] =	vst v63  }
0x53e: {  	v3 =	vadd.s32 v1, v3  }
0x53f: {  	[tilespmem:s24], [sflag:$0x4] =	stream.indirect_vreg.gather [hbm4b:s6+s3], $0x80, v4, vm0, $0xb8;
	[tilespmem:$0x18400] =	vst v63  }
0x540: {  	_ = 	snop  }
0x541: {  	[tilespmem:s25], [sflag:$0x4] =	stream.indirect_vreg.gather [hbm4b:s7+s3], $0x80, v4, vm0, $0xb8;
	[tilespmem:$0x18400] =	vst v63  }
0x542: {  	s11 =	simm.s32 $0x16C00  }
0x543: {  	[tilespmem:s11], [sflag:$0x4] =	stream.indirect_vreg.gather [hbm4b:s1+s3], $0x80, v3, vm0, $0xb8;
	[tilespmem:$0x18400] =	vst v63  }
0x544: {  	s2 =	simm.s32 $0x17400  }
0x545: {  	[tilespmem:s2], [sflag:$0x4] =	stream.indirect_vreg.gather [hbm4b:s6+s3], $0x80, v3, vm0, $0xb8;
	[tilespmem:$0x18400] =	vst v63  }
0x546: {  	s11 =	simm.s32 $0x17C00  }
0x547: {  	[tilespmem:s11], [sflag:$0x4] =	stream.indirect_vreg.gather [hbm4b:s7+s3], $0x80, v3, vm0, $0xb8;
	[tilespmem:$0x18400] =	vst v63  }
0x548: {  	s16 =	rddreg [dreg:$0x10];
	s9 =	simm.s32 $0x400  }
0x549: {  	[hbm4b:s16+s3] =	stream.linear.scatter [tilespmem:s9], [sflag:$0x5], $0xC000, $0x38;
	[tilespmem:$0x18400] =	vst v63  }
0x54a: {  	_ =	swait.ge [sflag:s12], $0x6000  }
0x54b: {  	[sflag:s12] =	ssyncset.done $0x0  }
0x54c: {  	[sflag:s12] =	ssyncadd.s32 $0xFFFFA000  }
0x54d: {  	_ =	swait.ge [sflag:s13], $0xC000  }
0x54e: {  	[sflag:s13] =	ssyncset.done $0x0  }
0x54f: {  	[sflag:s13] =	ssyncadd.s32 $0xFFFF4000  }
0x550: {  	v3 =	vld [tilespmem:$0x380];
	_ =	sdelay $0x4  }
0x551: {  	vm1 =	veq.s32 v3, $0x1869F  }
0x552: {  	v3 =	vsel vm1, $0x1, v3  }
0x553: {  	v48 =	vshrl.u32 v3, $0x3  }
0x554: {  	v4 =	vmul.u32 $0x30, v48  }
0x555: {  	v49 =	vand.u32 $0x7, v3  }
0x556: {  	v50 =	vld [tilespmem:$0x390];
	v4 =	vor.u32 v49, v4  }
0x557: {  	v5 =	vperm.xlane v4, v0;
	_ =	sdelay $0x1  }
0x558: {  	v5 =	vadd.s32 v1, v5;
	_ =	sdelay $0x1  }
0x559: {  	vm1 =	veq.s32 v50, $0x1869F  }
0x55a: {  	[tilespmem:$0x380] =	vst v3;
	v3 =	vsel vm1, $0x1, v50  }
0x55b: {  	[tilespmem:$0x390] =	vst v3;
	v3 =	vperm.xlane v4, v2  }
0x55c: {  	[tilespmem:s9], [sflag:$0x1] =	stream.indirect_vreg.gather [hbm4b:s1+s3], $0x80, v5, vm0, $0xb8;
	[tilespmem:$0x18400] =	vst v63  }
0x55d: {  	s16 =	simm.s32 $0xC00;
	v3 =	vadd.s32 v1, v3  }
0x55e: {  	[tilespmem:s16], [sflag:$0x1] =	stream.indirect_vreg.gather [hbm4b:s6+s3], $0x80, v5, vm0, $0xb8;
	[tilespmem:$0x18400] =	vst v63  }
0x55f: {  	s16 =	simm.s32 $0x1400  }
0x560: {  	[tilespmem:s16], [sflag:$0x1] =	stream.indirect_vreg.gather [hbm4b:s7+s3], $0x80, v5, vm0, $0xb8;
	[tilespmem:$0x18400] =	vst v63  }
0x561: {  	s16 =	simm.s32 $0x1C00  }
0x562: {  	[tilespmem:s16], [sflag:$0x1] =	stream.indirect_vreg.gather [hbm4b:s1+s3], $0x80, v3, vm0, $0xb8;
	[tilespmem:$0x18400] =	vst v63  }
0x563: {  	s16 =	simm.s32 $0x2400  }
0x564: {  	[tilespmem:s16], [sflag:$0x1] =	stream.indirect_vreg.gather [hbm4b:s6+s3], $0x80, v3, vm0, $0xb8;
	[tilespmem:$0x18400] =	vst v63  }
0x565: {  	s16 =	simm.s32 $0x2C00  }
0x566: {  	[tilespmem:s16], [sflag:$0x1] =	stream.indirect_vreg.gather [hbm4b:s7+s3], $0x80, v3, vm0, $0xb8;
	[tilespmem:$0x18400] =	vst v63  }
0x567: {  	v3 =	vld [tilespmem:$0x390];
	_ =	sdelay $0x4  }
0x568: {  	v51 =	vshrl.u32 v3, $0x3  }
0x569: {  	v4 =	vmul.u32 $0x30, v51  }
0x56a: {  	v3 =	vand.u32 $0x7, v3  }
0x56b: {  	v3 =	vor.u32 v3, v4  }
0x56c: {  	v4 =	vperm.xlane v3, v0;
	_ =	sdelay $0x1  }
0x56d: {  	v4 =	vadd.s32 v1, v4;
	_ =	sdelay $0x3  }
0x56e: {  	s16 =	simm.s32 $0x3400;
	v3 =	vperm.xlane v3, v2  }
0x56f: {  	[tilespmem:s16], [sflag:$0x1] =	stream.indirect_vreg.gather [hbm4b:s1+s3], $0x80, v4, vm0, $0xb8;
	[tilespmem:$0x18400] =	vst v63  }
0x570: {  	v3 =	vadd.s32 v1, v3;
	s16 =	simm.s32 $0x3C00  }
0x571: {  	[tilespmem:s16], [sflag:$0x1] =	stream.indirect_vreg.gather [hbm4b:s6+s3], $0x80, v4, vm0, $0xb8;
	[tilespmem:$0x18400] =	vst v63  }
0x572: {  	s16 =	simm.s32 $0x4400  }
0x573: {  	[tilespmem:s16], [sflag:$0x1] =	stream.indirect_vreg.gather [hbm4b:s7+s3], $0x80, v4, vm0, $0xb8;
	[tilespmem:$0x18400] =	vst v63  }
0x574: {  	s19 =	simm.s32 $0x4C00  }
0x575: {  	[tilespmem:s19], [sflag:$0x1] =	stream.indirect_vreg.gather [hbm4b:s1+s3], $0x80, v3, vm0, $0xb8;
	[tilespmem:$0x18400] =	vst v63  }
0x576: {  	s19 =	simm.s32 $0x5400  }
0x577: {  	[tilespmem:s19], [sflag:$0x1] =	stream.indirect_vreg.gather [hbm4b:s6+s3], $0x80, v3, vm0, $0xb8;
	[tilespmem:$0x18400] =	vst v63  }
0x578: {  	s19 =	simm.s32 $0x5C00  }
0x579: {  	[tilespmem:s19], [sflag:$0x1] =	stream.indirect_vreg.gather [hbm4b:s7+s3], $0x80, v3, vm0, $0xb8;
	[tilespmem:$0x18400] =	vst v63  }
0x57a: {  	_ =	swait.ge [sflag:s14], $0x6000  }
0x57b: {  	[sflag:s14] =	ssyncset.done $0x0  }
0x57c: {  	[sflag:s14] =	ssyncadd.s32 $0xFFFFA000  }
0x57d: {  	v3 =	vld [tilespmem:$0x3A0];
	_ =	sdelay $0x4  }
0x57e: {  	vm1 =	veq.s32 v3, $0x1869F  }
0x57f: {  	v3 =	vsel vm1, $0x1, v3  }
0x580: {  	v52 =	vshrl.u32 v3, $0x3  }
0x581: {  	v4 =	vmul.u32 $0x30, v52  }
0x582: {  	v53 =	vand.u32 $0x7, v3  }
0x583: {  	v54 =	vld [tilespmem:$0x3B0];
	v4 =	vor.u32 v53, v4  }
0x584: {  	v5 =	vperm.xlane v4, v0;
	_ =	sdelay $0x1  }
0x585: {  	v5 =	vadd.s32 v1, v5;
	_ =	sdelay $0x1  }
0x586: {  	vm1 =	veq.s32 v54, $0x1869F  }
0x587: {  	[tilespmem:$0x3A0] =	vst v3;
	v3 =	vsel vm1, $0x1, v54  }
0x588: {  	s19 =	simm.s32 $0x6400;
	[tilespmem:$0x3B0] =	vst v3;
	v3 =	vperm.xlane v4, v2  }
0x589: {  	[tilespmem:s19], [sflag:$0x2] =	stream.indirect_vreg.gather [hbm4b:s1+s3], $0x80, v5, vm0, $0xb8;
	[tilespmem:$0x18400] =	vst v63  }
0x58a: {  	v3 =	vadd.s32 v1, v3;
	s19 =	simm.s32 $0x6C00  }
0x58b: {  	[tilespmem:s19], [sflag:$0x2] =	stream.indirect_vreg.gather [hbm4b:s6+s3], $0x80, v5, vm0, $0xb8;
	[tilespmem:$0x18400] =	vst v63  }
0x58c: {  	s19 =	simm.s32 $0x7400  }
0x58d: {  	[tilespmem:s19], [sflag:$0x2] =	stream.indirect_vreg.gather [hbm4b:s7+s3], $0x80, v5, vm0, $0xb8;
	[tilespmem:$0x18400] =	vst v63  }
0x58e: {  	s18 =	simm.s32 $0x7C00  }
0x58f: {  	[tilespmem:s18], [sflag:$0x2] =	stream.indirect_vreg.gather [hbm4b:s1+s3], $0x80, v3, vm0, $0xb8;
	[tilespmem:$0x18400] =	vst v63  }
0x590: {  	s26 =	simm.s32 $0x8400  }
0x591: {  	[tilespmem:s26], [sflag:$0x2] =	stream.indirect_vreg.gather [hbm4b:s6+s3], $0x80, v3, vm0, $0xb8;
	[tilespmem:$0x18400] =	vst v63  }
0x592: {  	s18 =	simm.s32 $0x8C00  }
0x593: {  	[tilespmem:s18], [sflag:$0x2] =	stream.indirect_vreg.gather [hbm4b:s7+s3], $0x80, v3, vm0, $0xb8;
	[tilespmem:$0x18400] =	vst v63  }
0x594: {  	v3 =	vld [tilespmem:$0x3B0];
	_ =	sdelay $0x4  }
0x595: {  	v55 =	vshrl.u32 v3, $0x3  }
0x596: {  	v4 =	vmul.u32 $0x30, v55  }
0x597: {  	v3 =	vand.u32 $0x7, v3  }
0x598: {  	v3 =	vor.u32 v3, v4  }
0x599: {  	v4 =	vperm.xlane v3, v0;
	_ =	sdelay $0x1  }
0x59a: {  	v4 =	vadd.s32 v1, v4;
	_ =	sdelay $0x3  }
0x59b: {  	s19 =	simm.s32 $0x9400;
	v3 =	vperm.xlane v3, v2  }
0x59c: {  	[tilespmem:s19], [sflag:$0x2] =	stream.indirect_vreg.gather [hbm4b:s1+s3], $0x80, v4, vm0, $0xb8;
	[tilespmem:$0x18400] =	vst v63  }
0x59d: {  	s28 =	simm.s32 $0x9C00;
	v3 =	vadd.s32 v1, v3  }
0x59e: {  	[tilespmem:s28], [sflag:$0x2] =	stream.indirect_vreg.gather [hbm4b:s6+s3], $0x80, v4, vm0, $0xb8;
	[tilespmem:$0x18400] =	vst v63  }
0x59f: {  	s29 =	simm.s32 $0xA400  }
0x5a0: {  	[tilespmem:s29], [sflag:$0x2] =	stream.indirect_vreg.gather [hbm4b:s7+s3], $0x80, v4, vm0, $0xb8;
	[tilespmem:$0x18400] =	vst v63  }
0x5a1: {  	s30 =	simm.s32 $0xAC00  }
0x5a2: {  	[tilespmem:s30], [sflag:$0x2] =	stream.indirect_vreg.gather [hbm4b:s1+s3], $0x80, v3, vm0, $0xb8;
	[tilespmem:$0x18400] =	vst v63  }
0x5a3: {  	s31 =	simm.s32 $0xB400  }
0x5a4: {  	[tilespmem:s31], [sflag:$0x2] =	stream.indirect_vreg.gather [hbm4b:s6+s3], $0x80, v3, vm0, $0xb8;
	[tilespmem:$0x18400] =	vst v63  }
0x5a5: {  	s28 =	simm.s32 $0xBC00  }
0x5a6: {  	[tilespmem:s28], [sflag:$0x2] =	stream.indirect_vreg.gather [hbm4b:s7+s3], $0x80, v3, vm0, $0xb8;
	[tilespmem:$0x18400] =	vst v63  }
0x5a7: {  	s17 =	simm.s32 $0xC400;
	s26 =	rddreg [dreg:$0x11]  }
0x5a8: {  	[hbm4b:s26+s3] =	stream.linear.scatter [tilespmem:s17], [sflag:$0x6], $0xC000, $0x38;
	[tilespmem:$0x18400] =	vst v63  }
0x5a9: {  	_ =	swait.ge [sflag:s5], $0x6000  }
0x5aa: {  	[sflag:s5] =	ssyncset.done $0x0  }
0x5ab: {  	[sflag:s5] =	ssyncadd.s32 $0xFFFFA000  }
0x5ac: {  	_ =	swait.ge [sflag:s15], $0xC000  }
0x5ad: {  	[sflag:s15] =	ssyncset.done $0x0  }
0x5ae: {  	[sflag:s15] =	ssyncadd.s32 $0xFFFF4000  }
0x5af: {  	v3 =	vld [tilespmem:$0x3C0];
	_ =	sdelay $0x4  }
0x5b0: {  	vm1 =	veq.s32 v3, $0x1869F  }
0x5b1: {  	v3 =	vsel vm1, $0x1, v3  }
0x5b2: {  	v56 =	vshrl.u32 v3, $0x3  }
0x5b3: {  	v4 =	vmul.u32 $0x30, v56  }
0x5b4: {  	v57 =	vand.u32 $0x7, v3  }
0x5b5: {  	v58 =	vld [tilespmem:$0x3D0];
	v4 =	vor.u32 v57, v4  }
0x5b6: {  	v5 =	vperm.xlane v4, v0;
	_ =	sdelay $0x1  }
0x5b7: {  	v5 =	vadd.s32 v1, v5;
	_ =	sdelay $0x1  }
0x5b8: {  	vm1 =	veq.s32 v58, $0x1869F  }
0x5b9: {  	[tilespmem:$0x3C0] =	vst v3;
	v3 =	vsel vm1, $0x1, v58  }
0x5ba: {  	[tilespmem:$0x3D0] =	vst v3;
	v3 =	vperm.xlane v4, v2  }
0x5bb: {  	[tilespmem:s17], [sflag:$0x3] =	stream.indirect_vreg.gather [hbm4b:s1+s3], $0x80, v5, vm0, $0xb8;
	[tilespmem:$0x18400] =	vst v63  }
0x5bc: {  	s0 =	simm.s32 $0xCC00;
	v3 =	vadd.s32 v1, v3  }
0x5bd: {  	[tilespmem:s0], [sflag:$0x3] =	stream.indirect_vreg.gather [hbm4b:s6+s3], $0x80, v5, vm0, $0xb8;
	[tilespmem:$0x18400] =	vst v63  }
0x5be: {  	s29 =	simm.s32 $0xD400  }
0x5bf: {  	[tilespmem:s29], [sflag:$0x3] =	stream.indirect_vreg.gather [hbm4b:s7+s3], $0x80, v5, vm0, $0xb8;
	[tilespmem:$0x18400] =	vst v63  }
0x5c0: {  	s30 =	simm.s32 $0xDC00  }
0x5c1: {  	[tilespmem:s30], [sflag:$0x3] =	stream.indirect_vreg.gather [hbm4b:s1+s3], $0x80, v3, vm0, $0xb8;
	[tilespmem:$0x18400] =	vst v63  }
0x5c2: {  	s31 =	simm.s32 $0xE400  }
0x5c3: {  	[tilespmem:s31], [sflag:$0x3] =	stream.indirect_vreg.gather [hbm4b:s6+s3], $0x80, v3, vm0, $0xb8;
	[tilespmem:$0x18400] =	vst v63  }
0x5c4: {  	_ = 	snop  }
0x5c5: {  	[tilespmem:s4], [sflag:$0x3] =	stream.indirect_vreg.gather [hbm4b:s7+s3], $0x80, v3, vm0, $0xb8;
	[tilespmem:$0x18400] =	vst v63  }
0x5c6: {  	v3 =	vld [tilespmem:$0x3D0];
	_ =	sdelay $0x4  }
0x5c7: {  	v59 =	vshrl.u32 v3, $0x3  }
0x5c8: {  	v4 =	vmul.u32 $0x30, v59  }
0x5c9: {  	v3 =	vand.u32 $0x7, v3  }
0x5ca: {  	v3 =	vor.u32 v3, v4  }
0x5cb: {  	v4 =	vperm.xlane v3, v0;
	_ =	sdelay $0x1  }
0x5cc: {  	v4 =	vadd.s32 v1, v4;
	_ =	sdelay $0x3  }
0x5cd: {  	v3 =	vperm.xlane v3, v2  }
0x5ce: {  	[tilespmem:s10], [sflag:$0x3] =	stream.indirect_vreg.gather [hbm4b:s1+s3], $0x80, v4, vm0, $0xb8;
	[tilespmem:$0x18400] =	vst v63  }
0x5cf: {  	s16 =	simm.s32 $0xFC00;
	v3 =	vadd.s32 v1, v3  }
0x5d0: {  	[tilespmem:s16], [sflag:$0x3] =	stream.indirect_vreg.gather [hbm4b:s6+s3], $0x80, v4, vm0, $0xb8;
	[tilespmem:$0x18400] =	vst v63  }
0x5d1: {  	s20 =	simm.s32 $0x10400  }
0x5d2: {  	[tilespmem:s20], [sflag:$0x3] =	stream.indirect_vreg.gather [hbm4b:s7+s3], $0x80, v4, vm0, $0xb8;
	[tilespmem:$0x18400] =	vst v63  }
0x5d3: {  	s18 =	simm.s32 $0x10C00  }
0x5d4: {  	[tilespmem:s18], [sflag:$0x3] =	stream.indirect_vreg.gather [hbm4b:s1+s3], $0x80, v3, vm0, $0xb8;
	[tilespmem:$0x18400] =	vst v63  }
0x5d5: {  	s19 =	simm.s32 $0x11400  }
0x5d6: {  	[tilespmem:s19], [sflag:$0x3] =	stream.indirect_vreg.gather [hbm4b:s6+s3], $0x80, v3, vm0, $0xb8;
	[tilespmem:$0x18400] =	vst v63  }
0x5d7: {  	_ = 	snop  }
0x5d8: {  	[tilespmem:s8], [sflag:$0x3] =	stream.indirect_vreg.gather [hbm4b:s7+s3], $0x80, v3, vm0, $0xb8;
	[tilespmem:$0x18400] =	vst v63  }
0x5d9: {  	s0 =	rddreg [dreg:$0x16];
	_ =	swait.ge [sflag:s22], $0x6000  }
0x5da: {  	[sflag:s22] =	ssyncset.done $0x0  }
0x5db: {  	[sflag:s22] =	ssyncadd.s32 $0xFFFFA000  }
0x5dc: {  	v3 =	vld [tilespmem:$0x3E0];
	_ =	sdelay $0x4  }
0x5dd: {  	vm1 =	veq.s32 v3, $0x1869F  }
0x5de: {  	v3 =	vsel vm1, $0x1, v3  }
0x5df: {  	v60 =	vshrl.u32 v3, $0x3  }
0x5e0: {  	v4 =	vmul.u32 $0x30, v60  }
0x5e1: {  	v61 =	vand.u32 $0x7, v3  }
0x5e2: {  	v62 =	vld [tilespmem:$0x3F0];
	v4 =	vor.u32 v61, v4  }
0x5e3: {  	v5 =	vperm.xlane v4, v0;
	_ =	sdelay $0x1  }
0x5e4: {  	v5 =	vadd.s32 v1, v5;
	_ =	sdelay $0x1  }
0x5e5: {  	vm1 =	veq.s32 v62, $0x1869F  }
0x5e6: {  	[tilespmem:$0x3E0] =	vst v3;
	v3 =	vsel vm1, $0x1, v62  }
0x5e7: {  	s20 =	simm.s32 $0x12400;
	[tilespmem:$0x3F0] =	vst v3;
	v3 =	vperm.xlane v4, v2  }
0x5e8: {  	[tilespmem:s20], [sflag:$0x4] =	stream.indirect_vreg.gather [hbm4b:s1+s3], $0x80, v5, vm0, $0xb8;
	[tilespmem:$0x18400] =	vst v63  }
0x5e9: {  	s21 =	simm.s32 $0x12C00;
	v3 =	vadd.s32 v1, v3  }
0x5ea: {  	[tilespmem:s21], [sflag:$0x4] =	stream.indirect_vreg.gather [hbm4b:s6+s3], $0x80, v5, vm0, $0xb8;
	[tilespmem:$0x18400] =	vst v63  }
0x5eb: {  	s23 =	simm.s32 $0x13400  }
0x5ec: {  	[tilespmem:s23], [sflag:$0x4] =	stream.indirect_vreg.gather [hbm4b:s7+s3], $0x80, v5, vm0, $0xb8;
	[tilespmem:$0x18400] =	vst v63  }
0x5ed: {  	s21 =	simm.s32 $0x13C00  }
0x5ee: {  	[tilespmem:s21], [sflag:$0x4] =	stream.indirect_vreg.gather [hbm4b:s1+s3], $0x80, v3, vm0, $0xb8;
	[tilespmem:$0x18400] =	vst v63  }
0x5ef: {  	s23 =	simm.s32 $0x14400  }
0x5f0: {  	[tilespmem:s23], [sflag:$0x4] =	stream.indirect_vreg.gather [hbm4b:s6+s3], $0x80, v3, vm0, $0xb8;
	[tilespmem:$0x18400] =	vst v63  }
0x5f1: {  	s26 =	simm.s32 $0x14C00  }
0x5f2: {  	[tilespmem:s26], [sflag:$0x4] =	stream.indirect_vreg.gather [hbm4b:s7+s3], $0x80, v3, vm0, $0xb8;
	[tilespmem:$0x18400] =	vst v63  }
0x5f3: {  	v3 =	vld [tilespmem:$0x3F0];
	_ =	sdelay $0x4  }
0x5f4: {  	v63 =	vshrl.u32 v3, $0x3  }
0x5f5: {  	v4 =	vmul.u32 $0x30, v63  }
0x5f6: {  	v3 =	vand.u32 $0x7, v3  }
0x5f7: {  	v3 =	vor.u32 v3, v4  }
0x5f8: {  	v4 =	vperm.xlane v3, v0;
	_ =	sdelay $0x1  }
0x5f9: {  	v4 =	vadd.s32 v1, v4;
	_ =	sdelay $0x3  }
0x5fa: {  	s28 =	simm.s32 $0x15400;
	v3 =	vperm.xlane v3, v2  }
0x5fb: {  	[tilespmem:s28], [sflag:$0x4] =	stream.indirect_vreg.gather [hbm4b:s1+s3], $0x80, v4, vm0, $0xb8;
	[tilespmem:$0x18400] =	vst v63  }
0x5fc: {  	s24 =	simm.s32 $0x15C00;
	v3 =	vadd.s32 v1, v3  }
0x5fd: {  	[tilespmem:s24], [sflag:$0x4] =	stream.indirect_vreg.gather [hbm4b:s6+s3], $0x80, v4, vm0, $0xb8;
	[tilespmem:$0x18400] =	vst v63  }
0x5fe: {  	s25 =	simm.s32 $0x16400  }
0x5ff: {  	[tilespmem:s25], [sflag:$0x4] =	stream.indirect_vreg.gather [hbm4b:s7+s3], $0x80, v4, vm0, $0xb8;
	[tilespmem:$0x18400] =	vst v63  }
0x600: {  	s29 =	simm.s32 $0x16C00  }
0x601: {  	[tilespmem:s29], [sflag:$0x4] =	stream.indirect_vreg.gather [hbm4b:s1+s3], $0x80, v3, vm0, $0xb8;
	[tilespmem:$0x18400] =	vst v63  }
0x602: {  	_ = 	snop  }
0x603: {  	[tilespmem:s2], [sflag:$0x4] =	stream.indirect_vreg.gather [hbm4b:s6+s3], $0x80, v3, vm0, $0xb8;
	[tilespmem:$0x18400] =	vst v63  }
0x604: {  	_ = 	snop  }
0x605: {  	[tilespmem:s11], [sflag:$0x4] =	stream.indirect_vreg.gather [hbm4b:s7+s3], $0x80, v3, vm0, $0xb8;
	[tilespmem:$0x18400] =	vst v63  }
0x606: {  	s9 =	simm.s32 $0x400;
	s30 =	rddreg [dreg:$0x12]  }
0x607: {  	[hbm4b:s30+s3] =	stream.linear.scatter [tilespmem:s9], [sflag:$0x5], $0xC000, $0x38;
	[tilespmem:$0x18400] =	vst v63  }
0x608: {  	_ =	swait.ge [sflag:s12], $0x6000  }
0x609: {  	[sflag:s12] =	ssyncset.done $0x0  }
0x60a: {  	[sflag:s12] =	ssyncadd.s32 $0xFFFFA000  }
0x60b: {  	_ =	swait.ge [sflag:s14], $0x6000  }
0x60c: {  	[sflag:s14] =	ssyncset.done $0x0  }
0x60d: {  	s31 =	rddreg [dreg:$0x13];
	[sflag:s14] =	ssyncadd.s32 $0xFFFFA000  }
0x60e: {  	[hbm4b:s31+s3] =	stream.linear.scatter [tilespmem:s17], [sflag:$0x6], $0xC000, $0x38;
	[tilespmem:$0x18400] =	vst v63  }
0x60f: {  	p0 =	sne.s32 s0, $0x1;
	_ =	swait.ge [sflag:s13], $0xC000  }
.Ltmp0:
0x610: {  	[sflag:s13] =	ssyncset.done $0x0;
	(pc) =	sbr.rel @p0 .LBB2_1-.Ltmp0, $4  }
0x611: {  	[sflag:s13] =	ssyncadd.s32 $0xFFFF4000  }
0x612: {  	_ =	swait.ge [sflag:s15], $0xC000  }
0x613: {  	[sflag:s15] =	ssyncset.done $0x0  }
0x614: {  	s0 =	sadd.s32 $0xFFFFFFFF, s0;
	[sflag:s15] =	ssyncadd.s32 $0xFFFF4000  }
0x615: {  	_ =	sfence.sel $0x180000  }
0x616: {  	[bflag:$0x0] =	sbarrier.arrive $0xFFFF  }
0x617: {  	_ =	strace $0x90000047  }
0x618: {  	s0 =	stileid.u32;
	[bflag:$0x2] =	sbarrier.arrive $0xFFFF  }
0x619: {  	p0 =	sne.s32 s0, $0x0;
	s0 =	rddreg [dreg:$0x3]  }
0x61a: {  	s0 =	sadd.s32 @!p0 $0x100000, s0  }
0x61b: {  	[sflag:s0] =	ssyncadd.tile.s32 @!p0 $0x1;
	_ =	shalt  }
.Lfunc_end2:
_tile_overlayer_lowered:
.L_overlay_start_2:
0x61c: {  	(tag) =	ssettag $0x2  }
0x61d: {  	s0 =	rddreg [dreg:$0x0];
	s2 =	stileid.u32  }
0x61e: {  	s1 =	rddreg [dreg:$0x1];
	p0 =	sne.s32 s2, $0x0  }
0x61f: {  	s3 =	rddreg [dreg:$0x2];
	[bflag:$0x3] =	sbarrier.arrive $0xFFFF;
	s2 =	simm.s32 @!p0 $0x1C07  }
0x620: {  	[timem:s3], [sflag:s2] =	dma.local @!p0 [hbm:s0], s1  }
0x621: {  	s0 =	simm.s32 @!p0 $0x7  }
0x622: {  	_ =	swait.ge @!p0 [sflag:s0], s1  }
0x623: {  	s1 =	ssub.s32 @!p0 $0x0, s1;
	[sflag:s0] =	ssyncset.done @!p0 $0x0  }
0x624: {  	[sflag:s0] =	ssyncadd.s32 @!p0 s1  }
0x625: {  	[bflag:$0x3] =	sbarrier.arrive $0xFFFF  }
0x626: {  	_ =	shalt  }

</sc_bundles>
